<compile_context>
chip_gen: v7x
topology: tpu7x:2x2x1
jax: 0.10.2.dev20260603
libtpu: 0.0.44.dev20260713+nightly
codegen_flags: <defaults>
</compile_context>

<pallas_src>
import jax
import jax.numpy as jnp
from jax import lax
from jax.experimental import pallas as pl
from jax.experimental.pallas import tpu as pltpu
from jax.experimental.pallas import tpu_sc as plsc

BATCH = 16384
VOCAB = 1000000
HIDDEN = 64
NUM_SAMPLE = 5

NPAIR = BATCH * NUM_SAMPLE
NTILE = 16
PT = NPAIR // NTILE
BT = PT // NUM_SAMPLE
NJ = PT // 128
HC = HIDDEN // 2

CH = 124928
ASZ = 4 * CH
BSZ = VOCAB - ASZ
TAIL = 640


def _planes_body(inputsT_hbm, idx_hbm, tableT_hbm, tailT_hbm, part_hbm,
                 idx_v, ia_v, ib_v, hf_v, biv, val_a, val_b, acc_v,
                 inp_v, tl_v, spA, spB, sem_p, sem_g, sem_i, sem_t):
    c = lax.axis_index("c")
    s = lax.axis_index("s")
    h0 = c * HC
    b0 = s * BT

    pltpu.sync_copy(idx_hbm.at[s], idx_v)

    lane = lax.iota(jnp.int32, 16)

    def init_body(j, _):
        for l in range(8):
            sl = pl.ds(l * 16, 16)
            base = j * 128 + l * 16
            biv[j, sl] = (base + lane) // NUM_SAMPLE
            acc_v[j, sl] = jnp.zeros((16,), jnp.float32)
            r = idx_v[j, sl]
            hf = (r >= ASZ).astype(jnp.int32)
            t = r - hf * ASZ
            ia_v[j, sl] = jnp.minimum(t, ASZ - 1)
            ib_v[j, sl] = t
            hf_v[j, sl] = hf
        return 0

    lax.fori_loop(0, NJ, init_body, 0)

    def fire_half(hh, half):
        for i in range(4):
            @pl.when(s == (i if half == 0 else 4 + i))
            def _(i=i):
                goff = (half * ASZ) + i * CH
                dst = spA if half == 0 else spB
                pltpu.async_copy(
                    tableT_hbm.at[hh].at[pl.ds(goff, CH)],
                    dst.at[pl.ds(i * CH, CH)], sem_p)
        if half == 1:
            @pl.when(s == 8)
            def _():
                pltpu.async_copy(tailT_hbm.at[hh], tl_v, sem_t)

    def drain_half(half):
        for i in range(4):
            @pl.when(s == (i if half == 0 else 4 + i))
            def _(i=i):
                goff = (half * ASZ) + i * CH
                dst = spA if half == 0 else spB
                pltpu.make_async_copy(
                    tableT_hbm.at[h0].at[pl.ds(goff, CH)],
                    dst.at[pl.ds(i * CH, CH)], sem_p).wait()
        if half == 1:
            @pl.when(s == 8)
            def _():
                pltpu.make_async_copy(tailT_hbm.at[h0], tl_v, sem_t).wait()
                pltpu.sync_copy(tl_v, spB.at[pl.ds(VOCAB - ASZ - TAIL, TAIL)])

    fire_half(h0, 0)
    fire_half(h0, 1)

    def plane_body(k, _):
        h = h0 + k

        inp_cp = pltpu.async_copy(
            inputsT_hbm.at[h, pl.ds(b0, BT)], inp_v, sem_i)

        drain_half(0)
        plsc.subcore_barrier()
        ga = [pltpu.async_copy(spA.at[ia_v.at[j]], val_a.at[j], sem_g)
              for j in range(NJ)]
        for g in ga:
            g.wait()
        plsc.subcore_barrier()

        @pl.when(k < HC - 1)
        def _():
            fire_half(h + 1, 0)

        drain_half(1)
        plsc.subcore_barrier()
        gb = [pltpu.async_copy(spB.at[ib_v.at[j]], val_b.at[j], sem_g)
              for j in range(NJ)]
        for g in gb:
            g.wait()
        plsc.subcore_barrier()

        @pl.when(k < HC - 1)
        def _():
            fire_half(h + 1, 1)

        inp_cp.wait()

        def comp(j, _):
            for l in range(8):
                sl = pl.ds(l * 16, 16)
                x = plsc.load_gather(inp_v, [biv[j, sl]])
                v = jnp.where(hf_v[j, sl] == 0, val_a[j, sl], val_b[j, sl])
                acc_v[j, sl] = acc_v[j, sl] + v * x
            return 0

        lax.fori_loop(0, NJ, comp, 0)
        return 0

    lax.fori_loop(0, HC, plane_body, 0)

    pltpu.sync_copy(acc_v, part_hbm.at[c, s])


@jax.jit
def _planes(inputsT, idx3, tableT, tailT):
    mesh = plsc.VectorSubcoreMesh(core_axis_name="c", subcore_axis_name="s")
    f = pl.kernel(
        _planes_body,
        mesh=mesh,
        out_type=jax.ShapeDtypeStruct((2, NTILE, NJ, 128), jnp.float32),
        scratch_types=[
            pltpu.VMEM((NJ, 128), jnp.int32),
            pltpu.VMEM((NJ, 128), jnp.int32),
            pltpu.VMEM((NJ, 128), jnp.int32),
            pltpu.VMEM((NJ, 128), jnp.int32),
            pltpu.VMEM((NJ, 128), jnp.int32),
            pltpu.VMEM((NJ, 128), jnp.float32),
            pltpu.VMEM((NJ, 128), jnp.float32),
            pltpu.VMEM((NJ, 128), jnp.float32),
            pltpu.VMEM((BT,), jnp.float32),
            pltpu.VMEM((TAIL,), jnp.float32),
            pltpu.VMEM_SHARED((ASZ,), jnp.float32),
            pltpu.VMEM_SHARED((BSZ,), jnp.float32),
            pltpu.SemaphoreType.DMA,
            pltpu.SemaphoreType.DMA,
            pltpu.SemaphoreType.DMA,
            pltpu.SemaphoreType.DMA,
        ],
        compiler_params=pltpu.CompilerParams(needs_layout_passes=False),
    )
    return f(inputsT, idx3, tableT, tailT)


def _combine_body(p_ref, o_ref):
    z = p_ref[0] + p_ref[1]
    o_ref[...] = 1.0 / (1.0 + jnp.exp(-z))


@jax.jit
def _combine(part):
    return pl.pallas_call(
        _combine_body,
        out_shape=jax.ShapeDtypeStruct((NPAIR // 128, 128), jnp.float32),
    )(part)


def kernel(inputs, idxs, out_embedding):
    tableT = out_embedding.T
    inputsT = inputs.T
    tailT = out_embedding[VOCAB - TAIL:, :].T
    idx3 = idxs.reshape(-1).astype(jnp.int32).reshape(NTILE, NJ, 128)
    part = _planes(inputsT, idx3, tableT, tailT)
    out = _combine(part.reshape(2, NPAIR // 128, 128))
    return out.reshape(BATCH, NUM_SAMPLE)

# --- scband reference (transcript-rebuilt; emitter-appended) ---
"""Pipeline reference for scband-negative-sampling-layer-10204842295884 (READ-ONLY COPY).

The authoritative reference and input builder live on the scoring server;
editing this copy changes nothing except your own understanding.
"""

import jax, jax.numpy as jnp
import numpy as np

BATCH = 16384
VOCAB = 1000000
HIDDEN = 64
NUM_SAMPLE = 5


def setup_inputs(seed: int = 0) -> dict:
    key = jax.random.key(seed)
    k1, k2, k3 = jax.random.split(key, 3)
    inputs = jax.random.normal(k1, (BATCH, HIDDEN), dtype=jnp.float32)
    idxs = jax.random.randint(k2, (BATCH, NUM_SAMPLE), 0, VOCAB, dtype=jnp.int64)
    # learned parameter: out_embedding table, sized per init_kwargs
    out_embedding = jax.random.normal(k3, (VOCAB, HIDDEN), dtype=jnp.float32) * 0.05
    return {"inputs": inputs, "idxs": idxs, "out_embedding": out_embedding}


def reference(inputs, idxs, out_embedding):
    # inputs: (B, H) -> (B, 1, H)
    x_in = inputs[:, jnp.newaxis, :]
    # embedding lookup: (B, S, H)
    negative_embed = jnp.take(out_embedding, idxs, axis=0)
    # transpose to (B, H, S)
    negative_embed = jnp.transpose(negative_embed, (0, 2, 1))
    # (B, 1, H) @ (B, H, S) -> (B, 1, S)
    x = jnp.matmul(x_in, negative_embed)
    x = jax.nn.sigmoid(x)
    x = jnp.squeeze(x, axis=1)  # (B, S)
    return x

if __name__ == "__main__":
    import jax
    _d = setup_inputs()
    print(jax.jit(kernel)(*tuple(_d.values())))

</pallas_src>

<mosaic_0001>
#map = affine_map<(d0, d1) -> (0, 0)>
#map1 = affine_map<(d0, d1) -> (0, 0, 0)>
#map2 = affine_map<(d0, d1) -> (0, 0, 0, 0)>
module attributes {stable_mosaic.version = 14 : i64} {
  func.func @_planes_body(%arg0: i32, %arg1: i32, %arg2: memref<64x16384xf32, #tpu.memory_space<hbm>>, %arg3: memref<16x40x128xi32, #tpu.memory_space<hbm>>, %arg4: memref<64x1000000xf32, #tpu.memory_space<hbm>>, %arg5: memref<64x640xf32, #tpu.memory_space<hbm>>, %arg6: memref<2x16x40x128xf32, #tpu.memory_space<hbm>>, %arg7: memref<40x128xi32, #tpu.memory_space<vmem>>, %arg8: memref<40x128xi32, #tpu.memory_space<vmem>>, %arg9: memref<40x128xi32, #tpu.memory_space<vmem>>, %arg10: memref<40x128xi32, #tpu.memory_space<vmem>>, %arg11: memref<40x128xi32, #tpu.memory_space<vmem>>, %arg12: memref<40x128xf32, #tpu.memory_space<vmem>>, %arg13: memref<40x128xf32, #tpu.memory_space<vmem>>, %arg14: memref<40x128xf32, #tpu.memory_space<vmem>>, %arg15: memref<1024xf32, #tpu.memory_space<vmem>>, %arg16: memref<640xf32, #tpu.memory_space<vmem>>, %arg17: memref<499712xf32, #tpu.memory_space<vmem_shared>>, %arg18: memref<500288xf32, #tpu.memory_space<vmem_shared>>, %arg19: memref<!tpu.dma_semaphore, #tpu.memory_space<semaphore_mem>>, %arg20: memref<!tpu.dma_semaphore, #tpu.memory_space<semaphore_mem>>, %arg21: memref<!tpu.dma_semaphore, #tpu.memory_space<semaphore_mem>>, %arg22: memref<!tpu.dma_semaphore, #tpu.memory_space<semaphore_mem>>) attributes {dimension_semantics = [#tpu.dimension_semantics<core_parallel>, #tpu.dimension_semantics<subcore_parallel>], iteration_bounds = array<i64: 2, 16>, scalar_prefetch = 0 : i64, scratch_operands = 16 : i64, tpu.core_type = #tpu.core_type<sc_vector_subcore>, window_params = [{transform_indices = #map}, {transform_indices = #map1}, {transform_indices = #map}, {transform_indices = #map}, {transform_indices = #map2}]} {
    %mul3A = arith.constant 32 : i32
    %mul3A_0 = arith.muli %arg0, %mul3A : i32
    %mul3A_1 = arith.constant 1024 : i32
    %mul3A_2 = arith.muli %arg1, %mul3A_1 : i32
    "tpu.region"() ({
      %run_scoped3A = tpu.sem_alloc : memref<!tpu.dma_semaphore, #tpu.memory_space<semaphore_mem>>
      %dma_start3A = arith.constant 0 : i32
      %dma_start3A_58 = arith.constant 0 : i32
      %dma_start3A_59 = tpu.memref_slice %arg3[%arg1, %dma_start3A, %dma_start3A_58] : memref<16x40x128xi32, #tpu.memory_space<hbm>> -> memref<1x40x128xi32, #tpu.memory_space<hbm>>
      %dma_start3A_60 = tpu.memref_squeeze %dma_start3A_59 : memref<1x40x128xi32, #tpu.memory_space<hbm>> -> memref<40x128xi32, #tpu.memory_space<hbm>>
      %dma_start3A_61 = arith.constant 0 : i32
      %dma_start3A_62 = arith.constant 0 : i32
      %dma_start3A_63 = tpu.memref_slice %arg3[%arg1, %dma_start3A_61, %dma_start3A_62] : memref<16x40x128xi32, #tpu.memory_space<hbm>> -> memref<1x40x128xi32, #tpu.memory_space<hbm>>
      %dma_start3A_64 = tpu.memref_squeeze %dma_start3A_63 : memref<1x40x128xi32, #tpu.memory_space<hbm>> -> memref<40x128xi32, #tpu.memory_space<hbm>>
      tpu.enqueue_dma source(%dma_start3A_64 : memref<40x128xi32, #tpu.memory_space<hbm>>) target(%arg7 : memref<40x128xi32, #tpu.memory_space<vmem>>) target_semaphore(%run_scoped3A : memref<!tpu.dma_semaphore, #tpu.memory_space<semaphore_mem>>)
      %dma_wait3A = arith.constant 0 : i32
      %dma_wait3A_65 = arith.constant 0 : i32
      %dma_wait3A_66 = tpu.memref_slice %arg3[%arg1, %dma_wait3A, %dma_wait3A_65] : memref<16x40x128xi32, #tpu.memory_space<hbm>> -> memref<1x40x128xi32, #tpu.memory_space<hbm>>
      %dma_wait3A_67 = tpu.memref_squeeze %dma_wait3A_66 : memref<1x40x128xi32, #tpu.memory_space<hbm>> -> memref<40x128xi32, #tpu.memory_space<hbm>>
      %dma_wait3A_68 = arith.constant 0 : i32
      %dma_wait3A_69 = arith.constant 0 : i32
      %dma_wait3A_70 = tpu.memref_slice %arg3[%arg1, %dma_wait3A_68, %dma_wait3A_69] : memref<16x40x128xi32, #tpu.memory_space<hbm>> -> memref<1x40x128xi32, #tpu.memory_space<hbm>>
      %dma_wait3A_71 = tpu.memref_squeeze %dma_wait3A_70 : memref<1x40x128xi32, #tpu.memory_space<hbm>> -> memref<40x128xi32, #tpu.memory_space<hbm>>
      tpu.wait_dma2 semaphore(%run_scoped3A : memref<!tpu.dma_semaphore, #tpu.memory_space<semaphore_mem>>) src(%dma_wait3A_71 : memref<40x128xi32, #tpu.memory_space<hbm>>) dst(%arg7 : memref<40x128xi32, #tpu.memory_space<vmem>>)
      tpu.yield
    }) : () -> ()
    %iota3A = tpu.iota {dimensions = array<i32: 0>} : vector<16xi32>
    %scan3A = arith.constant 0 : i32
    %scan3A_3 = arith.constant 0 : i32
    %scan3A_4 = arith.constant 40 : i32
    %scan3A_5 = arith.addi %scan3A_3, %scan3A_4 : i32
    %scan3A_6 = arith.constant 1 : i32
    %scan3A_7 = scf.for %scan3A_58 = %scan3A_3 to %scan3A_5 step %scan3A_6 iter_args(%scan3A_59 = %scan3A) -> (i32)  : i32 {
      %mul3A_60 = arith.constant 128 : i32
      %mul3A_61 = arith.muli %scan3A_58, %mul3A_60 : i32
      %add3A = arith.constant 0 : i32
      %add3A_62 = arith.addi %mul3A_61, %add3A : i32
      %add3A_63 = vector.broadcast %add3A_62 : i32 to vector<16xi32>
      %add3A_64 = arith.addi %add3A_63, %iota3A : vector<16xi32>
      %jit3A = arith.constant 5 : i32
      %div3A = vector.broadcast %jit3A : i32 to vector<16xi32>
      %div3A_65 = arith.divsi %add3A_64, %div3A : vector<16xi32>
      %sign3A = arith.constant 0 : i32
      %sign3A_66 = vector.broadcast %sign3A : i32 to vector<16xi32>
      %sign3A_67 = arith.cmpi sgt, %add3A_64, %sign3A_66 : vector<16xi32>
      %sign3A_68 = arith.extui %sign3A_67 : vector<16xi1> to vector<16xi32>
      %sign3A_69 = arith.constant 0 : i32
      %sign3A_70 = vector.broadcast %sign3A_69 : i32 to vector<16xi32>
      %sign3A_71 = arith.cmpi slt, %add3A_64, %sign3A_70 : vector<16xi32>
      %sign3A_72 = arith.extui %sign3A_71 : vector<16xi1> to vector<16xi32>
      %sign3A_73 = arith.subi %sign3A_68, %sign3A_72 : vector<16xi32>
      %sign3A_74 = arith.constant 0 : i32
      %sign3A_75 = arith.cmpi sgt, %jit3A, %sign3A_74 : i32
      %sign3A_76 = arith.extui %sign3A_75 : i1 to i32
      %sign3A_77 = arith.constant 0 : i32
      %sign3A_78 = arith.cmpi slt, %jit3A, %sign3A_77 : i32
      %sign3A_79 = arith.extui %sign3A_78 : i1 to i32
      %sign3A_80 = arith.subi %sign3A_76, %sign3A_79 : i32
      %ne3A = vector.broadcast %sign3A_80 : i32 to vector<16xi32>
      %ne3A_81 = arith.cmpi ne, %sign3A_73, %ne3A : vector<16xi32>
      %rem3A = vector.broadcast %jit3A : i32 to vector<16xi32>
      %rem3A_82 = arith.remsi %add3A_64, %rem3A : vector<16xi32>
      %ne3A_83 = arith.constant 0 : i32
      %ne3A_84 = vector.broadcast %ne3A_83 : i32 to vector<16xi32>
      %ne3A_85 = arith.cmpi ne, %rem3A_82, %ne3A_84 : vector<16xi32>
      %and3A = arith.andi %ne3A_81, %ne3A_85 : vector<16xi1>
      %sub3A = arith.constant 1 : i32
      %sub3A_86 = vector.broadcast %sub3A : i32 to vector<16xi32>
      %sub3A_87 = arith.subi %div3A_65, %sub3A_86 : vector<16xi32>
      %select_n3A = arith.select %and3A, %sub3A_87, %div3A_65 : vector<16xi1>, vector<16xi32>
      %swap3A = arith.index_cast %scan3A_58 : i32 to index
      %swap3A_88 = arith.constant 0 : index
      %swap3A_89 = tpu.vector_load %arg11[%swap3A, %swap3A_88] {strides = array<i32>} : memref<40x128xi32, #tpu.memory_space<vmem>>, vector<16xi32>,
      tpu.vector_store %arg11[%swap3A, %swap3A_88], %select_n3A {strides = array<i32>} : memref<40x128xi32, #tpu.memory_space<vmem>>, vector<16xi32>,
      %broadcast_in_dim3A = arith.constant 0.000000e+00 : f32
      %broadcast_in_dim3A_90 = vector.broadcast %broadcast_in_dim3A : f32 to vector<16xf32>
      %swap3A_91 = arith.index_cast %scan3A_58 : i32 to index
      %swap3A_92 = arith.constant 0 : index
      %swap3A_93 = tpu.vector_load %arg14[%swap3A_91, %swap3A_92] {strides = array<i32>} : memref<40x128xf32, #tpu.memory_space<vmem>>, vector<16xf32>,
      tpu.vector_store %arg14[%swap3A_91, %swap3A_92], %broadcast_in_dim3A_90 {strides = array<i32>} : memref<40x128xf32, #tpu.memory_space<vmem>>, vector<16xf32>,
      %get3A = arith.index_cast %scan3A_58 : i32 to index
      %get3A_94 = arith.constant 0 : index
      %get3A_95 = tpu.vector_load %arg7[%get3A, %get3A_94] {strides = array<i32>} : memref<40x128xi32, #tpu.memory_space<vmem>>, vector<16xi32>,
      %ge3A = arith.constant 499712 : i32
      %ge3A_96 = vector.broadcast %ge3A : i32 to vector<16xi32>
      %ge3A_97 = arith.cmpi sge, %get3A_95, %ge3A_96 : vector<16xi32>
      %convert_element_type3A_98 = arith.extui %ge3A_97 : vector<16xi1> to vector<16xi32>
      %mul3A_99 = arith.constant 499712 : i32
      %mul3A_100 = vector.broadcast %mul3A_99 : i32 to vector<16xi32>
      %mul3A_101 = arith.muli %convert_element_type3A_98, %mul3A_100 : vector<16xi32>
      %sub3A_102 = arith.subi %get3A_95, %mul3A_101 : vector<16xi32>
      %min3A = arith.constant 499711 : i32
      %min3A_103 = vector.broadcast %min3A : i32 to vector<16xi32>
      %min3A_104 = arith.minsi %sub3A_102, %min3A_103 : vector<16xi32>
      %swap3A_105 = arith.index_cast %scan3A_58 : i32 to index
      %swap3A_106 = arith.constant 0 : index
      %swap3A_107 = tpu.vector_load %arg8[%swap3A_105, %swap3A_106] {strides = array<i32>} : memref<40x128xi32, #tpu.memory_space<vmem>>, vector<16xi32>,
      tpu.vector_store %arg8[%swap3A_105, %swap3A_106], %min3A_104 {strides = array<i32>} : memref<40x128xi32, #tpu.memory_space<vmem>>, vector<16xi32>,
      %swap3A_108 = arith.index_cast %scan3A_58 : i32 to index
      %swap3A_109 = arith.constant 0 : index
      %swap3A_110 = tpu.vector_load %arg9[%swap3A_108, %swap3A_109] {strides = array<i32>} : memref<40x128xi32, #tpu.memory_space<vmem>>, vector<16xi32>,
      tpu.vector_store %arg9[%swap3A_108, %swap3A_109], %sub3A_102 {strides = array<i32>} : memref<40x128xi32, #tpu.memory_space<vmem>>, vector<16xi32>,
      %swap3A_111 = arith.index_cast %scan3A_58 : i32 to index
      %swap3A_112 = arith.constant 0 : index
      %swap3A_113 = tpu.vector_load %arg10[%swap3A_111, %swap3A_112] {strides = array<i32>} : memref<40x128xi32, #tpu.memory_space<vmem>>, vector<16xi32>,
      tpu.vector_store %arg10[%swap3A_111, %swap3A_112], %convert_element_type3A_98 {strides = array<i32>} : memref<40x128xi32, #tpu.memory_space<vmem>>, vector<16xi32>,
      %mul3A_114 = arith.constant 128 : i32
      %mul3A_115 = arith.muli %scan3A_58, %mul3A_114 : i32
      %add3A_116 = arith.constant 16 : i32
      %add3A_117 = arith.addi %mul3A_115, %add3A_116 : i32
      %add3A_118 = vector.broadcast %add3A_117 : i32 to vector<16xi32>
      %add3A_119 = arith.addi %add3A_118, %iota3A : vector<16xi32>
      %jit3A_120 = arith.constant 5 : i32
      %div3A_121 = vector.broadcast %jit3A_120 : i32 to vector<16xi32>
      %div3A_122 = arith.divsi %add3A_119, %div3A_121 : vector<16xi32>
      %sign3A_123 = arith.constant 0 : i32
      %sign3A_124 = vector.broadcast %sign3A_123 : i32 to vector<16xi32>
      %sign3A_125 = arith.cmpi sgt, %add3A_119, %sign3A_124 : vector<16xi32>
      %sign3A_126 = arith.extui %sign3A_125 : vector<16xi1> to vector<16xi32>
      %sign3A_127 = arith.constant 0 : i32
      %sign3A_128 = vector.broadcast %sign3A_127 : i32 to vector<16xi32>
      %sign3A_129 = arith.cmpi slt, %add3A_119, %sign3A_128 : vector<16xi32>
      %sign3A_130 = arith.extui %sign3A_129 : vector<16xi1> to vector<16xi32>
      %sign3A_131 = arith.subi %sign3A_126, %sign3A_130 : vector<16xi32>
      %sign3A_132 = arith.constant 0 : i32
      %sign3A_133 = arith.cmpi sgt, %jit3A_120, %sign3A_132 : i32
      %sign3A_134 = arith.extui %sign3A_133 : i1 to i32
      %sign3A_135 = arith.constant 0 : i32
      %sign3A_136 = arith.cmpi slt, %jit3A_120, %sign3A_135 : i32
      %sign3A_137 = arith.extui %sign3A_136 : i1 to i32
      %sign3A_138 = arith.subi %sign3A_134, %sign3A_137 : i32
      %ne3A_139 = vector.broadcast %sign3A_138 : i32 to vector<16xi32>
      %ne3A_140 = arith.cmpi ne, %sign3A_131, %ne3A_139 : vector<16xi32>
      %rem3A_141 = vector.broadcast %jit3A_120 : i32 to vector<16xi32>
      %rem3A_142 = arith.remsi %add3A_119, %rem3A_141 : vector<16xi32>
      %ne3A_143 = arith.constant 0 : i32
      %ne3A_144 = vector.broadcast %ne3A_143 : i32 to vector<16xi32>
      %ne3A_145 = arith.cmpi ne, %rem3A_142, %ne3A_144 : vector<16xi32>
      %and3A_146 = arith.andi %ne3A_140, %ne3A_145 : vector<16xi1>
      %sub3A_147 = arith.constant 1 : i32
      %sub3A_148 = vector.broadcast %sub3A_147 : i32 to vector<16xi32>
      %sub3A_149 = arith.subi %div3A_122, %sub3A_148 : vector<16xi32>
      %select_n3A_150 = arith.select %and3A_146, %sub3A_149, %div3A_122 : vector<16xi1>, vector<16xi32>
      %swap3A_151 = arith.index_cast %scan3A_58 : i32 to index
      %swap3A_152 = arith.constant 16 : index
      %swap3A_153 = tpu.vector_load %arg11[%swap3A_151, %swap3A_152] {strides = array<i32>} : memref<40x128xi32, #tpu.memory_space<vmem>>, vector<16xi32>,
      tpu.vector_store %arg11[%swap3A_151, %swap3A_152], %select_n3A_150 {strides = array<i32>} : memref<40x128xi32, #tpu.memory_space<vmem>>, vector<16xi32>,
      %broadcast_in_dim3A_154 = arith.constant 0.000000e+00 : f32
      %broadcast_in_dim3A_155 = vector.broadcast %broadcast_in_dim3A_154 : f32 to vector<16xf32>
      %swap3A_156 = arith.index_cast %scan3A_58 : i32 to index
      %swap3A_157 = arith.constant 16 : index
      %swap3A_158 = tpu.vector_load %arg14[%swap3A_156, %swap3A_157] {strides = array<i32>} : memref<40x128xf32, #tpu.memory_space<vmem>>, vector<16xf32>,
      tpu.vector_store %arg14[%swap3A_156, %swap3A_157], %broadcast_in_dim3A_155 {strides = array<i32>} : memref<40x128xf32, #tpu.memory_space<vmem>>, vector<16xf32>,
      %get3A_159 = arith.index_cast %scan3A_58 : i32 to index
      %get3A_160 = arith.constant 16 : index
      %get3A_161 = tpu.vector_load %arg7[%get3A_159, %get3A_160] {strides = array<i32>} : memref<40x128xi32, #tpu.memory_space<vmem>>, vector<16xi32>,
      %ge3A_162 = arith.constant 499712 : i32
      %ge3A_163 = vector.broadcast %ge3A_162 : i32 to vector<16xi32>
      %ge3A_164 = arith.cmpi sge, %get3A_161, %ge3A_163 : vector<16xi32>
      %convert_element_type3A_165 = arith.extui %ge3A_164 : vector<16xi1> to vector<16xi32>
      %mul3A_166 = arith.constant 499712 : i32
      %mul3A_167 = vector.broadcast %mul3A_166 : i32 to vector<16xi32>
      %mul3A_168 = arith.muli %convert_element_type3A_165, %mul3A_167 : vector<16xi32>
      %sub3A_169 = arith.subi %get3A_161, %mul3A_168 : vector<16xi32>
      %min3A_170 = arith.constant 499711 : i32
      %min3A_171 = vector.broadcast %min3A_170 : i32 to vector<16xi32>
      %min3A_172 = arith.minsi %sub3A_169, %min3A_171 : vector<16xi32>
      %swap3A_173 = arith.index_cast %scan3A_58 : i32 to index
      %swap3A_174 = arith.constant 16 : index
      %swap3A_175 = tpu.vector_load %arg8[%swap3A_173, %swap3A_174] {strides = array<i32>} : memref<40x128xi32, #tpu.memory_space<vmem>>, vector<16xi32>,
      tpu.vector_store %arg8[%swap3A_173, %swap3A_174], %min3A_172 {strides = array<i32>} : memref<40x128xi32, #tpu.memory_space<vmem>>, vector<16xi32>,
      %swap3A_176 = arith.index_cast %scan3A_58 : i32 to index
      %swap3A_177 = arith.constant 16 : index
      %swap3A_178 = tpu.vector_load %arg9[%swap3A_176, %swap3A_177] {strides = array<i32>} : memref<40x128xi32, #tpu.memory_space<vmem>>, vector<16xi32>,
      tpu.vector_store %arg9[%swap3A_176, %swap3A_177], %sub3A_169 {strides = array<i32>} : memref<40x128xi32, #tpu.memory_space<vmem>>, vector<16xi32>,
      %swap3A_179 = arith.index_cast %scan3A_58 : i32 to index
      %swap3A_180 = arith.constant 16 : index
      %swap3A_181 = tpu.vector_load %arg10[%swap3A_179, %swap3A_180] {strides = array<i32>} : memref<40x128xi32, #tpu.memory_space<vmem>>, vector<16xi32>,
      tpu.vector_store %arg10[%swap3A_179, %swap3A_180], %convert_element_type3A_165 {strides = array<i32>} : memref<40x128xi32, #tpu.memory_space<vmem>>, vector<16xi32>,
      %mul3A_182 = arith.constant 128 : i32
      %mul3A_183 = arith.muli %scan3A_58, %mul3A_182 : i32
      %add3A_184 = arith.constant 32 : i32
      %add3A_185 = arith.addi %mul3A_183, %add3A_184 : i32
      %add3A_186 = vector.broadcast %add3A_185 : i32 to vector<16xi32>
      %add3A_187 = arith.addi %add3A_186, %iota3A : vector<16xi32>
      %jit3A_188 = arith.constant 5 : i32
      %div3A_189 = vector.broadcast %jit3A_188 : i32 to vector<16xi32>
      %div3A_190 = arith.divsi %add3A_187, %div3A_189 : vector<16xi32>
      %sign3A_191 = arith.constant 0 : i32
      %sign3A_192 = vector.broadcast %sign3A_191 : i32 to vector<16xi32>
      %sign3A_193 = arith.cmpi sgt, %add3A_187, %sign3A_192 : vector<16xi32>
      %sign3A_194 = arith.extui %sign3A_193 : vector<16xi1> to vector<16xi32>
      %sign3A_195 = arith.constant 0 : i32
      %sign3A_196 = vector.broadcast %sign3A_195 : i32 to vector<16xi32>
      %sign3A_197 = arith.cmpi slt, %add3A_187, %sign3A_196 : vector<16xi32>
      %sign3A_198 = arith.extui %sign3A_197 : vector<16xi1> to vector<16xi32>
      %sign3A_199 = arith.subi %sign3A_194, %sign3A_198 : vector<16xi32>
      %sign3A_200 = arith.constant 0 : i32
      %sign3A_201 = arith.cmpi sgt, %jit3A_188, %sign3A_200 : i32
      %sign3A_202 = arith.extui %sign3A_201 : i1 to i32
      %sign3A_203 = arith.constant 0 : i32
      %sign3A_204 = arith.cmpi slt, %jit3A_188, %sign3A_203 : i32
      %sign3A_205 = arith.extui %sign3A_204 : i1 to i32
      %sign3A_206 = arith.subi %sign3A_202, %sign3A_205 : i32
      %ne3A_207 = vector.broadcast %sign3A_206 : i32 to vector<16xi32>
      %ne3A_208 = arith.cmpi ne, %sign3A_199, %ne3A_207 : vector<16xi32>
      %rem3A_209 = vector.broadcast %jit3A_188 : i32 to vector<16xi32>
      %rem3A_210 = arith.remsi %add3A_187, %rem3A_209 : vector<16xi32>
      %ne3A_211 = arith.constant 0 : i32
      %ne3A_212 = vector.broadcast %ne3A_211 : i32 to vector<16xi32>
      %ne3A_213 = arith.cmpi ne, %rem3A_210, %ne3A_212 : vector<16xi32>
      %and3A_214 = arith.andi %ne3A_208, %ne3A_213 : vector<16xi1>
      %sub3A_215 = arith.constant 1 : i32
      %sub3A_216 = vector.broadcast %sub3A_215 : i32 to vector<16xi32>
      %sub3A_217 = arith.subi %div3A_190, %sub3A_216 : vector<16xi32>
      %select_n3A_218 = arith.select %and3A_214, %sub3A_217, %div3A_190 : vector<16xi1>, vector<16xi32>
      %swap3A_219 = arith.index_cast %scan3A_58 : i32 to index
      %swap3A_220 = arith.constant 32 : index
      %swap3A_221 = tpu.vector_load %arg11[%swap3A_219, %swap3A_220] {strides = array<i32>} : memref<40x128xi32, #tpu.memory_space<vmem>>, vector<16xi32>,
      tpu.vector_store %arg11[%swap3A_219, %swap3A_220], %select_n3A_218 {strides = array<i32>} : memref<40x128xi32, #tpu.memory_space<vmem>>, vector<16xi32>,
      %broadcast_in_dim3A_222 = arith.constant 0.000000e+00 : f32
      %broadcast_in_dim3A_223 = vector.broadcast %broadcast_in_dim3A_222 : f32 to vector<16xf32>
      %swap3A_224 = arith.index_cast %scan3A_58 : i32 to index
      %swap3A_225 = arith.constant 32 : index
      %swap3A_226 = tpu.vector_load %arg14[%swap3A_224, %swap3A_225] {strides = array<i32>} : memref<40x128xf32, #tpu.memory_space<vmem>>, vector<16xf32>,
      tpu.vector_store %arg14[%swap3A_224, %swap3A_225], %broadcast_in_dim3A_223 {strides = array<i32>} : memref<40x128xf32, #tpu.memory_space<vmem>>, vector<16xf32>,
      %get3A_227 = arith.index_cast %scan3A_58 : i32 to index
      %get3A_228 = arith.constant 32 : index
      %get3A_229 = tpu.vector_load %arg7[%get3A_227, %get3A_228] {strides = array<i32>} : memref<40x128xi32, #tpu.memory_space<vmem>>, vector<16xi32>,
      %ge3A_230 = arith.constant 499712 : i32
      %ge3A_231 = vector.broadcast %ge3A_230 : i32 to vector<16xi32>
      %ge3A_232 = arith.cmpi sge, %get3A_229, %ge3A_231 : vector<16xi32>
      %convert_element_type3A_233 = arith.extui %ge3A_232 : vector<16xi1> to vector<16xi32>
      %mul3A_234 = arith.constant 499712 : i32
      %mul3A_235 = vector.broadcast %mul3A_234 : i32 to vector<16xi32>
      %mul3A_236 = arith.muli %convert_element_type3A_233, %mul3A_235 : vector<16xi32>
      %sub3A_237 = arith.subi %get3A_229, %mul3A_236 : vector<16xi32>
      %min3A_238 = arith.constant 499711 : i32
      %min3A_239 = vector.broadcast %min3A_238 : i32 to vector<16xi32>
      %min3A_240 = arith.minsi %sub3A_237, %min3A_239 : vector<16xi32>
      %swap3A_241 = arith.index_cast %scan3A_58 : i32 to index
      %swap3A_242 = arith.constant 32 : index
      %swap3A_243 = tpu.vector_load %arg8[%swap3A_241, %swap3A_242] {strides = array<i32>} : memref<40x128xi32, #tpu.memory_space<vmem>>, vector<16xi32>,
      tpu.vector_store %arg8[%swap3A_241, %swap3A_242], %min3A_240 {strides = array<i32>} : memref<40x128xi32, #tpu.memory_space<vmem>>, vector<16xi32>,
      %swap3A_244 = arith.index_cast %scan3A_58 : i32 to index
      %swap3A_245 = arith.constant 32 : index
      %swap3A_246 = tpu.vector_load %arg9[%swap3A_244, %swap3A_245] {strides = array<i32>} : memref<40x128xi32, #tpu.memory_space<vmem>>, vector<16xi32>,
      tpu.vector_store %arg9[%swap3A_244, %swap3A_245], %sub3A_237 {strides = array<i32>} : memref<40x128xi32, #tpu.memory_space<vmem>>, vector<16xi32>,
      %swap3A_247 = arith.index_cast %scan3A_58 : i32 to index
      %swap3A_248 = arith.constant 32 : index
      %swap3A_249 = tpu.vector_load %arg10[%swap3A_247, %swap3A_248] {strides = array<i32>} : memref<40x128xi32, #tpu.memory_space<vmem>>, vector<16xi32>,
      tpu.vector_store %arg10[%swap3A_247, %swap3A_248], %convert_element_type3A_233 {strides = array<i32>} : memref<40x128xi32, #tpu.memory_space<vmem>>, vector<16xi32>,
      %mul3A_250 = arith.constant 128 : i32
      %mul3A_251 = arith.muli %scan3A_58, %mul3A_250 : i32
      %add3A_252 = arith.constant 48 : i32
      %add3A_253 = arith.addi %mul3A_251, %add3A_252 : i32
      %add3A_254 = vector.broadcast %add3A_253 : i32 to vector<16xi32>
      %add3A_255 = arith.addi %add3A_254, %iota3A : vector<16xi32>
      %jit3A_256 = arith.constant 5 : i32
      %div3A_257 = vector.broadcast %jit3A_256 : i32 to vector<16xi32>
      %div3A_258 = arith.divsi %add3A_255, %div3A_257 : vector<16xi32>
      %sign3A_259 = arith.constant 0 : i32
      %sign3A_260 = vector.broadcast %sign3A_259 : i32 to vector<16xi32>
      %sign3A_261 = arith.cmpi sgt, %add3A_255, %sign3A_260 : vector<16xi32>
      %sign3A_262 = arith.extui %sign3A_261 : vector<16xi1> to vector<16xi32>
      %sign3A_263 = arith.constant 0 : i32
      %sign3A_264 = vector.broadcast %sign3A_263 : i32 to vector<16xi32>
      %sign3A_265 = arith.cmpi slt, %add3A_255, %sign3A_264 : vector<16xi32>
      %sign3A_266 = arith.extui %sign3A_265 : vector<16xi1> to vector<16xi32>
      %sign3A_267 = arith.subi %sign3A_262, %sign3A_266 : vector<16xi32>
      %sign3A_268 = arith.constant 0 : i32
      %sign3A_269 = arith.cmpi sgt, %jit3A_256, %sign3A_268 : i32
      %sign3A_270 = arith.extui %sign3A_269 : i1 to i32
      %sign3A_271 = arith.constant 0 : i32
      %sign3A_272 = arith.cmpi slt, %jit3A_256, %sign3A_271 : i32
      %sign3A_273 = arith.extui %sign3A_272 : i1 to i32
      %sign3A_274 = arith.subi %sign3A_270, %sign3A_273 : i32
      %ne3A_275 = vector.broadcast %sign3A_274 : i32 to vector<16xi32>
      %ne3A_276 = arith.cmpi ne, %sign3A_267, %ne3A_275 : vector<16xi32>
      %rem3A_277 = vector.broadcast %jit3A_256 : i32 to vector<16xi32>
      %rem3A_278 = arith.remsi %add3A_255, %rem3A_277 : vector<16xi32>
      %ne3A_279 = arith.constant 0 : i32
      %ne3A_280 = vector.broadcast %ne3A_279 : i32 to vector<16xi32>
      %ne3A_281 = arith.cmpi ne, %rem3A_278, %ne3A_280 : vector<16xi32>
      %and3A_282 = arith.andi %ne3A_276, %ne3A_281 : vector<16xi1>
      %sub3A_283 = arith.constant 1 : i32
      %sub3A_284 = vector.broadcast %sub3A_283 : i32 to vector<16xi32>
      %sub3A_285 = arith.subi %div3A_258, %sub3A_284 : vector<16xi32>
      %select_n3A_286 = arith.select %and3A_282, %sub3A_285, %div3A_258 : vector<16xi1>, vector<16xi32>
      %swap3A_287 = arith.index_cast %scan3A_58 : i32 to index
      %swap3A_288 = arith.constant 48 : index
      %swap3A_289 = tpu.vector_load %arg11[%swap3A_287, %swap3A_288] {strides = array<i32>} : memref<40x128xi32, #tpu.memory_space<vmem>>, vector<16xi32>,
      tpu.vector_store %arg11[%swap3A_287, %swap3A_288], %select_n3A_286 {strides = array<i32>} : memref<40x128xi32, #tpu.memory_space<vmem>>, vector<16xi32>,
      %broadcast_in_dim3A_290 = arith.constant 0.000000e+00 : f32
      %broadcast_in_dim3A_291 = vector.broadcast %broadcast_in_dim3A_290 : f32 to vector<16xf32>
      %swap3A_292 = arith.index_cast %scan3A_58 : i32 to index
      %swap3A_293 = arith.constant 48 : index
      %swap3A_294 = tpu.vector_load %arg14[%swap3A_292, %swap3A_293] {strides = array<i32>} : memref<40x128xf32, #tpu.memory_space<vmem>>, vector<16xf32>,
      tpu.vector_store %arg14[%swap3A_292, %swap3A_293], %broadcast_in_dim3A_291 {strides = array<i32>} : memref<40x128xf32, #tpu.memory_space<vmem>>, vector<16xf32>,
      %get3A_295 = arith.index_cast %scan3A_58 : i32 to index
      %get3A_296 = arith.constant 48 : index
      %get3A_297 = tpu.vector_load %arg7[%get3A_295, %get3A_296] {strides = array<i32>} : memref<40x128xi32, #tpu.memory_space<vmem>>, vector<16xi32>,
      %ge3A_298 = arith.constant 499712 : i32
      %ge3A_299 = vector.broadcast %ge3A_298 : i32 to vector<16xi32>
      %ge3A_300 = arith.cmpi sge, %get3A_297, %ge3A_299 : vector<16xi32>
      %convert_element_type3A_301 = arith.extui %ge3A_300 : vector<16xi1> to vector<16xi32>
      %mul3A_302 = arith.constant 499712 : i32
      %mul3A_303 = vector.broadcast %mul3A_302 : i32 to vector<16xi32>
      %mul3A_304 = arith.muli %convert_element_type3A_301, %mul3A_303 : vector<16xi32>
      %sub3A_305 = arith.subi %get3A_297, %mul3A_304 : vector<16xi32>
      %min3A_306 = arith.constant 499711 : i32
      %min3A_307 = vector.broadcast %min3A_306 : i32 to vector<16xi32>
      %min3A_308 = arith.minsi %sub3A_305, %min3A_307 : vector<16xi32>
      %swap3A_309 = arith.index_cast %scan3A_58 : i32 to index
      %swap3A_310 = arith.constant 48 : index
      %swap3A_311 = tpu.vector_load %arg8[%swap3A_309, %swap3A_310] {strides = array<i32>} : memref<40x128xi32, #tpu.memory_space<vmem>>, vector<16xi32>,
      tpu.vector_store %arg8[%swap3A_309, %swap3A_310], %min3A_308 {strides = array<i32>} : memref<40x128xi32, #tpu.memory_space<vmem>>, vector<16xi32>,
      %swap3A_312 = arith.index_cast %scan3A_58 : i32 to index
      %swap3A_313 = arith.constant 48 : index
      %swap3A_314 = tpu.vector_load %arg9[%swap3A_312, %swap3A_313] {strides = array<i32>} : memref<40x128xi32, #tpu.memory_space<vmem>>, vector<16xi32>,
      tpu.vector_store %arg9[%swap3A_312, %swap3A_313], %sub3A_305 {strides = array<i32>} : memref<40x128xi32, #tpu.memory_space<vmem>>, vector<16xi32>,
      %swap3A_315 = arith.index_cast %scan3A_58 : i32 to index
      %swap3A_316 = arith.constant 48 : index
      %swap3A_317 = tpu.vector_load %arg10[%swap3A_315, %swap3A_316] {strides = array<i32>} : memref<40x128xi32, #tpu.memory_space<vmem>>, vector<16xi32>,
      tpu.vector_store %arg10[%swap3A_315, %swap3A_316], %convert_element_type3A_301 {strides = array<i32>} : memref<40x128xi32, #tpu.memory_space<vmem>>, vector<16xi32>,
      %mul3A_318 = arith.constant 128 : i32
      %mul3A_319 = arith.muli %scan3A_58, %mul3A_318 : i32
      %add3A_320 = arith.constant 64 : i32
      %add3A_321 = arith.addi %mul3A_319, %add3A_320 : i32
      %add3A_322 = vector.broadcast %add3A_321 : i32 to vector<16xi32>
      %add3A_323 = arith.addi %add3A_322, %iota3A : vector<16xi32>
      %jit3A_324 = arith.constant 5 : i32
      %div3A_325 = vector.broadcast %jit3A_324 : i32 to vector<16xi32>
      %div3A_326 = arith.divsi %add3A_323, %div3A_325 : vector<16xi32>
      %sign3A_327 = arith.constant 0 : i32
      %sign3A_328 = vector.broadcast %sign3A_327 : i32 to vector<16xi32>
      %sign3A_329 = arith.cmpi sgt, %add3A_323, %sign3A_328 : vector<16xi32>
      %sign3A_330 = arith.extui %sign3A_329 : vector<16xi1> to vector<16xi32>
      %sign3A_331 = arith.constant 0 : i32
      %sign3A_332 = vector.broadcast %sign3A_331 : i32 to vector<16xi32>
      %sign3A_333 = arith.cmpi slt, %add3A_323, %sign3A_332 : vector<16xi32>
      %sign3A_334 = arith.extui %sign3A_333 : vector<16xi1> to vector<16xi32>
      %sign3A_335 = arith.subi %sign3A_330, %sign3A_334 : vector<16xi32>
      %sign3A_336 = arith.constant 0 : i32
      %sign3A_337 = arith.cmpi sgt, %jit3A_324, %sign3A_336 : i32
      %sign3A_338 = arith.extui %sign3A_337 : i1 to i32
      %sign3A_339 = arith.constant 0 : i32
      %sign3A_340 = arith.cmpi slt, %jit3A_324, %sign3A_339 : i32
      %sign3A_341 = arith.extui %sign3A_340 : i1 to i32
      %sign3A_342 = arith.subi %sign3A_338, %sign3A_341 : i32
      %ne3A_343 = vector.broadcast %sign3A_342 : i32 to vector<16xi32>
      %ne3A_344 = arith.cmpi ne, %sign3A_335, %ne3A_343 : vector<16xi32>
      %rem3A_345 = vector.broadcast %jit3A_324 : i32 to vector<16xi32>
      %rem3A_346 = arith.remsi %add3A_323, %rem3A_345 : vector<16xi32>
      %ne3A_347 = arith.constant 0 : i32
      %ne3A_348 = vector.broadcast %ne3A_347 : i32 to vector<16xi32>
      %ne3A_349 = arith.cmpi ne, %rem3A_346, %ne3A_348 : vector<16xi32>
      %and3A_350 = arith.andi %ne3A_344, %ne3A_349 : vector<16xi1>
      %sub3A_351 = arith.constant 1 : i32
      %sub3A_352 = vector.broadcast %sub3A_351 : i32 to vector<16xi32>
      %sub3A_353 = arith.subi %div3A_326, %sub3A_352 : vector<16xi32>
      %select_n3A_354 = arith.select %and3A_350, %sub3A_353, %div3A_326 : vector<16xi1>, vector<16xi32>
      %swap3A_355 = arith.index_cast %scan3A_58 : i32 to index
      %swap3A_356 = arith.constant 64 : index
      %swap3A_357 = tpu.vector_load %arg11[%swap3A_355, %swap3A_356] {strides = array<i32>} : memref<40x128xi32, #tpu.memory_space<vmem>>, vector<16xi32>,
      tpu.vector_store %arg11[%swap3A_355, %swap3A_356], %select_n3A_354 {strides = array<i32>} : memref<40x128xi32, #tpu.memory_space<vmem>>, vector<16xi32>,
      %broadcast_in_dim3A_358 = arith.constant 0.000000e+00 : f32
      %broadcast_in_dim3A_359 = vector.broadcast %broadcast_in_dim3A_358 : f32 to vector<16xf32>
      %swap3A_360 = arith.index_cast %scan3A_58 : i32 to index
      %swap3A_361 = arith.constant 64 : index
      %swap3A_362 = tpu.vector_load %arg14[%swap3A_360, %swap3A_361] {strides = array<i32>} : memref<40x128xf32, #tpu.memory_space<vmem>>, vector<16xf32>,
      tpu.vector_store %arg14[%swap3A_360, %swap3A_361], %broadcast_in_dim3A_359 {strides = array<i32>} : memref<40x128xf32, #tpu.memory_space<vmem>>, vector<16xf32>,
      %get3A_363 = arith.index_cast %scan3A_58 : i32 to index
      %get3A_364 = arith.constant 64 : index
      %get3A_365 = tpu.vector_load %arg7[%get3A_363, %get3A_364] {strides = array<i32>} : memref<40x128xi32, #tpu.memory_space<vmem>>, vector<16xi32>,
      %ge3A_366 = arith.constant 499712 : i32
      %ge3A_367 = vector.broadcast %ge3A_366 : i32 to vector<16xi32>
      %ge3A_368 = arith.cmpi sge, %get3A_365, %ge3A_367 : vector<16xi32>
      %convert_element_type3A_369 = arith.extui %ge3A_368 : vector<16xi1> to vector<16xi32>
      %mul3A_370 = arith.constant 499712 : i32
      %mul3A_371 = vector.broadcast %mul3A_370 : i32 to vector<16xi32>
      %mul3A_372 = arith.muli %convert_element_type3A_369, %mul3A_371 : vector<16xi32>
      %sub3A_373 = arith.subi %get3A_365, %mul3A_372 : vector<16xi32>
      %min3A_374 = arith.constant 499711 : i32
      %min3A_375 = vector.broadcast %min3A_374 : i32 to vector<16xi32>
      %min3A_376 = arith.minsi %sub3A_373, %min3A_375 : vector<16xi32>
      %swap3A_377 = arith.index_cast %scan3A_58 : i32 to index
      %swap3A_378 = arith.constant 64 : index
      %swap3A_379 = tpu.vector_load %arg8[%swap3A_377, %swap3A_378] {strides = array<i32>} : memref<40x128xi32, #tpu.memory_space<vmem>>, vector<16xi32>,
      tpu.vector_store %arg8[%swap3A_377, %swap3A_378], %min3A_376 {strides = array<i32>} : memref<40x128xi32, #tpu.memory_space<vmem>>, vector<16xi32>,
      %swap3A_380 = arith.index_cast %scan3A_58 : i32 to index
      %swap3A_381 = arith.constant 64 : index
      %swap3A_382 = tpu.vector_load %arg9[%swap3A_380, %swap3A_381] {strides = array<i32>} : memref<40x128xi32, #tpu.memory_space<vmem>>, vector<16xi32>,
      tpu.vector_store %arg9[%swap3A_380, %swap3A_381], %sub3A_373 {strides = array<i32>} : memref<40x128xi32, #tpu.memory_space<vmem>>, vector<16xi32>,
      %swap3A_383 = arith.index_cast %scan3A_58 : i32 to index
      %swap3A_384 = arith.constant 64 : index
      %swap3A_385 = tpu.vector_load %arg10[%swap3A_383, %swap3A_384] {strides = array<i32>} : memref<40x128xi32, #tpu.memory_space<vmem>>, vector<16xi32>,
      tpu.vector_store %arg10[%swap3A_383, %swap3A_384], %convert_element_type3A_369 {strides = array<i32>} : memref<40x128xi32, #tpu.memory_space<vmem>>, vector<16xi32>,
      %mul3A_386 = arith.constant 128 : i32
      %mul3A_387 = arith.muli %scan3A_58, %mul3A_386 : i32
      %add3A_388 = arith.constant 80 : i32
      %add3A_389 = arith.addi %mul3A_387, %add3A_388 : i32
      %add3A_390 = vector.broadcast %add3A_389 : i32 to vector<16xi32>
      %add3A_391 = arith.addi %add3A_390, %iota3A : vector<16xi32>
      %jit3A_392 = arith.constant 5 : i32
      %div3A_393 = vector.broadcast %jit3A_392 : i32 to vector<16xi32>
      %div3A_394 = arith.divsi %add3A_391, %div3A_393 : vector<16xi32>
      %sign3A_395 = arith.constant 0 : i32
      %sign3A_396 = vector.broadcast %sign3A_395 : i32 to vector<16xi32>
      %sign3A_397 = arith.cmpi sgt, %add3A_391, %sign3A_396 : vector<16xi32>
      %sign3A_398 = arith.extui %sign3A_397 : vector<16xi1> to vector<16xi32>
      %sign3A_399 = arith.constant 0 : i32
      %sign3A_400 = vector.broadcast %sign3A_399 : i32 to vector<16xi32>
      %sign3A_401 = arith.cmpi slt, %add3A_391, %sign3A_400 : vector<16xi32>
      %sign3A_402 = arith.extui %sign3A_401 : vector<16xi1> to vector<16xi32>
      %sign3A_403 = arith.subi %sign3A_398, %sign3A_402 : vector<16xi32>
      %sign3A_404 = arith.constant 0 : i32
      %sign3A_405 = arith.cmpi sgt, %jit3A_392, %sign3A_404 : i32
      %sign3A_406 = arith.extui %sign3A_405 : i1 to i32
      %sign3A_407 = arith.constant 0 : i32
      %sign3A_408 = arith.cmpi slt, %jit3A_392, %sign3A_407 : i32
      %sign3A_409 = arith.extui %sign3A_408 : i1 to i32
      %sign3A_410 = arith.subi %sign3A_406, %sign3A_409 : i32
      %ne3A_411 = vector.broadcast %sign3A_410 : i32 to vector<16xi32>
      %ne3A_412 = arith.cmpi ne, %sign3A_403, %ne3A_411 : vector<16xi32>
      %rem3A_413 = vector.broadcast %jit3A_392 : i32 to vector<16xi32>
      %rem3A_414 = arith.remsi %add3A_391, %rem3A_413 : vector<16xi32>
      %ne3A_415 = arith.constant 0 : i32
      %ne3A_416 = vector.broadcast %ne3A_415 : i32 to vector<16xi32>
      %ne3A_417 = arith.cmpi ne, %rem3A_414, %ne3A_416 : vector<16xi32>
      %and3A_418 = arith.andi %ne3A_412, %ne3A_417 : vector<16xi1>
      %sub3A_419 = arith.constant 1 : i32
      %sub3A_420 = vector.broadcast %sub3A_419 : i32 to vector<16xi32>
      %sub3A_421 = arith.subi %div3A_394, %sub3A_420 : vector<16xi32>
      %select_n3A_422 = arith.select %and3A_418, %sub3A_421, %div3A_394 : vector<16xi1>, vector<16xi32>
      %swap3A_423 = arith.index_cast %scan3A_58 : i32 to index
      %swap3A_424 = arith.constant 80 : index
      %swap3A_425 = tpu.vector_load %arg11[%swap3A_423, %swap3A_424] {strides = array<i32>} : memref<40x128xi32, #tpu.memory_space<vmem>>, vector<16xi32>,
      tpu.vector_store %arg11[%swap3A_423, %swap3A_424], %select_n3A_422 {strides = array<i32>} : memref<40x128xi32, #tpu.memory_space<vmem>>, vector<16xi32>,
      %broadcast_in_dim3A_426 = arith.constant 0.000000e+00 : f32
      %broadcast_in_dim3A_427 = vector.broadcast %broadcast_in_dim3A_426 : f32 to vector<16xf32>
      %swap3A_428 = arith.index_cast %scan3A_58 : i32 to index
      %swap3A_429 = arith.constant 80 : index
      %swap3A_430 = tpu.vector_load %arg14[%swap3A_428, %swap3A_429] {strides = array<i32>} : memref<40x128xf32, #tpu.memory_space<vmem>>, vector<16xf32>,
      tpu.vector_store %arg14[%swap3A_428, %swap3A_429], %broadcast_in_dim3A_427 {strides = array<i32>} : memref<40x128xf32, #tpu.memory_space<vmem>>, vector<16xf32>,
      %get3A_431 = arith.index_cast %scan3A_58 : i32 to index
      %get3A_432 = arith.constant 80 : index
      %get3A_433 = tpu.vector_load %arg7[%get3A_431, %get3A_432] {strides = array<i32>} : memref<40x128xi32, #tpu.memory_space<vmem>>, vector<16xi32>,
      %ge3A_434 = arith.constant 499712 : i32
      %ge3A_435 = vector.broadcast %ge3A_434 : i32 to vector<16xi32>
      %ge3A_436 = arith.cmpi sge, %get3A_433, %ge3A_435 : vector<16xi32>
      %convert_element_type3A_437 = arith.extui %ge3A_436 : vector<16xi1> to vector<16xi32>
      %mul3A_438 = arith.constant 499712 : i32
      %mul3A_439 = vector.broadcast %mul3A_438 : i32 to vector<16xi32>
      %mul3A_440 = arith.muli %convert_element_type3A_437, %mul3A_439 : vector<16xi32>
      %sub3A_441 = arith.subi %get3A_433, %mul3A_440 : vector<16xi32>
      %min3A_442 = arith.constant 499711 : i32
      %min3A_443 = vector.broadcast %min3A_442 : i32 to vector<16xi32>
      %min3A_444 = arith.minsi %sub3A_441, %min3A_443 : vector<16xi32>
      %swap3A_445 = arith.index_cast %scan3A_58 : i32 to index
      %swap3A_446 = arith.constant 80 : index
      %swap3A_447 = tpu.vector_load %arg8[%swap3A_445, %swap3A_446] {strides = array<i32>} : memref<40x128xi32, #tpu.memory_space<vmem>>, vector<16xi32>,
      tpu.vector_store %arg8[%swap3A_445, %swap3A_446], %min3A_444 {strides = array<i32>} : memref<40x128xi32, #tpu.memory_space<vmem>>, vector<16xi32>,
      %swap3A_448 = arith.index_cast %scan3A_58 : i32 to index
      %swap3A_449 = arith.constant 80 : index
      %swap3A_450 = tpu.vector_load %arg9[%swap3A_448, %swap3A_449] {strides = array<i32>} : memref<40x128xi32, #tpu.memory_space<vmem>>, vector<16xi32>,
      tpu.vector_store %arg9[%swap3A_448, %swap3A_449], %sub3A_441 {strides = array<i32>} : memref<40x128xi32, #tpu.memory_space<vmem>>, vector<16xi32>,
      %swap3A_451 = arith.index_cast %scan3A_58 : i32 to index
      %swap3A_452 = arith.constant 80 : index
      %swap3A_453 = tpu.vector_load %arg10[%swap3A_451, %swap3A_452] {strides = array<i32>} : memref<40x128xi32, #tpu.memory_space<vmem>>, vector<16xi32>,
      tpu.vector_store %arg10[%swap3A_451, %swap3A_452], %convert_element_type3A_437 {strides = array<i32>} : memref<40x128xi32, #tpu.memory_space<vmem>>, vector<16xi32>,
      %mul3A_454 = arith.constant 128 : i32
      %mul3A_455 = arith.muli %scan3A_58, %mul3A_454 : i32
      %add3A_456 = arith.constant 96 : i32
      %add3A_457 = arith.addi %mul3A_455, %add3A_456 : i32
      %add3A_458 = vector.broadcast %add3A_457 : i32 to vector<16xi32>
      %add3A_459 = arith.addi %add3A_458, %iota3A : vector<16xi32>
      %jit3A_460 = arith.constant 5 : i32
      %div3A_461 = vector.broadcast %jit3A_460 : i32 to vector<16xi32>
      %div3A_462 = arith.divsi %add3A_459, %div3A_461 : vector<16xi32>
      %sign3A_463 = arith.constant 0 : i32
      %sign3A_464 = vector.broadcast %sign3A_463 : i32 to vector<16xi32>
      %sign3A_465 = arith.cmpi sgt, %add3A_459, %sign3A_464 : vector<16xi32>
      %sign3A_466 = arith.extui %sign3A_465 : vector<16xi1> to vector<16xi32>
      %sign3A_467 = arith.constant 0 : i32
      %sign3A_468 = vector.broadcast %sign3A_467 : i32 to vector<16xi32>
      %sign3A_469 = arith.cmpi slt, %add3A_459, %sign3A_468 : vector<16xi32>
      %sign3A_470 = arith.extui %sign3A_469 : vector<16xi1> to vector<16xi32>
      %sign3A_471 = arith.subi %sign3A_466, %sign3A_470 : vector<16xi32>
      %sign3A_472 = arith.constant 0 : i32
      %sign3A_473 = arith.cmpi sgt, %jit3A_460, %sign3A_472 : i32
      %sign3A_474 = arith.extui %sign3A_473 : i1 to i32
      %sign3A_475 = arith.constant 0 : i32
      %sign3A_476 = arith.cmpi slt, %jit3A_460, %sign3A_475 : i32
      %sign3A_477 = arith.extui %sign3A_476 : i1 to i32
      %sign3A_478 = arith.subi %sign3A_474, %sign3A_477 : i32
      %ne3A_479 = vector.broadcast %sign3A_478 : i32 to vector<16xi32>
      %ne3A_480 = arith.cmpi ne, %sign3A_471, %ne3A_479 : vector<16xi32>
      %rem3A_481 = vector.broadcast %jit3A_460 : i32 to vector<16xi32>
      %rem3A_482 = arith.remsi %add3A_459, %rem3A_481 : vector<16xi32>
      %ne3A_483 = arith.constant 0 : i32
      %ne3A_484 = vector.broadcast %ne3A_483 : i32 to vector<16xi32>
      %ne3A_485 = arith.cmpi ne, %rem3A_482, %ne3A_484 : vector<16xi32>
      %and3A_486 = arith.andi %ne3A_480, %ne3A_485 : vector<16xi1>
      %sub3A_487 = arith.constant 1 : i32
      %sub3A_488 = vector.broadcast %sub3A_487 : i32 to vector<16xi32>
      %sub3A_489 = arith.subi %div3A_462, %sub3A_488 : vector<16xi32>
      %select_n3A_490 = arith.select %and3A_486, %sub3A_489, %div3A_462 : vector<16xi1>, vector<16xi32>
      %swap3A_491 = arith.index_cast %scan3A_58 : i32 to index
      %swap3A_492 = arith.constant 96 : index
      %swap3A_493 = tpu.vector_load %arg11[%swap3A_491, %swap3A_492] {strides = array<i32>} : memref<40x128xi32, #tpu.memory_space<vmem>>, vector<16xi32>,
      tpu.vector_store %arg11[%swap3A_491, %swap3A_492], %select_n3A_490 {strides = array<i32>} : memref<40x128xi32, #tpu.memory_space<vmem>>, vector<16xi32>,
      %broadcast_in_dim3A_494 = arith.constant 0.000000e+00 : f32
      %broadcast_in_dim3A_495 = vector.broadcast %broadcast_in_dim3A_494 : f32 to vector<16xf32>
      %swap3A_496 = arith.index_cast %scan3A_58 : i32 to index
      %swap3A_497 = arith.constant 96 : index
      %swap3A_498 = tpu.vector_load %arg14[%swap3A_496, %swap3A_497] {strides = array<i32>} : memref<40x128xf32, #tpu.memory_space<vmem>>, vector<16xf32>,
      tpu.vector_store %arg14[%swap3A_496, %swap3A_497], %broadcast_in_dim3A_495 {strides = array<i32>} : memref<40x128xf32, #tpu.memory_space<vmem>>, vector<16xf32>,
      %get3A_499 = arith.index_cast %scan3A_58 : i32 to index
      %get3A_500 = arith.constant 96 : index
      %get3A_501 = tpu.vector_load %arg7[%get3A_499, %get3A_500] {strides = array<i32>} : memref<40x128xi32, #tpu.memory_space<vmem>>, vector<16xi32>,
      %ge3A_502 = arith.constant 499712 : i32
      %ge3A_503 = vector.broadcast %ge3A_502 : i32 to vector<16xi32>
      %ge3A_504 = arith.cmpi sge, %get3A_501, %ge3A_503 : vector<16xi32>
      %convert_element_type3A_505 = arith.extui %ge3A_504 : vector<16xi1> to vector<16xi32>
      %mul3A_506 = arith.constant 499712 : i32
      %mul3A_507 = vector.broadcast %mul3A_506 : i32 to vector<16xi32>
      %mul3A_508 = arith.muli %convert_element_type3A_505, %mul3A_507 : vector<16xi32>
      %sub3A_509 = arith.subi %get3A_501, %mul3A_508 : vector<16xi32>
      %min3A_510 = arith.constant 499711 : i32
      %min3A_511 = vector.broadcast %min3A_510 : i32 to vector<16xi32>
      %min3A_512 = arith.minsi %sub3A_509, %min3A_511 : vector<16xi32>
      %swap3A_513 = arith.index_cast %scan3A_58 : i32 to index
      %swap3A_514 = arith.constant 96 : index
      %swap3A_515 = tpu.vector_load %arg8[%swap3A_513, %swap3A_514] {strides = array<i32>} : memref<40x128xi32, #tpu.memory_space<vmem>>, vector<16xi32>,
      tpu.vector_store %arg8[%swap3A_513, %swap3A_514], %min3A_512 {strides = array<i32>} : memref<40x128xi32, #tpu.memory_space<vmem>>, vector<16xi32>,
      %swap3A_516 = arith.index_cast %scan3A_58 : i32 to index
      %swap3A_517 = arith.constant 96 : index
      %swap3A_518 = tpu.vector_load %arg9[%swap3A_516, %swap3A_517] {strides = array<i32>} : memref<40x128xi32, #tpu.memory_space<vmem>>, vector<16xi32>,
      tpu.vector_store %arg9[%swap3A_516, %swap3A_517], %sub3A_509 {strides = array<i32>} : memref<40x128xi32, #tpu.memory_space<vmem>>, vector<16xi32>,
      %swap3A_519 = arith.index_cast %scan3A_58 : i32 to index
      %swap3A_520 = arith.constant 96 : index
      %swap3A_521 = tpu.vector_load %arg10[%swap3A_519, %swap3A_520] {strides = array<i32>} : memref<40x128xi32, #tpu.memory_space<vmem>>, vector<16xi32>,
      tpu.vector_store %arg10[%swap3A_519, %swap3A_520], %convert_element_type3A_505 {strides = array<i32>} : memref<40x128xi32, #tpu.memory_space<vmem>>, vector<16xi32>,
      %mul3A_522 = arith.constant 128 : i32
      %mul3A_523 = arith.muli %scan3A_58, %mul3A_522 : i32
      %add3A_524 = arith.constant 112 : i32
      %add3A_525 = arith.addi %mul3A_523, %add3A_524 : i32
      %add3A_526 = vector.broadcast %add3A_525 : i32 to vector<16xi32>
      %add3A_527 = arith.addi %add3A_526, %iota3A : vector<16xi32>
      %jit3A_528 = arith.constant 5 : i32
      %div3A_529 = vector.broadcast %jit3A_528 : i32 to vector<16xi32>
      %div3A_530 = arith.divsi %add3A_527, %div3A_529 : vector<16xi32>
      %sign3A_531 = arith.constant 0 : i32
      %sign3A_532 = vector.broadcast %sign3A_531 : i32 to vector<16xi32>
      %sign3A_533 = arith.cmpi sgt, %add3A_527, %sign3A_532 : vector<16xi32>
      %sign3A_534 = arith.extui %sign3A_533 : vector<16xi1> to vector<16xi32>
      %sign3A_535 = arith.constant 0 : i32
      %sign3A_536 = vector.broadcast %sign3A_535 : i32 to vector<16xi32>
      %sign3A_537 = arith.cmpi slt, %add3A_527, %sign3A_536 : vector<16xi32>
      %sign3A_538 = arith.extui %sign3A_537 : vector<16xi1> to vector<16xi32>
      %sign3A_539 = arith.subi %sign3A_534, %sign3A_538 : vector<16xi32>
      %sign3A_540 = arith.constant 0 : i32
      %sign3A_541 = arith.cmpi sgt, %jit3A_528, %sign3A_540 : i32
      %sign3A_542 = arith.extui %sign3A_541 : i1 to i32
      %sign3A_543 = arith.constant 0 : i32
      %sign3A_544 = arith.cmpi slt, %jit3A_528, %sign3A_543 : i32
      %sign3A_545 = arith.extui %sign3A_544 : i1 to i32
      %sign3A_546 = arith.subi %sign3A_542, %sign3A_545 : i32
      %ne3A_547 = vector.broadcast %sign3A_546 : i32 to vector<16xi32>
      %ne3A_548 = arith.cmpi ne, %sign3A_539, %ne3A_547 : vector<16xi32>
      %rem3A_549 = vector.broadcast %jit3A_528 : i32 to vector<16xi32>
      %rem3A_550 = arith.remsi %add3A_527, %rem3A_549 : vector<16xi32>
      %ne3A_551 = arith.constant 0 : i32
      %ne3A_552 = vector.broadcast %ne3A_551 : i32 to vector<16xi32>
      %ne3A_553 = arith.cmpi ne, %rem3A_550, %ne3A_552 : vector<16xi32>
      %and3A_554 = arith.andi %ne3A_548, %ne3A_553 : vector<16xi1>
      %sub3A_555 = arith.constant 1 : i32
      %sub3A_556 = vector.broadcast %sub3A_555 : i32 to vector<16xi32>
      %sub3A_557 = arith.subi %div3A_530, %sub3A_556 : vector<16xi32>
      %select_n3A_558 = arith.select %and3A_554, %sub3A_557, %div3A_530 : vector<16xi1>, vector<16xi32>
      %swap3A_559 = arith.index_cast %scan3A_58 : i32 to index
      %swap3A_560 = arith.constant 112 : index
      %swap3A_561 = tpu.vector_load %arg11[%swap3A_559, %swap3A_560] {strides = array<i32>} : memref<40x128xi32, #tpu.memory_space<vmem>>, vector<16xi32>,
      tpu.vector_store %arg11[%swap3A_559, %swap3A_560], %select_n3A_558 {strides = array<i32>} : memref<40x128xi32, #tpu.memory_space<vmem>>, vector<16xi32>,
      %broadcast_in_dim3A_562 = arith.constant 0.000000e+00 : f32
      %broadcast_in_dim3A_563 = vector.broadcast %broadcast_in_dim3A_562 : f32 to vector<16xf32>
      %swap3A_564 = arith.index_cast %scan3A_58 : i32 to index
      %swap3A_565 = arith.constant 112 : index
      %swap3A_566 = tpu.vector_load %arg14[%swap3A_564, %swap3A_565] {strides = array<i32>} : memref<40x128xf32, #tpu.memory_space<vmem>>, vector<16xf32>,
      tpu.vector_store %arg14[%swap3A_564, %swap3A_565], %broadcast_in_dim3A_563 {strides = array<i32>} : memref<40x128xf32, #tpu.memory_space<vmem>>, vector<16xf32>,
      %get3A_567 = arith.index_cast %scan3A_58 : i32 to index
      %get3A_568 = arith.constant 112 : index
      %get3A_569 = tpu.vector_load %arg7[%get3A_567, %get3A_568] {strides = array<i32>} : memref<40x128xi32, #tpu.memory_space<vmem>>, vector<16xi32>,
      %ge3A_570 = arith.constant 499712 : i32
      %ge3A_571 = vector.broadcast %ge3A_570 : i32 to vector<16xi32>
      %ge3A_572 = arith.cmpi sge, %get3A_569, %ge3A_571 : vector<16xi32>
      %convert_element_type3A_573 = arith.extui %ge3A_572 : vector<16xi1> to vector<16xi32>
      %mul3A_574 = arith.constant 499712 : i32
      %mul3A_575 = vector.broadcast %mul3A_574 : i32 to vector<16xi32>
      %mul3A_576 = arith.muli %convert_element_type3A_573, %mul3A_575 : vector<16xi32>
      %sub3A_577 = arith.subi %get3A_569, %mul3A_576 : vector<16xi32>
      %min3A_578 = arith.constant 499711 : i32
      %min3A_579 = vector.broadcast %min3A_578 : i32 to vector<16xi32>
      %min3A_580 = arith.minsi %sub3A_577, %min3A_579 : vector<16xi32>
      %swap3A_581 = arith.index_cast %scan3A_58 : i32 to index
      %swap3A_582 = arith.constant 112 : index
      %swap3A_583 = tpu.vector_load %arg8[%swap3A_581, %swap3A_582] {strides = array<i32>} : memref<40x128xi32, #tpu.memory_space<vmem>>, vector<16xi32>,
      tpu.vector_store %arg8[%swap3A_581, %swap3A_582], %min3A_580 {strides = array<i32>} : memref<40x128xi32, #tpu.memory_space<vmem>>, vector<16xi32>,
      %swap3A_584 = arith.index_cast %scan3A_58 : i32 to index
      %swap3A_585 = arith.constant 112 : index
      %swap3A_586 = tpu.vector_load %arg9[%swap3A_584, %swap3A_585] {strides = array<i32>} : memref<40x128xi32, #tpu.memory_space<vmem>>, vector<16xi32>,
      tpu.vector_store %arg9[%swap3A_584, %swap3A_585], %sub3A_577 {strides = array<i32>} : memref<40x128xi32, #tpu.memory_space<vmem>>, vector<16xi32>,
      %swap3A_587 = arith.index_cast %scan3A_58 : i32 to index
      %swap3A_588 = arith.constant 112 : index
      %swap3A_589 = tpu.vector_load %arg10[%swap3A_587, %swap3A_588] {strides = array<i32>} : memref<40x128xi32, #tpu.memory_space<vmem>>, vector<16xi32>,
      tpu.vector_store %arg10[%swap3A_587, %swap3A_588], %convert_element_type3A_573 {strides = array<i32>} : memref<40x128xi32, #tpu.memory_space<vmem>>, vector<16xi32>,
      %scan3A_590 = arith.constant 0 : i32
      scf.yield %scan3A_590 : i32
    }
    %scan3A_8 = arith.constant 40 : i32
    %eq3A = arith.constant 0 : i32
    %eq3A_9 = arith.cmpi eq, %arg1, %eq3A : i32
    %convert_element_type3A = arith.extui %eq3A_9 : i1 to i32
    %cond3A = arith.constant 0 : i32
    %cond3A_10 = arith.cmpi ne, %convert_element_type3A, %cond3A : i32
    scf.if %cond3A_10 {
      %dma_start3A = arith.constant 0 : i32
      %dma_start3A_58 = tpu.memref_slice %arg17[%dma_start3A] : memref<499712xf32, #tpu.memory_space<vmem_shared>> -> memref<124928xf32, #tpu.memory_space<vmem_shared>>
      %dma_start3A_59 = arith.constant 0 : i32
      %dma_start3A_60 = tpu.memref_slice %arg4[%mul3A_0, %dma_start3A_59] : memref<64x1000000xf32, #tpu.memory_space<hbm>> -> memref<1x1000000xf32, #tpu.memory_space<hbm>>
      %dma_start3A_61 = tpu.memref_squeeze %dma_start3A_60 : memref<1x1000000xf32, #tpu.memory_space<hbm>> -> memref<1000000xf32, #tpu.memory_space<hbm>>
      %dma_start3A_62 = arith.constant 0 : i32
      %dma_start3A_63 = tpu.memref_slice %dma_start3A_61[%dma_start3A_62] : memref<1000000xf32, #tpu.memory_space<hbm>> -> memref<124928xf32, #tpu.memory_space<hbm>>
      tpu.enqueue_dma source(%dma_start3A_63 : memref<124928xf32, #tpu.memory_space<hbm>>) target(%dma_start3A_58 : memref<124928xf32, #tpu.memory_space<vmem_shared>>) target_semaphore(%arg19 : memref<!tpu.dma_semaphore, #tpu.memory_space<semaphore_mem>>)
    } else {
    }
    %eq3A_11 = arith.constant 1 : i32
    %eq3A_12 = arith.cmpi eq, %arg1, %eq3A_11 : i32
    %convert_element_type3A_13 = arith.extui %eq3A_12 : i1 to i32
    %cond3A_14 = arith.constant 0 : i32
    %cond3A_15 = arith.cmpi ne, %convert_element_type3A_13, %cond3A_14 : i32
    scf.if %cond3A_15 {
      %dma_start3A = arith.constant 124928 : i32
      %dma_start3A_58 = tpu.memref_slice %arg17[%dma_start3A] : memref<499712xf32, #tpu.memory_space<vmem_shared>> -> memref<124928xf32, #tpu.memory_space<vmem_shared>>
      %dma_start3A_59 = arith.constant 0 : i32
      %dma_start3A_60 = tpu.memref_slice %arg4[%mul3A_0, %dma_start3A_59] : memref<64x1000000xf32, #tpu.memory_space<hbm>> -> memref<1x1000000xf32, #tpu.memory_space<hbm>>
      %dma_start3A_61 = tpu.memref_squeeze %dma_start3A_60 : memref<1x1000000xf32, #tpu.memory_space<hbm>> -> memref<1000000xf32, #tpu.memory_space<hbm>>
      %dma_start3A_62 = arith.constant 124928 : i32
      %dma_start3A_63 = tpu.memref_slice %dma_start3A_61[%dma_start3A_62] : memref<1000000xf32, #tpu.memory_space<hbm>> -> memref<124928xf32, #tpu.memory_space<hbm>>
      tpu.enqueue_dma source(%dma_start3A_63 : memref<124928xf32, #tpu.memory_space<hbm>>) target(%dma_start3A_58 : memref<124928xf32, #tpu.memory_space<vmem_shared>>) target_semaphore(%arg19 : memref<!tpu.dma_semaphore, #tpu.memory_space<semaphore_mem>>)
    } else {
    }
    %eq3A_16 = arith.constant 2 : i32
    %eq3A_17 = arith.cmpi eq, %arg1, %eq3A_16 : i32
    %convert_element_type3A_18 = arith.extui %eq3A_17 : i1 to i32
    %cond3A_19 = arith.constant 0 : i32
    %cond3A_20 = arith.cmpi ne, %convert_element_type3A_18, %cond3A_19 : i32
    scf.if %cond3A_20 {
      %dma_start3A = arith.constant 249856 : i32
      %dma_start3A_58 = tpu.memref_slice %arg17[%dma_start3A] : memref<499712xf32, #tpu.memory_space<vmem_shared>> -> memref<124928xf32, #tpu.memory_space<vmem_shared>>
      %dma_start3A_59 = arith.constant 0 : i32
      %dma_start3A_60 = tpu.memref_slice %arg4[%mul3A_0, %dma_start3A_59] : memref<64x1000000xf32, #tpu.memory_space<hbm>> -> memref<1x1000000xf32, #tpu.memory_space<hbm>>
      %dma_start3A_61 = tpu.memref_squeeze %dma_start3A_60 : memref<1x1000000xf32, #tpu.memory_space<hbm>> -> memref<1000000xf32, #tpu.memory_space<hbm>>
      %dma_start3A_62 = arith.constant 249856 : i32
      %dma_start3A_63 = tpu.memref_slice %dma_start3A_61[%dma_start3A_62] : memref<1000000xf32, #tpu.memory_space<hbm>> -> memref<124928xf32, #tpu.memory_space<hbm>>
      tpu.enqueue_dma source(%dma_start3A_63 : memref<124928xf32, #tpu.memory_space<hbm>>) target(%dma_start3A_58 : memref<124928xf32, #tpu.memory_space<vmem_shared>>) target_semaphore(%arg19 : memref<!tpu.dma_semaphore, #tpu.memory_space<semaphore_mem>>)
    } else {
    }
    %eq3A_21 = arith.constant 3 : i32
    %eq3A_22 = arith.cmpi eq, %arg1, %eq3A_21 : i32
    %convert_element_type3A_23 = arith.extui %eq3A_22 : i1 to i32
    %cond3A_24 = arith.constant 0 : i32
    %cond3A_25 = arith.cmpi ne, %convert_element_type3A_23, %cond3A_24 : i32
    scf.if %cond3A_25 {
      %dma_start3A = arith.constant 374784 : i32
      %dma_start3A_58 = tpu.memref_slice %arg17[%dma_start3A] : memref<499712xf32, #tpu.memory_space<vmem_shared>> -> memref<124928xf32, #tpu.memory_space<vmem_shared>>
      %dma_start3A_59 = arith.constant 0 : i32
      %dma_start3A_60 = tpu.memref_slice %arg4[%mul3A_0, %dma_start3A_59] : memref<64x1000000xf32, #tpu.memory_space<hbm>> -> memref<1x1000000xf32, #tpu.memory_space<hbm>>
      %dma_start3A_61 = tpu.memref_squeeze %dma_start3A_60 : memref<1x1000000xf32, #tpu.memory_space<hbm>> -> memref<1000000xf32, #tpu.memory_space<hbm>>
      %dma_start3A_62 = arith.constant 374784 : i32
      %dma_start3A_63 = tpu.memref_slice %dma_start3A_61[%dma_start3A_62] : memref<1000000xf32, #tpu.memory_space<hbm>> -> memref<124928xf32, #tpu.memory_space<hbm>>
      tpu.enqueue_dma source(%dma_start3A_63 : memref<124928xf32, #tpu.memory_space<hbm>>) target(%dma_start3A_58 : memref<124928xf32, #tpu.memory_space<vmem_shared>>) target_semaphore(%arg19 : memref<!tpu.dma_semaphore, #tpu.memory_space<semaphore_mem>>)
    } else {
    }
    %eq3A_26 = arith.constant 4 : i32
    %eq3A_27 = arith.cmpi eq, %arg1, %eq3A_26 : i32
    %convert_element_type3A_28 = arith.extui %eq3A_27 : i1 to i32
    %cond3A_29 = arith.constant 0 : i32
    %cond3A_30 = arith.cmpi ne, %convert_element_type3A_28, %cond3A_29 : i32
    scf.if %cond3A_30 {
      %dma_start3A = arith.constant 0 : i32
      %dma_start3A_58 = tpu.memref_slice %arg18[%dma_start3A] : memref<500288xf32, #tpu.memory_space<vmem_shared>> -> memref<124928xf32, #tpu.memory_space<vmem_shared>>
      %dma_start3A_59 = arith.constant 0 : i32
      %dma_start3A_60 = tpu.memref_slice %arg4[%mul3A_0, %dma_start3A_59] : memref<64x1000000xf32, #tpu.memory_space<hbm>> -> memref<1x1000000xf32, #tpu.memory_space<hbm>>
      %dma_start3A_61 = tpu.memref_squeeze %dma_start3A_60 : memref<1x1000000xf32, #tpu.memory_space<hbm>> -> memref<1000000xf32, #tpu.memory_space<hbm>>
      %dma_start3A_62 = arith.constant 499712 : i32
      %dma_start3A_63 = tpu.memref_slice %dma_start3A_61[%dma_start3A_62] : memref<1000000xf32, #tpu.memory_space<hbm>> -> memref<124928xf32, #tpu.memory_space<hbm>>
      tpu.enqueue_dma source(%dma_start3A_63 : memref<124928xf32, #tpu.memory_space<hbm>>) target(%dma_start3A_58 : memref<124928xf32, #tpu.memory_space<vmem_shared>>) target_semaphore(%arg19 : memref<!tpu.dma_semaphore, #tpu.memory_space<semaphore_mem>>)
    } else {
    }
    %eq3A_31 = arith.constant 5 : i32
    %eq3A_32 = arith.cmpi eq, %arg1, %eq3A_31 : i32
    %convert_element_type3A_33 = arith.extui %eq3A_32 : i1 to i32
    %cond3A_34 = arith.constant 0 : i32
    %cond3A_35 = arith.cmpi ne, %convert_element_type3A_33, %cond3A_34 : i32
    scf.if %cond3A_35 {
      %dma_start3A = arith.constant 124928 : i32
      %dma_start3A_58 = tpu.memref_slice %arg18[%dma_start3A] : memref<500288xf32, #tpu.memory_space<vmem_shared>> -> memref<124928xf32, #tpu.memory_space<vmem_shared>>
      %dma_start3A_59 = arith.constant 0 : i32
      %dma_start3A_60 = tpu.memref_slice %arg4[%mul3A_0, %dma_start3A_59] : memref<64x1000000xf32, #tpu.memory_space<hbm>> -> memref<1x1000000xf32, #tpu.memory_space<hbm>>
      %dma_start3A_61 = tpu.memref_squeeze %dma_start3A_60 : memref<1x1000000xf32, #tpu.memory_space<hbm>> -> memref<1000000xf32, #tpu.memory_space<hbm>>
      %dma_start3A_62 = arith.constant 624640 : i32
      %dma_start3A_63 = tpu.memref_slice %dma_start3A_61[%dma_start3A_62] : memref<1000000xf32, #tpu.memory_space<hbm>> -> memref<124928xf32, #tpu.memory_space<hbm>>
      tpu.enqueue_dma source(%dma_start3A_63 : memref<124928xf32, #tpu.memory_space<hbm>>) target(%dma_start3A_58 : memref<124928xf32, #tpu.memory_space<vmem_shared>>) target_semaphore(%arg19 : memref<!tpu.dma_semaphore, #tpu.memory_space<semaphore_mem>>)
    } else {
    }
    %eq3A_36 = arith.constant 6 : i32
    %eq3A_37 = arith.cmpi eq, %arg1, %eq3A_36 : i32
    %convert_element_type3A_38 = arith.extui %eq3A_37 : i1 to i32
    %cond3A_39 = arith.constant 0 : i32
    %cond3A_40 = arith.cmpi ne, %convert_element_type3A_38, %cond3A_39 : i32
    scf.if %cond3A_40 {
      %dma_start3A = arith.constant 249856 : i32
      %dma_start3A_58 = tpu.memref_slice %arg18[%dma_start3A] : memref<500288xf32, #tpu.memory_space<vmem_shared>> -> memref<124928xf32, #tpu.memory_space<vmem_shared>>
      %dma_start3A_59 = arith.constant 0 : i32
      %dma_start3A_60 = tpu.memref_slice %arg4[%mul3A_0, %dma_start3A_59] : memref<64x1000000xf32, #tpu.memory_space<hbm>> -> memref<1x1000000xf32, #tpu.memory_space<hbm>>
      %dma_start3A_61 = tpu.memref_squeeze %dma_start3A_60 : memref<1x1000000xf32, #tpu.memory_space<hbm>> -> memref<1000000xf32, #tpu.memory_space<hbm>>
      %dma_start3A_62 = arith.constant 749568 : i32
      %dma_start3A_63 = tpu.memref_slice %dma_start3A_61[%dma_start3A_62] : memref<1000000xf32, #tpu.memory_space<hbm>> -> memref<124928xf32, #tpu.memory_space<hbm>>
      tpu.enqueue_dma source(%dma_start3A_63 : memref<124928xf32, #tpu.memory_space<hbm>>) target(%dma_start3A_58 : memref<124928xf32, #tpu.memory_space<vmem_shared>>) target_semaphore(%arg19 : memref<!tpu.dma_semaphore, #tpu.memory_space<semaphore_mem>>)
    } else {
    }
    %eq3A_41 = arith.constant 7 : i32
    %eq3A_42 = arith.cmpi eq, %arg1, %eq3A_41 : i32
    %convert_element_type3A_43 = arith.extui %eq3A_42 : i1 to i32
    %cond3A_44 = arith.constant 0 : i32
    %cond3A_45 = arith.cmpi ne, %convert_element_type3A_43, %cond3A_44 : i32
    scf.if %cond3A_45 {
      %dma_start3A = arith.constant 374784 : i32
      %dma_start3A_58 = tpu.memref_slice %arg18[%dma_start3A] : memref<500288xf32, #tpu.memory_space<vmem_shared>> -> memref<124928xf32, #tpu.memory_space<vmem_shared>>
      %dma_start3A_59 = arith.constant 0 : i32
      %dma_start3A_60 = tpu.memref_slice %arg4[%mul3A_0, %dma_start3A_59] : memref<64x1000000xf32, #tpu.memory_space<hbm>> -> memref<1x1000000xf32, #tpu.memory_space<hbm>>
      %dma_start3A_61 = tpu.memref_squeeze %dma_start3A_60 : memref<1x1000000xf32, #tpu.memory_space<hbm>> -> memref<1000000xf32, #tpu.memory_space<hbm>>
      %dma_start3A_62 = arith.constant 874496 : i32
      %dma_start3A_63 = tpu.memref_slice %dma_start3A_61[%dma_start3A_62] : memref<1000000xf32, #tpu.memory_space<hbm>> -> memref<124928xf32, #tpu.memory_space<hbm>>
      tpu.enqueue_dma source(%dma_start3A_63 : memref<124928xf32, #tpu.memory_space<hbm>>) target(%dma_start3A_58 : memref<124928xf32, #tpu.memory_space<vmem_shared>>) target_semaphore(%arg19 : memref<!tpu.dma_semaphore, #tpu.memory_space<semaphore_mem>>)
    } else {
    }
    %eq3A_46 = arith.constant 8 : i32
    %eq3A_47 = arith.cmpi eq, %arg1, %eq3A_46 : i32
    %convert_element_type3A_48 = arith.extui %eq3A_47 : i1 to i32
    %cond3A_49 = arith.constant 0 : i32
    %cond3A_50 = arith.cmpi ne, %convert_element_type3A_48, %cond3A_49 : i32
    scf.if %cond3A_50 {
      %dma_start3A = arith.constant 0 : i32
      %dma_start3A_58 = tpu.memref_slice %arg5[%mul3A_0, %dma_start3A] : memref<64x640xf32, #tpu.memory_space<hbm>> -> memref<1x640xf32, #tpu.memory_space<hbm>>
      %dma_start3A_59 = tpu.memref_squeeze %dma_start3A_58 : memref<1x640xf32, #tpu.memory_space<hbm>> -> memref<640xf32, #tpu.memory_space<hbm>>
      %dma_start3A_60 = arith.constant 0 : i32
      %dma_start3A_61 = tpu.memref_slice %arg5[%mul3A_0, %dma_start3A_60] : memref<64x640xf32, #tpu.memory_space<hbm>> -> memref<1x640xf32, #tpu.memory_space<hbm>>
      %dma_start3A_62 = tpu.memref_squeeze %dma_start3A_61 : memref<1x640xf32, #tpu.memory_space<hbm>> -> memref<640xf32, #tpu.memory_space<hbm>>
      tpu.enqueue_dma source(%dma_start3A_62 : memref<640xf32, #tpu.memory_space<hbm>>) target(%arg16 : memref<640xf32, #tpu.memory_space<vmem>>) target_semaphore(%arg22 : memref<!tpu.dma_semaphore, #tpu.memory_space<semaphore_mem>>)
    } else {
    }
    %scan3A_51 = arith.constant 0 : i32
    %scan3A_52 = arith.constant 0 : i32
    %scan3A_53 = arith.constant 32 : i32
    %scan3A_54 = arith.addi %scan3A_52, %scan3A_53 : i32
    %scan3A_55 = arith.constant 1 : i32
    %scan3A_56 = scf.for %scan3A_58 = %scan3A_52 to %scan3A_54 step %scan3A_55 iter_args(%scan3A_59 = %scan3A_51) -> (i32)  : i32 {
      %add3A = arith.addi %mul3A_0, %scan3A_58 : i32
      %dma_start3A = tpu.memref_slice %arg2[%add3A, %mul3A_2] : memref<64x16384xf32, #tpu.memory_space<hbm>> -> memref<1x1024xf32, #tpu.memory_space<hbm>>
      %dma_start3A_60 = tpu.memref_squeeze %dma_start3A : memref<1x1024xf32, #tpu.memory_space<hbm>> -> memref<1024xf32, #tpu.memory_space<hbm>>
      %dma_start3A_61 = tpu.memref_slice %arg2[%add3A, %mul3A_2] : memref<64x16384xf32, #tpu.memory_space<hbm>> -> memref<1x1024xf32, #tpu.memory_space<hbm>>
      %dma_start3A_62 = tpu.memref_squeeze %dma_start3A_61 : memref<1x1024xf32, #tpu.memory_space<hbm>> -> memref<1024xf32, #tpu.memory_space<hbm>>
      tpu.enqueue_dma source(%dma_start3A_62 : memref<1024xf32, #tpu.memory_space<hbm>>) target(%arg15 : memref<1024xf32, #tpu.memory_space<vmem>>) target_semaphore(%arg21 : memref<!tpu.dma_semaphore, #tpu.memory_space<semaphore_mem>>)
      %eq3A_63 = arith.constant 0 : i32
      %eq3A_64 = arith.cmpi eq, %arg1, %eq3A_63 : i32
      %convert_element_type3A_65 = arith.extui %eq3A_64 : i1 to i32
      %cond3A_66 = arith.constant 0 : i32
      %cond3A_67 = arith.cmpi ne, %convert_element_type3A_65, %cond3A_66 : i32
      scf.if %cond3A_67 {
        %dma_wait3A_1731 = arith.constant 0 : i32
        %dma_wait3A_1732 = tpu.memref_slice %arg17[%dma_wait3A_1731] : memref<499712xf32, #tpu.memory_space<vmem_shared>> -> memref<124928xf32, #tpu.memory_space<vmem_shared>>
        %dma_wait3A_1733 = arith.constant 0 : i32
        %dma_wait3A_1734 = tpu.memref_slice %arg4[%mul3A_0, %dma_wait3A_1733] : memref<64x1000000xf32, #tpu.memory_space<hbm>> -> memref<1x1000000xf32, #tpu.memory_space<hbm>>
        %dma_wait3A_1735 = tpu.memref_squeeze %dma_wait3A_1734 : memref<1x1000000xf32, #tpu.memory_space<hbm>> -> memref<1000000xf32, #tpu.memory_space<hbm>>
        %dma_wait3A_1736 = arith.constant 0 : i32
        %dma_wait3A_1737 = tpu.memref_slice %dma_wait3A_1735[%dma_wait3A_1736] : memref<1000000xf32, #tpu.memory_space<hbm>> -> memref<124928xf32, #tpu.memory_space<hbm>>
        tpu.wait_dma2 semaphore(%arg19 : memref<!tpu.dma_semaphore, #tpu.memory_space<semaphore_mem>>) src(%dma_wait3A_1737 : memref<124928xf32, #tpu.memory_space<hbm>>) dst(%dma_wait3A_1732 : memref<124928xf32, #tpu.memory_space<vmem_shared>>)
      } else {
      }
      %eq3A_68 = arith.constant 1 : i32
      %eq3A_69 = arith.cmpi eq, %arg1, %eq3A_68 : i32
      %convert_element_type3A_70 = arith.extui %eq3A_69 : i1 to i32
      %cond3A_71 = arith.constant 0 : i32
      %cond3A_72 = arith.cmpi ne, %convert_element_type3A_70, %cond3A_71 : i32
      scf.if %cond3A_72 {
        %dma_wait3A_1731 = arith.constant 124928 : i32
        %dma_wait3A_1732 = tpu.memref_slice %arg17[%dma_wait3A_1731] : memref<499712xf32, #tpu.memory_space<vmem_shared>> -> memref<124928xf32, #tpu.memory_space<vmem_shared>>
        %dma_wait3A_1733 = arith.constant 0 : i32
        %dma_wait3A_1734 = tpu.memref_slice %arg4[%mul3A_0, %dma_wait3A_1733] : memref<64x1000000xf32, #tpu.memory_space<hbm>> -> memref<1x1000000xf32, #tpu.memory_space<hbm>>
        %dma_wait3A_1735 = tpu.memref_squeeze %dma_wait3A_1734 : memref<1x1000000xf32, #tpu.memory_space<hbm>> -> memref<1000000xf32, #tpu.memory_space<hbm>>
        %dma_wait3A_1736 = arith.constant 124928 : i32
        %dma_wait3A_1737 = tpu.memref_slice %dma_wait3A_1735[%dma_wait3A_1736] : memref<1000000xf32, #tpu.memory_space<hbm>> -> memref<124928xf32, #tpu.memory_space<hbm>>
        tpu.wait_dma2 semaphore(%arg19 : memref<!tpu.dma_semaphore, #tpu.memory_space<semaphore_mem>>) src(%dma_wait3A_1737 : memref<124928xf32, #tpu.memory_space<hbm>>) dst(%dma_wait3A_1732 : memref<124928xf32, #tpu.memory_space<vmem_shared>>)
      } else {
      }
      %eq3A_73 = arith.constant 2 : i32
      %eq3A_74 = arith.cmpi eq, %arg1, %eq3A_73 : i32
      %convert_element_type3A_75 = arith.extui %eq3A_74 : i1 to i32
      %cond3A_76 = arith.constant 0 : i32
      %cond3A_77 = arith.cmpi ne, %convert_element_type3A_75, %cond3A_76 : i32
      scf.if %cond3A_77 {
        %dma_wait3A_1731 = arith.constant 249856 : i32
        %dma_wait3A_1732 = tpu.memref_slice %arg17[%dma_wait3A_1731] : memref<499712xf32, #tpu.memory_space<vmem_shared>> -> memref<124928xf32, #tpu.memory_space<vmem_shared>>
        %dma_wait3A_1733 = arith.constant 0 : i32
        %dma_wait3A_1734 = tpu.memref_slice %arg4[%mul3A_0, %dma_wait3A_1733] : memref<64x1000000xf32, #tpu.memory_space<hbm>> -> memref<1x1000000xf32, #tpu.memory_space<hbm>>
        %dma_wait3A_1735 = tpu.memref_squeeze %dma_wait3A_1734 : memref<1x1000000xf32, #tpu.memory_space<hbm>> -> memref<1000000xf32, #tpu.memory_space<hbm>>
        %dma_wait3A_1736 = arith.constant 249856 : i32
        %dma_wait3A_1737 = tpu.memref_slice %dma_wait3A_1735[%dma_wait3A_1736] : memref<1000000xf32, #tpu.memory_space<hbm>> -> memref<124928xf32, #tpu.memory_space<hbm>>
        tpu.wait_dma2 semaphore(%arg19 : memref<!tpu.dma_semaphore, #tpu.memory_space<semaphore_mem>>) src(%dma_wait3A_1737 : memref<124928xf32, #tpu.memory_space<hbm>>) dst(%dma_wait3A_1732 : memref<124928xf32, #tpu.memory_space<vmem_shared>>)
      } else {
      }
      %eq3A_78 = arith.constant 3 : i32
      %eq3A_79 = arith.cmpi eq, %arg1, %eq3A_78 : i32
      %convert_element_type3A_80 = arith.extui %eq3A_79 : i1 to i32
      %cond3A_81 = arith.constant 0 : i32
      %cond3A_82 = arith.cmpi ne, %convert_element_type3A_80, %cond3A_81 : i32
      scf.if %cond3A_82 {
        %dma_wait3A_1731 = arith.constant 374784 : i32
        %dma_wait3A_1732 = tpu.memref_slice %arg17[%dma_wait3A_1731] : memref<499712xf32, #tpu.memory_space<vmem_shared>> -> memref<124928xf32, #tpu.memory_space<vmem_shared>>
        %dma_wait3A_1733 = arith.constant 0 : i32
        %dma_wait3A_1734 = tpu.memref_slice %arg4[%mul3A_0, %dma_wait3A_1733] : memref<64x1000000xf32, #tpu.memory_space<hbm>> -> memref<1x1000000xf32, #tpu.memory_space<hbm>>
        %dma_wait3A_1735 = tpu.memref_squeeze %dma_wait3A_1734 : memref<1x1000000xf32, #tpu.memory_space<hbm>> -> memref<1000000xf32, #tpu.memory_space<hbm>>
        %dma_wait3A_1736 = arith.constant 374784 : i32
        %dma_wait3A_1737 = tpu.memref_slice %dma_wait3A_1735[%dma_wait3A_1736] : memref<1000000xf32, #tpu.memory_space<hbm>> -> memref<124928xf32, #tpu.memory_space<hbm>>
        tpu.wait_dma2 semaphore(%arg19 : memref<!tpu.dma_semaphore, #tpu.memory_space<semaphore_mem>>) src(%dma_wait3A_1737 : memref<124928xf32, #tpu.memory_space<hbm>>) dst(%dma_wait3A_1732 : memref<124928xf32, #tpu.memory_space<vmem_shared>>)
      } else {
      }
      %barrier3A = arith.constant 0 : index
      tpu.barrier barrier_id(%barrier3A)
      %dma_start3A_83 = arith.constant 0 : i32
      %dma_start3A_84 = arith.constant 0 : i32
      %dma_start3A_85 = arith.constant 0 : i32
      %dma_start3A_86 = tpu.memref_slice %arg12[%dma_start3A_84, %dma_start3A_85] : memref<40x128xf32, #tpu.memory_space<vmem>> -> memref<1x128xf32, #tpu.memory_space<vmem>>
      %dma_start3A_87 = tpu.memref_squeeze %dma_start3A_86 : memref<1x128xf32, #tpu.memory_space<vmem>> -> memref<128xf32, #tpu.memory_space<vmem>>
      %dma_start3A_88 = arith.constant 0 : i32
      %dma_start3A_89 = tpu.memref_slice %arg8[%dma_start3A_83, %dma_start3A_88] : memref<40x128xi32, #tpu.memory_space<vmem>> -> memref<1x128xi32, #tpu.memory_space<vmem>>
      %dma_start3A_90 = tpu.memref_squeeze %dma_start3A_89 : memref<1x128xi32, #tpu.memory_space<vmem>> -> memref<128xi32, #tpu.memory_space<vmem>>
      %dma_start3A_91 = arith.constant 0 : i32
      %dma_start3A_92 = tpu.memref_slice %arg17[%dma_start3A_91] : memref<499712xf32, #tpu.memory_space<vmem_shared>> -> memref<499712xf32, #tpu.memory_space<vmem_shared>>
      tpu.enqueue_indirect_dma source(%dma_start3A_92 : memref<499712xf32, #tpu.memory_space<vmem_shared>>) target(%dma_start3A_87 : memref<128xf32, #tpu.memory_space<vmem>>) offsets(%dma_start3A_90 : memref<128xi32, #tpu.memory_space<vmem>>) semaphore(%arg20 : memref<!tpu.dma_semaphore, #tpu.memory_space<semaphore_mem>>)
      %dma_start3A_93 = arith.constant 1 : i32
      %dma_start3A_94 = arith.constant 1 : i32
      %dma_start3A_95 = arith.constant 0 : i32
      %dma_start3A_96 = tpu.memref_slice %arg12[%dma_start3A_94, %dma_start3A_95] : memref<40x128xf32, #tpu.memory_space<vmem>> -> memref<1x128xf32, #tpu.memory_space<vmem>>
      %dma_start3A_97 = tpu.memref_squeeze %dma_start3A_96 : memref<1x128xf32, #tpu.memory_space<vmem>> -> memref<128xf32, #tpu.memory_space<vmem>>
      %dma_start3A_98 = arith.constant 0 : i32
      %dma_start3A_99 = tpu.memref_slice %arg8[%dma_start3A_93, %dma_start3A_98] : memref<40x128xi32, #tpu.memory_space<vmem>> -> memref<1x128xi32, #tpu.memory_space<vmem>>
      %dma_start3A_100 = tpu.memref_squeeze %dma_start3A_99 : memref<1x128xi32, #tpu.memory_space<vmem>> -> memref<128xi32, #tpu.memory_space<vmem>>
      %dma_start3A_101 = arith.constant 0 : i32
      %dma_start3A_102 = tpu.memref_slice %arg17[%dma_start3A_101] : memref<499712xf32, #tpu.memory_space<vmem_shared>> -> memref<499712xf32, #tpu.memory_space<vmem_shared>>
      tpu.enqueue_indirect_dma source(%dma_start3A_102 : memref<499712xf32, #tpu.memory_space<vmem_shared>>) target(%dma_start3A_97 : memref<128xf32, #tpu.memory_space<vmem>>) offsets(%dma_start3A_100 : memref<128xi32, #tpu.memory_space<vmem>>) semaphore(%arg20 : memref<!tpu.dma_semaphore, #tpu.memory_space<semaphore_mem>>)
      %dma_start3A_103 = arith.constant 2 : i32
      %dma_start3A_104 = arith.constant 2 : i32
      %dma_start3A_105 = arith.constant 0 : i32
      %dma_start3A_106 = tpu.memref_slice %arg12[%dma_start3A_104, %dma_start3A_105] : memref<40x128xf32, #tpu.memory_space<vmem>> -> memref<1x128xf32, #tpu.memory_space<vmem>>
      %dma_start3A_107 = tpu.memref_squeeze %dma_start3A_106 : memref<1x128xf32, #tpu.memory_space<vmem>> -> memref<128xf32, #tpu.memory_space<vmem>>
      %dma_start3A_108 = arith.constant 0 : i32
      %dma_start3A_109 = tpu.memref_slice %arg8[%dma_start3A_103, %dma_start3A_108] : memref<40x128xi32, #tpu.memory_space<vmem>> -> memref<1x128xi32, #tpu.memory_space<vmem>>
      %dma_start3A_110 = tpu.memref_squeeze %dma_start3A_109 : memref<1x128xi32, #tpu.memory_space<vmem>> -> memref<128xi32, #tpu.memory_space<vmem>>
      %dma_start3A_111 = arith.constant 0 : i32
      %dma_start3A_112 = tpu.memref_slice %arg17[%dma_start3A_111] : memref<499712xf32, #tpu.memory_space<vmem_shared>> -> memref<499712xf32, #tpu.memory_space<vmem_shared>>
      tpu.enqueue_indirect_dma source(%dma_start3A_112 : memref<499712xf32, #tpu.memory_space<vmem_shared>>) target(%dma_start3A_107 : memref<128xf32, #tpu.memory_space<vmem>>) offsets(%dma_start3A_110 : memref<128xi32, #tpu.memory_space<vmem>>) semaphore(%arg20 : memref<!tpu.dma_semaphore, #tpu.memory_space<semaphore_mem>>)
      %dma_start3A_113 = arith.constant 3 : i32
      %dma_start3A_114 = arith.constant 3 : i32
      %dma_start3A_115 = arith.constant 0 : i32
      %dma_start3A_116 = tpu.memref_slice %arg12[%dma_start3A_114, %dma_start3A_115] : memref<40x128xf32, #tpu.memory_space<vmem>> -> memref<1x128xf32, #tpu.memory_space<vmem>>
      %dma_start3A_117 = tpu.memref_squeeze %dma_start3A_116 : memref<1x128xf32, #tpu.memory_space<vmem>> -> memref<128xf32, #tpu.memory_space<vmem>>
      %dma_start3A_118 = arith.constant 0 : i32
      %dma_start3A_119 = tpu.memref_slice %arg8[%dma_start3A_113, %dma_start3A_118] : memref<40x128xi32, #tpu.memory_space<vmem>> -> memref<1x128xi32, #tpu.memory_space<vmem>>
      %dma_start3A_120 = tpu.memref_squeeze %dma_start3A_119 : memref<1x128xi32, #tpu.memory_space<vmem>> -> memref<128xi32, #tpu.memory_space<vmem>>
      %dma_start3A_121 = arith.constant 0 : i32
      %dma_start3A_122 = tpu.memref_slice %arg17[%dma_start3A_121] : memref<499712xf32, #tpu.memory_space<vmem_shared>> -> memref<499712xf32, #tpu.memory_space<vmem_shared>>
      tpu.enqueue_indirect_dma source(%dma_start3A_122 : memref<499712xf32, #tpu.memory_space<vmem_shared>>) target(%dma_start3A_117 : memref<128xf32, #tpu.memory_space<vmem>>) offsets(%dma_start3A_120 : memref<128xi32, #tpu.memory_space<vmem>>) semaphore(%arg20 : memref<!tpu.dma_semaphore, #tpu.memory_space<semaphore_mem>>)
      %dma_start3A_123 = arith.constant 4 : i32
      %dma_start3A_124 = arith.constant 4 : i32
      %dma_start3A_125 = arith.constant 0 : i32
      %dma_start3A_126 = tpu.memref_slice %arg12[%dma_start3A_124, %dma_start3A_125] : memref<40x128xf32, #tpu.memory_space<vmem>> -> memref<1x128xf32, #tpu.memory_space<vmem>>
      %dma_start3A_127 = tpu.memref_squeeze %dma_start3A_126 : memref<1x128xf32, #tpu.memory_space<vmem>> -> memref<128xf32, #tpu.memory_space<vmem>>
      %dma_start3A_128 = arith.constant 0 : i32
      %dma_start3A_129 = tpu.memref_slice %arg8[%dma_start3A_123, %dma_start3A_128] : memref<40x128xi32, #tpu.memory_space<vmem>> -> memref<1x128xi32, #tpu.memory_space<vmem>>
      %dma_start3A_130 = tpu.memref_squeeze %dma_start3A_129 : memref<1x128xi32, #tpu.memory_space<vmem>> -> memref<128xi32, #tpu.memory_space<vmem>>
      %dma_start3A_131 = arith.constant 0 : i32
      %dma_start3A_132 = tpu.memref_slice %arg17[%dma_start3A_131] : memref<499712xf32, #tpu.memory_space<vmem_shared>> -> memref<499712xf32, #tpu.memory_space<vmem_shared>>
      tpu.enqueue_indirect_dma source(%dma_start3A_132 : memref<499712xf32, #tpu.memory_space<vmem_shared>>) target(%dma_start3A_127 : memref<128xf32, #tpu.memory_space<vmem>>) offsets(%dma_start3A_130 : memref<128xi32, #tpu.memory_space<vmem>>) semaphore(%arg20 : memref<!tpu.dma_semaphore, #tpu.memory_space<semaphore_mem>>)
      %dma_start3A_133 = arith.constant 5 : i32
      %dma_start3A_134 = arith.constant 5 : i32
      %dma_start3A_135 = arith.constant 0 : i32
      %dma_start3A_136 = tpu.memref_slice %arg12[%dma_start3A_134, %dma_start3A_135] : memref<40x128xf32, #tpu.memory_space<vmem>> -> memref<1x128xf32, #tpu.memory_space<vmem>>
      %dma_start3A_137 = tpu.memref_squeeze %dma_start3A_136 : memref<1x128xf32, #tpu.memory_space<vmem>> -> memref<128xf32, #tpu.memory_space<vmem>>
      %dma_start3A_138 = arith.constant 0 : i32
      %dma_start3A_139 = tpu.memref_slice %arg8[%dma_start3A_133, %dma_start3A_138] : memref<40x128xi32, #tpu.memory_space<vmem>> -> memref<1x128xi32, #tpu.memory_space<vmem>>
      %dma_start3A_140 = tpu.memref_squeeze %dma_start3A_139 : memref<1x128xi32, #tpu.memory_space<vmem>> -> memref<128xi32, #tpu.memory_space<vmem>>
      %dma_start3A_141 = arith.constant 0 : i32
      %dma_start3A_142 = tpu.memref_slice %arg17[%dma_start3A_141] : memref<499712xf32, #tpu.memory_space<vmem_shared>> -> memref<499712xf32, #tpu.memory_space<vmem_shared>>
      tpu.enqueue_indirect_dma source(%dma_start3A_142 : memref<499712xf32, #tpu.memory_space<vmem_shared>>) target(%dma_start3A_137 : memref<128xf32, #tpu.memory_space<vmem>>) offsets(%dma_start3A_140 : memref<128xi32, #tpu.memory_space<vmem>>) semaphore(%arg20 : memref<!tpu.dma_semaphore, #tpu.memory_space<semaphore_mem>>)
      %dma_start3A_143 = arith.constant 6 : i32
      %dma_start3A_144 = arith.constant 6 : i32
      %dma_start3A_145 = arith.constant 0 : i32
      %dma_start3A_146 = tpu.memref_slice %arg12[%dma_start3A_144, %dma_start3A_145] : memref<40x128xf32, #tpu.memory_space<vmem>> -> memref<1x128xf32, #tpu.memory_space<vmem>>
      %dma_start3A_147 = tpu.memref_squeeze %dma_start3A_146 : memref<1x128xf32, #tpu.memory_space<vmem>> -> memref<128xf32, #tpu.memory_space<vmem>>
      %dma_start3A_148 = arith.constant 0 : i32
      %dma_start3A_149 = tpu.memref_slice %arg8[%dma_start3A_143, %dma_start3A_148] : memref<40x128xi32, #tpu.memory_space<vmem>> -> memref<1x128xi32, #tpu.memory_space<vmem>>
      %dma_start3A_150 = tpu.memref_squeeze %dma_start3A_149 : memref<1x128xi32, #tpu.memory_space<vmem>> -> memref<128xi32, #tpu.memory_space<vmem>>
      %dma_start3A_151 = arith.constant 0 : i32
      %dma_start3A_152 = tpu.memref_slice %arg17[%dma_start3A_151] : memref<499712xf32, #tpu.memory_space<vmem_shared>> -> memref<499712xf32, #tpu.memory_space<vmem_shared>>
      tpu.enqueue_indirect_dma source(%dma_start3A_152 : memref<499712xf32, #tpu.memory_space<vmem_shared>>) target(%dma_start3A_147 : memref<128xf32, #tpu.memory_space<vmem>>) offsets(%dma_start3A_150 : memref<128xi32, #tpu.memory_space<vmem>>) semaphore(%arg20 : memref<!tpu.dma_semaphore, #tpu.memory_space<semaphore_mem>>)
      %dma_start3A_153 = arith.constant 7 : i32
      %dma_start3A_154 = arith.constant 7 : i32
      %dma_start3A_155 = arith.constant 0 : i32
      %dma_start3A_156 = tpu.memref_slice %arg12[%dma_start3A_154, %dma_start3A_155] : memref<40x128xf32, #tpu.memory_space<vmem>> -> memref<1x128xf32, #tpu.memory_space<vmem>>
      %dma_start3A_157 = tpu.memref_squeeze %dma_start3A_156 : memref<1x128xf32, #tpu.memory_space<vmem>> -> memref<128xf32, #tpu.memory_space<vmem>>
      %dma_start3A_158 = arith.constant 0 : i32
      %dma_start3A_159 = tpu.memref_slice %arg8[%dma_start3A_153, %dma_start3A_158] : memref<40x128xi32, #tpu.memory_space<vmem>> -> memref<1x128xi32, #tpu.memory_space<vmem>>
      %dma_start3A_160 = tpu.memref_squeeze %dma_start3A_159 : memref<1x128xi32, #tpu.memory_space<vmem>> -> memref<128xi32, #tpu.memory_space<vmem>>
      %dma_start3A_161 = arith.constant 0 : i32
      %dma_start3A_162 = tpu.memref_slice %arg17[%dma_start3A_161] : memref<499712xf32, #tpu.memory_space<vmem_shared>> -> memref<499712xf32, #tpu.memory_space<vmem_shared>>
      tpu.enqueue_indirect_dma source(%dma_start3A_162 : memref<499712xf32, #tpu.memory_space<vmem_shared>>) target(%dma_start3A_157 : memref<128xf32, #tpu.memory_space<vmem>>) offsets(%dma_start3A_160 : memref<128xi32, #tpu.memory_space<vmem>>) semaphore(%arg20 : memref<!tpu.dma_semaphore, #tpu.memory_space<semaphore_mem>>)
      %dma_start3A_163 = arith.constant 8 : i32
      %dma_start3A_164 = arith.constant 8 : i32
      %dma_start3A_165 = arith.constant 0 : i32
      %dma_start3A_166 = tpu.memref_slice %arg12[%dma_start3A_164, %dma_start3A_165] : memref<40x128xf32, #tpu.memory_space<vmem>> -> memref<1x128xf32, #tpu.memory_space<vmem>>
      %dma_start3A_167 = tpu.memref_squeeze %dma_start3A_166 : memref<1x128xf32, #tpu.memory_space<vmem>> -> memref<128xf32, #tpu.memory_space<vmem>>
      %dma_start3A_168 = arith.constant 0 : i32
      %dma_start3A_169 = tpu.memref_slice %arg8[%dma_start3A_163, %dma_start3A_168] : memref<40x128xi32, #tpu.memory_space<vmem>> -> memref<1x128xi32, #tpu.memory_space<vmem>>
      %dma_start3A_170 = tpu.memref_squeeze %dma_start3A_169 : memref<1x128xi32, #tpu.memory_space<vmem>> -> memref<128xi32, #tpu.memory_space<vmem>>
      %dma_start3A_171 = arith.constant 0 : i32
      %dma_start3A_172 = tpu.memref_slice %arg17[%dma_start3A_171] : memref<499712xf32, #tpu.memory_space<vmem_shared>> -> memref<499712xf32, #tpu.memory_space<vmem_shared>>
      tpu.enqueue_indirect_dma source(%dma_start3A_172 : memref<499712xf32, #tpu.memory_space<vmem_shared>>) target(%dma_start3A_167 : memref<128xf32, #tpu.memory_space<vmem>>) offsets(%dma_start3A_170 : memref<128xi32, #tpu.memory_space<vmem>>) semaphore(%arg20 : memref<!tpu.dma_semaphore, #tpu.memory_space<semaphore_mem>>)
      %dma_start3A_173 = arith.constant 9 : i32
      %dma_start3A_174 = arith.constant 9 : i32
      %dma_start3A_175 = arith.constant 0 : i32
      %dma_start3A_176 = tpu.memref_slice %arg12[%dma_start3A_174, %dma_start3A_175] : memref<40x128xf32, #tpu.memory_space<vmem>> -> memref<1x128xf32, #tpu.memory_space<vmem>>
      %dma_start3A_177 = tpu.memref_squeeze %dma_start3A_176 : memref<1x128xf32, #tpu.memory_space<vmem>> -> memref<128xf32, #tpu.memory_space<vmem>>
      %dma_start3A_178 = arith.constant 0 : i32
      %dma_start3A_179 = tpu.memref_slice %arg8[%dma_start3A_173, %dma_start3A_178] : memref<40x128xi32, #tpu.memory_space<vmem>> -> memref<1x128xi32, #tpu.memory_space<vmem>>
      %dma_start3A_180 = tpu.memref_squeeze %dma_start3A_179 : memref<1x128xi32, #tpu.memory_space<vmem>> -> memref<128xi32, #tpu.memory_space<vmem>>
      %dma_start3A_181 = arith.constant 0 : i32
      %dma_start3A_182 = tpu.memref_slice %arg17[%dma_start3A_181] : memref<499712xf32, #tpu.memory_space<vmem_shared>> -> memref<499712xf32, #tpu.memory_space<vmem_shared>>
      tpu.enqueue_indirect_dma source(%dma_start3A_182 : memref<499712xf32, #tpu.memory_space<vmem_shared>>) target(%dma_start3A_177 : memref<128xf32, #tpu.memory_space<vmem>>) offsets(%dma_start3A_180 : memref<128xi32, #tpu.memory_space<vmem>>) semaphore(%arg20 : memref<!tpu.dma_semaphore, #tpu.memory_space<semaphore_mem>>)
      %dma_start3A_183 = arith.constant 10 : i32
      %dma_start3A_184 = arith.constant 10 : i32
      %dma_start3A_185 = arith.constant 0 : i32
      %dma_start3A_186 = tpu.memref_slice %arg12[%dma_start3A_184, %dma_start3A_185] : memref<40x128xf32, #tpu.memory_space<vmem>> -> memref<1x128xf32, #tpu.memory_space<vmem>>
      %dma_start3A_187 = tpu.memref_squeeze %dma_start3A_186 : memref<1x128xf32, #tpu.memory_space<vmem>> -> memref<128xf32, #tpu.memory_space<vmem>>
      %dma_start3A_188 = arith.constant 0 : i32
      %dma_start3A_189 = tpu.memref_slice %arg8[%dma_start3A_183, %dma_start3A_188] : memref<40x128xi32, #tpu.memory_space<vmem>> -> memref<1x128xi32, #tpu.memory_space<vmem>>
      %dma_start3A_190 = tpu.memref_squeeze %dma_start3A_189 : memref<1x128xi32, #tpu.memory_space<vmem>> -> memref<128xi32, #tpu.memory_space<vmem>>
      %dma_start3A_191 = arith.constant 0 : i32
      %dma_start3A_192 = tpu.memref_slice %arg17[%dma_start3A_191] : memref<499712xf32, #tpu.memory_space<vmem_shared>> -> memref<499712xf32, #tpu.memory_space<vmem_shared>>
      tpu.enqueue_indirect_dma source(%dma_start3A_192 : memref<499712xf32, #tpu.memory_space<vmem_shared>>) target(%dma_start3A_187 : memref<128xf32, #tpu.memory_space<vmem>>) offsets(%dma_start3A_190 : memref<128xi32, #tpu.memory_space<vmem>>) semaphore(%arg20 : memref<!tpu.dma_semaphore, #tpu.memory_space<semaphore_mem>>)
      %dma_start3A_193 = arith.constant 11 : i32
      %dma_start3A_194 = arith.constant 11 : i32
      %dma_start3A_195 = arith.constant 0 : i32
      %dma_start3A_196 = tpu.memref_slice %arg12[%dma_start3A_194, %dma_start3A_195] : memref<40x128xf32, #tpu.memory_space<vmem>> -> memref<1x128xf32, #tpu.memory_space<vmem>>
      %dma_start3A_197 = tpu.memref_squeeze %dma_start3A_196 : memref<1x128xf32, #tpu.memory_space<vmem>> -> memref<128xf32, #tpu.memory_space<vmem>>
      %dma_start3A_198 = arith.constant 0 : i32
      %dma_start3A_199 = tpu.memref_slice %arg8[%dma_start3A_193, %dma_start3A_198] : memref<40x128xi32, #tpu.memory_space<vmem>> -> memref<1x128xi32, #tpu.memory_space<vmem>>
      %dma_start3A_200 = tpu.memref_squeeze %dma_start3A_199 : memref<1x128xi32, #tpu.memory_space<vmem>> -> memref<128xi32, #tpu.memory_space<vmem>>
      %dma_start3A_201 = arith.constant 0 : i32
      %dma_start3A_202 = tpu.memref_slice %arg17[%dma_start3A_201] : memref<499712xf32, #tpu.memory_space<vmem_shared>> -> memref<499712xf32, #tpu.memory_space<vmem_shared>>
      tpu.enqueue_indirect_dma source(%dma_start3A_202 : memref<499712xf32, #tpu.memory_space<vmem_shared>>) target(%dma_start3A_197 : memref<128xf32, #tpu.memory_space<vmem>>) offsets(%dma_start3A_200 : memref<128xi32, #tpu.memory_space<vmem>>) semaphore(%arg20 : memref<!tpu.dma_semaphore, #tpu.memory_space<semaphore_mem>>)
      %dma_start3A_203 = arith.constant 12 : i32
      %dma_start3A_204 = arith.constant 12 : i32
      %dma_start3A_205 = arith.constant 0 : i32
      %dma_start3A_206 = tpu.memref_slice %arg12[%dma_start3A_204, %dma_start3A_205] : memref<40x128xf32, #tpu.memory_space<vmem>> -> memref<1x128xf32, #tpu.memory_space<vmem>>
      %dma_start3A_207 = tpu.memref_squeeze %dma_start3A_206 : memref<1x128xf32, #tpu.memory_space<vmem>> -> memref<128xf32, #tpu.memory_space<vmem>>
      %dma_start3A_208 = arith.constant 0 : i32
      %dma_start3A_209 = tpu.memref_slice %arg8[%dma_start3A_203, %dma_start3A_208] : memref<40x128xi32, #tpu.memory_space<vmem>> -> memref<1x128xi32, #tpu.memory_space<vmem>>
      %dma_start3A_210 = tpu.memref_squeeze %dma_start3A_209 : memref<1x128xi32, #tpu.memory_space<vmem>> -> memref<128xi32, #tpu.memory_space<vmem>>
      %dma_start3A_211 = arith.constant 0 : i32
      %dma_start3A_212 = tpu.memref_slice %arg17[%dma_start3A_211] : memref<499712xf32, #tpu.memory_space<vmem_shared>> -> memref<499712xf32, #tpu.memory_space<vmem_shared>>
      tpu.enqueue_indirect_dma source(%dma_start3A_212 : memref<499712xf32, #tpu.memory_space<vmem_shared>>) target(%dma_start3A_207 : memref<128xf32, #tpu.memory_space<vmem>>) offsets(%dma_start3A_210 : memref<128xi32, #tpu.memory_space<vmem>>) semaphore(%arg20 : memref<!tpu.dma_semaphore, #tpu.memory_space<semaphore_mem>>)
      %dma_start3A_213 = arith.constant 13 : i32
      %dma_start3A_214 = arith.constant 13 : i32
      %dma_start3A_215 = arith.constant 0 : i32
      %dma_start3A_216 = tpu.memref_slice %arg12[%dma_start3A_214, %dma_start3A_215] : memref<40x128xf32, #tpu.memory_space<vmem>> -> memref<1x128xf32, #tpu.memory_space<vmem>>
      %dma_start3A_217 = tpu.memref_squeeze %dma_start3A_216 : memref<1x128xf32, #tpu.memory_space<vmem>> -> memref<128xf32, #tpu.memory_space<vmem>>
      %dma_start3A_218 = arith.constant 0 : i32
      %dma_start3A_219 = tpu.memref_slice %arg8[%dma_start3A_213, %dma_start3A_218] : memref<40x128xi32, #tpu.memory_space<vmem>> -> memref<1x128xi32, #tpu.memory_space<vmem>>
      %dma_start3A_220 = tpu.memref_squeeze %dma_start3A_219 : memref<1x128xi32, #tpu.memory_space<vmem>> -> memref<128xi32, #tpu.memory_space<vmem>>
      %dma_start3A_221 = arith.constant 0 : i32
      %dma_start3A_222 = tpu.memref_slice %arg17[%dma_start3A_221] : memref<499712xf32, #tpu.memory_space<vmem_shared>> -> memref<499712xf32, #tpu.memory_space<vmem_shared>>
      tpu.enqueue_indirect_dma source(%dma_start3A_222 : memref<499712xf32, #tpu.memory_space<vmem_shared>>) target(%dma_start3A_217 : memref<128xf32, #tpu.memory_space<vmem>>) offsets(%dma_start3A_220 : memref<128xi32, #tpu.memory_space<vmem>>) semaphore(%arg20 : memref<!tpu.dma_semaphore, #tpu.memory_space<semaphore_mem>>)
      %dma_start3A_223 = arith.constant 14 : i32
      %dma_start3A_224 = arith.constant 14 : i32
      %dma_start3A_225 = arith.constant 0 : i32
      %dma_start3A_226 = tpu.memref_slice %arg12[%dma_start3A_224, %dma_start3A_225] : memref<40x128xf32, #tpu.memory_space<vmem>> -> memref<1x128xf32, #tpu.memory_space<vmem>>
      %dma_start3A_227 = tpu.memref_squeeze %dma_start3A_226 : memref<1x128xf32, #tpu.memory_space<vmem>> -> memref<128xf32, #tpu.memory_space<vmem>>
      %dma_start3A_228 = arith.constant 0 : i32
      %dma_start3A_229 = tpu.memref_slice %arg8[%dma_start3A_223, %dma_start3A_228] : memref<40x128xi32, #tpu.memory_space<vmem>> -> memref<1x128xi32, #tpu.memory_space<vmem>>
      %dma_start3A_230 = tpu.memref_squeeze %dma_start3A_229 : memref<1x128xi32, #tpu.memory_space<vmem>> -> memref<128xi32, #tpu.memory_space<vmem>>
      %dma_start3A_231 = arith.constant 0 : i32
      %dma_start3A_232 = tpu.memref_slice %arg17[%dma_start3A_231] : memref<499712xf32, #tpu.memory_space<vmem_shared>> -> memref<499712xf32, #tpu.memory_space<vmem_shared>>
      tpu.enqueue_indirect_dma source(%dma_start3A_232 : memref<499712xf32, #tpu.memory_space<vmem_shared>>) target(%dma_start3A_227 : memref<128xf32, #tpu.memory_space<vmem>>) offsets(%dma_start3A_230 : memref<128xi32, #tpu.memory_space<vmem>>) semaphore(%arg20 : memref<!tpu.dma_semaphore, #tpu.memory_space<semaphore_mem>>)
      %dma_start3A_233 = arith.constant 15 : i32
      %dma_start3A_234 = arith.constant 15 : i32
      %dma_start3A_235 = arith.constant 0 : i32
      %dma_start3A_236 = tpu.memref_slice %arg12[%dma_start3A_234, %dma_start3A_235] : memref<40x128xf32, #tpu.memory_space<vmem>> -> memref<1x128xf32, #tpu.memory_space<vmem>>
      %dma_start3A_237 = tpu.memref_squeeze %dma_start3A_236 : memref<1x128xf32, #tpu.memory_space<vmem>> -> memref<128xf32, #tpu.memory_space<vmem>>
      %dma_start3A_238 = arith.constant 0 : i32
      %dma_start3A_239 = tpu.memref_slice %arg8[%dma_start3A_233, %dma_start3A_238] : memref<40x128xi32, #tpu.memory_space<vmem>> -> memref<1x128xi32, #tpu.memory_space<vmem>>
      %dma_start3A_240 = tpu.memref_squeeze %dma_start3A_239 : memref<1x128xi32, #tpu.memory_space<vmem>> -> memref<128xi32, #tpu.memory_space<vmem>>
      %dma_start3A_241 = arith.constant 0 : i32
      %dma_start3A_242 = tpu.memref_slice %arg17[%dma_start3A_241] : memref<499712xf32, #tpu.memory_space<vmem_shared>> -> memref<499712xf32, #tpu.memory_space<vmem_shared>>
      tpu.enqueue_indirect_dma source(%dma_start3A_242 : memref<499712xf32, #tpu.memory_space<vmem_shared>>) target(%dma_start3A_237 : memref<128xf32, #tpu.memory_space<vmem>>) offsets(%dma_start3A_240 : memref<128xi32, #tpu.memory_space<vmem>>) semaphore(%arg20 : memref<!tpu.dma_semaphore, #tpu.memory_space<semaphore_mem>>)
      %dma_start3A_243 = arith.constant 16 : i32
      %dma_start3A_244 = arith.constant 16 : i32
      %dma_start3A_245 = arith.constant 0 : i32
      %dma_start3A_246 = tpu.memref_slice %arg12[%dma_start3A_244, %dma_start3A_245] : memref<40x128xf32, #tpu.memory_space<vmem>> -> memref<1x128xf32, #tpu.memory_space<vmem>>
      %dma_start3A_247 = tpu.memref_squeeze %dma_start3A_246 : memref<1x128xf32, #tpu.memory_space<vmem>> -> memref<128xf32, #tpu.memory_space<vmem>>
      %dma_start3A_248 = arith.constant 0 : i32
      %dma_start3A_249 = tpu.memref_slice %arg8[%dma_start3A_243, %dma_start3A_248] : memref<40x128xi32, #tpu.memory_space<vmem>> -> memref<1x128xi32, #tpu.memory_space<vmem>>
      %dma_start3A_250 = tpu.memref_squeeze %dma_start3A_249 : memref<1x128xi32, #tpu.memory_space<vmem>> -> memref<128xi32, #tpu.memory_space<vmem>>
      %dma_start3A_251 = arith.constant 0 : i32
      %dma_start3A_252 = tpu.memref_slice %arg17[%dma_start3A_251] : memref<499712xf32, #tpu.memory_space<vmem_shared>> -> memref<499712xf32, #tpu.memory_space<vmem_shared>>
      tpu.enqueue_indirect_dma source(%dma_start3A_252 : memref<499712xf32, #tpu.memory_space<vmem_shared>>) target(%dma_start3A_247 : memref<128xf32, #tpu.memory_space<vmem>>) offsets(%dma_start3A_250 : memref<128xi32, #tpu.memory_space<vmem>>) semaphore(%arg20 : memref<!tpu.dma_semaphore, #tpu.memory_space<semaphore_mem>>)
      %dma_start3A_253 = arith.constant 17 : i32
      %dma_start3A_254 = arith.constant 17 : i32
      %dma_start3A_255 = arith.constant 0 : i32
      %dma_start3A_256 = tpu.memref_slice %arg12[%dma_start3A_254, %dma_start3A_255] : memref<40x128xf32, #tpu.memory_space<vmem>> -> memref<1x128xf32, #tpu.memory_space<vmem>>
      %dma_start3A_257 = tpu.memref_squeeze %dma_start3A_256 : memref<1x128xf32, #tpu.memory_space<vmem>> -> memref<128xf32, #tpu.memory_space<vmem>>
      %dma_start3A_258 = arith.constant 0 : i32
      %dma_start3A_259 = tpu.memref_slice %arg8[%dma_start3A_253, %dma_start3A_258] : memref<40x128xi32, #tpu.memory_space<vmem>> -> memref<1x128xi32, #tpu.memory_space<vmem>>
      %dma_start3A_260 = tpu.memref_squeeze %dma_start3A_259 : memref<1x128xi32, #tpu.memory_space<vmem>> -> memref<128xi32, #tpu.memory_space<vmem>>
      %dma_start3A_261 = arith.constant 0 : i32
      %dma_start3A_262 = tpu.memref_slice %arg17[%dma_start3A_261] : memref<499712xf32, #tpu.memory_space<vmem_shared>> -> memref<499712xf32, #tpu.memory_space<vmem_shared>>
      tpu.enqueue_indirect_dma source(%dma_start3A_262 : memref<499712xf32, #tpu.memory_space<vmem_shared>>) target(%dma_start3A_257 : memref<128xf32, #tpu.memory_space<vmem>>) offsets(%dma_start3A_260 : memref<128xi32, #tpu.memory_space<vmem>>) semaphore(%arg20 : memref<!tpu.dma_semaphore, #tpu.memory_space<semaphore_mem>>)
      %dma_start3A_263 = arith.constant 18 : i32
      %dma_start3A_264 = arith.constant 18 : i32
      %dma_start3A_265 = arith.constant 0 : i32
      %dma_start3A_266 = tpu.memref_slice %arg12[%dma_start3A_264, %dma_start3A_265] : memref<40x128xf32, #tpu.memory_space<vmem>> -> memref<1x128xf32, #tpu.memory_space<vmem>>
      %dma_start3A_267 = tpu.memref_squeeze %dma_start3A_266 : memref<1x128xf32, #tpu.memory_space<vmem>> -> memref<128xf32, #tpu.memory_space<vmem>>
      %dma_start3A_268 = arith.constant 0 : i32
      %dma_start3A_269 = tpu.memref_slice %arg8[%dma_start3A_263, %dma_start3A_268] : memref<40x128xi32, #tpu.memory_space<vmem>> -> memref<1x128xi32, #tpu.memory_space<vmem>>
      %dma_start3A_270 = tpu.memref_squeeze %dma_start3A_269 : memref<1x128xi32, #tpu.memory_space<vmem>> -> memref<128xi32, #tpu.memory_space<vmem>>
      %dma_start3A_271 = arith.constant 0 : i32
      %dma_start3A_272 = tpu.memref_slice %arg17[%dma_start3A_271] : memref<499712xf32, #tpu.memory_space<vmem_shared>> -> memref<499712xf32, #tpu.memory_space<vmem_shared>>
      tpu.enqueue_indirect_dma source(%dma_start3A_272 : memref<499712xf32, #tpu.memory_space<vmem_shared>>) target(%dma_start3A_267 : memref<128xf32, #tpu.memory_space<vmem>>) offsets(%dma_start3A_270 : memref<128xi32, #tpu.memory_space<vmem>>) semaphore(%arg20 : memref<!tpu.dma_semaphore, #tpu.memory_space<semaphore_mem>>)
      %dma_start3A_273 = arith.constant 19 : i32
      %dma_start3A_274 = arith.constant 19 : i32
      %dma_start3A_275 = arith.constant 0 : i32
      %dma_start3A_276 = tpu.memref_slice %arg12[%dma_start3A_274, %dma_start3A_275] : memref<40x128xf32, #tpu.memory_space<vmem>> -> memref<1x128xf32, #tpu.memory_space<vmem>>
      %dma_start3A_277 = tpu.memref_squeeze %dma_start3A_276 : memref<1x128xf32, #tpu.memory_space<vmem>> -> memref<128xf32, #tpu.memory_space<vmem>>
      %dma_start3A_278 = arith.constant 0 : i32
      %dma_start3A_279 = tpu.memref_slice %arg8[%dma_start3A_273, %dma_start3A_278] : memref<40x128xi32, #tpu.memory_space<vmem>> -> memref<1x128xi32, #tpu.memory_space<vmem>>
      %dma_start3A_280 = tpu.memref_squeeze %dma_start3A_279 : memref<1x128xi32, #tpu.memory_space<vmem>> -> memref<128xi32, #tpu.memory_space<vmem>>
      %dma_start3A_281 = arith.constant 0 : i32
      %dma_start3A_282 = tpu.memref_slice %arg17[%dma_start3A_281] : memref<499712xf32, #tpu.memory_space<vmem_shared>> -> memref<499712xf32, #tpu.memory_space<vmem_shared>>
      tpu.enqueue_indirect_dma source(%dma_start3A_282 : memref<499712xf32, #tpu.memory_space<vmem_shared>>) target(%dma_start3A_277 : memref<128xf32, #tpu.memory_space<vmem>>) offsets(%dma_start3A_280 : memref<128xi32, #tpu.memory_space<vmem>>) semaphore(%arg20 : memref<!tpu.dma_semaphore, #tpu.memory_space<semaphore_mem>>)
      %dma_start3A_283 = arith.constant 20 : i32
      %dma_start3A_284 = arith.constant 20 : i32
      %dma_start3A_285 = arith.constant 0 : i32
      %dma_start3A_286 = tpu.memref_slice %arg12[%dma_start3A_284, %dma_start3A_285] : memref<40x128xf32, #tpu.memory_space<vmem>> -> memref<1x128xf32, #tpu.memory_space<vmem>>
      %dma_start3A_287 = tpu.memref_squeeze %dma_start3A_286 : memref<1x128xf32, #tpu.memory_space<vmem>> -> memref<128xf32, #tpu.memory_space<vmem>>
      %dma_start3A_288 = arith.constant 0 : i32
      %dma_start3A_289 = tpu.memref_slice %arg8[%dma_start3A_283, %dma_start3A_288] : memref<40x128xi32, #tpu.memory_space<vmem>> -> memref<1x128xi32, #tpu.memory_space<vmem>>
      %dma_start3A_290 = tpu.memref_squeeze %dma_start3A_289 : memref<1x128xi32, #tpu.memory_space<vmem>> -> memref<128xi32, #tpu.memory_space<vmem>>
      %dma_start3A_291 = arith.constant 0 : i32
      %dma_start3A_292 = tpu.memref_slice %arg17[%dma_start3A_291] : memref<499712xf32, #tpu.memory_space<vmem_shared>> -> memref<499712xf32, #tpu.memory_space<vmem_shared>>
      tpu.enqueue_indirect_dma source(%dma_start3A_292 : memref<499712xf32, #tpu.memory_space<vmem_shared>>) target(%dma_start3A_287 : memref<128xf32, #tpu.memory_space<vmem>>) offsets(%dma_start3A_290 : memref<128xi32, #tpu.memory_space<vmem>>) semaphore(%arg20 : memref<!tpu.dma_semaphore, #tpu.memory_space<semaphore_mem>>)
      %dma_start3A_293 = arith.constant 21 : i32
      %dma_start3A_294 = arith.constant 21 : i32
      %dma_start3A_295 = arith.constant 0 : i32
      %dma_start3A_296 = tpu.memref_slice %arg12[%dma_start3A_294, %dma_start3A_295] : memref<40x128xf32, #tpu.memory_space<vmem>> -> memref<1x128xf32, #tpu.memory_space<vmem>>
      %dma_start3A_297 = tpu.memref_squeeze %dma_start3A_296 : memref<1x128xf32, #tpu.memory_space<vmem>> -> memref<128xf32, #tpu.memory_space<vmem>>
      %dma_start3A_298 = arith.constant 0 : i32
      %dma_start3A_299 = tpu.memref_slice %arg8[%dma_start3A_293, %dma_start3A_298] : memref<40x128xi32, #tpu.memory_space<vmem>> -> memref<1x128xi32, #tpu.memory_space<vmem>>
      %dma_start3A_300 = tpu.memref_squeeze %dma_start3A_299 : memref<1x128xi32, #tpu.memory_space<vmem>> -> memref<128xi32, #tpu.memory_space<vmem>>
      %dma_start3A_301 = arith.constant 0 : i32
      %dma_start3A_302 = tpu.memref_slice %arg17[%dma_start3A_301] : memref<499712xf32, #tpu.memory_space<vmem_shared>> -> memref<499712xf32, #tpu.memory_space<vmem_shared>>
      tpu.enqueue_indirect_dma source(%dma_start3A_302 : memref<499712xf32, #tpu.memory_space<vmem_shared>>) target(%dma_start3A_297 : memref<128xf32, #tpu.memory_space<vmem>>) offsets(%dma_start3A_300 : memref<128xi32, #tpu.memory_space<vmem>>) semaphore(%arg20 : memref<!tpu.dma_semaphore, #tpu.memory_space<semaphore_mem>>)
      %dma_start3A_303 = arith.constant 22 : i32
      %dma_start3A_304 = arith.constant 22 : i32
      %dma_start3A_305 = arith.constant 0 : i32
      %dma_start3A_306 = tpu.memref_slice %arg12[%dma_start3A_304, %dma_start3A_305] : memref<40x128xf32, #tpu.memory_space<vmem>> -> memref<1x128xf32, #tpu.memory_space<vmem>>
      %dma_start3A_307 = tpu.memref_squeeze %dma_start3A_306 : memref<1x128xf32, #tpu.memory_space<vmem>> -> memref<128xf32, #tpu.memory_space<vmem>>
      %dma_start3A_308 = arith.constant 0 : i32
      %dma_start3A_309 = tpu.memref_slice %arg8[%dma_start3A_303, %dma_start3A_308] : memref<40x128xi32, #tpu.memory_space<vmem>> -> memref<1x128xi32, #tpu.memory_space<vmem>>
      %dma_start3A_310 = tpu.memref_squeeze %dma_start3A_309 : memref<1x128xi32, #tpu.memory_space<vmem>> -> memref<128xi32, #tpu.memory_space<vmem>>
      %dma_start3A_311 = arith.constant 0 : i32
      %dma_start3A_312 = tpu.memref_slice %arg17[%dma_start3A_311] : memref<499712xf32, #tpu.memory_space<vmem_shared>> -> memref<499712xf32, #tpu.memory_space<vmem_shared>>
      tpu.enqueue_indirect_dma source(%dma_start3A_312 : memref<499712xf32, #tpu.memory_space<vmem_shared>>) target(%dma_start3A_307 : memref<128xf32, #tpu.memory_space<vmem>>) offsets(%dma_start3A_310 : memref<128xi32, #tpu.memory_space<vmem>>) semaphore(%arg20 : memref<!tpu.dma_semaphore, #tpu.memory_space<semaphore_mem>>)
      %dma_start3A_313 = arith.constant 23 : i32
      %dma_start3A_314 = arith.constant 23 : i32
      %dma_start3A_315 = arith.constant 0 : i32
      %dma_start3A_316 = tpu.memref_slice %arg12[%dma_start3A_314, %dma_start3A_315] : memref<40x128xf32, #tpu.memory_space<vmem>> -> memref<1x128xf32, #tpu.memory_space<vmem>>
      %dma_start3A_317 = tpu.memref_squeeze %dma_start3A_316 : memref<1x128xf32, #tpu.memory_space<vmem>> -> memref<128xf32, #tpu.memory_space<vmem>>
      %dma_start3A_318 = arith.constant 0 : i32
      %dma_start3A_319 = tpu.memref_slice %arg8[%dma_start3A_313, %dma_start3A_318] : memref<40x128xi32, #tpu.memory_space<vmem>> -> memref<1x128xi32, #tpu.memory_space<vmem>>
      %dma_start3A_320 = tpu.memref_squeeze %dma_start3A_319 : memref<1x128xi32, #tpu.memory_space<vmem>> -> memref<128xi32, #tpu.memory_space<vmem>>
      %dma_start3A_321 = arith.constant 0 : i32
      %dma_start3A_322 = tpu.memref_slice %arg17[%dma_start3A_321] : memref<499712xf32, #tpu.memory_space<vmem_shared>> -> memref<499712xf32, #tpu.memory_space<vmem_shared>>
      tpu.enqueue_indirect_dma source(%dma_start3A_322 : memref<499712xf32, #tpu.memory_space<vmem_shared>>) target(%dma_start3A_317 : memref<128xf32, #tpu.memory_space<vmem>>) offsets(%dma_start3A_320 : memref<128xi32, #tpu.memory_space<vmem>>) semaphore(%arg20 : memref<!tpu.dma_semaphore, #tpu.memory_space<semaphore_mem>>)
      %dma_start3A_323 = arith.constant 24 : i32
      %dma_start3A_324 = arith.constant 24 : i32
      %dma_start3A_325 = arith.constant 0 : i32
      %dma_start3A_326 = tpu.memref_slice %arg12[%dma_start3A_324, %dma_start3A_325] : memref<40x128xf32, #tpu.memory_space<vmem>> -> memref<1x128xf32, #tpu.memory_space<vmem>>
      %dma_start3A_327 = tpu.memref_squeeze %dma_start3A_326 : memref<1x128xf32, #tpu.memory_space<vmem>> -> memref<128xf32, #tpu.memory_space<vmem>>
      %dma_start3A_328 = arith.constant 0 : i32
      %dma_start3A_329 = tpu.memref_slice %arg8[%dma_start3A_323, %dma_start3A_328] : memref<40x128xi32, #tpu.memory_space<vmem>> -> memref<1x128xi32, #tpu.memory_space<vmem>>
      %dma_start3A_330 = tpu.memref_squeeze %dma_start3A_329 : memref<1x128xi32, #tpu.memory_space<vmem>> -> memref<128xi32, #tpu.memory_space<vmem>>
      %dma_start3A_331 = arith.constant 0 : i32
      %dma_start3A_332 = tpu.memref_slice %arg17[%dma_start3A_331] : memref<499712xf32, #tpu.memory_space<vmem_shared>> -> memref<499712xf32, #tpu.memory_space<vmem_shared>>
      tpu.enqueue_indirect_dma source(%dma_start3A_332 : memref<499712xf32, #tpu.memory_space<vmem_shared>>) target(%dma_start3A_327 : memref<128xf32, #tpu.memory_space<vmem>>) offsets(%dma_start3A_330 : memref<128xi32, #tpu.memory_space<vmem>>) semaphore(%arg20 : memref<!tpu.dma_semaphore, #tpu.memory_space<semaphore_mem>>)
      %dma_start3A_333 = arith.constant 25 : i32
      %dma_start3A_334 = arith.constant 25 : i32
      %dma_start3A_335 = arith.constant 0 : i32
      %dma_start3A_336 = tpu.memref_slice %arg12[%dma_start3A_334, %dma_start3A_335] : memref<40x128xf32, #tpu.memory_space<vmem>> -> memref<1x128xf32, #tpu.memory_space<vmem>>
      %dma_start3A_337 = tpu.memref_squeeze %dma_start3A_336 : memref<1x128xf32, #tpu.memory_space<vmem>> -> memref<128xf32, #tpu.memory_space<vmem>>
      %dma_start3A_338 = arith.constant 0 : i32
      %dma_start3A_339 = tpu.memref_slice %arg8[%dma_start3A_333, %dma_start3A_338] : memref<40x128xi32, #tpu.memory_space<vmem>> -> memref<1x128xi32, #tpu.memory_space<vmem>>
      %dma_start3A_340 = tpu.memref_squeeze %dma_start3A_339 : memref<1x128xi32, #tpu.memory_space<vmem>> -> memref<128xi32, #tpu.memory_space<vmem>>
      %dma_start3A_341 = arith.constant 0 : i32
      %dma_start3A_342 = tpu.memref_slice %arg17[%dma_start3A_341] : memref<499712xf32, #tpu.memory_space<vmem_shared>> -> memref<499712xf32, #tpu.memory_space<vmem_shared>>
      tpu.enqueue_indirect_dma source(%dma_start3A_342 : memref<499712xf32, #tpu.memory_space<vmem_shared>>) target(%dma_start3A_337 : memref<128xf32, #tpu.memory_space<vmem>>) offsets(%dma_start3A_340 : memref<128xi32, #tpu.memory_space<vmem>>) semaphore(%arg20 : memref<!tpu.dma_semaphore, #tpu.memory_space<semaphore_mem>>)
      %dma_start3A_343 = arith.constant 26 : i32
      %dma_start3A_344 = arith.constant 26 : i32
      %dma_start3A_345 = arith.constant 0 : i32
      %dma_start3A_346 = tpu.memref_slice %arg12[%dma_start3A_344, %dma_start3A_345] : memref<40x128xf32, #tpu.memory_space<vmem>> -> memref<1x128xf32, #tpu.memory_space<vmem>>
      %dma_start3A_347 = tpu.memref_squeeze %dma_start3A_346 : memref<1x128xf32, #tpu.memory_space<vmem>> -> memref<128xf32, #tpu.memory_space<vmem>>
      %dma_start3A_348 = arith.constant 0 : i32
      %dma_start3A_349 = tpu.memref_slice %arg8[%dma_start3A_343, %dma_start3A_348] : memref<40x128xi32, #tpu.memory_space<vmem>> -> memref<1x128xi32, #tpu.memory_space<vmem>>
      %dma_start3A_350 = tpu.memref_squeeze %dma_start3A_349 : memref<1x128xi32, #tpu.memory_space<vmem>> -> memref<128xi32, #tpu.memory_space<vmem>>
      %dma_start3A_351 = arith.constant 0 : i32
      %dma_start3A_352 = tpu.memref_slice %arg17[%dma_start3A_351] : memref<499712xf32, #tpu.memory_space<vmem_shared>> -> memref<499712xf32, #tpu.memory_space<vmem_shared>>
      tpu.enqueue_indirect_dma source(%dma_start3A_352 : memref<499712xf32, #tpu.memory_space<vmem_shared>>) target(%dma_start3A_347 : memref<128xf32, #tpu.memory_space<vmem>>) offsets(%dma_start3A_350 : memref<128xi32, #tpu.memory_space<vmem>>) semaphore(%arg20 : memref<!tpu.dma_semaphore, #tpu.memory_space<semaphore_mem>>)
      %dma_start3A_353 = arith.constant 27 : i32
      %dma_start3A_354 = arith.constant 27 : i32
      %dma_start3A_355 = arith.constant 0 : i32
      %dma_start3A_356 = tpu.memref_slice %arg12[%dma_start3A_354, %dma_start3A_355] : memref<40x128xf32, #tpu.memory_space<vmem>> -> memref<1x128xf32, #tpu.memory_space<vmem>>
      %dma_start3A_357 = tpu.memref_squeeze %dma_start3A_356 : memref<1x128xf32, #tpu.memory_space<vmem>> -> memref<128xf32, #tpu.memory_space<vmem>>
      %dma_start3A_358 = arith.constant 0 : i32
      %dma_start3A_359 = tpu.memref_slice %arg8[%dma_start3A_353, %dma_start3A_358] : memref<40x128xi32, #tpu.memory_space<vmem>> -> memref<1x128xi32, #tpu.memory_space<vmem>>
      %dma_start3A_360 = tpu.memref_squeeze %dma_start3A_359 : memref<1x128xi32, #tpu.memory_space<vmem>> -> memref<128xi32, #tpu.memory_space<vmem>>
      %dma_start3A_361 = arith.constant 0 : i32
      %dma_start3A_362 = tpu.memref_slice %arg17[%dma_start3A_361] : memref<499712xf32, #tpu.memory_space<vmem_shared>> -> memref<499712xf32, #tpu.memory_space<vmem_shared>>
      tpu.enqueue_indirect_dma source(%dma_start3A_362 : memref<499712xf32, #tpu.memory_space<vmem_shared>>) target(%dma_start3A_357 : memref<128xf32, #tpu.memory_space<vmem>>) offsets(%dma_start3A_360 : memref<128xi32, #tpu.memory_space<vmem>>) semaphore(%arg20 : memref<!tpu.dma_semaphore, #tpu.memory_space<semaphore_mem>>)
      %dma_start3A_363 = arith.constant 28 : i32
      %dma_start3A_364 = arith.constant 28 : i32
      %dma_start3A_365 = arith.constant 0 : i32
      %dma_start3A_366 = tpu.memref_slice %arg12[%dma_start3A_364, %dma_start3A_365] : memref<40x128xf32, #tpu.memory_space<vmem>> -> memref<1x128xf32, #tpu.memory_space<vmem>>
      %dma_start3A_367 = tpu.memref_squeeze %dma_start3A_366 : memref<1x128xf32, #tpu.memory_space<vmem>> -> memref<128xf32, #tpu.memory_space<vmem>>
      %dma_start3A_368 = arith.constant 0 : i32
      %dma_start3A_369 = tpu.memref_slice %arg8[%dma_start3A_363, %dma_start3A_368] : memref<40x128xi32, #tpu.memory_space<vmem>> -> memref<1x128xi32, #tpu.memory_space<vmem>>
      %dma_start3A_370 = tpu.memref_squeeze %dma_start3A_369 : memref<1x128xi32, #tpu.memory_space<vmem>> -> memref<128xi32, #tpu.memory_space<vmem>>
      %dma_start3A_371 = arith.constant 0 : i32
      %dma_start3A_372 = tpu.memref_slice %arg17[%dma_start3A_371] : memref<499712xf32, #tpu.memory_space<vmem_shared>> -> memref<499712xf32, #tpu.memory_space<vmem_shared>>
      tpu.enqueue_indirect_dma source(%dma_start3A_372 : memref<499712xf32, #tpu.memory_space<vmem_shared>>) target(%dma_start3A_367 : memref<128xf32, #tpu.memory_space<vmem>>) offsets(%dma_start3A_370 : memref<128xi32, #tpu.memory_space<vmem>>) semaphore(%arg20 : memref<!tpu.dma_semaphore, #tpu.memory_space<semaphore_mem>>)
      %dma_start3A_373 = arith.constant 29 : i32
      %dma_start3A_374 = arith.constant 29 : i32
      %dma_start3A_375 = arith.constant 0 : i32
      %dma_start3A_376 = tpu.memref_slice %arg12[%dma_start3A_374, %dma_start3A_375] : memref<40x128xf32, #tpu.memory_space<vmem>> -> memref<1x128xf32, #tpu.memory_space<vmem>>
      %dma_start3A_377 = tpu.memref_squeeze %dma_start3A_376 : memref<1x128xf32, #tpu.memory_space<vmem>> -> memref<128xf32, #tpu.memory_space<vmem>>
      %dma_start3A_378 = arith.constant 0 : i32
      %dma_start3A_379 = tpu.memref_slice %arg8[%dma_start3A_373, %dma_start3A_378] : memref<40x128xi32, #tpu.memory_space<vmem>> -> memref<1x128xi32, #tpu.memory_space<vmem>>
      %dma_start3A_380 = tpu.memref_squeeze %dma_start3A_379 : memref<1x128xi32, #tpu.memory_space<vmem>> -> memref<128xi32, #tpu.memory_space<vmem>>
      %dma_start3A_381 = arith.constant 0 : i32
      %dma_start3A_382 = tpu.memref_slice %arg17[%dma_start3A_381] : memref<499712xf32, #tpu.memory_space<vmem_shared>> -> memref<499712xf32, #tpu.memory_space<vmem_shared>>
      tpu.enqueue_indirect_dma source(%dma_start3A_382 : memref<499712xf32, #tpu.memory_space<vmem_shared>>) target(%dma_start3A_377 : memref<128xf32, #tpu.memory_space<vmem>>) offsets(%dma_start3A_380 : memref<128xi32, #tpu.memory_space<vmem>>) semaphore(%arg20 : memref<!tpu.dma_semaphore, #tpu.memory_space<semaphore_mem>>)
      %dma_start3A_383 = arith.constant 30 : i32
      %dma_start3A_384 = arith.constant 30 : i32
      %dma_start3A_385 = arith.constant 0 : i32
      %dma_start3A_386 = tpu.memref_slice %arg12[%dma_start3A_384, %dma_start3A_385] : memref<40x128xf32, #tpu.memory_space<vmem>> -> memref<1x128xf32, #tpu.memory_space<vmem>>
      %dma_start3A_387 = tpu.memref_squeeze %dma_start3A_386 : memref<1x128xf32, #tpu.memory_space<vmem>> -> memref<128xf32, #tpu.memory_space<vmem>>
      %dma_start3A_388 = arith.constant 0 : i32
      %dma_start3A_389 = tpu.memref_slice %arg8[%dma_start3A_383, %dma_start3A_388] : memref<40x128xi32, #tpu.memory_space<vmem>> -> memref<1x128xi32, #tpu.memory_space<vmem>>
      %dma_start3A_390 = tpu.memref_squeeze %dma_start3A_389 : memref<1x128xi32, #tpu.memory_space<vmem>> -> memref<128xi32, #tpu.memory_space<vmem>>
      %dma_start3A_391 = arith.constant 0 : i32
      %dma_start3A_392 = tpu.memref_slice %arg17[%dma_start3A_391] : memref<499712xf32, #tpu.memory_space<vmem_shared>> -> memref<499712xf32, #tpu.memory_space<vmem_shared>>
      tpu.enqueue_indirect_dma source(%dma_start3A_392 : memref<499712xf32, #tpu.memory_space<vmem_shared>>) target(%dma_start3A_387 : memref<128xf32, #tpu.memory_space<vmem>>) offsets(%dma_start3A_390 : memref<128xi32, #tpu.memory_space<vmem>>) semaphore(%arg20 : memref<!tpu.dma_semaphore, #tpu.memory_space<semaphore_mem>>)
      %dma_start3A_393 = arith.constant 31 : i32
      %dma_start3A_394 = arith.constant 31 : i32
      %dma_start3A_395 = arith.constant 0 : i32
      %dma_start3A_396 = tpu.memref_slice %arg12[%dma_start3A_394, %dma_start3A_395] : memref<40x128xf32, #tpu.memory_space<vmem>> -> memref<1x128xf32, #tpu.memory_space<vmem>>
      %dma_start3A_397 = tpu.memref_squeeze %dma_start3A_396 : memref<1x128xf32, #tpu.memory_space<vmem>> -> memref<128xf32, #tpu.memory_space<vmem>>
      %dma_start3A_398 = arith.constant 0 : i32
      %dma_start3A_399 = tpu.memref_slice %arg8[%dma_start3A_393, %dma_start3A_398] : memref<40x128xi32, #tpu.memory_space<vmem>> -> memref<1x128xi32, #tpu.memory_space<vmem>>
      %dma_start3A_400 = tpu.memref_squeeze %dma_start3A_399 : memref<1x128xi32, #tpu.memory_space<vmem>> -> memref<128xi32, #tpu.memory_space<vmem>>
      %dma_start3A_401 = arith.constant 0 : i32
      %dma_start3A_402 = tpu.memref_slice %arg17[%dma_start3A_401] : memref<499712xf32, #tpu.memory_space<vmem_shared>> -> memref<499712xf32, #tpu.memory_space<vmem_shared>>
      tpu.enqueue_indirect_dma source(%dma_start3A_402 : memref<499712xf32, #tpu.memory_space<vmem_shared>>) target(%dma_start3A_397 : memref<128xf32, #tpu.memory_space<vmem>>) offsets(%dma_start3A_400 : memref<128xi32, #tpu.memory_space<vmem>>) semaphore(%arg20 : memref<!tpu.dma_semaphore, #tpu.memory_space<semaphore_mem>>)
      %dma_start3A_403 = arith.constant 32 : i32
      %dma_start3A_404 = arith.constant 32 : i32
      %dma_start3A_405 = arith.constant 0 : i32
      %dma_start3A_406 = tpu.memref_slice %arg12[%dma_start3A_404, %dma_start3A_405] : memref<40x128xf32, #tpu.memory_space<vmem>> -> memref<1x128xf32, #tpu.memory_space<vmem>>
      %dma_start3A_407 = tpu.memref_squeeze %dma_start3A_406 : memref<1x128xf32, #tpu.memory_space<vmem>> -> memref<128xf32, #tpu.memory_space<vmem>>
      %dma_start3A_408 = arith.constant 0 : i32
      %dma_start3A_409 = tpu.memref_slice %arg8[%dma_start3A_403, %dma_start3A_408] : memref<40x128xi32, #tpu.memory_space<vmem>> -> memref<1x128xi32, #tpu.memory_space<vmem>>
      %dma_start3A_410 = tpu.memref_squeeze %dma_start3A_409 : memref<1x128xi32, #tpu.memory_space<vmem>> -> memref<128xi32, #tpu.memory_space<vmem>>
      %dma_start3A_411 = arith.constant 0 : i32
      %dma_start3A_412 = tpu.memref_slice %arg17[%dma_start3A_411] : memref<499712xf32, #tpu.memory_space<vmem_shared>> -> memref<499712xf32, #tpu.memory_space<vmem_shared>>
      tpu.enqueue_indirect_dma source(%dma_start3A_412 : memref<499712xf32, #tpu.memory_space<vmem_shared>>) target(%dma_start3A_407 : memref<128xf32, #tpu.memory_space<vmem>>) offsets(%dma_start3A_410 : memref<128xi32, #tpu.memory_space<vmem>>) semaphore(%arg20 : memref<!tpu.dma_semaphore, #tpu.memory_space<semaphore_mem>>)
      %dma_start3A_413 = arith.constant 33 : i32
      %dma_start3A_414 = arith.constant 33 : i32
      %dma_start3A_415 = arith.constant 0 : i32
      %dma_start3A_416 = tpu.memref_slice %arg12[%dma_start3A_414, %dma_start3A_415] : memref<40x128xf32, #tpu.memory_space<vmem>> -> memref<1x128xf32, #tpu.memory_space<vmem>>
      %dma_start3A_417 = tpu.memref_squeeze %dma_start3A_416 : memref<1x128xf32, #tpu.memory_space<vmem>> -> memref<128xf32, #tpu.memory_space<vmem>>
      %dma_start3A_418 = arith.constant 0 : i32
      %dma_start3A_419 = tpu.memref_slice %arg8[%dma_start3A_413, %dma_start3A_418] : memref<40x128xi32, #tpu.memory_space<vmem>> -> memref<1x128xi32, #tpu.memory_space<vmem>>
      %dma_start3A_420 = tpu.memref_squeeze %dma_start3A_419 : memref<1x128xi32, #tpu.memory_space<vmem>> -> memref<128xi32, #tpu.memory_space<vmem>>
      %dma_start3A_421 = arith.constant 0 : i32
      %dma_start3A_422 = tpu.memref_slice %arg17[%dma_start3A_421] : memref<499712xf32, #tpu.memory_space<vmem_shared>> -> memref<499712xf32, #tpu.memory_space<vmem_shared>>
      tpu.enqueue_indirect_dma source(%dma_start3A_422 : memref<499712xf32, #tpu.memory_space<vmem_shared>>) target(%dma_start3A_417 : memref<128xf32, #tpu.memory_space<vmem>>) offsets(%dma_start3A_420 : memref<128xi32, #tpu.memory_space<vmem>>) semaphore(%arg20 : memref<!tpu.dma_semaphore, #tpu.memory_space<semaphore_mem>>)
      %dma_start3A_423 = arith.constant 34 : i32
      %dma_start3A_424 = arith.constant 34 : i32
      %dma_start3A_425 = arith.constant 0 : i32
      %dma_start3A_426 = tpu.memref_slice %arg12[%dma_start3A_424, %dma_start3A_425] : memref<40x128xf32, #tpu.memory_space<vmem>> -> memref<1x128xf32, #tpu.memory_space<vmem>>
      %dma_start3A_427 = tpu.memref_squeeze %dma_start3A_426 : memref<1x128xf32, #tpu.memory_space<vmem>> -> memref<128xf32, #tpu.memory_space<vmem>>
      %dma_start3A_428 = arith.constant 0 : i32
      %dma_start3A_429 = tpu.memref_slice %arg8[%dma_start3A_423, %dma_start3A_428] : memref<40x128xi32, #tpu.memory_space<vmem>> -> memref<1x128xi32, #tpu.memory_space<vmem>>
      %dma_start3A_430 = tpu.memref_squeeze %dma_start3A_429 : memref<1x128xi32, #tpu.memory_space<vmem>> -> memref<128xi32, #tpu.memory_space<vmem>>
      %dma_start3A_431 = arith.constant 0 : i32
      %dma_start3A_432 = tpu.memref_slice %arg17[%dma_start3A_431] : memref<499712xf32, #tpu.memory_space<vmem_shared>> -> memref<499712xf32, #tpu.memory_space<vmem_shared>>
      tpu.enqueue_indirect_dma source(%dma_start3A_432 : memref<499712xf32, #tpu.memory_space<vmem_shared>>) target(%dma_start3A_427 : memref<128xf32, #tpu.memory_space<vmem>>) offsets(%dma_start3A_430 : memref<128xi32, #tpu.memory_space<vmem>>) semaphore(%arg20 : memref<!tpu.dma_semaphore, #tpu.memory_space<semaphore_mem>>)
      %dma_start3A_433 = arith.constant 35 : i32
      %dma_start3A_434 = arith.constant 35 : i32
      %dma_start3A_435 = arith.constant 0 : i32
      %dma_start3A_436 = tpu.memref_slice %arg12[%dma_start3A_434, %dma_start3A_435] : memref<40x128xf32, #tpu.memory_space<vmem>> -> memref<1x128xf32, #tpu.memory_space<vmem>>
      %dma_start3A_437 = tpu.memref_squeeze %dma_start3A_436 : memref<1x128xf32, #tpu.memory_space<vmem>> -> memref<128xf32, #tpu.memory_space<vmem>>
      %dma_start3A_438 = arith.constant 0 : i32
      %dma_start3A_439 = tpu.memref_slice %arg8[%dma_start3A_433, %dma_start3A_438] : memref<40x128xi32, #tpu.memory_space<vmem>> -> memref<1x128xi32, #tpu.memory_space<vmem>>
      %dma_start3A_440 = tpu.memref_squeeze %dma_start3A_439 : memref<1x128xi32, #tpu.memory_space<vmem>> -> memref<128xi32, #tpu.memory_space<vmem>>
      %dma_start3A_441 = arith.constant 0 : i32
      %dma_start3A_442 = tpu.memref_slice %arg17[%dma_start3A_441] : memref<499712xf32, #tpu.memory_space<vmem_shared>> -> memref<499712xf32, #tpu.memory_space<vmem_shared>>
      tpu.enqueue_indirect_dma source(%dma_start3A_442 : memref<499712xf32, #tpu.memory_space<vmem_shared>>) target(%dma_start3A_437 : memref<128xf32, #tpu.memory_space<vmem>>) offsets(%dma_start3A_440 : memref<128xi32, #tpu.memory_space<vmem>>) semaphore(%arg20 : memref<!tpu.dma_semaphore, #tpu.memory_space<semaphore_mem>>)
      %dma_start3A_443 = arith.constant 36 : i32
      %dma_start3A_444 = arith.constant 36 : i32
      %dma_start3A_445 = arith.constant 0 : i32
      %dma_start3A_446 = tpu.memref_slice %arg12[%dma_start3A_444, %dma_start3A_445] : memref<40x128xf32, #tpu.memory_space<vmem>> -> memref<1x128xf32, #tpu.memory_space<vmem>>
      %dma_start3A_447 = tpu.memref_squeeze %dma_start3A_446 : memref<1x128xf32, #tpu.memory_space<vmem>> -> memref<128xf32, #tpu.memory_space<vmem>>
      %dma_start3A_448 = arith.constant 0 : i32
      %dma_start3A_449 = tpu.memref_slice %arg8[%dma_start3A_443, %dma_start3A_448] : memref<40x128xi32, #tpu.memory_space<vmem>> -> memref<1x128xi32, #tpu.memory_space<vmem>>
      %dma_start3A_450 = tpu.memref_squeeze %dma_start3A_449 : memref<1x128xi32, #tpu.memory_space<vmem>> -> memref<128xi32, #tpu.memory_space<vmem>>
      %dma_start3A_451 = arith.constant 0 : i32
      %dma_start3A_452 = tpu.memref_slice %arg17[%dma_start3A_451] : memref<499712xf32, #tpu.memory_space<vmem_shared>> -> memref<499712xf32, #tpu.memory_space<vmem_shared>>
      tpu.enqueue_indirect_dma source(%dma_start3A_452 : memref<499712xf32, #tpu.memory_space<vmem_shared>>) target(%dma_start3A_447 : memref<128xf32, #tpu.memory_space<vmem>>) offsets(%dma_start3A_450 : memref<128xi32, #tpu.memory_space<vmem>>) semaphore(%arg20 : memref<!tpu.dma_semaphore, #tpu.memory_space<semaphore_mem>>)
      %dma_start3A_453 = arith.constant 37 : i32
      %dma_start3A_454 = arith.constant 37 : i32
      %dma_start3A_455 = arith.constant 0 : i32
      %dma_start3A_456 = tpu.memref_slice %arg12[%dma_start3A_454, %dma_start3A_455] : memref<40x128xf32, #tpu.memory_space<vmem>> -> memref<1x128xf32, #tpu.memory_space<vmem>>
      %dma_start3A_457 = tpu.memref_squeeze %dma_start3A_456 : memref<1x128xf32, #tpu.memory_space<vmem>> -> memref<128xf32, #tpu.memory_space<vmem>>
      %dma_start3A_458 = arith.constant 0 : i32
      %dma_start3A_459 = tpu.memref_slice %arg8[%dma_start3A_453, %dma_start3A_458] : memref<40x128xi32, #tpu.memory_space<vmem>> -> memref<1x128xi32, #tpu.memory_space<vmem>>
      %dma_start3A_460 = tpu.memref_squeeze %dma_start3A_459 : memref<1x128xi32, #tpu.memory_space<vmem>> -> memref<128xi32, #tpu.memory_space<vmem>>
      %dma_start3A_461 = arith.constant 0 : i32
      %dma_start3A_462 = tpu.memref_slice %arg17[%dma_start3A_461] : memref<499712xf32, #tpu.memory_space<vmem_shared>> -> memref<499712xf32, #tpu.memory_space<vmem_shared>>
      tpu.enqueue_indirect_dma source(%dma_start3A_462 : memref<499712xf32, #tpu.memory_space<vmem_shared>>) target(%dma_start3A_457 : memref<128xf32, #tpu.memory_space<vmem>>) offsets(%dma_start3A_460 : memref<128xi32, #tpu.memory_space<vmem>>) semaphore(%arg20 : memref<!tpu.dma_semaphore, #tpu.memory_space<semaphore_mem>>)
      %dma_start3A_463 = arith.constant 38 : i32
      %dma_start3A_464 = arith.constant 38 : i32
      %dma_start3A_465 = arith.constant 0 : i32
      %dma_start3A_466 = tpu.memref_slice %arg12[%dma_start3A_464, %dma_start3A_465] : memref<40x128xf32, #tpu.memory_space<vmem>> -> memref<1x128xf32, #tpu.memory_space<vmem>>
      %dma_start3A_467 = tpu.memref_squeeze %dma_start3A_466 : memref<1x128xf32, #tpu.memory_space<vmem>> -> memref<128xf32, #tpu.memory_space<vmem>>
      %dma_start3A_468 = arith.constant 0 : i32
      %dma_start3A_469 = tpu.memref_slice %arg8[%dma_start3A_463, %dma_start3A_468] : memref<40x128xi32, #tpu.memory_space<vmem>> -> memref<1x128xi32, #tpu.memory_space<vmem>>
      %dma_start3A_470 = tpu.memref_squeeze %dma_start3A_469 : memref<1x128xi32, #tpu.memory_space<vmem>> -> memref<128xi32, #tpu.memory_space<vmem>>
      %dma_start3A_471 = arith.constant 0 : i32
      %dma_start3A_472 = tpu.memref_slice %arg17[%dma_start3A_471] : memref<499712xf32, #tpu.memory_space<vmem_shared>> -> memref<499712xf32, #tpu.memory_space<vmem_shared>>
      tpu.enqueue_indirect_dma source(%dma_start3A_472 : memref<499712xf32, #tpu.memory_space<vmem_shared>>) target(%dma_start3A_467 : memref<128xf32, #tpu.memory_space<vmem>>) offsets(%dma_start3A_470 : memref<128xi32, #tpu.memory_space<vmem>>) semaphore(%arg20 : memref<!tpu.dma_semaphore, #tpu.memory_space<semaphore_mem>>)
      %dma_start3A_473 = arith.constant 39 : i32
      %dma_start3A_474 = arith.constant 39 : i32
      %dma_start3A_475 = arith.constant 0 : i32
      %dma_start3A_476 = tpu.memref_slice %arg12[%dma_start3A_474, %dma_start3A_475] : memref<40x128xf32, #tpu.memory_space<vmem>> -> memref<1x128xf32, #tpu.memory_space<vmem>>
      %dma_start3A_477 = tpu.memref_squeeze %dma_start3A_476 : memref<1x128xf32, #tpu.memory_space<vmem>> -> memref<128xf32, #tpu.memory_space<vmem>>
      %dma_start3A_478 = arith.constant 0 : i32
      %dma_start3A_479 = tpu.memref_slice %arg8[%dma_start3A_473, %dma_start3A_478] : memref<40x128xi32, #tpu.memory_space<vmem>> -> memref<1x128xi32, #tpu.memory_space<vmem>>
      %dma_start3A_480 = tpu.memref_squeeze %dma_start3A_479 : memref<1x128xi32, #tpu.memory_space<vmem>> -> memref<128xi32, #tpu.memory_space<vmem>>
      %dma_start3A_481 = arith.constant 0 : i32
      %dma_start3A_482 = tpu.memref_slice %arg17[%dma_start3A_481] : memref<499712xf32, #tpu.memory_space<vmem_shared>> -> memref<499712xf32, #tpu.memory_space<vmem_shared>>
      tpu.enqueue_indirect_dma source(%dma_start3A_482 : memref<499712xf32, #tpu.memory_space<vmem_shared>>) target(%dma_start3A_477 : memref<128xf32, #tpu.memory_space<vmem>>) offsets(%dma_start3A_480 : memref<128xi32, #tpu.memory_space<vmem>>) semaphore(%arg20 : memref<!tpu.dma_semaphore, #tpu.memory_space<semaphore_mem>>)
      %dma_wait3A = arith.constant 0 : i32
      %dma_wait3A_483 = arith.constant 0 : i32
      %dma_wait3A_484 = arith.constant 0 : i32
      %dma_wait3A_485 = tpu.memref_slice %arg12[%dma_wait3A_483, %dma_wait3A_484] : memref<40x128xf32, #tpu.memory_space<vmem>> -> memref<1x128xf32, #tpu.memory_space<vmem>>
      %dma_wait3A_486 = tpu.memref_squeeze %dma_wait3A_485 : memref<1x128xf32, #tpu.memory_space<vmem>> -> memref<128xf32, #tpu.memory_space<vmem>>
      %dma_wait3A_487 = arith.constant 0 : i32
      %dma_wait3A_488 = tpu.memref_slice %arg8[%dma_wait3A, %dma_wait3A_487] : memref<40x128xi32, #tpu.memory_space<vmem>> -> memref<1x128xi32, #tpu.memory_space<vmem>>
      %dma_wait3A_489 = tpu.memref_squeeze %dma_wait3A_488 : memref<1x128xi32, #tpu.memory_space<vmem>> -> memref<128xi32, #tpu.memory_space<vmem>>
      %dma_wait3A_490 = arith.constant 0 : i32
      %dma_wait3A_491 = tpu.memref_slice %arg17[%dma_wait3A_490] : memref<499712xf32, #tpu.memory_space<vmem_shared>> -> memref<499712xf32, #tpu.memory_space<vmem_shared>>
      tpu.wait_indirect_dma semaphore(%arg20 : memref<!tpu.dma_semaphore, #tpu.memory_space<semaphore_mem>>) src(%dma_wait3A_491 : memref<499712xf32, #tpu.memory_space<vmem_shared>>) dst(%dma_wait3A_486 : memref<128xf32, #tpu.memory_space<vmem>>)
      %dma_wait3A_492 = arith.constant 1 : i32
      %dma_wait3A_493 = arith.constant 1 : i32
      %dma_wait3A_494 = arith.constant 0 : i32
      %dma_wait3A_495 = tpu.memref_slice %arg12[%dma_wait3A_493, %dma_wait3A_494] : memref<40x128xf32, #tpu.memory_space<vmem>> -> memref<1x128xf32, #tpu.memory_space<vmem>>
      %dma_wait3A_496 = tpu.memref_squeeze %dma_wait3A_495 : memref<1x128xf32, #tpu.memory_space<vmem>> -> memref<128xf32, #tpu.memory_space<vmem>>
      %dma_wait3A_497 = arith.constant 0 : i32
      %dma_wait3A_498 = tpu.memref_slice %arg8[%dma_wait3A_492, %dma_wait3A_497] : memref<40x128xi32, #tpu.memory_space<vmem>> -> memref<1x128xi32, #tpu.memory_space<vmem>>
      %dma_wait3A_499 = tpu.memref_squeeze %dma_wait3A_498 : memref<1x128xi32, #tpu.memory_space<vmem>> -> memref<128xi32, #tpu.memory_space<vmem>>
      %dma_wait3A_500 = arith.constant 0 : i32
      %dma_wait3A_501 = tpu.memref_slice %arg17[%dma_wait3A_500] : memref<499712xf32, #tpu.memory_space<vmem_shared>> -> memref<499712xf32, #tpu.memory_space<vmem_shared>>
      tpu.wait_indirect_dma semaphore(%arg20 : memref<!tpu.dma_semaphore, #tpu.memory_space<semaphore_mem>>) src(%dma_wait3A_501 : memref<499712xf32, #tpu.memory_space<vmem_shared>>) dst(%dma_wait3A_496 : memref<128xf32, #tpu.memory_space<vmem>>)
      %dma_wait3A_502 = arith.constant 2 : i32
      %dma_wait3A_503 = arith.constant 2 : i32
      %dma_wait3A_504 = arith.constant 0 : i32
      %dma_wait3A_505 = tpu.memref_slice %arg12[%dma_wait3A_503, %dma_wait3A_504] : memref<40x128xf32, #tpu.memory_space<vmem>> -> memref<1x128xf32, #tpu.memory_space<vmem>>
      %dma_wait3A_506 = tpu.memref_squeeze %dma_wait3A_505 : memref<1x128xf32, #tpu.memory_space<vmem>> -> memref<128xf32, #tpu.memory_space<vmem>>
      %dma_wait3A_507 = arith.constant 0 : i32
      %dma_wait3A_508 = tpu.memref_slice %arg8[%dma_wait3A_502, %dma_wait3A_507] : memref<40x128xi32, #tpu.memory_space<vmem>> -> memref<1x128xi32, #tpu.memory_space<vmem>>
      %dma_wait3A_509 = tpu.memref_squeeze %dma_wait3A_508 : memref<1x128xi32, #tpu.memory_space<vmem>> -> memref<128xi32, #tpu.memory_space<vmem>>
      %dma_wait3A_510 = arith.constant 0 : i32
      %dma_wait3A_511 = tpu.memref_slice %arg17[%dma_wait3A_510] : memref<499712xf32, #tpu.memory_space<vmem_shared>> -> memref<499712xf32, #tpu.memory_space<vmem_shared>>
      tpu.wait_indirect_dma semaphore(%arg20 : memref<!tpu.dma_semaphore, #tpu.memory_space<semaphore_mem>>) src(%dma_wait3A_511 : memref<499712xf32, #tpu.memory_space<vmem_shared>>) dst(%dma_wait3A_506 : memref<128xf32, #tpu.memory_space<vmem>>)
      %dma_wait3A_512 = arith.constant 3 : i32
      %dma_wait3A_513 = arith.constant 3 : i32
      %dma_wait3A_514 = arith.constant 0 : i32
      %dma_wait3A_515 = tpu.memref_slice %arg12[%dma_wait3A_513, %dma_wait3A_514] : memref<40x128xf32, #tpu.memory_space<vmem>> -> memref<1x128xf32, #tpu.memory_space<vmem>>
      %dma_wait3A_516 = tpu.memref_squeeze %dma_wait3A_515 : memref<1x128xf32, #tpu.memory_space<vmem>> -> memref<128xf32, #tpu.memory_space<vmem>>
      %dma_wait3A_517 = arith.constant 0 : i32
      %dma_wait3A_518 = tpu.memref_slice %arg8[%dma_wait3A_512, %dma_wait3A_517] : memref<40x128xi32, #tpu.memory_space<vmem>> -> memref<1x128xi32, #tpu.memory_space<vmem>>
      %dma_wait3A_519 = tpu.memref_squeeze %dma_wait3A_518 : memref<1x128xi32, #tpu.memory_space<vmem>> -> memref<128xi32, #tpu.memory_space<vmem>>
      %dma_wait3A_520 = arith.constant 0 : i32
      %dma_wait3A_521 = tpu.memref_slice %arg17[%dma_wait3A_520] : memref<499712xf32, #tpu.memory_space<vmem_shared>> -> memref<499712xf32, #tpu.memory_space<vmem_shared>>
      tpu.wait_indirect_dma semaphore(%arg20 : memref<!tpu.dma_semaphore, #tpu.memory_space<semaphore_mem>>) src(%dma_wait3A_521 : memref<499712xf32, #tpu.memory_space<vmem_shared>>) dst(%dma_wait3A_516 : memref<128xf32, #tpu.memory_space<vmem>>)
      %dma_wait3A_522 = arith.constant 4 : i32
      %dma_wait3A_523 = arith.constant 4 : i32
      %dma_wait3A_524 = arith.constant 0 : i32
      %dma_wait3A_525 = tpu.memref_slice %arg12[%dma_wait3A_523, %dma_wait3A_524] : memref<40x128xf32, #tpu.memory_space<vmem>> -> memref<1x128xf32, #tpu.memory_space<vmem>>
      %dma_wait3A_526 = tpu.memref_squeeze %dma_wait3A_525 : memref<1x128xf32, #tpu.memory_space<vmem>> -> memref<128xf32, #tpu.memory_space<vmem>>
      %dma_wait3A_527 = arith.constant 0 : i32
      %dma_wait3A_528 = tpu.memref_slice %arg8[%dma_wait3A_522, %dma_wait3A_527] : memref<40x128xi32, #tpu.memory_space<vmem>> -> memref<1x128xi32, #tpu.memory_space<vmem>>
      %dma_wait3A_529 = tpu.memref_squeeze %dma_wait3A_528 : memref<1x128xi32, #tpu.memory_space<vmem>> -> memref<128xi32, #tpu.memory_space<vmem>>
      %dma_wait3A_530 = arith.constant 0 : i32
      %dma_wait3A_531 = tpu.memref_slice %arg17[%dma_wait3A_530] : memref<499712xf32, #tpu.memory_space<vmem_shared>> -> memref<499712xf32, #tpu.memory_space<vmem_shared>>
      tpu.wait_indirect_dma semaphore(%arg20 : memref<!tpu.dma_semaphore, #tpu.memory_space<semaphore_mem>>) src(%dma_wait3A_531 : memref<499712xf32, #tpu.memory_space<vmem_shared>>) dst(%dma_wait3A_526 : memref<128xf32, #tpu.memory_space<vmem>>)
      %dma_wait3A_532 = arith.constant 5 : i32
      %dma_wait3A_533 = arith.constant 5 : i32
      %dma_wait3A_534 = arith.constant 0 : i32
      %dma_wait3A_535 = tpu.memref_slice %arg12[%dma_wait3A_533, %dma_wait3A_534] : memref<40x128xf32, #tpu.memory_space<vmem>> -> memref<1x128xf32, #tpu.memory_space<vmem>>
      %dma_wait3A_536 = tpu.memref_squeeze %dma_wait3A_535 : memref<1x128xf32, #tpu.memory_space<vmem>> -> memref<128xf32, #tpu.memory_space<vmem>>
      %dma_wait3A_537 = arith.constant 0 : i32
      %dma_wait3A_538 = tpu.memref_slice %arg8[%dma_wait3A_532, %dma_wait3A_537] : memref<40x128xi32, #tpu.memory_space<vmem>> -> memref<1x128xi32, #tpu.memory_space<vmem>>
      %dma_wait3A_539 = tpu.memref_squeeze %dma_wait3A_538 : memref<1x128xi32, #tpu.memory_space<vmem>> -> memref<128xi32, #tpu.memory_space<vmem>>
      %dma_wait3A_540 = arith.constant 0 : i32
      %dma_wait3A_541 = tpu.memref_slice %arg17[%dma_wait3A_540] : memref<499712xf32, #tpu.memory_space<vmem_shared>> -> memref<499712xf32, #tpu.memory_space<vmem_shared>>
      tpu.wait_indirect_dma semaphore(%arg20 : memref<!tpu.dma_semaphore, #tpu.memory_space<semaphore_mem>>) src(%dma_wait3A_541 : memref<499712xf32, #tpu.memory_space<vmem_shared>>) dst(%dma_wait3A_536 : memref<128xf32, #tpu.memory_space<vmem>>)
      %dma_wait3A_542 = arith.constant 6 : i32
      %dma_wait3A_543 = arith.constant 6 : i32
      %dma_wait3A_544 = arith.constant 0 : i32
      %dma_wait3A_545 = tpu.memref_slice %arg12[%dma_wait3A_543, %dma_wait3A_544] : memref<40x128xf32, #tpu.memory_space<vmem>> -> memref<1x128xf32, #tpu.memory_space<vmem>>
      %dma_wait3A_546 = tpu.memref_squeeze %dma_wait3A_545 : memref<1x128xf32, #tpu.memory_space<vmem>> -> memref<128xf32, #tpu.memory_space<vmem>>
      %dma_wait3A_547 = arith.constant 0 : i32
      %dma_wait3A_548 = tpu.memref_slice %arg8[%dma_wait3A_542, %dma_wait3A_547] : memref<40x128xi32, #tpu.memory_space<vmem>> -> memref<1x128xi32, #tpu.memory_space<vmem>>
      %dma_wait3A_549 = tpu.memref_squeeze %dma_wait3A_548 : memref<1x128xi32, #tpu.memory_space<vmem>> -> memref<128xi32, #tpu.memory_space<vmem>>
      %dma_wait3A_550 = arith.constant 0 : i32
      %dma_wait3A_551 = tpu.memref_slice %arg17[%dma_wait3A_550] : memref<499712xf32, #tpu.memory_space<vmem_shared>> -> memref<499712xf32, #tpu.memory_space<vmem_shared>>
      tpu.wait_indirect_dma semaphore(%arg20 : memref<!tpu.dma_semaphore, #tpu.memory_space<semaphore_mem>>) src(%dma_wait3A_551 : memref<499712xf32, #tpu.memory_space<vmem_shared>>) dst(%dma_wait3A_546 : memref<128xf32, #tpu.memory_space<vmem>>)
      %dma_wait3A_552 = arith.constant 7 : i32
      %dma_wait3A_553 = arith.constant 7 : i32
      %dma_wait3A_554 = arith.constant 0 : i32
      %dma_wait3A_555 = tpu.memref_slice %arg12[%dma_wait3A_553, %dma_wait3A_554] : memref<40x128xf32, #tpu.memory_space<vmem>> -> memref<1x128xf32, #tpu.memory_space<vmem>>
      %dma_wait3A_556 = tpu.memref_squeeze %dma_wait3A_555 : memref<1x128xf32, #tpu.memory_space<vmem>> -> memref<128xf32, #tpu.memory_space<vmem>>
      %dma_wait3A_557 = arith.constant 0 : i32
      %dma_wait3A_558 = tpu.memref_slice %arg8[%dma_wait3A_552, %dma_wait3A_557] : memref<40x128xi32, #tpu.memory_space<vmem>> -> memref<1x128xi32, #tpu.memory_space<vmem>>
      %dma_wait3A_559 = tpu.memref_squeeze %dma_wait3A_558 : memref<1x128xi32, #tpu.memory_space<vmem>> -> memref<128xi32, #tpu.memory_space<vmem>>
      %dma_wait3A_560 = arith.constant 0 : i32
      %dma_wait3A_561 = tpu.memref_slice %arg17[%dma_wait3A_560] : memref<499712xf32, #tpu.memory_space<vmem_shared>> -> memref<499712xf32, #tpu.memory_space<vmem_shared>>
      tpu.wait_indirect_dma semaphore(%arg20 : memref<!tpu.dma_semaphore, #tpu.memory_space<semaphore_mem>>) src(%dma_wait3A_561 : memref<499712xf32, #tpu.memory_space<vmem_shared>>) dst(%dma_wait3A_556 : memref<128xf32, #tpu.memory_space<vmem>>)
      %dma_wait3A_562 = arith.constant 8 : i32
      %dma_wait3A_563 = arith.constant 8 : i32
      %dma_wait3A_564 = arith.constant 0 : i32
      %dma_wait3A_565 = tpu.memref_slice %arg12[%dma_wait3A_563, %dma_wait3A_564] : memref<40x128xf32, #tpu.memory_space<vmem>> -> memref<1x128xf32, #tpu.memory_space<vmem>>
      %dma_wait3A_566 = tpu.memref_squeeze %dma_wait3A_565 : memref<1x128xf32, #tpu.memory_space<vmem>> -> memref<128xf32, #tpu.memory_space<vmem>>
      %dma_wait3A_567 = arith.constant 0 : i32
      %dma_wait3A_568 = tpu.memref_slice %arg8[%dma_wait3A_562, %dma_wait3A_567] : memref<40x128xi32, #tpu.memory_space<vmem>> -> memref<1x128xi32, #tpu.memory_space<vmem>>
      %dma_wait3A_569 = tpu.memref_squeeze %dma_wait3A_568 : memref<1x128xi32, #tpu.memory_space<vmem>> -> memref<128xi32, #tpu.memory_space<vmem>>
      %dma_wait3A_570 = arith.constant 0 : i32
      %dma_wait3A_571 = tpu.memref_slice %arg17[%dma_wait3A_570] : memref<499712xf32, #tpu.memory_space<vmem_shared>> -> memref<499712xf32, #tpu.memory_space<vmem_shared>>
      tpu.wait_indirect_dma semaphore(%arg20 : memref<!tpu.dma_semaphore, #tpu.memory_space<semaphore_mem>>) src(%dma_wait3A_571 : memref<499712xf32, #tpu.memory_space<vmem_shared>>) dst(%dma_wait3A_566 : memref<128xf32, #tpu.memory_space<vmem>>)
      %dma_wait3A_572 = arith.constant 9 : i32
      %dma_wait3A_573 = arith.constant 9 : i32
      %dma_wait3A_574 = arith.constant 0 : i32
      %dma_wait3A_575 = tpu.memref_slice %arg12[%dma_wait3A_573, %dma_wait3A_574] : memref<40x128xf32, #tpu.memory_space<vmem>> -> memref<1x128xf32, #tpu.memory_space<vmem>>
      %dma_wait3A_576 = tpu.memref_squeeze %dma_wait3A_575 : memref<1x128xf32, #tpu.memory_space<vmem>> -> memref<128xf32, #tpu.memory_space<vmem>>
      %dma_wait3A_577 = arith.constant 0 : i32
      %dma_wait3A_578 = tpu.memref_slice %arg8[%dma_wait3A_572, %dma_wait3A_577] : memref<40x128xi32, #tpu.memory_space<vmem>> -> memref<1x128xi32, #tpu.memory_space<vmem>>
      %dma_wait3A_579 = tpu.memref_squeeze %dma_wait3A_578 : memref<1x128xi32, #tpu.memory_space<vmem>> -> memref<128xi32, #tpu.memory_space<vmem>>
      %dma_wait3A_580 = arith.constant 0 : i32
      %dma_wait3A_581 = tpu.memref_slice %arg17[%dma_wait3A_580] : memref<499712xf32, #tpu.memory_space<vmem_shared>> -> memref<499712xf32, #tpu.memory_space<vmem_shared>>
      tpu.wait_indirect_dma semaphore(%arg20 : memref<!tpu.dma_semaphore, #tpu.memory_space<semaphore_mem>>) src(%dma_wait3A_581 : memref<499712xf32, #tpu.memory_space<vmem_shared>>) dst(%dma_wait3A_576 : memref<128xf32, #tpu.memory_space<vmem>>)
      %dma_wait3A_582 = arith.constant 10 : i32
      %dma_wait3A_583 = arith.constant 10 : i32
      %dma_wait3A_584 = arith.constant 0 : i32
      %dma_wait3A_585 = tpu.memref_slice %arg12[%dma_wait3A_583, %dma_wait3A_584] : memref<40x128xf32, #tpu.memory_space<vmem>> -> memref<1x128xf32, #tpu.memory_space<vmem>>
      %dma_wait3A_586 = tpu.memref_squeeze %dma_wait3A_585 : memref<1x128xf32, #tpu.memory_space<vmem>> -> memref<128xf32, #tpu.memory_space<vmem>>
      %dma_wait3A_587 = arith.constant 0 : i32
      %dma_wait3A_588 = tpu.memref_slice %arg8[%dma_wait3A_582, %dma_wait3A_587] : memref<40x128xi32, #tpu.memory_space<vmem>> -> memref<1x128xi32, #tpu.memory_space<vmem>>
      %dma_wait3A_589 = tpu.memref_squeeze %dma_wait3A_588 : memref<1x128xi32, #tpu.memory_space<vmem>> -> memref<128xi32, #tpu.memory_space<vmem>>
      %dma_wait3A_590 = arith.constant 0 : i32
      %dma_wait3A_591 = tpu.memref_slice %arg17[%dma_wait3A_590] : memref<499712xf32, #tpu.memory_space<vmem_shared>> -> memref<499712xf32, #tpu.memory_space<vmem_shared>>
      tpu.wait_indirect_dma semaphore(%arg20 : memref<!tpu.dma_semaphore, #tpu.memory_space<semaphore_mem>>) src(%dma_wait3A_591 : memref<499712xf32, #tpu.memory_space<vmem_shared>>) dst(%dma_wait3A_586 : memref<128xf32, #tpu.memory_space<vmem>>)
      %dma_wait3A_592 = arith.constant 11 : i32
      %dma_wait3A_593 = arith.constant 11 : i32
      %dma_wait3A_594 = arith.constant 0 : i32
      %dma_wait3A_595 = tpu.memref_slice %arg12[%dma_wait3A_593, %dma_wait3A_594] : memref<40x128xf32, #tpu.memory_space<vmem>> -> memref<1x128xf32, #tpu.memory_space<vmem>>
      %dma_wait3A_596 = tpu.memref_squeeze %dma_wait3A_595 : memref<1x128xf32, #tpu.memory_space<vmem>> -> memref<128xf32, #tpu.memory_space<vmem>>
      %dma_wait3A_597 = arith.constant 0 : i32
      %dma_wait3A_598 = tpu.memref_slice %arg8[%dma_wait3A_592, %dma_wait3A_597] : memref<40x128xi32, #tpu.memory_space<vmem>> -> memref<1x128xi32, #tpu.memory_space<vmem>>
      %dma_wait3A_599 = tpu.memref_squeeze %dma_wait3A_598 : memref<1x128xi32, #tpu.memory_space<vmem>> -> memref<128xi32, #tpu.memory_space<vmem>>
      %dma_wait3A_600 = arith.constant 0 : i32
      %dma_wait3A_601 = tpu.memref_slice %arg17[%dma_wait3A_600] : memref<499712xf32, #tpu.memory_space<vmem_shared>> -> memref<499712xf32, #tpu.memory_space<vmem_shared>>
      tpu.wait_indirect_dma semaphore(%arg20 : memref<!tpu.dma_semaphore, #tpu.memory_space<semaphore_mem>>) src(%dma_wait3A_601 : memref<499712xf32, #tpu.memory_space<vmem_shared>>) dst(%dma_wait3A_596 : memref<128xf32, #tpu.memory_space<vmem>>)
      %dma_wait3A_602 = arith.constant 12 : i32
      %dma_wait3A_603 = arith.constant 12 : i32
      %dma_wait3A_604 = arith.constant 0 : i32
      %dma_wait3A_605 = tpu.memref_slice %arg12[%dma_wait3A_603, %dma_wait3A_604] : memref<40x128xf32, #tpu.memory_space<vmem>> -> memref<1x128xf32, #tpu.memory_space<vmem>>
      %dma_wait3A_606 = tpu.memref_squeeze %dma_wait3A_605 : memref<1x128xf32, #tpu.memory_space<vmem>> -> memref<128xf32, #tpu.memory_space<vmem>>
      %dma_wait3A_607 = arith.constant 0 : i32
      %dma_wait3A_608 = tpu.memref_slice %arg8[%dma_wait3A_602, %dma_wait3A_607] : memref<40x128xi32, #tpu.memory_space<vmem>> -> memref<1x128xi32, #tpu.memory_space<vmem>>
      %dma_wait3A_609 = tpu.memref_squeeze %dma_wait3A_608 : memref<1x128xi32, #tpu.memory_space<vmem>> -> memref<128xi32, #tpu.memory_space<vmem>>
      %dma_wait3A_610 = arith.constant 0 : i32
      %dma_wait3A_611 = tpu.memref_slice %arg17[%dma_wait3A_610] : memref<499712xf32, #tpu.memory_space<vmem_shared>> -> memref<499712xf32, #tpu.memory_space<vmem_shared>>
      tpu.wait_indirect_dma semaphore(%arg20 : memref<!tpu.dma_semaphore, #tpu.memory_space<semaphore_mem>>) src(%dma_wait3A_611 : memref<499712xf32, #tpu.memory_space<vmem_shared>>) dst(%dma_wait3A_606 : memref<128xf32, #tpu.memory_space<vmem>>)
      %dma_wait3A_612 = arith.constant 13 : i32
      %dma_wait3A_613 = arith.constant 13 : i32
      %dma_wait3A_614 = arith.constant 0 : i32
      %dma_wait3A_615 = tpu.memref_slice %arg12[%dma_wait3A_613, %dma_wait3A_614] : memref<40x128xf32, #tpu.memory_space<vmem>> -> memref<1x128xf32, #tpu.memory_space<vmem>>
      %dma_wait3A_616 = tpu.memref_squeeze %dma_wait3A_615 : memref<1x128xf32, #tpu.memory_space<vmem>> -> memref<128xf32, #tpu.memory_space<vmem>>
      %dma_wait3A_617 = arith.constant 0 : i32
      %dma_wait3A_618 = tpu.memref_slice %arg8[%dma_wait3A_612, %dma_wait3A_617] : memref<40x128xi32, #tpu.memory_space<vmem>> -> memref<1x128xi32, #tpu.memory_space<vmem>>
      %dma_wait3A_619 = tpu.memref_squeeze %dma_wait3A_618 : memref<1x128xi32, #tpu.memory_space<vmem>> -> memref<128xi32, #tpu.memory_space<vmem>>
      %dma_wait3A_620 = arith.constant 0 : i32
      %dma_wait3A_621 = tpu.memref_slice %arg17[%dma_wait3A_620] : memref<499712xf32, #tpu.memory_space<vmem_shared>> -> memref<499712xf32, #tpu.memory_space<vmem_shared>>
      tpu.wait_indirect_dma semaphore(%arg20 : memref<!tpu.dma_semaphore, #tpu.memory_space<semaphore_mem>>) src(%dma_wait3A_621 : memref<499712xf32, #tpu.memory_space<vmem_shared>>) dst(%dma_wait3A_616 : memref<128xf32, #tpu.memory_space<vmem>>)
      %dma_wait3A_622 = arith.constant 14 : i32
      %dma_wait3A_623 = arith.constant 14 : i32
      %dma_wait3A_624 = arith.constant 0 : i32
      %dma_wait3A_625 = tpu.memref_slice %arg12[%dma_wait3A_623, %dma_wait3A_624] : memref<40x128xf32, #tpu.memory_space<vmem>> -> memref<1x128xf32, #tpu.memory_space<vmem>>
      %dma_wait3A_626 = tpu.memref_squeeze %dma_wait3A_625 : memref<1x128xf32, #tpu.memory_space<vmem>> -> memref<128xf32, #tpu.memory_space<vmem>>
      %dma_wait3A_627 = arith.constant 0 : i32
      %dma_wait3A_628 = tpu.memref_slice %arg8[%dma_wait3A_622, %dma_wait3A_627] : memref<40x128xi32, #tpu.memory_space<vmem>> -> memref<1x128xi32, #tpu.memory_space<vmem>>
      %dma_wait3A_629 = tpu.memref_squeeze %dma_wait3A_628 : memref<1x128xi32, #tpu.memory_space<vmem>> -> memref<128xi32, #tpu.memory_space<vmem>>
      %dma_wait3A_630 = arith.constant 0 : i32
      %dma_wait3A_631 = tpu.memref_slice %arg17[%dma_wait3A_630] : memref<499712xf32, #tpu.memory_space<vmem_shared>> -> memref<499712xf32, #tpu.memory_space<vmem_shared>>
      tpu.wait_indirect_dma semaphore(%arg20 : memref<!tpu.dma_semaphore, #tpu.memory_space<semaphore_mem>>) src(%dma_wait3A_631 : memref<499712xf32, #tpu.memory_space<vmem_shared>>) dst(%dma_wait3A_626 : memref<128xf32, #tpu.memory_space<vmem>>)
      %dma_wait3A_632 = arith.constant 15 : i32
      %dma_wait3A_633 = arith.constant 15 : i32
      %dma_wait3A_634 = arith.constant 0 : i32
      %dma_wait3A_635 = tpu.memref_slice %arg12[%dma_wait3A_633, %dma_wait3A_634] : memref<40x128xf32, #tpu.memory_space<vmem>> -> memref<1x128xf32, #tpu.memory_space<vmem>>
      %dma_wait3A_636 = tpu.memref_squeeze %dma_wait3A_635 : memref<1x128xf32, #tpu.memory_space<vmem>> -> memref<128xf32, #tpu.memory_space<vmem>>
      %dma_wait3A_637 = arith.constant 0 : i32
      %dma_wait3A_638 = tpu.memref_slice %arg8[%dma_wait3A_632, %dma_wait3A_637] : memref<40x128xi32, #tpu.memory_space<vmem>> -> memref<1x128xi32, #tpu.memory_space<vmem>>
      %dma_wait3A_639 = tpu.memref_squeeze %dma_wait3A_638 : memref<1x128xi32, #tpu.memory_space<vmem>> -> memref<128xi32, #tpu.memory_space<vmem>>
      %dma_wait3A_640 = arith.constant 0 : i32
      %dma_wait3A_641 = tpu.memref_slice %arg17[%dma_wait3A_640] : memref<499712xf32, #tpu.memory_space<vmem_shared>> -> memref<499712xf32, #tpu.memory_space<vmem_shared>>
      tpu.wait_indirect_dma semaphore(%arg20 : memref<!tpu.dma_semaphore, #tpu.memory_space<semaphore_mem>>) src(%dma_wait3A_641 : memref<499712xf32, #tpu.memory_space<vmem_shared>>) dst(%dma_wait3A_636 : memref<128xf32, #tpu.memory_space<vmem>>)
      %dma_wait3A_642 = arith.constant 16 : i32
      %dma_wait3A_643 = arith.constant 16 : i32
      %dma_wait3A_644 = arith.constant 0 : i32
      %dma_wait3A_645 = tpu.memref_slice %arg12[%dma_wait3A_643, %dma_wait3A_644] : memref<40x128xf32, #tpu.memory_space<vmem>> -> memref<1x128xf32, #tpu.memory_space<vmem>>
      %dma_wait3A_646 = tpu.memref_squeeze %dma_wait3A_645 : memref<1x128xf32, #tpu.memory_space<vmem>> -> memref<128xf32, #tpu.memory_space<vmem>>
      %dma_wait3A_647 = arith.constant 0 : i32
      %dma_wait3A_648 = tpu.memref_slice %arg8[%dma_wait3A_642, %dma_wait3A_647] : memref<40x128xi32, #tpu.memory_space<vmem>> -> memref<1x128xi32, #tpu.memory_space<vmem>>
      %dma_wait3A_649 = tpu.memref_squeeze %dma_wait3A_648 : memref<1x128xi32, #tpu.memory_space<vmem>> -> memref<128xi32, #tpu.memory_space<vmem>>
      %dma_wait3A_650 = arith.constant 0 : i32
      %dma_wait3A_651 = tpu.memref_slice %arg17[%dma_wait3A_650] : memref<499712xf32, #tpu.memory_space<vmem_shared>> -> memref<499712xf32, #tpu.memory_space<vmem_shared>>
      tpu.wait_indirect_dma semaphore(%arg20 : memref<!tpu.dma_semaphore, #tpu.memory_space<semaphore_mem>>) src(%dma_wait3A_651 : memref<499712xf32, #tpu.memory_space<vmem_shared>>) dst(%dma_wait3A_646 : memref<128xf32, #tpu.memory_space<vmem>>)
      %dma_wait3A_652 = arith.constant 17 : i32
      %dma_wait3A_653 = arith.constant 17 : i32
      %dma_wait3A_654 = arith.constant 0 : i32
      %dma_wait3A_655 = tpu.memref_slice %arg12[%dma_wait3A_653, %dma_wait3A_654] : memref<40x128xf32, #tpu.memory_space<vmem>> -> memref<1x128xf32, #tpu.memory_space<vmem>>
      %dma_wait3A_656 = tpu.memref_squeeze %dma_wait3A_655 : memref<1x128xf32, #tpu.memory_space<vmem>> -> memref<128xf32, #tpu.memory_space<vmem>>
      %dma_wait3A_657 = arith.constant 0 : i32
      %dma_wait3A_658 = tpu.memref_slice %arg8[%dma_wait3A_652, %dma_wait3A_657] : memref<40x128xi32, #tpu.memory_space<vmem>> -> memref<1x128xi32, #tpu.memory_space<vmem>>
      %dma_wait3A_659 = tpu.memref_squeeze %dma_wait3A_658 : memref<1x128xi32, #tpu.memory_space<vmem>> -> memref<128xi32, #tpu.memory_space<vmem>>
      %dma_wait3A_660 = arith.constant 0 : i32
      %dma_wait3A_661 = tpu.memref_slice %arg17[%dma_wait3A_660] : memref<499712xf32, #tpu.memory_space<vmem_shared>> -> memref<499712xf32, #tpu.memory_space<vmem_shared>>
      tpu.wait_indirect_dma semaphore(%arg20 : memref<!tpu.dma_semaphore, #tpu.memory_space<semaphore_mem>>) src(%dma_wait3A_661 : memref<499712xf32, #tpu.memory_space<vmem_shared>>) dst(%dma_wait3A_656 : memref<128xf32, #tpu.memory_space<vmem>>)
      %dma_wait3A_662 = arith.constant 18 : i32
      %dma_wait3A_663 = arith.constant 18 : i32
      %dma_wait3A_664 = arith.constant 0 : i32
      %dma_wait3A_665 = tpu.memref_slice %arg12[%dma_wait3A_663, %dma_wait3A_664] : memref<40x128xf32, #tpu.memory_space<vmem>> -> memref<1x128xf32, #tpu.memory_space<vmem>>
      %dma_wait3A_666 = tpu.memref_squeeze %dma_wait3A_665 : memref<1x128xf32, #tpu.memory_space<vmem>> -> memref<128xf32, #tpu.memory_space<vmem>>
      %dma_wait3A_667 = arith.constant 0 : i32
      %dma_wait3A_668 = tpu.memref_slice %arg8[%dma_wait3A_662, %dma_wait3A_667] : memref<40x128xi32, #tpu.memory_space<vmem>> -> memref<1x128xi32, #tpu.memory_space<vmem>>
      %dma_wait3A_669 = tpu.memref_squeeze %dma_wait3A_668 : memref<1x128xi32, #tpu.memory_space<vmem>> -> memref<128xi32, #tpu.memory_space<vmem>>
      %dma_wait3A_670 = arith.constant 0 : i32
      %dma_wait3A_671 = tpu.memref_slice %arg17[%dma_wait3A_670] : memref<499712xf32, #tpu.memory_space<vmem_shared>> -> memref<499712xf32, #tpu.memory_space<vmem_shared>>
      tpu.wait_indirect_dma semaphore(%arg20 : memref<!tpu.dma_semaphore, #tpu.memory_space<semaphore_mem>>) src(%dma_wait3A_671 : memref<499712xf32, #tpu.memory_space<vmem_shared>>) dst(%dma_wait3A_666 : memref<128xf32, #tpu.memory_space<vmem>>)
      %dma_wait3A_672 = arith.constant 19 : i32
      %dma_wait3A_673 = arith.constant 19 : i32
      %dma_wait3A_674 = arith.constant 0 : i32
      %dma_wait3A_675 = tpu.memref_slice %arg12[%dma_wait3A_673, %dma_wait3A_674] : memref<40x128xf32, #tpu.memory_space<vmem>> -> memref<1x128xf32, #tpu.memory_space<vmem>>
      %dma_wait3A_676 = tpu.memref_squeeze %dma_wait3A_675 : memref<1x128xf32, #tpu.memory_space<vmem>> -> memref<128xf32, #tpu.memory_space<vmem>>
      %dma_wait3A_677 = arith.constant 0 : i32
      %dma_wait3A_678 = tpu.memref_slice %arg8[%dma_wait3A_672, %dma_wait3A_677] : memref<40x128xi32, #tpu.memory_space<vmem>> -> memref<1x128xi32, #tpu.memory_space<vmem>>
      %dma_wait3A_679 = tpu.memref_squeeze %dma_wait3A_678 : memref<1x128xi32, #tpu.memory_space<vmem>> -> memref<128xi32, #tpu.memory_space<vmem>>
      %dma_wait3A_680 = arith.constant 0 : i32
      %dma_wait3A_681 = tpu.memref_slice %arg17[%dma_wait3A_680] : memref<499712xf32, #tpu.memory_space<vmem_shared>> -> memref<499712xf32, #tpu.memory_space<vmem_shared>>
      tpu.wait_indirect_dma semaphore(%arg20 : memref<!tpu.dma_semaphore, #tpu.memory_space<semaphore_mem>>) src(%dma_wait3A_681 : memref<499712xf32, #tpu.memory_space<vmem_shared>>) dst(%dma_wait3A_676 : memref<128xf32, #tpu.memory_space<vmem>>)
      %dma_wait3A_682 = arith.constant 20 : i32
      %dma_wait3A_683 = arith.constant 20 : i32
      %dma_wait3A_684 = arith.constant 0 : i32
      %dma_wait3A_685 = tpu.memref_slice %arg12[%dma_wait3A_683, %dma_wait3A_684] : memref<40x128xf32, #tpu.memory_space<vmem>> -> memref<1x128xf32, #tpu.memory_space<vmem>>
      %dma_wait3A_686 = tpu.memref_squeeze %dma_wait3A_685 : memref<1x128xf32, #tpu.memory_space<vmem>> -> memref<128xf32, #tpu.memory_space<vmem>>
      %dma_wait3A_687 = arith.constant 0 : i32
      %dma_wait3A_688 = tpu.memref_slice %arg8[%dma_wait3A_682, %dma_wait3A_687] : memref<40x128xi32, #tpu.memory_space<vmem>> -> memref<1x128xi32, #tpu.memory_space<vmem>>
      %dma_wait3A_689 = tpu.memref_squeeze %dma_wait3A_688 : memref<1x128xi32, #tpu.memory_space<vmem>> -> memref<128xi32, #tpu.memory_space<vmem>>
      %dma_wait3A_690 = arith.constant 0 : i32
      %dma_wait3A_691 = tpu.memref_slice %arg17[%dma_wait3A_690] : memref<499712xf32, #tpu.memory_space<vmem_shared>> -> memref<499712xf32, #tpu.memory_space<vmem_shared>>
      tpu.wait_indirect_dma semaphore(%arg20 : memref<!tpu.dma_semaphore, #tpu.memory_space<semaphore_mem>>) src(%dma_wait3A_691 : memref<499712xf32, #tpu.memory_space<vmem_shared>>) dst(%dma_wait3A_686 : memref<128xf32, #tpu.memory_space<vmem>>)
      %dma_wait3A_692 = arith.constant 21 : i32
      %dma_wait3A_693 = arith.constant 21 : i32
      %dma_wait3A_694 = arith.constant 0 : i32
      %dma_wait3A_695 = tpu.memref_slice %arg12[%dma_wait3A_693, %dma_wait3A_694] : memref<40x128xf32, #tpu.memory_space<vmem>> -> memref<1x128xf32, #tpu.memory_space<vmem>>
      %dma_wait3A_696 = tpu.memref_squeeze %dma_wait3A_695 : memref<1x128xf32, #tpu.memory_space<vmem>> -> memref<128xf32, #tpu.memory_space<vmem>>
      %dma_wait3A_697 = arith.constant 0 : i32
      %dma_wait3A_698 = tpu.memref_slice %arg8[%dma_wait3A_692, %dma_wait3A_697] : memref<40x128xi32, #tpu.memory_space<vmem>> -> memref<1x128xi32, #tpu.memory_space<vmem>>
      %dma_wait3A_699 = tpu.memref_squeeze %dma_wait3A_698 : memref<1x128xi32, #tpu.memory_space<vmem>> -> memref<128xi32, #tpu.memory_space<vmem>>
      %dma_wait3A_700 = arith.constant 0 : i32
      %dma_wait3A_701 = tpu.memref_slice %arg17[%dma_wait3A_700] : memref<499712xf32, #tpu.memory_space<vmem_shared>> -> memref<499712xf32, #tpu.memory_space<vmem_shared>>
      tpu.wait_indirect_dma semaphore(%arg20 : memref<!tpu.dma_semaphore, #tpu.memory_space<semaphore_mem>>) src(%dma_wait3A_701 : memref<499712xf32, #tpu.memory_space<vmem_shared>>) dst(%dma_wait3A_696 : memref<128xf32, #tpu.memory_space<vmem>>)
      %dma_wait3A_702 = arith.constant 22 : i32
      %dma_wait3A_703 = arith.constant 22 : i32
      %dma_wait3A_704 = arith.constant 0 : i32
      %dma_wait3A_705 = tpu.memref_slice %arg12[%dma_wait3A_703, %dma_wait3A_704] : memref<40x128xf32, #tpu.memory_space<vmem>> -> memref<1x128xf32, #tpu.memory_space<vmem>>
      %dma_wait3A_706 = tpu.memref_squeeze %dma_wait3A_705 : memref<1x128xf32, #tpu.memory_space<vmem>> -> memref<128xf32, #tpu.memory_space<vmem>>
      %dma_wait3A_707 = arith.constant 0 : i32
      %dma_wait3A_708 = tpu.memref_slice %arg8[%dma_wait3A_702, %dma_wait3A_707] : memref<40x128xi32, #tpu.memory_space<vmem>> -> memref<1x128xi32, #tpu.memory_space<vmem>>
      %dma_wait3A_709 = tpu.memref_squeeze %dma_wait3A_708 : memref<1x128xi32, #tpu.memory_space<vmem>> -> memref<128xi32, #tpu.memory_space<vmem>>
      %dma_wait3A_710 = arith.constant 0 : i32
      %dma_wait3A_711 = tpu.memref_slice %arg17[%dma_wait3A_710] : memref<499712xf32, #tpu.memory_space<vmem_shared>> -> memref<499712xf32, #tpu.memory_space<vmem_shared>>
      tpu.wait_indirect_dma semaphore(%arg20 : memref<!tpu.dma_semaphore, #tpu.memory_space<semaphore_mem>>) src(%dma_wait3A_711 : memref<499712xf32, #tpu.memory_space<vmem_shared>>) dst(%dma_wait3A_706 : memref<128xf32, #tpu.memory_space<vmem>>)
      %dma_wait3A_712 = arith.constant 23 : i32
      %dma_wait3A_713 = arith.constant 23 : i32
      %dma_wait3A_714 = arith.constant 0 : i32
      %dma_wait3A_715 = tpu.memref_slice %arg12[%dma_wait3A_713, %dma_wait3A_714] : memref<40x128xf32, #tpu.memory_space<vmem>> -> memref<1x128xf32, #tpu.memory_space<vmem>>
      %dma_wait3A_716 = tpu.memref_squeeze %dma_wait3A_715 : memref<1x128xf32, #tpu.memory_space<vmem>> -> memref<128xf32, #tpu.memory_space<vmem>>
      %dma_wait3A_717 = arith.constant 0 : i32
      %dma_wait3A_718 = tpu.memref_slice %arg8[%dma_wait3A_712, %dma_wait3A_717] : memref<40x128xi32, #tpu.memory_space<vmem>> -> memref<1x128xi32, #tpu.memory_space<vmem>>
      %dma_wait3A_719 = tpu.memref_squeeze %dma_wait3A_718 : memref<1x128xi32, #tpu.memory_space<vmem>> -> memref<128xi32, #tpu.memory_space<vmem>>
      %dma_wait3A_720 = arith.constant 0 : i32
      %dma_wait3A_721 = tpu.memref_slice %arg17[%dma_wait3A_720] : memref<499712xf32, #tpu.memory_space<vmem_shared>> -> memref<499712xf32, #tpu.memory_space<vmem_shared>>
      tpu.wait_indirect_dma semaphore(%arg20 : memref<!tpu.dma_semaphore, #tpu.memory_space<semaphore_mem>>) src(%dma_wait3A_721 : memref<499712xf32, #tpu.memory_space<vmem_shared>>) dst(%dma_wait3A_716 : memref<128xf32, #tpu.memory_space<vmem>>)
      %dma_wait3A_722 = arith.constant 24 : i32
      %dma_wait3A_723 = arith.constant 24 : i32
      %dma_wait3A_724 = arith.constant 0 : i32
      %dma_wait3A_725 = tpu.memref_slice %arg12[%dma_wait3A_723, %dma_wait3A_724] : memref<40x128xf32, #tpu.memory_space<vmem>> -> memref<1x128xf32, #tpu.memory_space<vmem>>
      %dma_wait3A_726 = tpu.memref_squeeze %dma_wait3A_725 : memref<1x128xf32, #tpu.memory_space<vmem>> -> memref<128xf32, #tpu.memory_space<vmem>>
      %dma_wait3A_727 = arith.constant 0 : i32
      %dma_wait3A_728 = tpu.memref_slice %arg8[%dma_wait3A_722, %dma_wait3A_727] : memref<40x128xi32, #tpu.memory_space<vmem>> -> memref<1x128xi32, #tpu.memory_space<vmem>>
      %dma_wait3A_729 = tpu.memref_squeeze %dma_wait3A_728 : memref<1x128xi32, #tpu.memory_space<vmem>> -> memref<128xi32, #tpu.memory_space<vmem>>
      %dma_wait3A_730 = arith.constant 0 : i32
      %dma_wait3A_731 = tpu.memref_slice %arg17[%dma_wait3A_730] : memref<499712xf32, #tpu.memory_space<vmem_shared>> -> memref<499712xf32, #tpu.memory_space<vmem_shared>>
      tpu.wait_indirect_dma semaphore(%arg20 : memref<!tpu.dma_semaphore, #tpu.memory_space<semaphore_mem>>) src(%dma_wait3A_731 : memref<499712xf32, #tpu.memory_space<vmem_shared>>) dst(%dma_wait3A_726 : memref<128xf32, #tpu.memory_space<vmem>>)
      %dma_wait3A_732 = arith.constant 25 : i32
      %dma_wait3A_733 = arith.constant 25 : i32
      %dma_wait3A_734 = arith.constant 0 : i32
      %dma_wait3A_735 = tpu.memref_slice %arg12[%dma_wait3A_733, %dma_wait3A_734] : memref<40x128xf32, #tpu.memory_space<vmem>> -> memref<1x128xf32, #tpu.memory_space<vmem>>
      %dma_wait3A_736 = tpu.memref_squeeze %dma_wait3A_735 : memref<1x128xf32, #tpu.memory_space<vmem>> -> memref<128xf32, #tpu.memory_space<vmem>>
      %dma_wait3A_737 = arith.constant 0 : i32
      %dma_wait3A_738 = tpu.memref_slice %arg8[%dma_wait3A_732, %dma_wait3A_737] : memref<40x128xi32, #tpu.memory_space<vmem>> -> memref<1x128xi32, #tpu.memory_space<vmem>>
      %dma_wait3A_739 = tpu.memref_squeeze %dma_wait3A_738 : memref<1x128xi32, #tpu.memory_space<vmem>> -> memref<128xi32, #tpu.memory_space<vmem>>
      %dma_wait3A_740 = arith.constant 0 : i32
      %dma_wait3A_741 = tpu.memref_slice %arg17[%dma_wait3A_740] : memref<499712xf32, #tpu.memory_space<vmem_shared>> -> memref<499712xf32, #tpu.memory_space<vmem_shared>>
      tpu.wait_indirect_dma semaphore(%arg20 : memref<!tpu.dma_semaphore, #tpu.memory_space<semaphore_mem>>) src(%dma_wait3A_741 : memref<499712xf32, #tpu.memory_space<vmem_shared>>) dst(%dma_wait3A_736 : memref<128xf32, #tpu.memory_space<vmem>>)
      %dma_wait3A_742 = arith.constant 26 : i32
      %dma_wait3A_743 = arith.constant 26 : i32
      %dma_wait3A_744 = arith.constant 0 : i32
      %dma_wait3A_745 = tpu.memref_slice %arg12[%dma_wait3A_743, %dma_wait3A_744] : memref<40x128xf32, #tpu.memory_space<vmem>> -> memref<1x128xf32, #tpu.memory_space<vmem>>
      %dma_wait3A_746 = tpu.memref_squeeze %dma_wait3A_745 : memref<1x128xf32, #tpu.memory_space<vmem>> -> memref<128xf32, #tpu.memory_space<vmem>>
      %dma_wait3A_747 = arith.constant 0 : i32
      %dma_wait3A_748 = tpu.memref_slice %arg8[%dma_wait3A_742, %dma_wait3A_747] : memref<40x128xi32, #tpu.memory_space<vmem>> -> memref<1x128xi32, #tpu.memory_space<vmem>>
      %dma_wait3A_749 = tpu.memref_squeeze %dma_wait3A_748 : memref<1x128xi32, #tpu.memory_space<vmem>> -> memref<128xi32, #tpu.memory_space<vmem>>
      %dma_wait3A_750 = arith.constant 0 : i32
      %dma_wait3A_751 = tpu.memref_slice %arg17[%dma_wait3A_750] : memref<499712xf32, #tpu.memory_space<vmem_shared>> -> memref<499712xf32, #tpu.memory_space<vmem_shared>>
      tpu.wait_indirect_dma semaphore(%arg20 : memref<!tpu.dma_semaphore, #tpu.memory_space<semaphore_mem>>) src(%dma_wait3A_751 : memref<499712xf32, #tpu.memory_space<vmem_shared>>) dst(%dma_wait3A_746 : memref<128xf32, #tpu.memory_space<vmem>>)
      %dma_wait3A_752 = arith.constant 27 : i32
      %dma_wait3A_753 = arith.constant 27 : i32
      %dma_wait3A_754 = arith.constant 0 : i32
      %dma_wait3A_755 = tpu.memref_slice %arg12[%dma_wait3A_753, %dma_wait3A_754] : memref<40x128xf32, #tpu.memory_space<vmem>> -> memref<1x128xf32, #tpu.memory_space<vmem>>
      %dma_wait3A_756 = tpu.memref_squeeze %dma_wait3A_755 : memref<1x128xf32, #tpu.memory_space<vmem>> -> memref<128xf32, #tpu.memory_space<vmem>>
      %dma_wait3A_757 = arith.constant 0 : i32
      %dma_wait3A_758 = tpu.memref_slice %arg8[%dma_wait3A_752, %dma_wait3A_757] : memref<40x128xi32, #tpu.memory_space<vmem>> -> memref<1x128xi32, #tpu.memory_space<vmem>>
      %dma_wait3A_759 = tpu.memref_squeeze %dma_wait3A_758 : memref<1x128xi32, #tpu.memory_space<vmem>> -> memref<128xi32, #tpu.memory_space<vmem>>
      %dma_wait3A_760 = arith.constant 0 : i32
      %dma_wait3A_761 = tpu.memref_slice %arg17[%dma_wait3A_760] : memref<499712xf32, #tpu.memory_space<vmem_shared>> -> memref<499712xf32, #tpu.memory_space<vmem_shared>>
      tpu.wait_indirect_dma semaphore(%arg20 : memref<!tpu.dma_semaphore, #tpu.memory_space<semaphore_mem>>) src(%dma_wait3A_761 : memref<499712xf32, #tpu.memory_space<vmem_shared>>) dst(%dma_wait3A_756 : memref<128xf32, #tpu.memory_space<vmem>>)
      %dma_wait3A_762 = arith.constant 28 : i32
      %dma_wait3A_763 = arith.constant 28 : i32
      %dma_wait3A_764 = arith.constant 0 : i32
      %dma_wait3A_765 = tpu.memref_slice %arg12[%dma_wait3A_763, %dma_wait3A_764] : memref<40x128xf32, #tpu.memory_space<vmem>> -> memref<1x128xf32, #tpu.memory_space<vmem>>
      %dma_wait3A_766 = tpu.memref_squeeze %dma_wait3A_765 : memref<1x128xf32, #tpu.memory_space<vmem>> -> memref<128xf32, #tpu.memory_space<vmem>>
      %dma_wait3A_767 = arith.constant 0 : i32
      %dma_wait3A_768 = tpu.memref_slice %arg8[%dma_wait3A_762, %dma_wait3A_767] : memref<40x128xi32, #tpu.memory_space<vmem>> -> memref<1x128xi32, #tpu.memory_space<vmem>>
      %dma_wait3A_769 = tpu.memref_squeeze %dma_wait3A_768 : memref<1x128xi32, #tpu.memory_space<vmem>> -> memref<128xi32, #tpu.memory_space<vmem>>
      %dma_wait3A_770 = arith.constant 0 : i32
      %dma_wait3A_771 = tpu.memref_slice %arg17[%dma_wait3A_770] : memref<499712xf32, #tpu.memory_space<vmem_shared>> -> memref<499712xf32, #tpu.memory_space<vmem_shared>>
      tpu.wait_indirect_dma semaphore(%arg20 : memref<!tpu.dma_semaphore, #tpu.memory_space<semaphore_mem>>) src(%dma_wait3A_771 : memref<499712xf32, #tpu.memory_space<vmem_shared>>) dst(%dma_wait3A_766 : memref<128xf32, #tpu.memory_space<vmem>>)
      %dma_wait3A_772 = arith.constant 29 : i32
      %dma_wait3A_773 = arith.constant 29 : i32
      %dma_wait3A_774 = arith.constant 0 : i32
      %dma_wait3A_775 = tpu.memref_slice %arg12[%dma_wait3A_773, %dma_wait3A_774] : memref<40x128xf32, #tpu.memory_space<vmem>> -> memref<1x128xf32, #tpu.memory_space<vmem>>
      %dma_wait3A_776 = tpu.memref_squeeze %dma_wait3A_775 : memref<1x128xf32, #tpu.memory_space<vmem>> -> memref<128xf32, #tpu.memory_space<vmem>>
      %dma_wait3A_777 = arith.constant 0 : i32
      %dma_wait3A_778 = tpu.memref_slice %arg8[%dma_wait3A_772, %dma_wait3A_777] : memref<40x128xi32, #tpu.memory_space<vmem>> -> memref<1x128xi32, #tpu.memory_space<vmem>>
      %dma_wait3A_779 = tpu.memref_squeeze %dma_wait3A_778 : memref<1x128xi32, #tpu.memory_space<vmem>> -> memref<128xi32, #tpu.memory_space<vmem>>
      %dma_wait3A_780 = arith.constant 0 : i32
      %dma_wait3A_781 = tpu.memref_slice %arg17[%dma_wait3A_780] : memref<499712xf32, #tpu.memory_space<vmem_shared>> -> memref<499712xf32, #tpu.memory_space<vmem_shared>>
      tpu.wait_indirect_dma semaphore(%arg20 : memref<!tpu.dma_semaphore, #tpu.memory_space<semaphore_mem>>) src(%dma_wait3A_781 : memref<499712xf32, #tpu.memory_space<vmem_shared>>) dst(%dma_wait3A_776 : memref<128xf32, #tpu.memory_space<vmem>>)
      %dma_wait3A_782 = arith.constant 30 : i32
      %dma_wait3A_783 = arith.constant 30 : i32
      %dma_wait3A_784 = arith.constant 0 : i32
      %dma_wait3A_785 = tpu.memref_slice %arg12[%dma_wait3A_783, %dma_wait3A_784] : memref<40x128xf32, #tpu.memory_space<vmem>> -> memref<1x128xf32, #tpu.memory_space<vmem>>
      %dma_wait3A_786 = tpu.memref_squeeze %dma_wait3A_785 : memref<1x128xf32, #tpu.memory_space<vmem>> -> memref<128xf32, #tpu.memory_space<vmem>>
      %dma_wait3A_787 = arith.constant 0 : i32
      %dma_wait3A_788 = tpu.memref_slice %arg8[%dma_wait3A_782, %dma_wait3A_787] : memref<40x128xi32, #tpu.memory_space<vmem>> -> memref<1x128xi32, #tpu.memory_space<vmem>>
      %dma_wait3A_789 = tpu.memref_squeeze %dma_wait3A_788 : memref<1x128xi32, #tpu.memory_space<vmem>> -> memref<128xi32, #tpu.memory_space<vmem>>
      %dma_wait3A_790 = arith.constant 0 : i32
      %dma_wait3A_791 = tpu.memref_slice %arg17[%dma_wait3A_790] : memref<499712xf32, #tpu.memory_space<vmem_shared>> -> memref<499712xf32, #tpu.memory_space<vmem_shared>>
      tpu.wait_indirect_dma semaphore(%arg20 : memref<!tpu.dma_semaphore, #tpu.memory_space<semaphore_mem>>) src(%dma_wait3A_791 : memref<499712xf32, #tpu.memory_space<vmem_shared>>) dst(%dma_wait3A_786 : memref<128xf32, #tpu.memory_space<vmem>>)
      %dma_wait3A_792 = arith.constant 31 : i32
      %dma_wait3A_793 = arith.constant 31 : i32
      %dma_wait3A_794 = arith.constant 0 : i32
      %dma_wait3A_795 = tpu.memref_slice %arg12[%dma_wait3A_793, %dma_wait3A_794] : memref<40x128xf32, #tpu.memory_space<vmem>> -> memref<1x128xf32, #tpu.memory_space<vmem>>
      %dma_wait3A_796 = tpu.memref_squeeze %dma_wait3A_795 : memref<1x128xf32, #tpu.memory_space<vmem>> -> memref<128xf32, #tpu.memory_space<vmem>>
      %dma_wait3A_797 = arith.constant 0 : i32
      %dma_wait3A_798 = tpu.memref_slice %arg8[%dma_wait3A_792, %dma_wait3A_797] : memref<40x128xi32, #tpu.memory_space<vmem>> -> memref<1x128xi32, #tpu.memory_space<vmem>>
      %dma_wait3A_799 = tpu.memref_squeeze %dma_wait3A_798 : memref<1x128xi32, #tpu.memory_space<vmem>> -> memref<128xi32, #tpu.memory_space<vmem>>
      %dma_wait3A_800 = arith.constant 0 : i32
      %dma_wait3A_801 = tpu.memref_slice %arg17[%dma_wait3A_800] : memref<499712xf32, #tpu.memory_space<vmem_shared>> -> memref<499712xf32, #tpu.memory_space<vmem_shared>>
      tpu.wait_indirect_dma semaphore(%arg20 : memref<!tpu.dma_semaphore, #tpu.memory_space<semaphore_mem>>) src(%dma_wait3A_801 : memref<499712xf32, #tpu.memory_space<vmem_shared>>) dst(%dma_wait3A_796 : memref<128xf32, #tpu.memory_space<vmem>>)
      %dma_wait3A_802 = arith.constant 32 : i32
      %dma_wait3A_803 = arith.constant 32 : i32
      %dma_wait3A_804 = arith.constant 0 : i32
      %dma_wait3A_805 = tpu.memref_slice %arg12[%dma_wait3A_803, %dma_wait3A_804] : memref<40x128xf32, #tpu.memory_space<vmem>> -> memref<1x128xf32, #tpu.memory_space<vmem>>
      %dma_wait3A_806 = tpu.memref_squeeze %dma_wait3A_805 : memref<1x128xf32, #tpu.memory_space<vmem>> -> memref<128xf32, #tpu.memory_space<vmem>>
      %dma_wait3A_807 = arith.constant 0 : i32
      %dma_wait3A_808 = tpu.memref_slice %arg8[%dma_wait3A_802, %dma_wait3A_807] : memref<40x128xi32, #tpu.memory_space<vmem>> -> memref<1x128xi32, #tpu.memory_space<vmem>>
      %dma_wait3A_809 = tpu.memref_squeeze %dma_wait3A_808 : memref<1x128xi32, #tpu.memory_space<vmem>> -> memref<128xi32, #tpu.memory_space<vmem>>
      %dma_wait3A_810 = arith.constant 0 : i32
      %dma_wait3A_811 = tpu.memref_slice %arg17[%dma_wait3A_810] : memref<499712xf32, #tpu.memory_space<vmem_shared>> -> memref<499712xf32, #tpu.memory_space<vmem_shared>>
      tpu.wait_indirect_dma semaphore(%arg20 : memref<!tpu.dma_semaphore, #tpu.memory_space<semaphore_mem>>) src(%dma_wait3A_811 : memref<499712xf32, #tpu.memory_space<vmem_shared>>) dst(%dma_wait3A_806 : memref<128xf32, #tpu.memory_space<vmem>>)
      %dma_wait3A_812 = arith.constant 33 : i32
      %dma_wait3A_813 = arith.constant 33 : i32
      %dma_wait3A_814 = arith.constant 0 : i32
      %dma_wait3A_815 = tpu.memref_slice %arg12[%dma_wait3A_813, %dma_wait3A_814] : memref<40x128xf32, #tpu.memory_space<vmem>> -> memref<1x128xf32, #tpu.memory_space<vmem>>
      %dma_wait3A_816 = tpu.memref_squeeze %dma_wait3A_815 : memref<1x128xf32, #tpu.memory_space<vmem>> -> memref<128xf32, #tpu.memory_space<vmem>>
      %dma_wait3A_817 = arith.constant 0 : i32
      %dma_wait3A_818 = tpu.memref_slice %arg8[%dma_wait3A_812, %dma_wait3A_817] : memref<40x128xi32, #tpu.memory_space<vmem>> -> memref<1x128xi32, #tpu.memory_space<vmem>>
      %dma_wait3A_819 = tpu.memref_squeeze %dma_wait3A_818 : memref<1x128xi32, #tpu.memory_space<vmem>> -> memref<128xi32, #tpu.memory_space<vmem>>
      %dma_wait3A_820 = arith.constant 0 : i32
      %dma_wait3A_821 = tpu.memref_slice %arg17[%dma_wait3A_820] : memref<499712xf32, #tpu.memory_space<vmem_shared>> -> memref<499712xf32, #tpu.memory_space<vmem_shared>>
      tpu.wait_indirect_dma semaphore(%arg20 : memref<!tpu.dma_semaphore, #tpu.memory_space<semaphore_mem>>) src(%dma_wait3A_821 : memref<499712xf32, #tpu.memory_space<vmem_shared>>) dst(%dma_wait3A_816 : memref<128xf32, #tpu.memory_space<vmem>>)
      %dma_wait3A_822 = arith.constant 34 : i32
      %dma_wait3A_823 = arith.constant 34 : i32
      %dma_wait3A_824 = arith.constant 0 : i32
      %dma_wait3A_825 = tpu.memref_slice %arg12[%dma_wait3A_823, %dma_wait3A_824] : memref<40x128xf32, #tpu.memory_space<vmem>> -> memref<1x128xf32, #tpu.memory_space<vmem>>
      %dma_wait3A_826 = tpu.memref_squeeze %dma_wait3A_825 : memref<1x128xf32, #tpu.memory_space<vmem>> -> memref<128xf32, #tpu.memory_space<vmem>>
      %dma_wait3A_827 = arith.constant 0 : i32
      %dma_wait3A_828 = tpu.memref_slice %arg8[%dma_wait3A_822, %dma_wait3A_827] : memref<40x128xi32, #tpu.memory_space<vmem>> -> memref<1x128xi32, #tpu.memory_space<vmem>>
      %dma_wait3A_829 = tpu.memref_squeeze %dma_wait3A_828 : memref<1x128xi32, #tpu.memory_space<vmem>> -> memref<128xi32, #tpu.memory_space<vmem>>
      %dma_wait3A_830 = arith.constant 0 : i32
      %dma_wait3A_831 = tpu.memref_slice %arg17[%dma_wait3A_830] : memref<499712xf32, #tpu.memory_space<vmem_shared>> -> memref<499712xf32, #tpu.memory_space<vmem_shared>>
      tpu.wait_indirect_dma semaphore(%arg20 : memref<!tpu.dma_semaphore, #tpu.memory_space<semaphore_mem>>) src(%dma_wait3A_831 : memref<499712xf32, #tpu.memory_space<vmem_shared>>) dst(%dma_wait3A_826 : memref<128xf32, #tpu.memory_space<vmem>>)
      %dma_wait3A_832 = arith.constant 35 : i32
      %dma_wait3A_833 = arith.constant 35 : i32
      %dma_wait3A_834 = arith.constant 0 : i32
      %dma_wait3A_835 = tpu.memref_slice %arg12[%dma_wait3A_833, %dma_wait3A_834] : memref<40x128xf32, #tpu.memory_space<vmem>> -> memref<1x128xf32, #tpu.memory_space<vmem>>
      %dma_wait3A_836 = tpu.memref_squeeze %dma_wait3A_835 : memref<1x128xf32, #tpu.memory_space<vmem>> -> memref<128xf32, #tpu.memory_space<vmem>>
      %dma_wait3A_837 = arith.constant 0 : i32
      %dma_wait3A_838 = tpu.memref_slice %arg8[%dma_wait3A_832, %dma_wait3A_837] : memref<40x128xi32, #tpu.memory_space<vmem>> -> memref<1x128xi32, #tpu.memory_space<vmem>>
      %dma_wait3A_839 = tpu.memref_squeeze %dma_wait3A_838 : memref<1x128xi32, #tpu.memory_space<vmem>> -> memref<128xi32, #tpu.memory_space<vmem>>
      %dma_wait3A_840 = arith.constant 0 : i32
      %dma_wait3A_841 = tpu.memref_slice %arg17[%dma_wait3A_840] : memref<499712xf32, #tpu.memory_space<vmem_shared>> -> memref<499712xf32, #tpu.memory_space<vmem_shared>>
      tpu.wait_indirect_dma semaphore(%arg20 : memref<!tpu.dma_semaphore, #tpu.memory_space<semaphore_mem>>) src(%dma_wait3A_841 : memref<499712xf32, #tpu.memory_space<vmem_shared>>) dst(%dma_wait3A_836 : memref<128xf32, #tpu.memory_space<vmem>>)
      %dma_wait3A_842 = arith.constant 36 : i32
      %dma_wait3A_843 = arith.constant 36 : i32
      %dma_wait3A_844 = arith.constant 0 : i32
      %dma_wait3A_845 = tpu.memref_slice %arg12[%dma_wait3A_843, %dma_wait3A_844] : memref<40x128xf32, #tpu.memory_space<vmem>> -> memref<1x128xf32, #tpu.memory_space<vmem>>
      %dma_wait3A_846 = tpu.memref_squeeze %dma_wait3A_845 : memref<1x128xf32, #tpu.memory_space<vmem>> -> memref<128xf32, #tpu.memory_space<vmem>>
      %dma_wait3A_847 = arith.constant 0 : i32
      %dma_wait3A_848 = tpu.memref_slice %arg8[%dma_wait3A_842, %dma_wait3A_847] : memref<40x128xi32, #tpu.memory_space<vmem>> -> memref<1x128xi32, #tpu.memory_space<vmem>>
      %dma_wait3A_849 = tpu.memref_squeeze %dma_wait3A_848 : memref<1x128xi32, #tpu.memory_space<vmem>> -> memref<128xi32, #tpu.memory_space<vmem>>
      %dma_wait3A_850 = arith.constant 0 : i32
      %dma_wait3A_851 = tpu.memref_slice %arg17[%dma_wait3A_850] : memref<499712xf32, #tpu.memory_space<vmem_shared>> -> memref<499712xf32, #tpu.memory_space<vmem_shared>>
      tpu.wait_indirect_dma semaphore(%arg20 : memref<!tpu.dma_semaphore, #tpu.memory_space<semaphore_mem>>) src(%dma_wait3A_851 : memref<499712xf32, #tpu.memory_space<vmem_shared>>) dst(%dma_wait3A_846 : memref<128xf32, #tpu.memory_space<vmem>>)
      %dma_wait3A_852 = arith.constant 37 : i32
      %dma_wait3A_853 = arith.constant 37 : i32
      %dma_wait3A_854 = arith.constant 0 : i32
      %dma_wait3A_855 = tpu.memref_slice %arg12[%dma_wait3A_853, %dma_wait3A_854] : memref<40x128xf32, #tpu.memory_space<vmem>> -> memref<1x128xf32, #tpu.memory_space<vmem>>
      %dma_wait3A_856 = tpu.memref_squeeze %dma_wait3A_855 : memref<1x128xf32, #tpu.memory_space<vmem>> -> memref<128xf32, #tpu.memory_space<vmem>>
      %dma_wait3A_857 = arith.constant 0 : i32
      %dma_wait3A_858 = tpu.memref_slice %arg8[%dma_wait3A_852, %dma_wait3A_857] : memref<40x128xi32, #tpu.memory_space<vmem>> -> memref<1x128xi32, #tpu.memory_space<vmem>>
      %dma_wait3A_859 = tpu.memref_squeeze %dma_wait3A_858 : memref<1x128xi32, #tpu.memory_space<vmem>> -> memref<128xi32, #tpu.memory_space<vmem>>
      %dma_wait3A_860 = arith.constant 0 : i32
      %dma_wait3A_861 = tpu.memref_slice %arg17[%dma_wait3A_860] : memref<499712xf32, #tpu.memory_space<vmem_shared>> -> memref<499712xf32, #tpu.memory_space<vmem_shared>>
      tpu.wait_indirect_dma semaphore(%arg20 : memref<!tpu.dma_semaphore, #tpu.memory_space<semaphore_mem>>) src(%dma_wait3A_861 : memref<499712xf32, #tpu.memory_space<vmem_shared>>) dst(%dma_wait3A_856 : memref<128xf32, #tpu.memory_space<vmem>>)
      %dma_wait3A_862 = arith.constant 38 : i32
      %dma_wait3A_863 = arith.constant 38 : i32
      %dma_wait3A_864 = arith.constant 0 : i32
      %dma_wait3A_865 = tpu.memref_slice %arg12[%dma_wait3A_863, %dma_wait3A_864] : memref<40x128xf32, #tpu.memory_space<vmem>> -> memref<1x128xf32, #tpu.memory_space<vmem>>
      %dma_wait3A_866 = tpu.memref_squeeze %dma_wait3A_865 : memref<1x128xf32, #tpu.memory_space<vmem>> -> memref<128xf32, #tpu.memory_space<vmem>>
      %dma_wait3A_867 = arith.constant 0 : i32
      %dma_wait3A_868 = tpu.memref_slice %arg8[%dma_wait3A_862, %dma_wait3A_867] : memref<40x128xi32, #tpu.memory_space<vmem>> -> memref<1x128xi32, #tpu.memory_space<vmem>>
      %dma_wait3A_869 = tpu.memref_squeeze %dma_wait3A_868 : memref<1x128xi32, #tpu.memory_space<vmem>> -> memref<128xi32, #tpu.memory_space<vmem>>
      %dma_wait3A_870 = arith.constant 0 : i32
      %dma_wait3A_871 = tpu.memref_slice %arg17[%dma_wait3A_870] : memref<499712xf32, #tpu.memory_space<vmem_shared>> -> memref<499712xf32, #tpu.memory_space<vmem_shared>>
      tpu.wait_indirect_dma semaphore(%arg20 : memref<!tpu.dma_semaphore, #tpu.memory_space<semaphore_mem>>) src(%dma_wait3A_871 : memref<499712xf32, #tpu.memory_space<vmem_shared>>) dst(%dma_wait3A_866 : memref<128xf32, #tpu.memory_space<vmem>>)
      %dma_wait3A_872 = arith.constant 39 : i32
      %dma_wait3A_873 = arith.constant 39 : i32
      %dma_wait3A_874 = arith.constant 0 : i32
      %dma_wait3A_875 = tpu.memref_slice %arg12[%dma_wait3A_873, %dma_wait3A_874] : memref<40x128xf32, #tpu.memory_space<vmem>> -> memref<1x128xf32, #tpu.memory_space<vmem>>
      %dma_wait3A_876 = tpu.memref_squeeze %dma_wait3A_875 : memref<1x128xf32, #tpu.memory_space<vmem>> -> memref<128xf32, #tpu.memory_space<vmem>>
      %dma_wait3A_877 = arith.constant 0 : i32
      %dma_wait3A_878 = tpu.memref_slice %arg8[%dma_wait3A_872, %dma_wait3A_877] : memref<40x128xi32, #tpu.memory_space<vmem>> -> memref<1x128xi32, #tpu.memory_space<vmem>>
      %dma_wait3A_879 = tpu.memref_squeeze %dma_wait3A_878 : memref<1x128xi32, #tpu.memory_space<vmem>> -> memref<128xi32, #tpu.memory_space<vmem>>
      %dma_wait3A_880 = arith.constant 0 : i32
      %dma_wait3A_881 = tpu.memref_slice %arg17[%dma_wait3A_880] : memref<499712xf32, #tpu.memory_space<vmem_shared>> -> memref<499712xf32, #tpu.memory_space<vmem_shared>>
      tpu.wait_indirect_dma semaphore(%arg20 : memref<!tpu.dma_semaphore, #tpu.memory_space<semaphore_mem>>) src(%dma_wait3A_881 : memref<499712xf32, #tpu.memory_space<vmem_shared>>) dst(%dma_wait3A_876 : memref<128xf32, #tpu.memory_space<vmem>>)
      %barrier3A_882 = arith.constant 0 : index
      tpu.barrier barrier_id(%barrier3A_882)
      %lt3A = arith.constant 31 : i32
      %lt3A_883 = arith.cmpi slt, %scan3A_58, %lt3A : i32
      %convert_element_type3A_884 = arith.extui %lt3A_883 : i1 to i32
      %cond3A_885 = arith.constant 0 : i32
      %cond3A_886 = arith.cmpi ne, %convert_element_type3A_884, %cond3A_885 : i32
      scf.if %cond3A_886 {
        %add3A_1731 = arith.constant 1 : i32
        %add3A_1732 = arith.addi %add3A, %add3A_1731 : i32
        %eq3A_1733 = arith.constant 0 : i32
        %eq3A_1734 = arith.cmpi eq, %arg1, %eq3A_1733 : i32
        %convert_element_type3A_1735 = arith.extui %eq3A_1734 : i1 to i32
        %cond3A_1736 = arith.constant 0 : i32
        %cond3A_1737 = arith.cmpi ne, %convert_element_type3A_1735, %cond3A_1736 : i32
        scf.if %cond3A_1737 {
          %dma_start3A_1753 = arith.constant 0 : i32
          %dma_start3A_1754 = tpu.memref_slice %arg17[%dma_start3A_1753] : memref<499712xf32, #tpu.memory_space<vmem_shared>> -> memref<124928xf32, #tpu.memory_space<vmem_shared>>
          %dma_start3A_1755 = arith.constant 0 : i32
          %dma_start3A_1756 = tpu.memref_slice %arg4[%add3A_1732, %dma_start3A_1755] : memref<64x1000000xf32, #tpu.memory_space<hbm>> -> memref<1x1000000xf32, #tpu.memory_space<hbm>>
          %dma_start3A_1757 = tpu.memref_squeeze %dma_start3A_1756 : memref<1x1000000xf32, #tpu.memory_space<hbm>> -> memref<1000000xf32, #tpu.memory_space<hbm>>
          %dma_start3A_1758 = arith.constant 0 : i32
          %dma_start3A_1759 = tpu.memref_slice %dma_start3A_1757[%dma_start3A_1758] : memref<1000000xf32, #tpu.memory_space<hbm>> -> memref<124928xf32, #tpu.memory_space<hbm>>
          tpu.enqueue_dma source(%dma_start3A_1759 : memref<124928xf32, #tpu.memory_space<hbm>>) target(%dma_start3A_1754 : memref<124928xf32, #tpu.memory_space<vmem_shared>>) target_semaphore(%arg19 : memref<!tpu.dma_semaphore, #tpu.memory_space<semaphore_mem>>)
        } else {
        }
        %eq3A_1738 = arith.constant 1 : i32
        %eq3A_1739 = arith.cmpi eq, %arg1, %eq3A_1738 : i32
        %convert_element_type3A_1740 = arith.extui %eq3A_1739 : i1 to i32
        %cond3A_1741 = arith.constant 0 : i32
        %cond3A_1742 = arith.cmpi ne, %convert_element_type3A_1740, %cond3A_1741 : i32
        scf.if %cond3A_1742 {
          %dma_start3A_1753 = arith.constant 124928 : i32
          %dma_start3A_1754 = tpu.memref_slice %arg17[%dma_start3A_1753] : memref<499712xf32, #tpu.memory_space<vmem_shared>> -> memref<124928xf32, #tpu.memory_space<vmem_shared>>
          %dma_start3A_1755 = arith.constant 0 : i32
          %dma_start3A_1756 = tpu.memref_slice %arg4[%add3A_1732, %dma_start3A_1755] : memref<64x1000000xf32, #tpu.memory_space<hbm>> -> memref<1x1000000xf32, #tpu.memory_space<hbm>>
          %dma_start3A_1757 = tpu.memref_squeeze %dma_start3A_1756 : memref<1x1000000xf32, #tpu.memory_space<hbm>> -> memref<1000000xf32, #tpu.memory_space<hbm>>
          %dma_start3A_1758 = arith.constant 124928 : i32
          %dma_start3A_1759 = tpu.memref_slice %dma_start3A_1757[%dma_start3A_1758] : memref<1000000xf32, #tpu.memory_space<hbm>> -> memref<124928xf32, #tpu.memory_space<hbm>>
          tpu.enqueue_dma source(%dma_start3A_1759 : memref<124928xf32, #tpu.memory_space<hbm>>) target(%dma_start3A_1754 : memref<124928xf32, #tpu.memory_space<vmem_shared>>) target_semaphore(%arg19 : memref<!tpu.dma_semaphore, #tpu.memory_space<semaphore_mem>>)
        } else {
        }
        %eq3A_1743 = arith.constant 2 : i32
        %eq3A_1744 = arith.cmpi eq, %arg1, %eq3A_1743 : i32
        %convert_element_type3A_1745 = arith.extui %eq3A_1744 : i1 to i32
        %cond3A_1746 = arith.constant 0 : i32
        %cond3A_1747 = arith.cmpi ne, %convert_element_type3A_1745, %cond3A_1746 : i32
        scf.if %cond3A_1747 {
          %dma_start3A_1753 = arith.constant 249856 : i32
          %dma_start3A_1754 = tpu.memref_slice %arg17[%dma_start3A_1753] : memref<499712xf32, #tpu.memory_space<vmem_shared>> -> memref<124928xf32, #tpu.memory_space<vmem_shared>>
          %dma_start3A_1755 = arith.constant 0 : i32
          %dma_start3A_1756 = tpu.memref_slice %arg4[%add3A_1732, %dma_start3A_1755] : memref<64x1000000xf32, #tpu.memory_space<hbm>> -> memref<1x1000000xf32, #tpu.memory_space<hbm>>
          %dma_start3A_1757 = tpu.memref_squeeze %dma_start3A_1756 : memref<1x1000000xf32, #tpu.memory_space<hbm>> -> memref<1000000xf32, #tpu.memory_space<hbm>>
          %dma_start3A_1758 = arith.constant 249856 : i32
          %dma_start3A_1759 = tpu.memref_slice %dma_start3A_1757[%dma_start3A_1758] : memref<1000000xf32, #tpu.memory_space<hbm>> -> memref<124928xf32, #tpu.memory_space<hbm>>
          tpu.enqueue_dma source(%dma_start3A_1759 : memref<124928xf32, #tpu.memory_space<hbm>>) target(%dma_start3A_1754 : memref<124928xf32, #tpu.memory_space<vmem_shared>>) target_semaphore(%arg19 : memref<!tpu.dma_semaphore, #tpu.memory_space<semaphore_mem>>)
        } else {
        }
        %eq3A_1748 = arith.constant 3 : i32
        %eq3A_1749 = arith.cmpi eq, %arg1, %eq3A_1748 : i32
        %convert_element_type3A_1750 = arith.extui %eq3A_1749 : i1 to i32
        %cond3A_1751 = arith.constant 0 : i32
        %cond3A_1752 = arith.cmpi ne, %convert_element_type3A_1750, %cond3A_1751 : i32
        scf.if %cond3A_1752 {
          %dma_start3A_1753 = arith.constant 374784 : i32
          %dma_start3A_1754 = tpu.memref_slice %arg17[%dma_start3A_1753] : memref<499712xf32, #tpu.memory_space<vmem_shared>> -> memref<124928xf32, #tpu.memory_space<vmem_shared>>
          %dma_start3A_1755 = arith.constant 0 : i32
          %dma_start3A_1756 = tpu.memref_slice %arg4[%add3A_1732, %dma_start3A_1755] : memref<64x1000000xf32, #tpu.memory_space<hbm>> -> memref<1x1000000xf32, #tpu.memory_space<hbm>>
          %dma_start3A_1757 = tpu.memref_squeeze %dma_start3A_1756 : memref<1x1000000xf32, #tpu.memory_space<hbm>> -> memref<1000000xf32, #tpu.memory_space<hbm>>
          %dma_start3A_1758 = arith.constant 374784 : i32
          %dma_start3A_1759 = tpu.memref_slice %dma_start3A_1757[%dma_start3A_1758] : memref<1000000xf32, #tpu.memory_space<hbm>> -> memref<124928xf32, #tpu.memory_space<hbm>>
          tpu.enqueue_dma source(%dma_start3A_1759 : memref<124928xf32, #tpu.memory_space<hbm>>) target(%dma_start3A_1754 : memref<124928xf32, #tpu.memory_space<vmem_shared>>) target_semaphore(%arg19 : memref<!tpu.dma_semaphore, #tpu.memory_space<semaphore_mem>>)
        } else {
        }
      } else {
      }
      %eq3A_887 = arith.constant 4 : i32
      %eq3A_888 = arith.cmpi eq, %arg1, %eq3A_887 : i32
      %convert_element_type3A_889 = arith.extui %eq3A_888 : i1 to i32
      %cond3A_890 = arith.constant 0 : i32
      %cond3A_891 = arith.cmpi ne, %convert_element_type3A_889, %cond3A_890 : i32
      scf.if %cond3A_891 {
        %dma_wait3A_1731 = arith.constant 0 : i32
        %dma_wait3A_1732 = tpu.memref_slice %arg18[%dma_wait3A_1731] : memref<500288xf32, #tpu.memory_space<vmem_shared>> -> memref<124928xf32, #tpu.memory_space<vmem_shared>>
        %dma_wait3A_1733 = arith.constant 0 : i32
        %dma_wait3A_1734 = tpu.memref_slice %arg4[%mul3A_0, %dma_wait3A_1733] : memref<64x1000000xf32, #tpu.memory_space<hbm>> -> memref<1x1000000xf32, #tpu.memory_space<hbm>>
        %dma_wait3A_1735 = tpu.memref_squeeze %dma_wait3A_1734 : memref<1x1000000xf32, #tpu.memory_space<hbm>> -> memref<1000000xf32, #tpu.memory_space<hbm>>
        %dma_wait3A_1736 = arith.constant 499712 : i32
        %dma_wait3A_1737 = tpu.memref_slice %dma_wait3A_1735[%dma_wait3A_1736] : memref<1000000xf32, #tpu.memory_space<hbm>> -> memref<124928xf32, #tpu.memory_space<hbm>>
        tpu.wait_dma2 semaphore(%arg19 : memref<!tpu.dma_semaphore, #tpu.memory_space<semaphore_mem>>) src(%dma_wait3A_1737 : memref<124928xf32, #tpu.memory_space<hbm>>) dst(%dma_wait3A_1732 : memref<124928xf32, #tpu.memory_space<vmem_shared>>)
      } else {
      }
      %eq3A_892 = arith.constant 5 : i32
      %eq3A_893 = arith.cmpi eq, %arg1, %eq3A_892 : i32
      %convert_element_type3A_894 = arith.extui %eq3A_893 : i1 to i32
      %cond3A_895 = arith.constant 0 : i32
      %cond3A_896 = arith.cmpi ne, %convert_element_type3A_894, %cond3A_895 : i32
      scf.if %cond3A_896 {
        %dma_wait3A_1731 = arith.constant 124928 : i32
        %dma_wait3A_1732 = tpu.memref_slice %arg18[%dma_wait3A_1731] : memref<500288xf32, #tpu.memory_space<vmem_shared>> -> memref<124928xf32, #tpu.memory_space<vmem_shared>>
        %dma_wait3A_1733 = arith.constant 0 : i32
        %dma_wait3A_1734 = tpu.memref_slice %arg4[%mul3A_0, %dma_wait3A_1733] : memref<64x1000000xf32, #tpu.memory_space<hbm>> -> memref<1x1000000xf32, #tpu.memory_space<hbm>>
        %dma_wait3A_1735 = tpu.memref_squeeze %dma_wait3A_1734 : memref<1x1000000xf32, #tpu.memory_space<hbm>> -> memref<1000000xf32, #tpu.memory_space<hbm>>
        %dma_wait3A_1736 = arith.constant 624640 : i32
        %dma_wait3A_1737 = tpu.memref_slice %dma_wait3A_1735[%dma_wait3A_1736] : memref<1000000xf32, #tpu.memory_space<hbm>> -> memref<124928xf32, #tpu.memory_space<hbm>>
        tpu.wait_dma2 semaphore(%arg19 : memref<!tpu.dma_semaphore, #tpu.memory_space<semaphore_mem>>) src(%dma_wait3A_1737 : memref<124928xf32, #tpu.memory_space<hbm>>) dst(%dma_wait3A_1732 : memref<124928xf32, #tpu.memory_space<vmem_shared>>)
      } else {
      }
      %eq3A_897 = arith.constant 6 : i32
      %eq3A_898 = arith.cmpi eq, %arg1, %eq3A_897 : i32
      %convert_element_type3A_899 = arith.extui %eq3A_898 : i1 to i32
      %cond3A_900 = arith.constant 0 : i32
      %cond3A_901 = arith.cmpi ne, %convert_element_type3A_899, %cond3A_900 : i32
      scf.if %cond3A_901 {
        %dma_wait3A_1731 = arith.constant 249856 : i32
        %dma_wait3A_1732 = tpu.memref_slice %arg18[%dma_wait3A_1731] : memref<500288xf32, #tpu.memory_space<vmem_shared>> -> memref<124928xf32, #tpu.memory_space<vmem_shared>>
        %dma_wait3A_1733 = arith.constant 0 : i32
        %dma_wait3A_1734 = tpu.memref_slice %arg4[%mul3A_0, %dma_wait3A_1733] : memref<64x1000000xf32, #tpu.memory_space<hbm>> -> memref<1x1000000xf32, #tpu.memory_space<hbm>>
        %dma_wait3A_1735 = tpu.memref_squeeze %dma_wait3A_1734 : memref<1x1000000xf32, #tpu.memory_space<hbm>> -> memref<1000000xf32, #tpu.memory_space<hbm>>
        %dma_wait3A_1736 = arith.constant 749568 : i32
        %dma_wait3A_1737 = tpu.memref_slice %dma_wait3A_1735[%dma_wait3A_1736] : memref<1000000xf32, #tpu.memory_space<hbm>> -> memref<124928xf32, #tpu.memory_space<hbm>>
        tpu.wait_dma2 semaphore(%arg19 : memref<!tpu.dma_semaphore, #tpu.memory_space<semaphore_mem>>) src(%dma_wait3A_1737 : memref<124928xf32, #tpu.memory_space<hbm>>) dst(%dma_wait3A_1732 : memref<124928xf32, #tpu.memory_space<vmem_shared>>)
      } else {
      }
      %eq3A_902 = arith.constant 7 : i32
      %eq3A_903 = arith.cmpi eq, %arg1, %eq3A_902 : i32
      %convert_element_type3A_904 = arith.extui %eq3A_903 : i1 to i32
      %cond3A_905 = arith.constant 0 : i32
      %cond3A_906 = arith.cmpi ne, %convert_element_type3A_904, %cond3A_905 : i32
      scf.if %cond3A_906 {
        %dma_wait3A_1731 = arith.constant 374784 : i32
        %dma_wait3A_1732 = tpu.memref_slice %arg18[%dma_wait3A_1731] : memref<500288xf32, #tpu.memory_space<vmem_shared>> -> memref<124928xf32, #tpu.memory_space<vmem_shared>>
        %dma_wait3A_1733 = arith.constant 0 : i32
        %dma_wait3A_1734 = tpu.memref_slice %arg4[%mul3A_0, %dma_wait3A_1733] : memref<64x1000000xf32, #tpu.memory_space<hbm>> -> memref<1x1000000xf32, #tpu.memory_space<hbm>>
        %dma_wait3A_1735 = tpu.memref_squeeze %dma_wait3A_1734 : memref<1x1000000xf32, #tpu.memory_space<hbm>> -> memref<1000000xf32, #tpu.memory_space<hbm>>
        %dma_wait3A_1736 = arith.constant 874496 : i32
        %dma_wait3A_1737 = tpu.memref_slice %dma_wait3A_1735[%dma_wait3A_1736] : memref<1000000xf32, #tpu.memory_space<hbm>> -> memref<124928xf32, #tpu.memory_space<hbm>>
        tpu.wait_dma2 semaphore(%arg19 : memref<!tpu.dma_semaphore, #tpu.memory_space<semaphore_mem>>) src(%dma_wait3A_1737 : memref<124928xf32, #tpu.memory_space<hbm>>) dst(%dma_wait3A_1732 : memref<124928xf32, #tpu.memory_space<vmem_shared>>)
      } else {
      }
      %eq3A_907 = arith.constant 8 : i32
      %eq3A_908 = arith.cmpi eq, %arg1, %eq3A_907 : i32
      %convert_element_type3A_909 = arith.extui %eq3A_908 : i1 to i32
      %cond3A_910 = arith.constant 0 : i32
      %cond3A_911 = arith.cmpi ne, %convert_element_type3A_909, %cond3A_910 : i32
      scf.if %cond3A_911 {
        %dma_wait3A_1731 = arith.constant 0 : i32
        %dma_wait3A_1732 = tpu.memref_slice %arg5[%mul3A_0, %dma_wait3A_1731] : memref<64x640xf32, #tpu.memory_space<hbm>> -> memref<1x640xf32, #tpu.memory_space<hbm>>
        %dma_wait3A_1733 = tpu.memref_squeeze %dma_wait3A_1732 : memref<1x640xf32, #tpu.memory_space<hbm>> -> memref<640xf32, #tpu.memory_space<hbm>>
        %dma_wait3A_1734 = arith.constant 0 : i32
        %dma_wait3A_1735 = tpu.memref_slice %arg5[%mul3A_0, %dma_wait3A_1734] : memref<64x640xf32, #tpu.memory_space<hbm>> -> memref<1x640xf32, #tpu.memory_space<hbm>>
        %dma_wait3A_1736 = tpu.memref_squeeze %dma_wait3A_1735 : memref<1x640xf32, #tpu.memory_space<hbm>> -> memref<640xf32, #tpu.memory_space<hbm>>
        tpu.wait_dma2 semaphore(%arg22 : memref<!tpu.dma_semaphore, #tpu.memory_space<semaphore_mem>>) src(%dma_wait3A_1736 : memref<640xf32, #tpu.memory_space<hbm>>) dst(%arg16 : memref<640xf32, #tpu.memory_space<vmem>>)
        "tpu.region"() ({
          %run_scoped3A = tpu.sem_alloc : memref<!tpu.dma_semaphore, #tpu.memory_space<semaphore_mem>>
          %dma_start3A_1737 = arith.constant 499648 : i32
          %dma_start3A_1738 = tpu.memref_slice %arg18[%dma_start3A_1737] : memref<500288xf32, #tpu.memory_space<vmem_shared>> -> memref<640xf32, #tpu.memory_space<vmem_shared>>
          %dma_start3A_1739 = arith.constant 499648 : i32
          %dma_start3A_1740 = tpu.memref_slice %arg18[%dma_start3A_1739] : memref<500288xf32, #tpu.memory_space<vmem_shared>> -> memref<640xf32, #tpu.memory_space<vmem_shared>>
          tpu.enqueue_dma source(%arg16 : memref<640xf32, #tpu.memory_space<vmem>>) target(%dma_start3A_1740 : memref<640xf32, #tpu.memory_space<vmem_shared>>) target_semaphore(%run_scoped3A : memref<!tpu.dma_semaphore, #tpu.memory_space<semaphore_mem>>)
          %dma_wait3A_1741 = arith.constant 499648 : i32
          %dma_wait3A_1742 = tpu.memref_slice %arg18[%dma_wait3A_1741] : memref<500288xf32, #tpu.memory_space<vmem_shared>> -> memref<640xf32, #tpu.memory_space<vmem_shared>>
          %dma_wait3A_1743 = arith.constant 499648 : i32
          %dma_wait3A_1744 = tpu.memref_slice %arg18[%dma_wait3A_1743] : memref<500288xf32, #tpu.memory_space<vmem_shared>> -> memref<640xf32, #tpu.memory_space<vmem_shared>>
          tpu.wait_dma2 semaphore(%run_scoped3A : memref<!tpu.dma_semaphore, #tpu.memory_space<semaphore_mem>>) src(%arg16 : memref<640xf32, #tpu.memory_space<vmem>>) dst(%dma_wait3A_1744 : memref<640xf32, #tpu.memory_space<vmem_shared>>)
          tpu.yield
        }) : () -> ()
      } else {
      }
      %barrier3A_912 = arith.constant 0 : index
      tpu.barrier barrier_id(%barrier3A_912)
      %dma_start3A_913 = arith.constant 0 : i32
      %dma_start3A_914 = arith.constant 0 : i32
      %dma_start3A_915 = arith.constant 0 : i32
      %dma_start3A_916 = tpu.memref_slice %arg13[%dma_start3A_914, %dma_start3A_915] : memref<40x128xf32, #tpu.memory_space<vmem>> -> memref<1x128xf32, #tpu.memory_space<vmem>>
      %dma_start3A_917 = tpu.memref_squeeze %dma_start3A_916 : memref<1x128xf32, #tpu.memory_space<vmem>> -> memref<128xf32, #tpu.memory_space<vmem>>
      %dma_start3A_918 = arith.constant 0 : i32
      %dma_start3A_919 = tpu.memref_slice %arg9[%dma_start3A_913, %dma_start3A_918] : memref<40x128xi32, #tpu.memory_space<vmem>> -> memref<1x128xi32, #tpu.memory_space<vmem>>
      %dma_start3A_920 = tpu.memref_squeeze %dma_start3A_919 : memref<1x128xi32, #tpu.memory_space<vmem>> -> memref<128xi32, #tpu.memory_space<vmem>>
      %dma_start3A_921 = arith.constant 0 : i32
      %dma_start3A_922 = tpu.memref_slice %arg18[%dma_start3A_921] : memref<500288xf32, #tpu.memory_space<vmem_shared>> -> memref<500288xf32, #tpu.memory_space<vmem_shared>>
      tpu.enqueue_indirect_dma source(%dma_start3A_922 : memref<500288xf32, #tpu.memory_space<vmem_shared>>) target(%dma_start3A_917 : memref<128xf32, #tpu.memory_space<vmem>>) offsets(%dma_start3A_920 : memref<128xi32, #tpu.memory_space<vmem>>) semaphore(%arg20 : memref<!tpu.dma_semaphore, #tpu.memory_space<semaphore_mem>>)
      %dma_start3A_923 = arith.constant 1 : i32
      %dma_start3A_924 = arith.constant 1 : i32
      %dma_start3A_925 = arith.constant 0 : i32
      %dma_start3A_926 = tpu.memref_slice %arg13[%dma_start3A_924, %dma_start3A_925] : memref<40x128xf32, #tpu.memory_space<vmem>> -> memref<1x128xf32, #tpu.memory_space<vmem>>
      %dma_start3A_927 = tpu.memref_squeeze %dma_start3A_926 : memref<1x128xf32, #tpu.memory_space<vmem>> -> memref<128xf32, #tpu.memory_space<vmem>>
      %dma_start3A_928 = arith.constant 0 : i32
      %dma_start3A_929 = tpu.memref_slice %arg9[%dma_start3A_923, %dma_start3A_928] : memref<40x128xi32, #tpu.memory_space<vmem>> -> memref<1x128xi32, #tpu.memory_space<vmem>>
      %dma_start3A_930 = tpu.memref_squeeze %dma_start3A_929 : memref<1x128xi32, #tpu.memory_space<vmem>> -> memref<128xi32, #tpu.memory_space<vmem>>
      %dma_start3A_931 = arith.constant 0 : i32
      %dma_start3A_932 = tpu.memref_slice %arg18[%dma_start3A_931] : memref<500288xf32, #tpu.memory_space<vmem_shared>> -> memref<500288xf32, #tpu.memory_space<vmem_shared>>
      tpu.enqueue_indirect_dma source(%dma_start3A_932 : memref<500288xf32, #tpu.memory_space<vmem_shared>>) target(%dma_start3A_927 : memref<128xf32, #tpu.memory_space<vmem>>) offsets(%dma_start3A_930 : memref<128xi32, #tpu.memory_space<vmem>>) semaphore(%arg20 : memref<!tpu.dma_semaphore, #tpu.memory_space<semaphore_mem>>)
      %dma_start3A_933 = arith.constant 2 : i32
      %dma_start3A_934 = arith.constant 2 : i32
      %dma_start3A_935 = arith.constant 0 : i32
      %dma_start3A_936 = tpu.memref_slice %arg13[%dma_start3A_934, %dma_start3A_935] : memref<40x128xf32, #tpu.memory_space<vmem>> -> memref<1x128xf32, #tpu.memory_space<vmem>>
      %dma_start3A_937 = tpu.memref_squeeze %dma_start3A_936 : memref<1x128xf32, #tpu.memory_space<vmem>> -> memref<128xf32, #tpu.memory_space<vmem>>
      %dma_start3A_938 = arith.constant 0 : i32
      %dma_start3A_939 = tpu.memref_slice %arg9[%dma_start3A_933, %dma_start3A_938] : memref<40x128xi32, #tpu.memory_space<vmem>> -> memref<1x128xi32, #tpu.memory_space<vmem>>
      %dma_start3A_940 = tpu.memref_squeeze %dma_start3A_939 : memref<1x128xi32, #tpu.memory_space<vmem>> -> memref<128xi32, #tpu.memory_space<vmem>>
      %dma_start3A_941 = arith.constant 0 : i32
      %dma_start3A_942 = tpu.memref_slice %arg18[%dma_start3A_941] : memref<500288xf32, #tpu.memory_space<vmem_shared>> -> memref<500288xf32, #tpu.memory_space<vmem_shared>>
      tpu.enqueue_indirect_dma source(%dma_start3A_942 : memref<500288xf32, #tpu.memory_space<vmem_shared>>) target(%dma_start3A_937 : memref<128xf32, #tpu.memory_space<vmem>>) offsets(%dma_start3A_940 : memref<128xi32, #tpu.memory_space<vmem>>) semaphore(%arg20 : memref<!tpu.dma_semaphore, #tpu.memory_space<semaphore_mem>>)
      %dma_start3A_943 = arith.constant 3 : i32
      %dma_start3A_944 = arith.constant 3 : i32
      %dma_start3A_945 = arith.constant 0 : i32
      %dma_start3A_946 = tpu.memref_slice %arg13[%dma_start3A_944, %dma_start3A_945] : memref<40x128xf32, #tpu.memory_space<vmem>> -> memref<1x128xf32, #tpu.memory_space<vmem>>
      %dma_start3A_947 = tpu.memref_squeeze %dma_start3A_946 : memref<1x128xf32, #tpu.memory_space<vmem>> -> memref<128xf32, #tpu.memory_space<vmem>>
      %dma_start3A_948 = arith.constant 0 : i32
      %dma_start3A_949 = tpu.memref_slice %arg9[%dma_start3A_943, %dma_start3A_948] : memref<40x128xi32, #tpu.memory_space<vmem>> -> memref<1x128xi32, #tpu.memory_space<vmem>>
      %dma_start3A_950 = tpu.memref_squeeze %dma_start3A_949 : memref<1x128xi32, #tpu.memory_space<vmem>> -> memref<128xi32, #tpu.memory_space<vmem>>
      %dma_start3A_951 = arith.constant 0 : i32
      %dma_start3A_952 = tpu.memref_slice %arg18[%dma_start3A_951] : memref<500288xf32, #tpu.memory_space<vmem_shared>> -> memref<500288xf32, #tpu.memory_space<vmem_shared>>
      tpu.enqueue_indirect_dma source(%dma_start3A_952 : memref<500288xf32, #tpu.memory_space<vmem_shared>>) target(%dma_start3A_947 : memref<128xf32, #tpu.memory_space<vmem>>) offsets(%dma_start3A_950 : memref<128xi32, #tpu.memory_space<vmem>>) semaphore(%arg20 : memref<!tpu.dma_semaphore, #tpu.memory_space<semaphore_mem>>)
      %dma_start3A_953 = arith.constant 4 : i32
      %dma_start3A_954 = arith.constant 4 : i32
      %dma_start3A_955 = arith.constant 0 : i32
      %dma_start3A_956 = tpu.memref_slice %arg13[%dma_start3A_954, %dma_start3A_955] : memref<40x128xf32, #tpu.memory_space<vmem>> -> memref<1x128xf32, #tpu.memory_space<vmem>>
      %dma_start3A_957 = tpu.memref_squeeze %dma_start3A_956 : memref<1x128xf32, #tpu.memory_space<vmem>> -> memref<128xf32, #tpu.memory_space<vmem>>
      %dma_start3A_958 = arith.constant 0 : i32
      %dma_start3A_959 = tpu.memref_slice %arg9[%dma_start3A_953, %dma_start3A_958] : memref<40x128xi32, #tpu.memory_space<vmem>> -> memref<1x128xi32, #tpu.memory_space<vmem>>
      %dma_start3A_960 = tpu.memref_squeeze %dma_start3A_959 : memref<1x128xi32, #tpu.memory_space<vmem>> -> memref<128xi32, #tpu.memory_space<vmem>>
      %dma_start3A_961 = arith.constant 0 : i32
      %dma_start3A_962 = tpu.memref_slice %arg18[%dma_start3A_961] : memref<500288xf32, #tpu.memory_space<vmem_shared>> -> memref<500288xf32, #tpu.memory_space<vmem_shared>>
      tpu.enqueue_indirect_dma source(%dma_start3A_962 : memref<500288xf32, #tpu.memory_space<vmem_shared>>) target(%dma_start3A_957 : memref<128xf32, #tpu.memory_space<vmem>>) offsets(%dma_start3A_960 : memref<128xi32, #tpu.memory_space<vmem>>) semaphore(%arg20 : memref<!tpu.dma_semaphore, #tpu.memory_space<semaphore_mem>>)
      %dma_start3A_963 = arith.constant 5 : i32
      %dma_start3A_964 = arith.constant 5 : i32
      %dma_start3A_965 = arith.constant 0 : i32
      %dma_start3A_966 = tpu.memref_slice %arg13[%dma_start3A_964, %dma_start3A_965] : memref<40x128xf32, #tpu.memory_space<vmem>> -> memref<1x128xf32, #tpu.memory_space<vmem>>
      %dma_start3A_967 = tpu.memref_squeeze %dma_start3A_966 : memref<1x128xf32, #tpu.memory_space<vmem>> -> memref<128xf32, #tpu.memory_space<vmem>>
      %dma_start3A_968 = arith.constant 0 : i32
      %dma_start3A_969 = tpu.memref_slice %arg9[%dma_start3A_963, %dma_start3A_968] : memref<40x128xi32, #tpu.memory_space<vmem>> -> memref<1x128xi32, #tpu.memory_space<vmem>>
      %dma_start3A_970 = tpu.memref_squeeze %dma_start3A_969 : memref<1x128xi32, #tpu.memory_space<vmem>> -> memref<128xi32, #tpu.memory_space<vmem>>
      %dma_start3A_971 = arith.constant 0 : i32
      %dma_start3A_972 = tpu.memref_slice %arg18[%dma_start3A_971] : memref<500288xf32, #tpu.memory_space<vmem_shared>> -> memref<500288xf32, #tpu.memory_space<vmem_shared>>
      tpu.enqueue_indirect_dma source(%dma_start3A_972 : memref<500288xf32, #tpu.memory_space<vmem_shared>>) target(%dma_start3A_967 : memref<128xf32, #tpu.memory_space<vmem>>) offsets(%dma_start3A_970 : memref<128xi32, #tpu.memory_space<vmem>>) semaphore(%arg20 : memref<!tpu.dma_semaphore, #tpu.memory_space<semaphore_mem>>)
      %dma_start3A_973 = arith.constant 6 : i32
      %dma_start3A_974 = arith.constant 6 : i32
      %dma_start3A_975 = arith.constant 0 : i32
      %dma_start3A_976 = tpu.memref_slice %arg13[%dma_start3A_974, %dma_start3A_975] : memref<40x128xf32, #tpu.memory_space<vmem>> -> memref<1x128xf32, #tpu.memory_space<vmem>>
      %dma_start3A_977 = tpu.memref_squeeze %dma_start3A_976 : memref<1x128xf32, #tpu.memory_space<vmem>> -> memref<128xf32, #tpu.memory_space<vmem>>
      %dma_start3A_978 = arith.constant 0 : i32
      %dma_start3A_979 = tpu.memref_slice %arg9[%dma_start3A_973, %dma_start3A_978] : memref<40x128xi32, #tpu.memory_space<vmem>> -> memref<1x128xi32, #tpu.memory_space<vmem>>
      %dma_start3A_980 = tpu.memref_squeeze %dma_start3A_979 : memref<1x128xi32, #tpu.memory_space<vmem>> -> memref<128xi32, #tpu.memory_space<vmem>>
      %dma_start3A_981 = arith.constant 0 : i32
      %dma_start3A_982 = tpu.memref_slice %arg18[%dma_start3A_981] : memref<500288xf32, #tpu.memory_space<vmem_shared>> -> memref<500288xf32, #tpu.memory_space<vmem_shared>>
      tpu.enqueue_indirect_dma source(%dma_start3A_982 : memref<500288xf32, #tpu.memory_space<vmem_shared>>) target(%dma_start3A_977 : memref<128xf32, #tpu.memory_space<vmem>>) offsets(%dma_start3A_980 : memref<128xi32, #tpu.memory_space<vmem>>) semaphore(%arg20 : memref<!tpu.dma_semaphore, #tpu.memory_space<semaphore_mem>>)
      %dma_start3A_983 = arith.constant 7 : i32
      %dma_start3A_984 = arith.constant 7 : i32
      %dma_start3A_985 = arith.constant 0 : i32
      %dma_start3A_986 = tpu.memref_slice %arg13[%dma_start3A_984, %dma_start3A_985] : memref<40x128xf32, #tpu.memory_space<vmem>> -> memref<1x128xf32, #tpu.memory_space<vmem>>
      %dma_start3A_987 = tpu.memref_squeeze %dma_start3A_986 : memref<1x128xf32, #tpu.memory_space<vmem>> -> memref<128xf32, #tpu.memory_space<vmem>>
      %dma_start3A_988 = arith.constant 0 : i32
      %dma_start3A_989 = tpu.memref_slice %arg9[%dma_start3A_983, %dma_start3A_988] : memref<40x128xi32, #tpu.memory_space<vmem>> -> memref<1x128xi32, #tpu.memory_space<vmem>>
      %dma_start3A_990 = tpu.memref_squeeze %dma_start3A_989 : memref<1x128xi32, #tpu.memory_space<vmem>> -> memref<128xi32, #tpu.memory_space<vmem>>
      %dma_start3A_991 = arith.constant 0 : i32
      %dma_start3A_992 = tpu.memref_slice %arg18[%dma_start3A_991] : memref<500288xf32, #tpu.memory_space<vmem_shared>> -> memref<500288xf32, #tpu.memory_space<vmem_shared>>
      tpu.enqueue_indirect_dma source(%dma_start3A_992 : memref<500288xf32, #tpu.memory_space<vmem_shared>>) target(%dma_start3A_987 : memref<128xf32, #tpu.memory_space<vmem>>) offsets(%dma_start3A_990 : memref<128xi32, #tpu.memory_space<vmem>>) semaphore(%arg20 : memref<!tpu.dma_semaphore, #tpu.memory_space<semaphore_mem>>)
      %dma_start3A_993 = arith.constant 8 : i32
      %dma_start3A_994 = arith.constant 8 : i32
      %dma_start3A_995 = arith.constant 0 : i32
      %dma_start3A_996 = tpu.memref_slice %arg13[%dma_start3A_994, %dma_start3A_995] : memref<40x128xf32, #tpu.memory_space<vmem>> -> memref<1x128xf32, #tpu.memory_space<vmem>>
      %dma_start3A_997 = tpu.memref_squeeze %dma_start3A_996 : memref<1x128xf32, #tpu.memory_space<vmem>> -> memref<128xf32, #tpu.memory_space<vmem>>
      %dma_start3A_998 = arith.constant 0 : i32
      %dma_start3A_999 = tpu.memref_slice %arg9[%dma_start3A_993, %dma_start3A_998] : memref<40x128xi32, #tpu.memory_space<vmem>> -> memref<1x128xi32, #tpu.memory_space<vmem>>
      %dma_start3A_1000 = tpu.memref_squeeze %dma_start3A_999 : memref<1x128xi32, #tpu.memory_space<vmem>> -> memref<128xi32, #tpu.memory_space<vmem>>
      %dma_start3A_1001 = arith.constant 0 : i32
      %dma_start3A_1002 = tpu.memref_slice %arg18[%dma_start3A_1001] : memref<500288xf32, #tpu.memory_space<vmem_shared>> -> memref<500288xf32, #tpu.memory_space<vmem_shared>>
      tpu.enqueue_indirect_dma source(%dma_start3A_1002 : memref<500288xf32, #tpu.memory_space<vmem_shared>>) target(%dma_start3A_997 : memref<128xf32, #tpu.memory_space<vmem>>) offsets(%dma_start3A_1000 : memref<128xi32, #tpu.memory_space<vmem>>) semaphore(%arg20 : memref<!tpu.dma_semaphore, #tpu.memory_space<semaphore_mem>>)
      %dma_start3A_1003 = arith.constant 9 : i32
      %dma_start3A_1004 = arith.constant 9 : i32
      %dma_start3A_1005 = arith.constant 0 : i32
      %dma_start3A_1006 = tpu.memref_slice %arg13[%dma_start3A_1004, %dma_start3A_1005] : memref<40x128xf32, #tpu.memory_space<vmem>> -> memref<1x128xf32, #tpu.memory_space<vmem>>
      %dma_start3A_1007 = tpu.memref_squeeze %dma_start3A_1006 : memref<1x128xf32, #tpu.memory_space<vmem>> -> memref<128xf32, #tpu.memory_space<vmem>>
      %dma_start3A_1008 = arith.constant 0 : i32
      %dma_start3A_1009 = tpu.memref_slice %arg9[%dma_start3A_1003, %dma_start3A_1008] : memref<40x128xi32, #tpu.memory_space<vmem>> -> memref<1x128xi32, #tpu.memory_space<vmem>>
      %dma_start3A_1010 = tpu.memref_squeeze %dma_start3A_1009 : memref<1x128xi32, #tpu.memory_space<vmem>> -> memref<128xi32, #tpu.memory_space<vmem>>
      %dma_start3A_1011 = arith.constant 0 : i32
      %dma_start3A_1012 = tpu.memref_slice %arg18[%dma_start3A_1011] : memref<500288xf32, #tpu.memory_space<vmem_shared>> -> memref<500288xf32, #tpu.memory_space<vmem_shared>>
      tpu.enqueue_indirect_dma source(%dma_start3A_1012 : memref<500288xf32, #tpu.memory_space<vmem_shared>>) target(%dma_start3A_1007 : memref<128xf32, #tpu.memory_space<vmem>>) offsets(%dma_start3A_1010 : memref<128xi32, #tpu.memory_space<vmem>>) semaphore(%arg20 : memref<!tpu.dma_semaphore, #tpu.memory_space<semaphore_mem>>)
      %dma_start3A_1013 = arith.constant 10 : i32
      %dma_start3A_1014 = arith.constant 10 : i32
      %dma_start3A_1015 = arith.constant 0 : i32
      %dma_start3A_1016 = tpu.memref_slice %arg13[%dma_start3A_1014, %dma_start3A_1015] : memref<40x128xf32, #tpu.memory_space<vmem>> -> memref<1x128xf32, #tpu.memory_space<vmem>>
      %dma_start3A_1017 = tpu.memref_squeeze %dma_start3A_1016 : memref<1x128xf32, #tpu.memory_space<vmem>> -> memref<128xf32, #tpu.memory_space<vmem>>
      %dma_start3A_1018 = arith.constant 0 : i32
      %dma_start3A_1019 = tpu.memref_slice %arg9[%dma_start3A_1013, %dma_start3A_1018] : memref<40x128xi32, #tpu.memory_space<vmem>> -> memref<1x128xi32, #tpu.memory_space<vmem>>
      %dma_start3A_1020 = tpu.memref_squeeze %dma_start3A_1019 : memref<1x128xi32, #tpu.memory_space<vmem>> -> memref<128xi32, #tpu.memory_space<vmem>>
      %dma_start3A_1021 = arith.constant 0 : i32
      %dma_start3A_1022 = tpu.memref_slice %arg18[%dma_start3A_1021] : memref<500288xf32, #tpu.memory_space<vmem_shared>> -> memref<500288xf32, #tpu.memory_space<vmem_shared>>
      tpu.enqueue_indirect_dma source(%dma_start3A_1022 : memref<500288xf32, #tpu.memory_space<vmem_shared>>) target(%dma_start3A_1017 : memref<128xf32, #tpu.memory_space<vmem>>) offsets(%dma_start3A_1020 : memref<128xi32, #tpu.memory_space<vmem>>) semaphore(%arg20 : memref<!tpu.dma_semaphore, #tpu.memory_space<semaphore_mem>>)
      %dma_start3A_1023 = arith.constant 11 : i32
      %dma_start3A_1024 = arith.constant 11 : i32
      %dma_start3A_1025 = arith.constant 0 : i32
      %dma_start3A_1026 = tpu.memref_slice %arg13[%dma_start3A_1024, %dma_start3A_1025] : memref<40x128xf32, #tpu.memory_space<vmem>> -> memref<1x128xf32, #tpu.memory_space<vmem>>
      %dma_start3A_1027 = tpu.memref_squeeze %dma_start3A_1026 : memref<1x128xf32, #tpu.memory_space<vmem>> -> memref<128xf32, #tpu.memory_space<vmem>>
      %dma_start3A_1028 = arith.constant 0 : i32
      %dma_start3A_1029 = tpu.memref_slice %arg9[%dma_start3A_1023, %dma_start3A_1028] : memref<40x128xi32, #tpu.memory_space<vmem>> -> memref<1x128xi32, #tpu.memory_space<vmem>>
      %dma_start3A_1030 = tpu.memref_squeeze %dma_start3A_1029 : memref<1x128xi32, #tpu.memory_space<vmem>> -> memref<128xi32, #tpu.memory_space<vmem>>
      %dma_start3A_1031 = arith.constant 0 : i32
      %dma_start3A_1032 = tpu.memref_slice %arg18[%dma_start3A_1031] : memref<500288xf32, #tpu.memory_space<vmem_shared>> -> memref<500288xf32, #tpu.memory_space<vmem_shared>>
      tpu.enqueue_indirect_dma source(%dma_start3A_1032 : memref<500288xf32, #tpu.memory_space<vmem_shared>>) target(%dma_start3A_1027 : memref<128xf32, #tpu.memory_space<vmem>>) offsets(%dma_start3A_1030 : memref<128xi32, #tpu.memory_space<vmem>>) semaphore(%arg20 : memref<!tpu.dma_semaphore, #tpu.memory_space<semaphore_mem>>)
      %dma_start3A_1033 = arith.constant 12 : i32
      %dma_start3A_1034 = arith.constant 12 : i32
      %dma_start3A_1035 = arith.constant 0 : i32
      %dma_start3A_1036 = tpu.memref_slice %arg13[%dma_start3A_1034, %dma_start3A_1035] : memref<40x128xf32, #tpu.memory_space<vmem>> -> memref<1x128xf32, #tpu.memory_space<vmem>>
      %dma_start3A_1037 = tpu.memref_squeeze %dma_start3A_1036 : memref<1x128xf32, #tpu.memory_space<vmem>> -> memref<128xf32, #tpu.memory_space<vmem>>
      %dma_start3A_1038 = arith.constant 0 : i32
      %dma_start3A_1039 = tpu.memref_slice %arg9[%dma_start3A_1033, %dma_start3A_1038] : memref<40x128xi32, #tpu.memory_space<vmem>> -> memref<1x128xi32, #tpu.memory_space<vmem>>
      %dma_start3A_1040 = tpu.memref_squeeze %dma_start3A_1039 : memref<1x128xi32, #tpu.memory_space<vmem>> -> memref<128xi32, #tpu.memory_space<vmem>>
      %dma_start3A_1041 = arith.constant 0 : i32
      %dma_start3A_1042 = tpu.memref_slice %arg18[%dma_start3A_1041] : memref<500288xf32, #tpu.memory_space<vmem_shared>> -> memref<500288xf32, #tpu.memory_space<vmem_shared>>
      tpu.enqueue_indirect_dma source(%dma_start3A_1042 : memref<500288xf32, #tpu.memory_space<vmem_shared>>) target(%dma_start3A_1037 : memref<128xf32, #tpu.memory_space<vmem>>) offsets(%dma_start3A_1040 : memref<128xi32, #tpu.memory_space<vmem>>) semaphore(%arg20 : memref<!tpu.dma_semaphore, #tpu.memory_space<semaphore_mem>>)
      %dma_start3A_1043 = arith.constant 13 : i32
      %dma_start3A_1044 = arith.constant 13 : i32
      %dma_start3A_1045 = arith.constant 0 : i32
      %dma_start3A_1046 = tpu.memref_slice %arg13[%dma_start3A_1044, %dma_start3A_1045] : memref<40x128xf32, #tpu.memory_space<vmem>> -> memref<1x128xf32, #tpu.memory_space<vmem>>
      %dma_start3A_1047 = tpu.memref_squeeze %dma_start3A_1046 : memref<1x128xf32, #tpu.memory_space<vmem>> -> memref<128xf32, #tpu.memory_space<vmem>>
      %dma_start3A_1048 = arith.constant 0 : i32
      %dma_start3A_1049 = tpu.memref_slice %arg9[%dma_start3A_1043, %dma_start3A_1048] : memref<40x128xi32, #tpu.memory_space<vmem>> -> memref<1x128xi32, #tpu.memory_space<vmem>>
      %dma_start3A_1050 = tpu.memref_squeeze %dma_start3A_1049 : memref<1x128xi32, #tpu.memory_space<vmem>> -> memref<128xi32, #tpu.memory_space<vmem>>
      %dma_start3A_1051 = arith.constant 0 : i32
      %dma_start3A_1052 = tpu.memref_slice %arg18[%dma_start3A_1051] : memref<500288xf32, #tpu.memory_space<vmem_shared>> -> memref<500288xf32, #tpu.memory_space<vmem_shared>>
      tpu.enqueue_indirect_dma source(%dma_start3A_1052 : memref<500288xf32, #tpu.memory_space<vmem_shared>>) target(%dma_start3A_1047 : memref<128xf32, #tpu.memory_space<vmem>>) offsets(%dma_start3A_1050 : memref<128xi32, #tpu.memory_space<vmem>>) semaphore(%arg20 : memref<!tpu.dma_semaphore, #tpu.memory_space<semaphore_mem>>)
      %dma_start3A_1053 = arith.constant 14 : i32
      %dma_start3A_1054 = arith.constant 14 : i32
      %dma_start3A_1055 = arith.constant 0 : i32
      %dma_start3A_1056 = tpu.memref_slice %arg13[%dma_start3A_1054, %dma_start3A_1055] : memref<40x128xf32, #tpu.memory_space<vmem>> -> memref<1x128xf32, #tpu.memory_space<vmem>>
      %dma_start3A_1057 = tpu.memref_squeeze %dma_start3A_1056 : memref<1x128xf32, #tpu.memory_space<vmem>> -> memref<128xf32, #tpu.memory_space<vmem>>
      %dma_start3A_1058 = arith.constant 0 : i32
      %dma_start3A_1059 = tpu.memref_slice %arg9[%dma_start3A_1053, %dma_start3A_1058] : memref<40x128xi32, #tpu.memory_space<vmem>> -> memref<1x128xi32, #tpu.memory_space<vmem>>
      %dma_start3A_1060 = tpu.memref_squeeze %dma_start3A_1059 : memref<1x128xi32, #tpu.memory_space<vmem>> -> memref<128xi32, #tpu.memory_space<vmem>>
      %dma_start3A_1061 = arith.constant 0 : i32
      %dma_start3A_1062 = tpu.memref_slice %arg18[%dma_start3A_1061] : memref<500288xf32, #tpu.memory_space<vmem_shared>> -> memref<500288xf32, #tpu.memory_space<vmem_shared>>
      tpu.enqueue_indirect_dma source(%dma_start3A_1062 : memref<500288xf32, #tpu.memory_space<vmem_shared>>) target(%dma_start3A_1057 : memref<128xf32, #tpu.memory_space<vmem>>) offsets(%dma_start3A_1060 : memref<128xi32, #tpu.memory_space<vmem>>) semaphore(%arg20 : memref<!tpu.dma_semaphore, #tpu.memory_space<semaphore_mem>>)
      %dma_start3A_1063 = arith.constant 15 : i32
      %dma_start3A_1064 = arith.constant 15 : i32
      %dma_start3A_1065 = arith.constant 0 : i32
      %dma_start3A_1066 = tpu.memref_slice %arg13[%dma_start3A_1064, %dma_start3A_1065] : memref<40x128xf32, #tpu.memory_space<vmem>> -> memref<1x128xf32, #tpu.memory_space<vmem>>
      %dma_start3A_1067 = tpu.memref_squeeze %dma_start3A_1066 : memref<1x128xf32, #tpu.memory_space<vmem>> -> memref<128xf32, #tpu.memory_space<vmem>>
      %dma_start3A_1068 = arith.constant 0 : i32
      %dma_start3A_1069 = tpu.memref_slice %arg9[%dma_start3A_1063, %dma_start3A_1068] : memref<40x128xi32, #tpu.memory_space<vmem>> -> memref<1x128xi32, #tpu.memory_space<vmem>>
      %dma_start3A_1070 = tpu.memref_squeeze %dma_start3A_1069 : memref<1x128xi32, #tpu.memory_space<vmem>> -> memref<128xi32, #tpu.memory_space<vmem>>
      %dma_start3A_1071 = arith.constant 0 : i32
      %dma_start3A_1072 = tpu.memref_slice %arg18[%dma_start3A_1071] : memref<500288xf32, #tpu.memory_space<vmem_shared>> -> memref<500288xf32, #tpu.memory_space<vmem_shared>>
      tpu.enqueue_indirect_dma source(%dma_start3A_1072 : memref<500288xf32, #tpu.memory_space<vmem_shared>>) target(%dma_start3A_1067 : memref<128xf32, #tpu.memory_space<vmem>>) offsets(%dma_start3A_1070 : memref<128xi32, #tpu.memory_space<vmem>>) semaphore(%arg20 : memref<!tpu.dma_semaphore, #tpu.memory_space<semaphore_mem>>)
      %dma_start3A_1073 = arith.constant 16 : i32
      %dma_start3A_1074 = arith.constant 16 : i32
      %dma_start3A_1075 = arith.constant 0 : i32
      %dma_start3A_1076 = tpu.memref_slice %arg13[%dma_start3A_1074, %dma_start3A_1075] : memref<40x128xf32, #tpu.memory_space<vmem>> -> memref<1x128xf32, #tpu.memory_space<vmem>>
      %dma_start3A_1077 = tpu.memref_squeeze %dma_start3A_1076 : memref<1x128xf32, #tpu.memory_space<vmem>> -> memref<128xf32, #tpu.memory_space<vmem>>
      %dma_start3A_1078 = arith.constant 0 : i32
      %dma_start3A_1079 = tpu.memref_slice %arg9[%dma_start3A_1073, %dma_start3A_1078] : memref<40x128xi32, #tpu.memory_space<vmem>> -> memref<1x128xi32, #tpu.memory_space<vmem>>
      %dma_start3A_1080 = tpu.memref_squeeze %dma_start3A_1079 : memref<1x128xi32, #tpu.memory_space<vmem>> -> memref<128xi32, #tpu.memory_space<vmem>>
      %dma_start3A_1081 = arith.constant 0 : i32
      %dma_start3A_1082 = tpu.memref_slice %arg18[%dma_start3A_1081] : memref<500288xf32, #tpu.memory_space<vmem_shared>> -> memref<500288xf32, #tpu.memory_space<vmem_shared>>
      tpu.enqueue_indirect_dma source(%dma_start3A_1082 : memref<500288xf32, #tpu.memory_space<vmem_shared>>) target(%dma_start3A_1077 : memref<128xf32, #tpu.memory_space<vmem>>) offsets(%dma_start3A_1080 : memref<128xi32, #tpu.memory_space<vmem>>) semaphore(%arg20 : memref<!tpu.dma_semaphore, #tpu.memory_space<semaphore_mem>>)
      %dma_start3A_1083 = arith.constant 17 : i32
      %dma_start3A_1084 = arith.constant 17 : i32
      %dma_start3A_1085 = arith.constant 0 : i32
      %dma_start3A_1086 = tpu.memref_slice %arg13[%dma_start3A_1084, %dma_start3A_1085] : memref<40x128xf32, #tpu.memory_space<vmem>> -> memref<1x128xf32, #tpu.memory_space<vmem>>
      %dma_start3A_1087 = tpu.memref_squeeze %dma_start3A_1086 : memref<1x128xf32, #tpu.memory_space<vmem>> -> memref<128xf32, #tpu.memory_space<vmem>>
      %dma_start3A_1088 = arith.constant 0 : i32
      %dma_start3A_1089 = tpu.memref_slice %arg9[%dma_start3A_1083, %dma_start3A_1088] : memref<40x128xi32, #tpu.memory_space<vmem>> -> memref<1x128xi32, #tpu.memory_space<vmem>>
      %dma_start3A_1090 = tpu.memref_squeeze %dma_start3A_1089 : memref<1x128xi32, #tpu.memory_space<vmem>> -> memref<128xi32, #tpu.memory_space<vmem>>
      %dma_start3A_1091 = arith.constant 0 : i32
      %dma_start3A_1092 = tpu.memref_slice %arg18[%dma_start3A_1091] : memref<500288xf32, #tpu.memory_space<vmem_shared>> -> memref<500288xf32, #tpu.memory_space<vmem_shared>>
      tpu.enqueue_indirect_dma source(%dma_start3A_1092 : memref<500288xf32, #tpu.memory_space<vmem_shared>>) target(%dma_start3A_1087 : memref<128xf32, #tpu.memory_space<vmem>>) offsets(%dma_start3A_1090 : memref<128xi32, #tpu.memory_space<vmem>>) semaphore(%arg20 : memref<!tpu.dma_semaphore, #tpu.memory_space<semaphore_mem>>)
      %dma_start3A_1093 = arith.constant 18 : i32
      %dma_start3A_1094 = arith.constant 18 : i32
      %dma_start3A_1095 = arith.constant 0 : i32
      %dma_start3A_1096 = tpu.memref_slice %arg13[%dma_start3A_1094, %dma_start3A_1095] : memref<40x128xf32, #tpu.memory_space<vmem>> -> memref<1x128xf32, #tpu.memory_space<vmem>>
      %dma_start3A_1097 = tpu.memref_squeeze %dma_start3A_1096 : memref<1x128xf32, #tpu.memory_space<vmem>> -> memref<128xf32, #tpu.memory_space<vmem>>
      %dma_start3A_1098 = arith.constant 0 : i32
      %dma_start3A_1099 = tpu.memref_slice %arg9[%dma_start3A_1093, %dma_start3A_1098] : memref<40x128xi32, #tpu.memory_space<vmem>> -> memref<1x128xi32, #tpu.memory_space<vmem>>
      %dma_start3A_1100 = tpu.memref_squeeze %dma_start3A_1099 : memref<1x128xi32, #tpu.memory_space<vmem>> -> memref<128xi32, #tpu.memory_space<vmem>>
      %dma_start3A_1101 = arith.constant 0 : i32
      %dma_start3A_1102 = tpu.memref_slice %arg18[%dma_start3A_1101] : memref<500288xf32, #tpu.memory_space<vmem_shared>> -> memref<500288xf32, #tpu.memory_space<vmem_shared>>
      tpu.enqueue_indirect_dma source(%dma_start3A_1102 : memref<500288xf32, #tpu.memory_space<vmem_shared>>) target(%dma_start3A_1097 : memref<128xf32, #tpu.memory_space<vmem>>) offsets(%dma_start3A_1100 : memref<128xi32, #tpu.memory_space<vmem>>) semaphore(%arg20 : memref<!tpu.dma_semaphore, #tpu.memory_space<semaphore_mem>>)
      %dma_start3A_1103 = arith.constant 19 : i32
      %dma_start3A_1104 = arith.constant 19 : i32
      %dma_start3A_1105 = arith.constant 0 : i32
      %dma_start3A_1106 = tpu.memref_slice %arg13[%dma_start3A_1104, %dma_start3A_1105] : memref<40x128xf32, #tpu.memory_space<vmem>> -> memref<1x128xf32, #tpu.memory_space<vmem>>
      %dma_start3A_1107 = tpu.memref_squeeze %dma_start3A_1106 : memref<1x128xf32, #tpu.memory_space<vmem>> -> memref<128xf32, #tpu.memory_space<vmem>>
      %dma_start3A_1108 = arith.constant 0 : i32
      %dma_start3A_1109 = tpu.memref_slice %arg9[%dma_start3A_1103, %dma_start3A_1108] : memref<40x128xi32, #tpu.memory_space<vmem>> -> memref<1x128xi32, #tpu.memory_space<vmem>>
      %dma_start3A_1110 = tpu.memref_squeeze %dma_start3A_1109 : memref<1x128xi32, #tpu.memory_space<vmem>> -> memref<128xi32, #tpu.memory_space<vmem>>
      %dma_start3A_1111 = arith.constant 0 : i32
      %dma_start3A_1112 = tpu.memref_slice %arg18[%dma_start3A_1111] : memref<500288xf32, #tpu.memory_space<vmem_shared>> -> memref<500288xf32, #tpu.memory_space<vmem_shared>>
      tpu.enqueue_indirect_dma source(%dma_start3A_1112 : memref<500288xf32, #tpu.memory_space<vmem_shared>>) target(%dma_start3A_1107 : memref<128xf32, #tpu.memory_space<vmem>>) offsets(%dma_start3A_1110 : memref<128xi32, #tpu.memory_space<vmem>>) semaphore(%arg20 : memref<!tpu.dma_semaphore, #tpu.memory_space<semaphore_mem>>)
      %dma_start3A_1113 = arith.constant 20 : i32
      %dma_start3A_1114 = arith.constant 20 : i32
      %dma_start3A_1115 = arith.constant 0 : i32
      %dma_start3A_1116 = tpu.memref_slice %arg13[%dma_start3A_1114, %dma_start3A_1115] : memref<40x128xf32, #tpu.memory_space<vmem>> -> memref<1x128xf32, #tpu.memory_space<vmem>>
      %dma_start3A_1117 = tpu.memref_squeeze %dma_start3A_1116 : memref<1x128xf32, #tpu.memory_space<vmem>> -> memref<128xf32, #tpu.memory_space<vmem>>
      %dma_start3A_1118 = arith.constant 0 : i32
      %dma_start3A_1119 = tpu.memref_slice %arg9[%dma_start3A_1113, %dma_start3A_1118] : memref<40x128xi32, #tpu.memory_space<vmem>> -> memref<1x128xi32, #tpu.memory_space<vmem>>
      %dma_start3A_1120 = tpu.memref_squeeze %dma_start3A_1119 : memref<1x128xi32, #tpu.memory_space<vmem>> -> memref<128xi32, #tpu.memory_space<vmem>>
      %dma_start3A_1121 = arith.constant 0 : i32
      %dma_start3A_1122 = tpu.memref_slice %arg18[%dma_start3A_1121] : memref<500288xf32, #tpu.memory_space<vmem_shared>> -> memref<500288xf32, #tpu.memory_space<vmem_shared>>
      tpu.enqueue_indirect_dma source(%dma_start3A_1122 : memref<500288xf32, #tpu.memory_space<vmem_shared>>) target(%dma_start3A_1117 : memref<128xf32, #tpu.memory_space<vmem>>) offsets(%dma_start3A_1120 : memref<128xi32, #tpu.memory_space<vmem>>) semaphore(%arg20 : memref<!tpu.dma_semaphore, #tpu.memory_space<semaphore_mem>>)
      %dma_start3A_1123 = arith.constant 21 : i32
      %dma_start3A_1124 = arith.constant 21 : i32
      %dma_start3A_1125 = arith.constant 0 : i32
      %dma_start3A_1126 = tpu.memref_slice %arg13[%dma_start3A_1124, %dma_start3A_1125] : memref<40x128xf32, #tpu.memory_space<vmem>> -> memref<1x128xf32, #tpu.memory_space<vmem>>
      %dma_start3A_1127 = tpu.memref_squeeze %dma_start3A_1126 : memref<1x128xf32, #tpu.memory_space<vmem>> -> memref<128xf32, #tpu.memory_space<vmem>>
      %dma_start3A_1128 = arith.constant 0 : i32
      %dma_start3A_1129 = tpu.memref_slice %arg9[%dma_start3A_1123, %dma_start3A_1128] : memref<40x128xi32, #tpu.memory_space<vmem>> -> memref<1x128xi32, #tpu.memory_space<vmem>>
      %dma_start3A_1130 = tpu.memref_squeeze %dma_start3A_1129 : memref<1x128xi32, #tpu.memory_space<vmem>> -> memref<128xi32, #tpu.memory_space<vmem>>
      %dma_start3A_1131 = arith.constant 0 : i32
      %dma_start3A_1132 = tpu.memref_slice %arg18[%dma_start3A_1131] : memref<500288xf32, #tpu.memory_space<vmem_shared>> -> memref<500288xf32, #tpu.memory_space<vmem_shared>>
      tpu.enqueue_indirect_dma source(%dma_start3A_1132 : memref<500288xf32, #tpu.memory_space<vmem_shared>>) target(%dma_start3A_1127 : memref<128xf32, #tpu.memory_space<vmem>>) offsets(%dma_start3A_1130 : memref<128xi32, #tpu.memory_space<vmem>>) semaphore(%arg20 : memref<!tpu.dma_semaphore, #tpu.memory_space<semaphore_mem>>)
      %dma_start3A_1133 = arith.constant 22 : i32
      %dma_start3A_1134 = arith.constant 22 : i32
      %dma_start3A_1135 = arith.constant 0 : i32
      %dma_start3A_1136 = tpu.memref_slice %arg13[%dma_start3A_1134, %dma_start3A_1135] : memref<40x128xf32, #tpu.memory_space<vmem>> -> memref<1x128xf32, #tpu.memory_space<vmem>>
      %dma_start3A_1137 = tpu.memref_squeeze %dma_start3A_1136 : memref<1x128xf32, #tpu.memory_space<vmem>> -> memref<128xf32, #tpu.memory_space<vmem>>
      %dma_start3A_1138 = arith.constant 0 : i32
      %dma_start3A_1139 = tpu.memref_slice %arg9[%dma_start3A_1133, %dma_start3A_1138] : memref<40x128xi32, #tpu.memory_space<vmem>> -> memref<1x128xi32, #tpu.memory_space<vmem>>
      %dma_start3A_1140 = tpu.memref_squeeze %dma_start3A_1139 : memref<1x128xi32, #tpu.memory_space<vmem>> -> memref<128xi32, #tpu.memory_space<vmem>>
      %dma_start3A_1141 = arith.constant 0 : i32
      %dma_start3A_1142 = tpu.memref_slice %arg18[%dma_start3A_1141] : memref<500288xf32, #tpu.memory_space<vmem_shared>> -> memref<500288xf32, #tpu.memory_space<vmem_shared>>
      tpu.enqueue_indirect_dma source(%dma_start3A_1142 : memref<500288xf32, #tpu.memory_space<vmem_shared>>) target(%dma_start3A_1137 : memref<128xf32, #tpu.memory_space<vmem>>) offsets(%dma_start3A_1140 : memref<128xi32, #tpu.memory_space<vmem>>) semaphore(%arg20 : memref<!tpu.dma_semaphore, #tpu.memory_space<semaphore_mem>>)
      %dma_start3A_1143 = arith.constant 23 : i32
      %dma_start3A_1144 = arith.constant 23 : i32
      %dma_start3A_1145 = arith.constant 0 : i32
      %dma_start3A_1146 = tpu.memref_slice %arg13[%dma_start3A_1144, %dma_start3A_1145] : memref<40x128xf32, #tpu.memory_space<vmem>> -> memref<1x128xf32, #tpu.memory_space<vmem>>
      %dma_start3A_1147 = tpu.memref_squeeze %dma_start3A_1146 : memref<1x128xf32, #tpu.memory_space<vmem>> -> memref<128xf32, #tpu.memory_space<vmem>>
      %dma_start3A_1148 = arith.constant 0 : i32
      %dma_start3A_1149 = tpu.memref_slice %arg9[%dma_start3A_1143, %dma_start3A_1148] : memref<40x128xi32, #tpu.memory_space<vmem>> -> memref<1x128xi32, #tpu.memory_space<vmem>>
      %dma_start3A_1150 = tpu.memref_squeeze %dma_start3A_1149 : memref<1x128xi32, #tpu.memory_space<vmem>> -> memref<128xi32, #tpu.memory_space<vmem>>
      %dma_start3A_1151 = arith.constant 0 : i32
      %dma_start3A_1152 = tpu.memref_slice %arg18[%dma_start3A_1151] : memref<500288xf32, #tpu.memory_space<vmem_shared>> -> memref<500288xf32, #tpu.memory_space<vmem_shared>>
      tpu.enqueue_indirect_dma source(%dma_start3A_1152 : memref<500288xf32, #tpu.memory_space<vmem_shared>>) target(%dma_start3A_1147 : memref<128xf32, #tpu.memory_space<vmem>>) offsets(%dma_start3A_1150 : memref<128xi32, #tpu.memory_space<vmem>>) semaphore(%arg20 : memref<!tpu.dma_semaphore, #tpu.memory_space<semaphore_mem>>)
      %dma_start3A_1153 = arith.constant 24 : i32
      %dma_start3A_1154 = arith.constant 24 : i32
      %dma_start3A_1155 = arith.constant 0 : i32
      %dma_start3A_1156 = tpu.memref_slice %arg13[%dma_start3A_1154, %dma_start3A_1155] : memref<40x128xf32, #tpu.memory_space<vmem>> -> memref<1x128xf32, #tpu.memory_space<vmem>>
      %dma_start3A_1157 = tpu.memref_squeeze %dma_start3A_1156 : memref<1x128xf32, #tpu.memory_space<vmem>> -> memref<128xf32, #tpu.memory_space<vmem>>
      %dma_start3A_1158 = arith.constant 0 : i32
      %dma_start3A_1159 = tpu.memref_slice %arg9[%dma_start3A_1153, %dma_start3A_1158] : memref<40x128xi32, #tpu.memory_space<vmem>> -> memref<1x128xi32, #tpu.memory_space<vmem>>
      %dma_start3A_1160 = tpu.memref_squeeze %dma_start3A_1159 : memref<1x128xi32, #tpu.memory_space<vmem>> -> memref<128xi32, #tpu.memory_space<vmem>>
      %dma_start3A_1161 = arith.constant 0 : i32
      %dma_start3A_1162 = tpu.memref_slice %arg18[%dma_start3A_1161] : memref<500288xf32, #tpu.memory_space<vmem_shared>> -> memref<500288xf32, #tpu.memory_space<vmem_shared>>
      tpu.enqueue_indirect_dma source(%dma_start3A_1162 : memref<500288xf32, #tpu.memory_space<vmem_shared>>) target(%dma_start3A_1157 : memref<128xf32, #tpu.memory_space<vmem>>) offsets(%dma_start3A_1160 : memref<128xi32, #tpu.memory_space<vmem>>) semaphore(%arg20 : memref<!tpu.dma_semaphore, #tpu.memory_space<semaphore_mem>>)
      %dma_start3A_1163 = arith.constant 25 : i32
      %dma_start3A_1164 = arith.constant 25 : i32
      %dma_start3A_1165 = arith.constant 0 : i32
      %dma_start3A_1166 = tpu.memref_slice %arg13[%dma_start3A_1164, %dma_start3A_1165] : memref<40x128xf32, #tpu.memory_space<vmem>> -> memref<1x128xf32, #tpu.memory_space<vmem>>
      %dma_start3A_1167 = tpu.memref_squeeze %dma_start3A_1166 : memref<1x128xf32, #tpu.memory_space<vmem>> -> memref<128xf32, #tpu.memory_space<vmem>>
      %dma_start3A_1168 = arith.constant 0 : i32
      %dma_start3A_1169 = tpu.memref_slice %arg9[%dma_start3A_1163, %dma_start3A_1168] : memref<40x128xi32, #tpu.memory_space<vmem>> -> memref<1x128xi32, #tpu.memory_space<vmem>>
      %dma_start3A_1170 = tpu.memref_squeeze %dma_start3A_1169 : memref<1x128xi32, #tpu.memory_space<vmem>> -> memref<128xi32, #tpu.memory_space<vmem>>
      %dma_start3A_1171 = arith.constant 0 : i32
      %dma_start3A_1172 = tpu.memref_slice %arg18[%dma_start3A_1171] : memref<500288xf32, #tpu.memory_space<vmem_shared>> -> memref<500288xf32, #tpu.memory_space<vmem_shared>>
      tpu.enqueue_indirect_dma source(%dma_start3A_1172 : memref<500288xf32, #tpu.memory_space<vmem_shared>>) target(%dma_start3A_1167 : memref<128xf32, #tpu.memory_space<vmem>>) offsets(%dma_start3A_1170 : memref<128xi32, #tpu.memory_space<vmem>>) semaphore(%arg20 : memref<!tpu.dma_semaphore, #tpu.memory_space<semaphore_mem>>)
      %dma_start3A_1173 = arith.constant 26 : i32
      %dma_start3A_1174 = arith.constant 26 : i32
      %dma_start3A_1175 = arith.constant 0 : i32
      %dma_start3A_1176 = tpu.memref_slice %arg13[%dma_start3A_1174, %dma_start3A_1175] : memref<40x128xf32, #tpu.memory_space<vmem>> -> memref<1x128xf32, #tpu.memory_space<vmem>>
      %dma_start3A_1177 = tpu.memref_squeeze %dma_start3A_1176 : memref<1x128xf32, #tpu.memory_space<vmem>> -> memref<128xf32, #tpu.memory_space<vmem>>
      %dma_start3A_1178 = arith.constant 0 : i32
      %dma_start3A_1179 = tpu.memref_slice %arg9[%dma_start3A_1173, %dma_start3A_1178] : memref<40x128xi32, #tpu.memory_space<vmem>> -> memref<1x128xi32, #tpu.memory_space<vmem>>
      %dma_start3A_1180 = tpu.memref_squeeze %dma_start3A_1179 : memref<1x128xi32, #tpu.memory_space<vmem>> -> memref<128xi32, #tpu.memory_space<vmem>>
      %dma_start3A_1181 = arith.constant 0 : i32
      %dma_start3A_1182 = tpu.memref_slice %arg18[%dma_start3A_1181] : memref<500288xf32, #tpu.memory_space<vmem_shared>> -> memref<500288xf32, #tpu.memory_space<vmem_shared>>
      tpu.enqueue_indirect_dma source(%dma_start3A_1182 : memref<500288xf32, #tpu.memory_space<vmem_shared>>) target(%dma_start3A_1177 : memref<128xf32, #tpu.memory_space<vmem>>) offsets(%dma_start3A_1180 : memref<128xi32, #tpu.memory_space<vmem>>) semaphore(%arg20 : memref<!tpu.dma_semaphore, #tpu.memory_space<semaphore_mem>>)
      %dma_start3A_1183 = arith.constant 27 : i32
      %dma_start3A_1184 = arith.constant 27 : i32
      %dma_start3A_1185 = arith.constant 0 : i32
      %dma_start3A_1186 = tpu.memref_slice %arg13[%dma_start3A_1184, %dma_start3A_1185] : memref<40x128xf32, #tpu.memory_space<vmem>> -> memref<1x128xf32, #tpu.memory_space<vmem>>
      %dma_start3A_1187 = tpu.memref_squeeze %dma_start3A_1186 : memref<1x128xf32, #tpu.memory_space<vmem>> -> memref<128xf32, #tpu.memory_space<vmem>>
      %dma_start3A_1188 = arith.constant 0 : i32
      %dma_start3A_1189 = tpu.memref_slice %arg9[%dma_start3A_1183, %dma_start3A_1188] : memref<40x128xi32, #tpu.memory_space<vmem>> -> memref<1x128xi32, #tpu.memory_space<vmem>>
      %dma_start3A_1190 = tpu.memref_squeeze %dma_start3A_1189 : memref<1x128xi32, #tpu.memory_space<vmem>> -> memref<128xi32, #tpu.memory_space<vmem>>
      %dma_start3A_1191 = arith.constant 0 : i32
      %dma_start3A_1192 = tpu.memref_slice %arg18[%dma_start3A_1191] : memref<500288xf32, #tpu.memory_space<vmem_shared>> -> memref<500288xf32, #tpu.memory_space<vmem_shared>>
      tpu.enqueue_indirect_dma source(%dma_start3A_1192 : memref<500288xf32, #tpu.memory_space<vmem_shared>>) target(%dma_start3A_1187 : memref<128xf32, #tpu.memory_space<vmem>>) offsets(%dma_start3A_1190 : memref<128xi32, #tpu.memory_space<vmem>>) semaphore(%arg20 : memref<!tpu.dma_semaphore, #tpu.memory_space<semaphore_mem>>)
      %dma_start3A_1193 = arith.constant 28 : i32
      %dma_start3A_1194 = arith.constant 28 : i32
      %dma_start3A_1195 = arith.constant 0 : i32
      %dma_start3A_1196 = tpu.memref_slice %arg13[%dma_start3A_1194, %dma_start3A_1195] : memref<40x128xf32, #tpu.memory_space<vmem>> -> memref<1x128xf32, #tpu.memory_space<vmem>>
      %dma_start3A_1197 = tpu.memref_squeeze %dma_start3A_1196 : memref<1x128xf32, #tpu.memory_space<vmem>> -> memref<128xf32, #tpu.memory_space<vmem>>
      %dma_start3A_1198 = arith.constant 0 : i32
      %dma_start3A_1199 = tpu.memref_slice %arg9[%dma_start3A_1193, %dma_start3A_1198] : memref<40x128xi32, #tpu.memory_space<vmem>> -> memref<1x128xi32, #tpu.memory_space<vmem>>
      %dma_start3A_1200 = tpu.memref_squeeze %dma_start3A_1199 : memref<1x128xi32, #tpu.memory_space<vmem>> -> memref<128xi32, #tpu.memory_space<vmem>>
      %dma_start3A_1201 = arith.constant 0 : i32
      %dma_start3A_1202 = tpu.memref_slice %arg18[%dma_start3A_1201] : memref<500288xf32, #tpu.memory_space<vmem_shared>> -> memref<500288xf32, #tpu.memory_space<vmem_shared>>
      tpu.enqueue_indirect_dma source(%dma_start3A_1202 : memref<500288xf32, #tpu.memory_space<vmem_shared>>) target(%dma_start3A_1197 : memref<128xf32, #tpu.memory_space<vmem>>) offsets(%dma_start3A_1200 : memref<128xi32, #tpu.memory_space<vmem>>) semaphore(%arg20 : memref<!tpu.dma_semaphore, #tpu.memory_space<semaphore_mem>>)
      %dma_start3A_1203 = arith.constant 29 : i32
      %dma_start3A_1204 = arith.constant 29 : i32
      %dma_start3A_1205 = arith.constant 0 : i32
      %dma_start3A_1206 = tpu.memref_slice %arg13[%dma_start3A_1204, %dma_start3A_1205] : memref<40x128xf32, #tpu.memory_space<vmem>> -> memref<1x128xf32, #tpu.memory_space<vmem>>
      %dma_start3A_1207 = tpu.memref_squeeze %dma_start3A_1206 : memref<1x128xf32, #tpu.memory_space<vmem>> -> memref<128xf32, #tpu.memory_space<vmem>>
      %dma_start3A_1208 = arith.constant 0 : i32
      %dma_start3A_1209 = tpu.memref_slice %arg9[%dma_start3A_1203, %dma_start3A_1208] : memref<40x128xi32, #tpu.memory_space<vmem>> -> memref<1x128xi32, #tpu.memory_space<vmem>>
      %dma_start3A_1210 = tpu.memref_squeeze %dma_start3A_1209 : memref<1x128xi32, #tpu.memory_space<vmem>> -> memref<128xi32, #tpu.memory_space<vmem>>
      %dma_start3A_1211 = arith.constant 0 : i32
      %dma_start3A_1212 = tpu.memref_slice %arg18[%dma_start3A_1211] : memref<500288xf32, #tpu.memory_space<vmem_shared>> -> memref<500288xf32, #tpu.memory_space<vmem_shared>>
      tpu.enqueue_indirect_dma source(%dma_start3A_1212 : memref<500288xf32, #tpu.memory_space<vmem_shared>>) target(%dma_start3A_1207 : memref<128xf32, #tpu.memory_space<vmem>>) offsets(%dma_start3A_1210 : memref<128xi32, #tpu.memory_space<vmem>>) semaphore(%arg20 : memref<!tpu.dma_semaphore, #tpu.memory_space<semaphore_mem>>)
      %dma_start3A_1213 = arith.constant 30 : i32
      %dma_start3A_1214 = arith.constant 30 : i32
      %dma_start3A_1215 = arith.constant 0 : i32
      %dma_start3A_1216 = tpu.memref_slice %arg13[%dma_start3A_1214, %dma_start3A_1215] : memref<40x128xf32, #tpu.memory_space<vmem>> -> memref<1x128xf32, #tpu.memory_space<vmem>>
      %dma_start3A_1217 = tpu.memref_squeeze %dma_start3A_1216 : memref<1x128xf32, #tpu.memory_space<vmem>> -> memref<128xf32, #tpu.memory_space<vmem>>
      %dma_start3A_1218 = arith.constant 0 : i32
      %dma_start3A_1219 = tpu.memref_slice %arg9[%dma_start3A_1213, %dma_start3A_1218] : memref<40x128xi32, #tpu.memory_space<vmem>> -> memref<1x128xi32, #tpu.memory_space<vmem>>
      %dma_start3A_1220 = tpu.memref_squeeze %dma_start3A_1219 : memref<1x128xi32, #tpu.memory_space<vmem>> -> memref<128xi32, #tpu.memory_space<vmem>>
      %dma_start3A_1221 = arith.constant 0 : i32
      %dma_start3A_1222 = tpu.memref_slice %arg18[%dma_start3A_1221] : memref<500288xf32, #tpu.memory_space<vmem_shared>> -> memref<500288xf32, #tpu.memory_space<vmem_shared>>
      tpu.enqueue_indirect_dma source(%dma_start3A_1222 : memref<500288xf32, #tpu.memory_space<vmem_shared>>) target(%dma_start3A_1217 : memref<128xf32, #tpu.memory_space<vmem>>) offsets(%dma_start3A_1220 : memref<128xi32, #tpu.memory_space<vmem>>) semaphore(%arg20 : memref<!tpu.dma_semaphore, #tpu.memory_space<semaphore_mem>>)
      %dma_start3A_1223 = arith.constant 31 : i32
      %dma_start3A_1224 = arith.constant 31 : i32
      %dma_start3A_1225 = arith.constant 0 : i32
      %dma_start3A_1226 = tpu.memref_slice %arg13[%dma_start3A_1224, %dma_start3A_1225] : memref<40x128xf32, #tpu.memory_space<vmem>> -> memref<1x128xf32, #tpu.memory_space<vmem>>
      %dma_start3A_1227 = tpu.memref_squeeze %dma_start3A_1226 : memref<1x128xf32, #tpu.memory_space<vmem>> -> memref<128xf32, #tpu.memory_space<vmem>>
      %dma_start3A_1228 = arith.constant 0 : i32
      %dma_start3A_1229 = tpu.memref_slice %arg9[%dma_start3A_1223, %dma_start3A_1228] : memref<40x128xi32, #tpu.memory_space<vmem>> -> memref<1x128xi32, #tpu.memory_space<vmem>>
      %dma_start3A_1230 = tpu.memref_squeeze %dma_start3A_1229 : memref<1x128xi32, #tpu.memory_space<vmem>> -> memref<128xi32, #tpu.memory_space<vmem>>
      %dma_start3A_1231 = arith.constant 0 : i32
      %dma_start3A_1232 = tpu.memref_slice %arg18[%dma_start3A_1231] : memref<500288xf32, #tpu.memory_space<vmem_shared>> -> memref<500288xf32, #tpu.memory_space<vmem_shared>>
      tpu.enqueue_indirect_dma source(%dma_start3A_1232 : memref<500288xf32, #tpu.memory_space<vmem_shared>>) target(%dma_start3A_1227 : memref<128xf32, #tpu.memory_space<vmem>>) offsets(%dma_start3A_1230 : memref<128xi32, #tpu.memory_space<vmem>>) semaphore(%arg20 : memref<!tpu.dma_semaphore, #tpu.memory_space<semaphore_mem>>)
      %dma_start3A_1233 = arith.constant 32 : i32
      %dma_start3A_1234 = arith.constant 32 : i32
      %dma_start3A_1235 = arith.constant 0 : i32
      %dma_start3A_1236 = tpu.memref_slice %arg13[%dma_start3A_1234, %dma_start3A_1235] : memref<40x128xf32, #tpu.memory_space<vmem>> -> memref<1x128xf32, #tpu.memory_space<vmem>>
      %dma_start3A_1237 = tpu.memref_squeeze %dma_start3A_1236 : memref<1x128xf32, #tpu.memory_space<vmem>> -> memref<128xf32, #tpu.memory_space<vmem>>
      %dma_start3A_1238 = arith.constant 0 : i32
      %dma_start3A_1239 = tpu.memref_slice %arg9[%dma_start3A_1233, %dma_start3A_1238] : memref<40x128xi32, #tpu.memory_space<vmem>> -> memref<1x128xi32, #tpu.memory_space<vmem>>
      %dma_start3A_1240 = tpu.memref_squeeze %dma_start3A_1239 : memref<1x128xi32, #tpu.memory_space<vmem>> -> memref<128xi32, #tpu.memory_space<vmem>>
      %dma_start3A_1241 = arith.constant 0 : i32
      %dma_start3A_1242 = tpu.memref_slice %arg18[%dma_start3A_1241] : memref<500288xf32, #tpu.memory_space<vmem_shared>> -> memref<500288xf32, #tpu.memory_space<vmem_shared>>
      tpu.enqueue_indirect_dma source(%dma_start3A_1242 : memref<500288xf32, #tpu.memory_space<vmem_shared>>) target(%dma_start3A_1237 : memref<128xf32, #tpu.memory_space<vmem>>) offsets(%dma_start3A_1240 : memref<128xi32, #tpu.memory_space<vmem>>) semaphore(%arg20 : memref<!tpu.dma_semaphore, #tpu.memory_space<semaphore_mem>>)
      %dma_start3A_1243 = arith.constant 33 : i32
      %dma_start3A_1244 = arith.constant 33 : i32
      %dma_start3A_1245 = arith.constant 0 : i32
      %dma_start3A_1246 = tpu.memref_slice %arg13[%dma_start3A_1244, %dma_start3A_1245] : memref<40x128xf32, #tpu.memory_space<vmem>> -> memref<1x128xf32, #tpu.memory_space<vmem>>
      %dma_start3A_1247 = tpu.memref_squeeze %dma_start3A_1246 : memref<1x128xf32, #tpu.memory_space<vmem>> -> memref<128xf32, #tpu.memory_space<vmem>>
      %dma_start3A_1248 = arith.constant 0 : i32
      %dma_start3A_1249 = tpu.memref_slice %arg9[%dma_start3A_1243, %dma_start3A_1248] : memref<40x128xi32, #tpu.memory_space<vmem>> -> memref<1x128xi32, #tpu.memory_space<vmem>>
      %dma_start3A_1250 = tpu.memref_squeeze %dma_start3A_1249 : memref<1x128xi32, #tpu.memory_space<vmem>> -> memref<128xi32, #tpu.memory_space<vmem>>
      %dma_start3A_1251 = arith.constant 0 : i32
      %dma_start3A_1252 = tpu.memref_slice %arg18[%dma_start3A_1251] : memref<500288xf32, #tpu.memory_space<vmem_shared>> -> memref<500288xf32, #tpu.memory_space<vmem_shared>>
      tpu.enqueue_indirect_dma source(%dma_start3A_1252 : memref<500288xf32, #tpu.memory_space<vmem_shared>>) target(%dma_start3A_1247 : memref<128xf32, #tpu.memory_space<vmem>>) offsets(%dma_start3A_1250 : memref<128xi32, #tpu.memory_space<vmem>>) semaphore(%arg20 : memref<!tpu.dma_semaphore, #tpu.memory_space<semaphore_mem>>)
      %dma_start3A_1253 = arith.constant 34 : i32
      %dma_start3A_1254 = arith.constant 34 : i32
      %dma_start3A_1255 = arith.constant 0 : i32
      %dma_start3A_1256 = tpu.memref_slice %arg13[%dma_start3A_1254, %dma_start3A_1255] : memref<40x128xf32, #tpu.memory_space<vmem>> -> memref<1x128xf32, #tpu.memory_space<vmem>>
      %dma_start3A_1257 = tpu.memref_squeeze %dma_start3A_1256 : memref<1x128xf32, #tpu.memory_space<vmem>> -> memref<128xf32, #tpu.memory_space<vmem>>
      %dma_start3A_1258 = arith.constant 0 : i32
      %dma_start3A_1259 = tpu.memref_slice %arg9[%dma_start3A_1253, %dma_start3A_1258] : memref<40x128xi32, #tpu.memory_space<vmem>> -> memref<1x128xi32, #tpu.memory_space<vmem>>
      %dma_start3A_1260 = tpu.memref_squeeze %dma_start3A_1259 : memref<1x128xi32, #tpu.memory_space<vmem>> -> memref<128xi32, #tpu.memory_space<vmem>>
      %dma_start3A_1261 = arith.constant 0 : i32
      %dma_start3A_1262 = tpu.memref_slice %arg18[%dma_start3A_1261] : memref<500288xf32, #tpu.memory_space<vmem_shared>> -> memref<500288xf32, #tpu.memory_space<vmem_shared>>
      tpu.enqueue_indirect_dma source(%dma_start3A_1262 : memref<500288xf32, #tpu.memory_space<vmem_shared>>) target(%dma_start3A_1257 : memref<128xf32, #tpu.memory_space<vmem>>) offsets(%dma_start3A_1260 : memref<128xi32, #tpu.memory_space<vmem>>) semaphore(%arg20 : memref<!tpu.dma_semaphore, #tpu.memory_space<semaphore_mem>>)
      %dma_start3A_1263 = arith.constant 35 : i32
      %dma_start3A_1264 = arith.constant 35 : i32
      %dma_start3A_1265 = arith.constant 0 : i32
      %dma_start3A_1266 = tpu.memref_slice %arg13[%dma_start3A_1264, %dma_start3A_1265] : memref<40x128xf32, #tpu.memory_space<vmem>> -> memref<1x128xf32, #tpu.memory_space<vmem>>
      %dma_start3A_1267 = tpu.memref_squeeze %dma_start3A_1266 : memref<1x128xf32, #tpu.memory_space<vmem>> -> memref<128xf32, #tpu.memory_space<vmem>>
      %dma_start3A_1268 = arith.constant 0 : i32
      %dma_start3A_1269 = tpu.memref_slice %arg9[%dma_start3A_1263, %dma_start3A_1268] : memref<40x128xi32, #tpu.memory_space<vmem>> -> memref<1x128xi32, #tpu.memory_space<vmem>>
      %dma_start3A_1270 = tpu.memref_squeeze %dma_start3A_1269 : memref<1x128xi32, #tpu.memory_space<vmem>> -> memref<128xi32, #tpu.memory_space<vmem>>
      %dma_start3A_1271 = arith.constant 0 : i32
      %dma_start3A_1272 = tpu.memref_slice %arg18[%dma_start3A_1271] : memref<500288xf32, #tpu.memory_space<vmem_shared>> -> memref<500288xf32, #tpu.memory_space<vmem_shared>>
      tpu.enqueue_indirect_dma source(%dma_start3A_1272 : memref<500288xf32, #tpu.memory_space<vmem_shared>>) target(%dma_start3A_1267 : memref<128xf32, #tpu.memory_space<vmem>>) offsets(%dma_start3A_1270 : memref<128xi32, #tpu.memory_space<vmem>>) semaphore(%arg20 : memref<!tpu.dma_semaphore, #tpu.memory_space<semaphore_mem>>)
      %dma_start3A_1273 = arith.constant 36 : i32
      %dma_start3A_1274 = arith.constant 36 : i32
      %dma_start3A_1275 = arith.constant 0 : i32
      %dma_start3A_1276 = tpu.memref_slice %arg13[%dma_start3A_1274, %dma_start3A_1275] : memref<40x128xf32, #tpu.memory_space<vmem>> -> memref<1x128xf32, #tpu.memory_space<vmem>>
      %dma_start3A_1277 = tpu.memref_squeeze %dma_start3A_1276 : memref<1x128xf32, #tpu.memory_space<vmem>> -> memref<128xf32, #tpu.memory_space<vmem>>
      %dma_start3A_1278 = arith.constant 0 : i32
      %dma_start3A_1279 = tpu.memref_slice %arg9[%dma_start3A_1273, %dma_start3A_1278] : memref<40x128xi32, #tpu.memory_space<vmem>> -> memref<1x128xi32, #tpu.memory_space<vmem>>
      %dma_start3A_1280 = tpu.memref_squeeze %dma_start3A_1279 : memref<1x128xi32, #tpu.memory_space<vmem>> -> memref<128xi32, #tpu.memory_space<vmem>>
      %dma_start3A_1281 = arith.constant 0 : i32
      %dma_start3A_1282 = tpu.memref_slice %arg18[%dma_start3A_1281] : memref<500288xf32, #tpu.memory_space<vmem_shared>> -> memref<500288xf32, #tpu.memory_space<vmem_shared>>
      tpu.enqueue_indirect_dma source(%dma_start3A_1282 : memref<500288xf32, #tpu.memory_space<vmem_shared>>) target(%dma_start3A_1277 : memref<128xf32, #tpu.memory_space<vmem>>) offsets(%dma_start3A_1280 : memref<128xi32, #tpu.memory_space<vmem>>) semaphore(%arg20 : memref<!tpu.dma_semaphore, #tpu.memory_space<semaphore_mem>>)
      %dma_start3A_1283 = arith.constant 37 : i32
      %dma_start3A_1284 = arith.constant 37 : i32
      %dma_start3A_1285 = arith.constant 0 : i32
      %dma_start3A_1286 = tpu.memref_slice %arg13[%dma_start3A_1284, %dma_start3A_1285] : memref<40x128xf32, #tpu.memory_space<vmem>> -> memref<1x128xf32, #tpu.memory_space<vmem>>
      %dma_start3A_1287 = tpu.memref_squeeze %dma_start3A_1286 : memref<1x128xf32, #tpu.memory_space<vmem>> -> memref<128xf32, #tpu.memory_space<vmem>>
      %dma_start3A_1288 = arith.constant 0 : i32
      %dma_start3A_1289 = tpu.memref_slice %arg9[%dma_start3A_1283, %dma_start3A_1288] : memref<40x128xi32, #tpu.memory_space<vmem>> -> memref<1x128xi32, #tpu.memory_space<vmem>>
      %dma_start3A_1290 = tpu.memref_squeeze %dma_start3A_1289 : memref<1x128xi32, #tpu.memory_space<vmem>> -> memref<128xi32, #tpu.memory_space<vmem>>
      %dma_start3A_1291 = arith.constant 0 : i32
      %dma_start3A_1292 = tpu.memref_slice %arg18[%dma_start3A_1291] : memref<500288xf32, #tpu.memory_space<vmem_shared>> -> memref<500288xf32, #tpu.memory_space<vmem_shared>>
      tpu.enqueue_indirect_dma source(%dma_start3A_1292 : memref<500288xf32, #tpu.memory_space<vmem_shared>>) target(%dma_start3A_1287 : memref<128xf32, #tpu.memory_space<vmem>>) offsets(%dma_start3A_1290 : memref<128xi32, #tpu.memory_space<vmem>>) semaphore(%arg20 : memref<!tpu.dma_semaphore, #tpu.memory_space<semaphore_mem>>)
      %dma_start3A_1293 = arith.constant 38 : i32
      %dma_start3A_1294 = arith.constant 38 : i32
      %dma_start3A_1295 = arith.constant 0 : i32
      %dma_start3A_1296 = tpu.memref_slice %arg13[%dma_start3A_1294, %dma_start3A_1295] : memref<40x128xf32, #tpu.memory_space<vmem>> -> memref<1x128xf32, #tpu.memory_space<vmem>>
      %dma_start3A_1297 = tpu.memref_squeeze %dma_start3A_1296 : memref<1x128xf32, #tpu.memory_space<vmem>> -> memref<128xf32, #tpu.memory_space<vmem>>
      %dma_start3A_1298 = arith.constant 0 : i32
      %dma_start3A_1299 = tpu.memref_slice %arg9[%dma_start3A_1293, %dma_start3A_1298] : memref<40x128xi32, #tpu.memory_space<vmem>> -> memref<1x128xi32, #tpu.memory_space<vmem>>
      %dma_start3A_1300 = tpu.memref_squeeze %dma_start3A_1299 : memref<1x128xi32, #tpu.memory_space<vmem>> -> memref<128xi32, #tpu.memory_space<vmem>>
      %dma_start3A_1301 = arith.constant 0 : i32
      %dma_start3A_1302 = tpu.memref_slice %arg18[%dma_start3A_1301] : memref<500288xf32, #tpu.memory_space<vmem_shared>> -> memref<500288xf32, #tpu.memory_space<vmem_shared>>
      tpu.enqueue_indirect_dma source(%dma_start3A_1302 : memref<500288xf32, #tpu.memory_space<vmem_shared>>) target(%dma_start3A_1297 : memref<128xf32, #tpu.memory_space<vmem>>) offsets(%dma_start3A_1300 : memref<128xi32, #tpu.memory_space<vmem>>) semaphore(%arg20 : memref<!tpu.dma_semaphore, #tpu.memory_space<semaphore_mem>>)
      %dma_start3A_1303 = arith.constant 39 : i32
      %dma_start3A_1304 = arith.constant 39 : i32
      %dma_start3A_1305 = arith.constant 0 : i32
      %dma_start3A_1306 = tpu.memref_slice %arg13[%dma_start3A_1304, %dma_start3A_1305] : memref<40x128xf32, #tpu.memory_space<vmem>> -> memref<1x128xf32, #tpu.memory_space<vmem>>
      %dma_start3A_1307 = tpu.memref_squeeze %dma_start3A_1306 : memref<1x128xf32, #tpu.memory_space<vmem>> -> memref<128xf32, #tpu.memory_space<vmem>>
      %dma_start3A_1308 = arith.constant 0 : i32
      %dma_start3A_1309 = tpu.memref_slice %arg9[%dma_start3A_1303, %dma_start3A_1308] : memref<40x128xi32, #tpu.memory_space<vmem>> -> memref<1x128xi32, #tpu.memory_space<vmem>>
      %dma_start3A_1310 = tpu.memref_squeeze %dma_start3A_1309 : memref<1x128xi32, #tpu.memory_space<vmem>> -> memref<128xi32, #tpu.memory_space<vmem>>
      %dma_start3A_1311 = arith.constant 0 : i32
      %dma_start3A_1312 = tpu.memref_slice %arg18[%dma_start3A_1311] : memref<500288xf32, #tpu.memory_space<vmem_shared>> -> memref<500288xf32, #tpu.memory_space<vmem_shared>>
      tpu.enqueue_indirect_dma source(%dma_start3A_1312 : memref<500288xf32, #tpu.memory_space<vmem_shared>>) target(%dma_start3A_1307 : memref<128xf32, #tpu.memory_space<vmem>>) offsets(%dma_start3A_1310 : memref<128xi32, #tpu.memory_space<vmem>>) semaphore(%arg20 : memref<!tpu.dma_semaphore, #tpu.memory_space<semaphore_mem>>)
      %dma_wait3A_1313 = arith.constant 0 : i32
      %dma_wait3A_1314 = arith.constant 0 : i32
      %dma_wait3A_1315 = arith.constant 0 : i32
      %dma_wait3A_1316 = tpu.memref_slice %arg13[%dma_wait3A_1314, %dma_wait3A_1315] : memref<40x128xf32, #tpu.memory_space<vmem>> -> memref<1x128xf32, #tpu.memory_space<vmem>>
      %dma_wait3A_1317 = tpu.memref_squeeze %dma_wait3A_1316 : memref<1x128xf32, #tpu.memory_space<vmem>> -> memref<128xf32, #tpu.memory_space<vmem>>
      %dma_wait3A_1318 = arith.constant 0 : i32
      %dma_wait3A_1319 = tpu.memref_slice %arg9[%dma_wait3A_1313, %dma_wait3A_1318] : memref<40x128xi32, #tpu.memory_space<vmem>> -> memref<1x128xi32, #tpu.memory_space<vmem>>
      %dma_wait3A_1320 = tpu.memref_squeeze %dma_wait3A_1319 : memref<1x128xi32, #tpu.memory_space<vmem>> -> memref<128xi32, #tpu.memory_space<vmem>>
      %dma_wait3A_1321 = arith.constant 0 : i32
      %dma_wait3A_1322 = tpu.memref_slice %arg18[%dma_wait3A_1321] : memref<500288xf32, #tpu.memory_space<vmem_shared>> -> memref<500288xf32, #tpu.memory_space<vmem_shared>>
      tpu.wait_indirect_dma semaphore(%arg20 : memref<!tpu.dma_semaphore, #tpu.memory_space<semaphore_mem>>) src(%dma_wait3A_1322 : memref<500288xf32, #tpu.memory_space<vmem_shared>>) dst(%dma_wait3A_1317 : memref<128xf32, #tpu.memory_space<vmem>>)
      %dma_wait3A_1323 = arith.constant 1 : i32
      %dma_wait3A_1324 = arith.constant 1 : i32
      %dma_wait3A_1325 = arith.constant 0 : i32
      %dma_wait3A_1326 = tpu.memref_slice %arg13[%dma_wait3A_1324, %dma_wait3A_1325] : memref<40x128xf32, #tpu.memory_space<vmem>> -> memref<1x128xf32, #tpu.memory_space<vmem>>
      %dma_wait3A_1327 = tpu.memref_squeeze %dma_wait3A_1326 : memref<1x128xf32, #tpu.memory_space<vmem>> -> memref<128xf32, #tpu.memory_space<vmem>>
      %dma_wait3A_1328 = arith.constant 0 : i32
      %dma_wait3A_1329 = tpu.memref_slice %arg9[%dma_wait3A_1323, %dma_wait3A_1328] : memref<40x128xi32, #tpu.memory_space<vmem>> -> memref<1x128xi32, #tpu.memory_space<vmem>>
      %dma_wait3A_1330 = tpu.memref_squeeze %dma_wait3A_1329 : memref<1x128xi32, #tpu.memory_space<vmem>> -> memref<128xi32, #tpu.memory_space<vmem>>
      %dma_wait3A_1331 = arith.constant 0 : i32
      %dma_wait3A_1332 = tpu.memref_slice %arg18[%dma_wait3A_1331] : memref<500288xf32, #tpu.memory_space<vmem_shared>> -> memref<500288xf32, #tpu.memory_space<vmem_shared>>
      tpu.wait_indirect_dma semaphore(%arg20 : memref<!tpu.dma_semaphore, #tpu.memory_space<semaphore_mem>>) src(%dma_wait3A_1332 : memref<500288xf32, #tpu.memory_space<vmem_shared>>) dst(%dma_wait3A_1327 : memref<128xf32, #tpu.memory_space<vmem>>)
      %dma_wait3A_1333 = arith.constant 2 : i32
      %dma_wait3A_1334 = arith.constant 2 : i32
      %dma_wait3A_1335 = arith.constant 0 : i32
      %dma_wait3A_1336 = tpu.memref_slice %arg13[%dma_wait3A_1334, %dma_wait3A_1335] : memref<40x128xf32, #tpu.memory_space<vmem>> -> memref<1x128xf32, #tpu.memory_space<vmem>>
      %dma_wait3A_1337 = tpu.memref_squeeze %dma_wait3A_1336 : memref<1x128xf32, #tpu.memory_space<vmem>> -> memref<128xf32, #tpu.memory_space<vmem>>
      %dma_wait3A_1338 = arith.constant 0 : i32
      %dma_wait3A_1339 = tpu.memref_slice %arg9[%dma_wait3A_1333, %dma_wait3A_1338] : memref<40x128xi32, #tpu.memory_space<vmem>> -> memref<1x128xi32, #tpu.memory_space<vmem>>
      %dma_wait3A_1340 = tpu.memref_squeeze %dma_wait3A_1339 : memref<1x128xi32, #tpu.memory_space<vmem>> -> memref<128xi32, #tpu.memory_space<vmem>>
      %dma_wait3A_1341 = arith.constant 0 : i32
      %dma_wait3A_1342 = tpu.memref_slice %arg18[%dma_wait3A_1341] : memref<500288xf32, #tpu.memory_space<vmem_shared>> -> memref<500288xf32, #tpu.memory_space<vmem_shared>>
      tpu.wait_indirect_dma semaphore(%arg20 : memref<!tpu.dma_semaphore, #tpu.memory_space<semaphore_mem>>) src(%dma_wait3A_1342 : memref<500288xf32, #tpu.memory_space<vmem_shared>>) dst(%dma_wait3A_1337 : memref<128xf32, #tpu.memory_space<vmem>>)
      %dma_wait3A_1343 = arith.constant 3 : i32
      %dma_wait3A_1344 = arith.constant 3 : i32
      %dma_wait3A_1345 = arith.constant 0 : i32
      %dma_wait3A_1346 = tpu.memref_slice %arg13[%dma_wait3A_1344, %dma_wait3A_1345] : memref<40x128xf32, #tpu.memory_space<vmem>> -> memref<1x128xf32, #tpu.memory_space<vmem>>
      %dma_wait3A_1347 = tpu.memref_squeeze %dma_wait3A_1346 : memref<1x128xf32, #tpu.memory_space<vmem>> -> memref<128xf32, #tpu.memory_space<vmem>>
      %dma_wait3A_1348 = arith.constant 0 : i32
      %dma_wait3A_1349 = tpu.memref_slice %arg9[%dma_wait3A_1343, %dma_wait3A_1348] : memref<40x128xi32, #tpu.memory_space<vmem>> -> memref<1x128xi32, #tpu.memory_space<vmem>>
      %dma_wait3A_1350 = tpu.memref_squeeze %dma_wait3A_1349 : memref<1x128xi32, #tpu.memory_space<vmem>> -> memref<128xi32, #tpu.memory_space<vmem>>
      %dma_wait3A_1351 = arith.constant 0 : i32
      %dma_wait3A_1352 = tpu.memref_slice %arg18[%dma_wait3A_1351] : memref<500288xf32, #tpu.memory_space<vmem_shared>> -> memref<500288xf32, #tpu.memory_space<vmem_shared>>
      tpu.wait_indirect_dma semaphore(%arg20 : memref<!tpu.dma_semaphore, #tpu.memory_space<semaphore_mem>>) src(%dma_wait3A_1352 : memref<500288xf32, #tpu.memory_space<vmem_shared>>) dst(%dma_wait3A_1347 : memref<128xf32, #tpu.memory_space<vmem>>)
      %dma_wait3A_1353 = arith.constant 4 : i32
      %dma_wait3A_1354 = arith.constant 4 : i32
      %dma_wait3A_1355 = arith.constant 0 : i32
      %dma_wait3A_1356 = tpu.memref_slice %arg13[%dma_wait3A_1354, %dma_wait3A_1355] : memref<40x128xf32, #tpu.memory_space<vmem>> -> memref<1x128xf32, #tpu.memory_space<vmem>>
      %dma_wait3A_1357 = tpu.memref_squeeze %dma_wait3A_1356 : memref<1x128xf32, #tpu.memory_space<vmem>> -> memref<128xf32, #tpu.memory_space<vmem>>
      %dma_wait3A_1358 = arith.constant 0 : i32
      %dma_wait3A_1359 = tpu.memref_slice %arg9[%dma_wait3A_1353, %dma_wait3A_1358] : memref<40x128xi32, #tpu.memory_space<vmem>> -> memref<1x128xi32, #tpu.memory_space<vmem>>
      %dma_wait3A_1360 = tpu.memref_squeeze %dma_wait3A_1359 : memref<1x128xi32, #tpu.memory_space<vmem>> -> memref<128xi32, #tpu.memory_space<vmem>>
      %dma_wait3A_1361 = arith.constant 0 : i32
      %dma_wait3A_1362 = tpu.memref_slice %arg18[%dma_wait3A_1361] : memref<500288xf32, #tpu.memory_space<vmem_shared>> -> memref<500288xf32, #tpu.memory_space<vmem_shared>>
      tpu.wait_indirect_dma semaphore(%arg20 : memref<!tpu.dma_semaphore, #tpu.memory_space<semaphore_mem>>) src(%dma_wait3A_1362 : memref<500288xf32, #tpu.memory_space<vmem_shared>>) dst(%dma_wait3A_1357 : memref<128xf32, #tpu.memory_space<vmem>>)
      %dma_wait3A_1363 = arith.constant 5 : i32
      %dma_wait3A_1364 = arith.constant 5 : i32
      %dma_wait3A_1365 = arith.constant 0 : i32
      %dma_wait3A_1366 = tpu.memref_slice %arg13[%dma_wait3A_1364, %dma_wait3A_1365] : memref<40x128xf32, #tpu.memory_space<vmem>> -> memref<1x128xf32, #tpu.memory_space<vmem>>
      %dma_wait3A_1367 = tpu.memref_squeeze %dma_wait3A_1366 : memref<1x128xf32, #tpu.memory_space<vmem>> -> memref<128xf32, #tpu.memory_space<vmem>>
      %dma_wait3A_1368 = arith.constant 0 : i32
      %dma_wait3A_1369 = tpu.memref_slice %arg9[%dma_wait3A_1363, %dma_wait3A_1368] : memref<40x128xi32, #tpu.memory_space<vmem>> -> memref<1x128xi32, #tpu.memory_space<vmem>>
      %dma_wait3A_1370 = tpu.memref_squeeze %dma_wait3A_1369 : memref<1x128xi32, #tpu.memory_space<vmem>> -> memref<128xi32, #tpu.memory_space<vmem>>
      %dma_wait3A_1371 = arith.constant 0 : i32
      %dma_wait3A_1372 = tpu.memref_slice %arg18[%dma_wait3A_1371] : memref<500288xf32, #tpu.memory_space<vmem_shared>> -> memref<500288xf32, #tpu.memory_space<vmem_shared>>
      tpu.wait_indirect_dma semaphore(%arg20 : memref<!tpu.dma_semaphore, #tpu.memory_space<semaphore_mem>>) src(%dma_wait3A_1372 : memref<500288xf32, #tpu.memory_space<vmem_shared>>) dst(%dma_wait3A_1367 : memref<128xf32, #tpu.memory_space<vmem>>)
      %dma_wait3A_1373 = arith.constant 6 : i32
      %dma_wait3A_1374 = arith.constant 6 : i32
      %dma_wait3A_1375 = arith.constant 0 : i32
      %dma_wait3A_1376 = tpu.memref_slice %arg13[%dma_wait3A_1374, %dma_wait3A_1375] : memref<40x128xf32, #tpu.memory_space<vmem>> -> memref<1x128xf32, #tpu.memory_space<vmem>>
      %dma_wait3A_1377 = tpu.memref_squeeze %dma_wait3A_1376 : memref<1x128xf32, #tpu.memory_space<vmem>> -> memref<128xf32, #tpu.memory_space<vmem>>
      %dma_wait3A_1378 = arith.constant 0 : i32
      %dma_wait3A_1379 = tpu.memref_slice %arg9[%dma_wait3A_1373, %dma_wait3A_1378] : memref<40x128xi32, #tpu.memory_space<vmem>> -> memref<1x128xi32, #tpu.memory_space<vmem>>
      %dma_wait3A_1380 = tpu.memref_squeeze %dma_wait3A_1379 : memref<1x128xi32, #tpu.memory_space<vmem>> -> memref<128xi32, #tpu.memory_space<vmem>>
      %dma_wait3A_1381 = arith.constant 0 : i32
      %dma_wait3A_1382 = tpu.memref_slice %arg18[%dma_wait3A_1381] : memref<500288xf32, #tpu.memory_space<vmem_shared>> -> memref<500288xf32, #tpu.memory_space<vmem_shared>>
      tpu.wait_indirect_dma semaphore(%arg20 : memref<!tpu.dma_semaphore, #tpu.memory_space<semaphore_mem>>) src(%dma_wait3A_1382 : memref<500288xf32, #tpu.memory_space<vmem_shared>>) dst(%dma_wait3A_1377 : memref<128xf32, #tpu.memory_space<vmem>>)
      %dma_wait3A_1383 = arith.constant 7 : i32
      %dma_wait3A_1384 = arith.constant 7 : i32
      %dma_wait3A_1385 = arith.constant 0 : i32
      %dma_wait3A_1386 = tpu.memref_slice %arg13[%dma_wait3A_1384, %dma_wait3A_1385] : memref<40x128xf32, #tpu.memory_space<vmem>> -> memref<1x128xf32, #tpu.memory_space<vmem>>
      %dma_wait3A_1387 = tpu.memref_squeeze %dma_wait3A_1386 : memref<1x128xf32, #tpu.memory_space<vmem>> -> memref<128xf32, #tpu.memory_space<vmem>>
      %dma_wait3A_1388 = arith.constant 0 : i32
      %dma_wait3A_1389 = tpu.memref_slice %arg9[%dma_wait3A_1383, %dma_wait3A_1388] : memref<40x128xi32, #tpu.memory_space<vmem>> -> memref<1x128xi32, #tpu.memory_space<vmem>>
      %dma_wait3A_1390 = tpu.memref_squeeze %dma_wait3A_1389 : memref<1x128xi32, #tpu.memory_space<vmem>> -> memref<128xi32, #tpu.memory_space<vmem>>
      %dma_wait3A_1391 = arith.constant 0 : i32
      %dma_wait3A_1392 = tpu.memref_slice %arg18[%dma_wait3A_1391] : memref<500288xf32, #tpu.memory_space<vmem_shared>> -> memref<500288xf32, #tpu.memory_space<vmem_shared>>
      tpu.wait_indirect_dma semaphore(%arg20 : memref<!tpu.dma_semaphore, #tpu.memory_space<semaphore_mem>>) src(%dma_wait3A_1392 : memref<500288xf32, #tpu.memory_space<vmem_shared>>) dst(%dma_wait3A_1387 : memref<128xf32, #tpu.memory_space<vmem>>)
      %dma_wait3A_1393 = arith.constant 8 : i32
      %dma_wait3A_1394 = arith.constant 8 : i32
      %dma_wait3A_1395 = arith.constant 0 : i32
      %dma_wait3A_1396 = tpu.memref_slice %arg13[%dma_wait3A_1394, %dma_wait3A_1395] : memref<40x128xf32, #tpu.memory_space<vmem>> -> memref<1x128xf32, #tpu.memory_space<vmem>>
      %dma_wait3A_1397 = tpu.memref_squeeze %dma_wait3A_1396 : memref<1x128xf32, #tpu.memory_space<vmem>> -> memref<128xf32, #tpu.memory_space<vmem>>
      %dma_wait3A_1398 = arith.constant 0 : i32
      %dma_wait3A_1399 = tpu.memref_slice %arg9[%dma_wait3A_1393, %dma_wait3A_1398] : memref<40x128xi32, #tpu.memory_space<vmem>> -> memref<1x128xi32, #tpu.memory_space<vmem>>
      %dma_wait3A_1400 = tpu.memref_squeeze %dma_wait3A_1399 : memref<1x128xi32, #tpu.memory_space<vmem>> -> memref<128xi32, #tpu.memory_space<vmem>>
      %dma_wait3A_1401 = arith.constant 0 : i32
      %dma_wait3A_1402 = tpu.memref_slice %arg18[%dma_wait3A_1401] : memref<500288xf32, #tpu.memory_space<vmem_shared>> -> memref<500288xf32, #tpu.memory_space<vmem_shared>>
      tpu.wait_indirect_dma semaphore(%arg20 : memref<!tpu.dma_semaphore, #tpu.memory_space<semaphore_mem>>) src(%dma_wait3A_1402 : memref<500288xf32, #tpu.memory_space<vmem_shared>>) dst(%dma_wait3A_1397 : memref<128xf32, #tpu.memory_space<vmem>>)
      %dma_wait3A_1403 = arith.constant 9 : i32
      %dma_wait3A_1404 = arith.constant 9 : i32
      %dma_wait3A_1405 = arith.constant 0 : i32
      %dma_wait3A_1406 = tpu.memref_slice %arg13[%dma_wait3A_1404, %dma_wait3A_1405] : memref<40x128xf32, #tpu.memory_space<vmem>> -> memref<1x128xf32, #tpu.memory_space<vmem>>
      %dma_wait3A_1407 = tpu.memref_squeeze %dma_wait3A_1406 : memref<1x128xf32, #tpu.memory_space<vmem>> -> memref<128xf32, #tpu.memory_space<vmem>>
      %dma_wait3A_1408 = arith.constant 0 : i32
      %dma_wait3A_1409 = tpu.memref_slice %arg9[%dma_wait3A_1403, %dma_wait3A_1408] : memref<40x128xi32, #tpu.memory_space<vmem>> -> memref<1x128xi32, #tpu.memory_space<vmem>>
      %dma_wait3A_1410 = tpu.memref_squeeze %dma_wait3A_1409 : memref<1x128xi32, #tpu.memory_space<vmem>> -> memref<128xi32, #tpu.memory_space<vmem>>
      %dma_wait3A_1411 = arith.constant 0 : i32
      %dma_wait3A_1412 = tpu.memref_slice %arg18[%dma_wait3A_1411] : memref<500288xf32, #tpu.memory_space<vmem_shared>> -> memref<500288xf32, #tpu.memory_space<vmem_shared>>
      tpu.wait_indirect_dma semaphore(%arg20 : memref<!tpu.dma_semaphore, #tpu.memory_space<semaphore_mem>>) src(%dma_wait3A_1412 : memref<500288xf32, #tpu.memory_space<vmem_shared>>) dst(%dma_wait3A_1407 : memref<128xf32, #tpu.memory_space<vmem>>)
      %dma_wait3A_1413 = arith.constant 10 : i32
      %dma_wait3A_1414 = arith.constant 10 : i32
      %dma_wait3A_1415 = arith.constant 0 : i32
      %dma_wait3A_1416 = tpu.memref_slice %arg13[%dma_wait3A_1414, %dma_wait3A_1415] : memref<40x128xf32, #tpu.memory_space<vmem>> -> memref<1x128xf32, #tpu.memory_space<vmem>>
      %dma_wait3A_1417 = tpu.memref_squeeze %dma_wait3A_1416 : memref<1x128xf32, #tpu.memory_space<vmem>> -> memref<128xf32, #tpu.memory_space<vmem>>
      %dma_wait3A_1418 = arith.constant 0 : i32
      %dma_wait3A_1419 = tpu.memref_slice %arg9[%dma_wait3A_1413, %dma_wait3A_1418] : memref<40x128xi32, #tpu.memory_space<vmem>> -> memref<1x128xi32, #tpu.memory_space<vmem>>
      %dma_wait3A_1420 = tpu.memref_squeeze %dma_wait3A_1419 : memref<1x128xi32, #tpu.memory_space<vmem>> -> memref<128xi32, #tpu.memory_space<vmem>>
      %dma_wait3A_1421 = arith.constant 0 : i32
      %dma_wait3A_1422 = tpu.memref_slice %arg18[%dma_wait3A_1421] : memref<500288xf32, #tpu.memory_space<vmem_shared>> -> memref<500288xf32, #tpu.memory_space<vmem_shared>>
      tpu.wait_indirect_dma semaphore(%arg20 : memref<!tpu.dma_semaphore, #tpu.memory_space<semaphore_mem>>) src(%dma_wait3A_1422 : memref<500288xf32, #tpu.memory_space<vmem_shared>>) dst(%dma_wait3A_1417 : memref<128xf32, #tpu.memory_space<vmem>>)
      %dma_wait3A_1423 = arith.constant 11 : i32
      %dma_wait3A_1424 = arith.constant 11 : i32
      %dma_wait3A_1425 = arith.constant 0 : i32
      %dma_wait3A_1426 = tpu.memref_slice %arg13[%dma_wait3A_1424, %dma_wait3A_1425] : memref<40x128xf32, #tpu.memory_space<vmem>> -> memref<1x128xf32, #tpu.memory_space<vmem>>
      %dma_wait3A_1427 = tpu.memref_squeeze %dma_wait3A_1426 : memref<1x128xf32, #tpu.memory_space<vmem>> -> memref<128xf32, #tpu.memory_space<vmem>>
      %dma_wait3A_1428 = arith.constant 0 : i32
      %dma_wait3A_1429 = tpu.memref_slice %arg9[%dma_wait3A_1423, %dma_wait3A_1428] : memref<40x128xi32, #tpu.memory_space<vmem>> -> memref<1x128xi32, #tpu.memory_space<vmem>>
      %dma_wait3A_1430 = tpu.memref_squeeze %dma_wait3A_1429 : memref<1x128xi32, #tpu.memory_space<vmem>> -> memref<128xi32, #tpu.memory_space<vmem>>
      %dma_wait3A_1431 = arith.constant 0 : i32
      %dma_wait3A_1432 = tpu.memref_slice %arg18[%dma_wait3A_1431] : memref<500288xf32, #tpu.memory_space<vmem_shared>> -> memref<500288xf32, #tpu.memory_space<vmem_shared>>
      tpu.wait_indirect_dma semaphore(%arg20 : memref<!tpu.dma_semaphore, #tpu.memory_space<semaphore_mem>>) src(%dma_wait3A_1432 : memref<500288xf32, #tpu.memory_space<vmem_shared>>) dst(%dma_wait3A_1427 : memref<128xf32, #tpu.memory_space<vmem>>)
      %dma_wait3A_1433 = arith.constant 12 : i32
      %dma_wait3A_1434 = arith.constant 12 : i32
      %dma_wait3A_1435 = arith.constant 0 : i32
      %dma_wait3A_1436 = tpu.memref_slice %arg13[%dma_wait3A_1434, %dma_wait3A_1435] : memref<40x128xf32, #tpu.memory_space<vmem>> -> memref<1x128xf32, #tpu.memory_space<vmem>>
      %dma_wait3A_1437 = tpu.memref_squeeze %dma_wait3A_1436 : memref<1x128xf32, #tpu.memory_space<vmem>> -> memref<128xf32, #tpu.memory_space<vmem>>
      %dma_wait3A_1438 = arith.constant 0 : i32
      %dma_wait3A_1439 = tpu.memref_slice %arg9[%dma_wait3A_1433, %dma_wait3A_1438] : memref<40x128xi32, #tpu.memory_space<vmem>> -> memref<1x128xi32, #tpu.memory_space<vmem>>
      %dma_wait3A_1440 = tpu.memref_squeeze %dma_wait3A_1439 : memref<1x128xi32, #tpu.memory_space<vmem>> -> memref<128xi32, #tpu.memory_space<vmem>>
      %dma_wait3A_1441 = arith.constant 0 : i32
      %dma_wait3A_1442 = tpu.memref_slice %arg18[%dma_wait3A_1441] : memref<500288xf32, #tpu.memory_space<vmem_shared>> -> memref<500288xf32, #tpu.memory_space<vmem_shared>>
      tpu.wait_indirect_dma semaphore(%arg20 : memref<!tpu.dma_semaphore, #tpu.memory_space<semaphore_mem>>) src(%dma_wait3A_1442 : memref<500288xf32, #tpu.memory_space<vmem_shared>>) dst(%dma_wait3A_1437 : memref<128xf32, #tpu.memory_space<vmem>>)
      %dma_wait3A_1443 = arith.constant 13 : i32
      %dma_wait3A_1444 = arith.constant 13 : i32
      %dma_wait3A_1445 = arith.constant 0 : i32
      %dma_wait3A_1446 = tpu.memref_slice %arg13[%dma_wait3A_1444, %dma_wait3A_1445] : memref<40x128xf32, #tpu.memory_space<vmem>> -> memref<1x128xf32, #tpu.memory_space<vmem>>
      %dma_wait3A_1447 = tpu.memref_squeeze %dma_wait3A_1446 : memref<1x128xf32, #tpu.memory_space<vmem>> -> memref<128xf32, #tpu.memory_space<vmem>>
      %dma_wait3A_1448 = arith.constant 0 : i32
      %dma_wait3A_1449 = tpu.memref_slice %arg9[%dma_wait3A_1443, %dma_wait3A_1448] : memref<40x128xi32, #tpu.memory_space<vmem>> -> memref<1x128xi32, #tpu.memory_space<vmem>>
      %dma_wait3A_1450 = tpu.memref_squeeze %dma_wait3A_1449 : memref<1x128xi32, #tpu.memory_space<vmem>> -> memref<128xi32, #tpu.memory_space<vmem>>
      %dma_wait3A_1451 = arith.constant 0 : i32
      %dma_wait3A_1452 = tpu.memref_slice %arg18[%dma_wait3A_1451] : memref<500288xf32, #tpu.memory_space<vmem_shared>> -> memref<500288xf32, #tpu.memory_space<vmem_shared>>
      tpu.wait_indirect_dma semaphore(%arg20 : memref<!tpu.dma_semaphore, #tpu.memory_space<semaphore_mem>>) src(%dma_wait3A_1452 : memref<500288xf32, #tpu.memory_space<vmem_shared>>) dst(%dma_wait3A_1447 : memref<128xf32, #tpu.memory_space<vmem>>)
      %dma_wait3A_1453 = arith.constant 14 : i32
      %dma_wait3A_1454 = arith.constant 14 : i32
      %dma_wait3A_1455 = arith.constant 0 : i32
      %dma_wait3A_1456 = tpu.memref_slice %arg13[%dma_wait3A_1454, %dma_wait3A_1455] : memref<40x128xf32, #tpu.memory_space<vmem>> -> memref<1x128xf32, #tpu.memory_space<vmem>>
      %dma_wait3A_1457 = tpu.memref_squeeze %dma_wait3A_1456 : memref<1x128xf32, #tpu.memory_space<vmem>> -> memref<128xf32, #tpu.memory_space<vmem>>
      %dma_wait3A_1458 = arith.constant 0 : i32
      %dma_wait3A_1459 = tpu.memref_slice %arg9[%dma_wait3A_1453, %dma_wait3A_1458] : memref<40x128xi32, #tpu.memory_space<vmem>> -> memref<1x128xi32, #tpu.memory_space<vmem>>
      %dma_wait3A_1460 = tpu.memref_squeeze %dma_wait3A_1459 : memref<1x128xi32, #tpu.memory_space<vmem>> -> memref<128xi32, #tpu.memory_space<vmem>>
      %dma_wait3A_1461 = arith.constant 0 : i32
      %dma_wait3A_1462 = tpu.memref_slice %arg18[%dma_wait3A_1461] : memref<500288xf32, #tpu.memory_space<vmem_shared>> -> memref<500288xf32, #tpu.memory_space<vmem_shared>>
      tpu.wait_indirect_dma semaphore(%arg20 : memref<!tpu.dma_semaphore, #tpu.memory_space<semaphore_mem>>) src(%dma_wait3A_1462 : memref<500288xf32, #tpu.memory_space<vmem_shared>>) dst(%dma_wait3A_1457 : memref<128xf32, #tpu.memory_space<vmem>>)
      %dma_wait3A_1463 = arith.constant 15 : i32
      %dma_wait3A_1464 = arith.constant 15 : i32
      %dma_wait3A_1465 = arith.constant 0 : i32
      %dma_wait3A_1466 = tpu.memref_slice %arg13[%dma_wait3A_1464, %dma_wait3A_1465] : memref<40x128xf32, #tpu.memory_space<vmem>> -> memref<1x128xf32, #tpu.memory_space<vmem>>
      %dma_wait3A_1467 = tpu.memref_squeeze %dma_wait3A_1466 : memref<1x128xf32, #tpu.memory_space<vmem>> -> memref<128xf32, #tpu.memory_space<vmem>>
      %dma_wait3A_1468 = arith.constant 0 : i32
      %dma_wait3A_1469 = tpu.memref_slice %arg9[%dma_wait3A_1463, %dma_wait3A_1468] : memref<40x128xi32, #tpu.memory_space<vmem>> -> memref<1x128xi32, #tpu.memory_space<vmem>>
      %dma_wait3A_1470 = tpu.memref_squeeze %dma_wait3A_1469 : memref<1x128xi32, #tpu.memory_space<vmem>> -> memref<128xi32, #tpu.memory_space<vmem>>
      %dma_wait3A_1471 = arith.constant 0 : i32
      %dma_wait3A_1472 = tpu.memref_slice %arg18[%dma_wait3A_1471] : memref<500288xf32, #tpu.memory_space<vmem_shared>> -> memref<500288xf32, #tpu.memory_space<vmem_shared>>
      tpu.wait_indirect_dma semaphore(%arg20 : memref<!tpu.dma_semaphore, #tpu.memory_space<semaphore_mem>>) src(%dma_wait3A_1472 : memref<500288xf32, #tpu.memory_space<vmem_shared>>) dst(%dma_wait3A_1467 : memref<128xf32, #tpu.memory_space<vmem>>)
      %dma_wait3A_1473 = arith.constant 16 : i32
      %dma_wait3A_1474 = arith.constant 16 : i32
      %dma_wait3A_1475 = arith.constant 0 : i32
      %dma_wait3A_1476 = tpu.memref_slice %arg13[%dma_wait3A_1474, %dma_wait3A_1475] : memref<40x128xf32, #tpu.memory_space<vmem>> -> memref<1x128xf32, #tpu.memory_space<vmem>>
      %dma_wait3A_1477 = tpu.memref_squeeze %dma_wait3A_1476 : memref<1x128xf32, #tpu.memory_space<vmem>> -> memref<128xf32, #tpu.memory_space<vmem>>
      %dma_wait3A_1478 = arith.constant 0 : i32
      %dma_wait3A_1479 = tpu.memref_slice %arg9[%dma_wait3A_1473, %dma_wait3A_1478] : memref<40x128xi32, #tpu.memory_space<vmem>> -> memref<1x128xi32, #tpu.memory_space<vmem>>
      %dma_wait3A_1480 = tpu.memref_squeeze %dma_wait3A_1479 : memref<1x128xi32, #tpu.memory_space<vmem>> -> memref<128xi32, #tpu.memory_space<vmem>>
      %dma_wait3A_1481 = arith.constant 0 : i32
      %dma_wait3A_1482 = tpu.memref_slice %arg18[%dma_wait3A_1481] : memref<500288xf32, #tpu.memory_space<vmem_shared>> -> memref<500288xf32, #tpu.memory_space<vmem_shared>>
      tpu.wait_indirect_dma semaphore(%arg20 : memref<!tpu.dma_semaphore, #tpu.memory_space<semaphore_mem>>) src(%dma_wait3A_1482 : memref<500288xf32, #tpu.memory_space<vmem_shared>>) dst(%dma_wait3A_1477 : memref<128xf32, #tpu.memory_space<vmem>>)
      %dma_wait3A_1483 = arith.constant 17 : i32
      %dma_wait3A_1484 = arith.constant 17 : i32
      %dma_wait3A_1485 = arith.constant 0 : i32
      %dma_wait3A_1486 = tpu.memref_slice %arg13[%dma_wait3A_1484, %dma_wait3A_1485] : memref<40x128xf32, #tpu.memory_space<vmem>> -> memref<1x128xf32, #tpu.memory_space<vmem>>
      %dma_wait3A_1487 = tpu.memref_squeeze %dma_wait3A_1486 : memref<1x128xf32, #tpu.memory_space<vmem>> -> memref<128xf32, #tpu.memory_space<vmem>>
      %dma_wait3A_1488 = arith.constant 0 : i32
      %dma_wait3A_1489 = tpu.memref_slice %arg9[%dma_wait3A_1483, %dma_wait3A_1488] : memref<40x128xi32, #tpu.memory_space<vmem>> -> memref<1x128xi32, #tpu.memory_space<vmem>>
      %dma_wait3A_1490 = tpu.memref_squeeze %dma_wait3A_1489 : memref<1x128xi32, #tpu.memory_space<vmem>> -> memref<128xi32, #tpu.memory_space<vmem>>
      %dma_wait3A_1491 = arith.constant 0 : i32
      %dma_wait3A_1492 = tpu.memref_slice %arg18[%dma_wait3A_1491] : memref<500288xf32, #tpu.memory_space<vmem_shared>> -> memref<500288xf32, #tpu.memory_space<vmem_shared>>
      tpu.wait_indirect_dma semaphore(%arg20 : memref<!tpu.dma_semaphore, #tpu.memory_space<semaphore_mem>>) src(%dma_wait3A_1492 : memref<500288xf32, #tpu.memory_space<vmem_shared>>) dst(%dma_wait3A_1487 : memref<128xf32, #tpu.memory_space<vmem>>)
      %dma_wait3A_1493 = arith.constant 18 : i32
      %dma_wait3A_1494 = arith.constant 18 : i32
      %dma_wait3A_1495 = arith.constant 0 : i32
      %dma_wait3A_1496 = tpu.memref_slice %arg13[%dma_wait3A_1494, %dma_wait3A_1495] : memref<40x128xf32, #tpu.memory_space<vmem>> -> memref<1x128xf32, #tpu.memory_space<vmem>>
      %dma_wait3A_1497 = tpu.memref_squeeze %dma_wait3A_1496 : memref<1x128xf32, #tpu.memory_space<vmem>> -> memref<128xf32, #tpu.memory_space<vmem>>
      %dma_wait3A_1498 = arith.constant 0 : i32
      %dma_wait3A_1499 = tpu.memref_slice %arg9[%dma_wait3A_1493, %dma_wait3A_1498] : memref<40x128xi32, #tpu.memory_space<vmem>> -> memref<1x128xi32, #tpu.memory_space<vmem>>
      %dma_wait3A_1500 = tpu.memref_squeeze %dma_wait3A_1499 : memref<1x128xi32, #tpu.memory_space<vmem>> -> memref<128xi32, #tpu.memory_space<vmem>>
      %dma_wait3A_1501 = arith.constant 0 : i32
      %dma_wait3A_1502 = tpu.memref_slice %arg18[%dma_wait3A_1501] : memref<500288xf32, #tpu.memory_space<vmem_shared>> -> memref<500288xf32, #tpu.memory_space<vmem_shared>>
      tpu.wait_indirect_dma semaphore(%arg20 : memref<!tpu.dma_semaphore, #tpu.memory_space<semaphore_mem>>) src(%dma_wait3A_1502 : memref<500288xf32, #tpu.memory_space<vmem_shared>>) dst(%dma_wait3A_1497 : memref<128xf32, #tpu.memory_space<vmem>>)
      %dma_wait3A_1503 = arith.constant 19 : i32
      %dma_wait3A_1504 = arith.constant 19 : i32
      %dma_wait3A_1505 = arith.constant 0 : i32
      %dma_wait3A_1506 = tpu.memref_slice %arg13[%dma_wait3A_1504, %dma_wait3A_1505] : memref<40x128xf32, #tpu.memory_space<vmem>> -> memref<1x128xf32, #tpu.memory_space<vmem>>
      %dma_wait3A_1507 = tpu.memref_squeeze %dma_wait3A_1506 : memref<1x128xf32, #tpu.memory_space<vmem>> -> memref<128xf32, #tpu.memory_space<vmem>>
      %dma_wait3A_1508 = arith.constant 0 : i32
      %dma_wait3A_1509 = tpu.memref_slice %arg9[%dma_wait3A_1503, %dma_wait3A_1508] : memref<40x128xi32, #tpu.memory_space<vmem>> -> memref<1x128xi32, #tpu.memory_space<vmem>>
      %dma_wait3A_1510 = tpu.memref_squeeze %dma_wait3A_1509 : memref<1x128xi32, #tpu.memory_space<vmem>> -> memref<128xi32, #tpu.memory_space<vmem>>
      %dma_wait3A_1511 = arith.constant 0 : i32
      %dma_wait3A_1512 = tpu.memref_slice %arg18[%dma_wait3A_1511] : memref<500288xf32, #tpu.memory_space<vmem_shared>> -> memref<500288xf32, #tpu.memory_space<vmem_shared>>
      tpu.wait_indirect_dma semaphore(%arg20 : memref<!tpu.dma_semaphore, #tpu.memory_space<semaphore_mem>>) src(%dma_wait3A_1512 : memref<500288xf32, #tpu.memory_space<vmem_shared>>) dst(%dma_wait3A_1507 : memref<128xf32, #tpu.memory_space<vmem>>)
      %dma_wait3A_1513 = arith.constant 20 : i32
      %dma_wait3A_1514 = arith.constant 20 : i32
      %dma_wait3A_1515 = arith.constant 0 : i32
      %dma_wait3A_1516 = tpu.memref_slice %arg13[%dma_wait3A_1514, %dma_wait3A_1515] : memref<40x128xf32, #tpu.memory_space<vmem>> -> memref<1x128xf32, #tpu.memory_space<vmem>>
      %dma_wait3A_1517 = tpu.memref_squeeze %dma_wait3A_1516 : memref<1x128xf32, #tpu.memory_space<vmem>> -> memref<128xf32, #tpu.memory_space<vmem>>
      %dma_wait3A_1518 = arith.constant 0 : i32
      %dma_wait3A_1519 = tpu.memref_slice %arg9[%dma_wait3A_1513, %dma_wait3A_1518] : memref<40x128xi32, #tpu.memory_space<vmem>> -> memref<1x128xi32, #tpu.memory_space<vmem>>
      %dma_wait3A_1520 = tpu.memref_squeeze %dma_wait3A_1519 : memref<1x128xi32, #tpu.memory_space<vmem>> -> memref<128xi32, #tpu.memory_space<vmem>>
      %dma_wait3A_1521 = arith.constant 0 : i32
      %dma_wait3A_1522 = tpu.memref_slice %arg18[%dma_wait3A_1521] : memref<500288xf32, #tpu.memory_space<vmem_shared>> -> memref<500288xf32, #tpu.memory_space<vmem_shared>>
      tpu.wait_indirect_dma semaphore(%arg20 : memref<!tpu.dma_semaphore, #tpu.memory_space<semaphore_mem>>) src(%dma_wait3A_1522 : memref<500288xf32, #tpu.memory_space<vmem_shared>>) dst(%dma_wait3A_1517 : memref<128xf32, #tpu.memory_space<vmem>>)
      %dma_wait3A_1523 = arith.constant 21 : i32
      %dma_wait3A_1524 = arith.constant 21 : i32
      %dma_wait3A_1525 = arith.constant 0 : i32
      %dma_wait3A_1526 = tpu.memref_slice %arg13[%dma_wait3A_1524, %dma_wait3A_1525] : memref<40x128xf32, #tpu.memory_space<vmem>> -> memref<1x128xf32, #tpu.memory_space<vmem>>
      %dma_wait3A_1527 = tpu.memref_squeeze %dma_wait3A_1526 : memref<1x128xf32, #tpu.memory_space<vmem>> -> memref<128xf32, #tpu.memory_space<vmem>>
      %dma_wait3A_1528 = arith.constant 0 : i32
      %dma_wait3A_1529 = tpu.memref_slice %arg9[%dma_wait3A_1523, %dma_wait3A_1528] : memref<40x128xi32, #tpu.memory_space<vmem>> -> memref<1x128xi32, #tpu.memory_space<vmem>>
      %dma_wait3A_1530 = tpu.memref_squeeze %dma_wait3A_1529 : memref<1x128xi32, #tpu.memory_space<vmem>> -> memref<128xi32, #tpu.memory_space<vmem>>
      %dma_wait3A_1531 = arith.constant 0 : i32
      %dma_wait3A_1532 = tpu.memref_slice %arg18[%dma_wait3A_1531] : memref<500288xf32, #tpu.memory_space<vmem_shared>> -> memref<500288xf32, #tpu.memory_space<vmem_shared>>
      tpu.wait_indirect_dma semaphore(%arg20 : memref<!tpu.dma_semaphore, #tpu.memory_space<semaphore_mem>>) src(%dma_wait3A_1532 : memref<500288xf32, #tpu.memory_space<vmem_shared>>) dst(%dma_wait3A_1527 : memref<128xf32, #tpu.memory_space<vmem>>)
      %dma_wait3A_1533 = arith.constant 22 : i32
      %dma_wait3A_1534 = arith.constant 22 : i32
      %dma_wait3A_1535 = arith.constant 0 : i32
      %dma_wait3A_1536 = tpu.memref_slice %arg13[%dma_wait3A_1534, %dma_wait3A_1535] : memref<40x128xf32, #tpu.memory_space<vmem>> -> memref<1x128xf32, #tpu.memory_space<vmem>>
      %dma_wait3A_1537 = tpu.memref_squeeze %dma_wait3A_1536 : memref<1x128xf32, #tpu.memory_space<vmem>> -> memref<128xf32, #tpu.memory_space<vmem>>
      %dma_wait3A_1538 = arith.constant 0 : i32
      %dma_wait3A_1539 = tpu.memref_slice %arg9[%dma_wait3A_1533, %dma_wait3A_1538] : memref<40x128xi32, #tpu.memory_space<vmem>> -> memref<1x128xi32, #tpu.memory_space<vmem>>
      %dma_wait3A_1540 = tpu.memref_squeeze %dma_wait3A_1539 : memref<1x128xi32, #tpu.memory_space<vmem>> -> memref<128xi32, #tpu.memory_space<vmem>>
      %dma_wait3A_1541 = arith.constant 0 : i32
      %dma_wait3A_1542 = tpu.memref_slice %arg18[%dma_wait3A_1541] : memref<500288xf32, #tpu.memory_space<vmem_shared>> -> memref<500288xf32, #tpu.memory_space<vmem_shared>>
      tpu.wait_indirect_dma semaphore(%arg20 : memref<!tpu.dma_semaphore, #tpu.memory_space<semaphore_mem>>) src(%dma_wait3A_1542 : memref<500288xf32, #tpu.memory_space<vmem_shared>>) dst(%dma_wait3A_1537 : memref<128xf32, #tpu.memory_space<vmem>>)
      %dma_wait3A_1543 = arith.constant 23 : i32
      %dma_wait3A_1544 = arith.constant 23 : i32
      %dma_wait3A_1545 = arith.constant 0 : i32
      %dma_wait3A_1546 = tpu.memref_slice %arg13[%dma_wait3A_1544, %dma_wait3A_1545] : memref<40x128xf32, #tpu.memory_space<vmem>> -> memref<1x128xf32, #tpu.memory_space<vmem>>
      %dma_wait3A_1547 = tpu.memref_squeeze %dma_wait3A_1546 : memref<1x128xf32, #tpu.memory_space<vmem>> -> memref<128xf32, #tpu.memory_space<vmem>>
      %dma_wait3A_1548 = arith.constant 0 : i32
      %dma_wait3A_1549 = tpu.memref_slice %arg9[%dma_wait3A_1543, %dma_wait3A_1548] : memref<40x128xi32, #tpu.memory_space<vmem>> -> memref<1x128xi32, #tpu.memory_space<vmem>>
      %dma_wait3A_1550 = tpu.memref_squeeze %dma_wait3A_1549 : memref<1x128xi32, #tpu.memory_space<vmem>> -> memref<128xi32, #tpu.memory_space<vmem>>
      %dma_wait3A_1551 = arith.constant 0 : i32
      %dma_wait3A_1552 = tpu.memref_slice %arg18[%dma_wait3A_1551] : memref<500288xf32, #tpu.memory_space<vmem_shared>> -> memref<500288xf32, #tpu.memory_space<vmem_shared>>
      tpu.wait_indirect_dma semaphore(%arg20 : memref<!tpu.dma_semaphore, #tpu.memory_space<semaphore_mem>>) src(%dma_wait3A_1552 : memref<500288xf32, #tpu.memory_space<vmem_shared>>) dst(%dma_wait3A_1547 : memref<128xf32, #tpu.memory_space<vmem>>)
      %dma_wait3A_1553 = arith.constant 24 : i32
      %dma_wait3A_1554 = arith.constant 24 : i32
      %dma_wait3A_1555 = arith.constant 0 : i32
      %dma_wait3A_1556 = tpu.memref_slice %arg13[%dma_wait3A_1554, %dma_wait3A_1555] : memref<40x128xf32, #tpu.memory_space<vmem>> -> memref<1x128xf32, #tpu.memory_space<vmem>>
      %dma_wait3A_1557 = tpu.memref_squeeze %dma_wait3A_1556 : memref<1x128xf32, #tpu.memory_space<vmem>> -> memref<128xf32, #tpu.memory_space<vmem>>
      %dma_wait3A_1558 = arith.constant 0 : i32
      %dma_wait3A_1559 = tpu.memref_slice %arg9[%dma_wait3A_1553, %dma_wait3A_1558] : memref<40x128xi32, #tpu.memory_space<vmem>> -> memref<1x128xi32, #tpu.memory_space<vmem>>
      %dma_wait3A_1560 = tpu.memref_squeeze %dma_wait3A_1559 : memref<1x128xi32, #tpu.memory_space<vmem>> -> memref<128xi32, #tpu.memory_space<vmem>>
      %dma_wait3A_1561 = arith.constant 0 : i32
      %dma_wait3A_1562 = tpu.memref_slice %arg18[%dma_wait3A_1561] : memref<500288xf32, #tpu.memory_space<vmem_shared>> -> memref<500288xf32, #tpu.memory_space<vmem_shared>>
      tpu.wait_indirect_dma semaphore(%arg20 : memref<!tpu.dma_semaphore, #tpu.memory_space<semaphore_mem>>) src(%dma_wait3A_1562 : memref<500288xf32, #tpu.memory_space<vmem_shared>>) dst(%dma_wait3A_1557 : memref<128xf32, #tpu.memory_space<vmem>>)
      %dma_wait3A_1563 = arith.constant 25 : i32
      %dma_wait3A_1564 = arith.constant 25 : i32
      %dma_wait3A_1565 = arith.constant 0 : i32
      %dma_wait3A_1566 = tpu.memref_slice %arg13[%dma_wait3A_1564, %dma_wait3A_1565] : memref<40x128xf32, #tpu.memory_space<vmem>> -> memref<1x128xf32, #tpu.memory_space<vmem>>
      %dma_wait3A_1567 = tpu.memref_squeeze %dma_wait3A_1566 : memref<1x128xf32, #tpu.memory_space<vmem>> -> memref<128xf32, #tpu.memory_space<vmem>>
      %dma_wait3A_1568 = arith.constant 0 : i32
      %dma_wait3A_1569 = tpu.memref_slice %arg9[%dma_wait3A_1563, %dma_wait3A_1568] : memref<40x128xi32, #tpu.memory_space<vmem>> -> memref<1x128xi32, #tpu.memory_space<vmem>>
      %dma_wait3A_1570 = tpu.memref_squeeze %dma_wait3A_1569 : memref<1x128xi32, #tpu.memory_space<vmem>> -> memref<128xi32, #tpu.memory_space<vmem>>
      %dma_wait3A_1571 = arith.constant 0 : i32
      %dma_wait3A_1572 = tpu.memref_slice %arg18[%dma_wait3A_1571] : memref<500288xf32, #tpu.memory_space<vmem_shared>> -> memref<500288xf32, #tpu.memory_space<vmem_shared>>
      tpu.wait_indirect_dma semaphore(%arg20 : memref<!tpu.dma_semaphore, #tpu.memory_space<semaphore_mem>>) src(%dma_wait3A_1572 : memref<500288xf32, #tpu.memory_space<vmem_shared>>) dst(%dma_wait3A_1567 : memref<128xf32, #tpu.memory_space<vmem>>)
      %dma_wait3A_1573 = arith.constant 26 : i32
      %dma_wait3A_1574 = arith.constant 26 : i32
      %dma_wait3A_1575 = arith.constant 0 : i32
      %dma_wait3A_1576 = tpu.memref_slice %arg13[%dma_wait3A_1574, %dma_wait3A_1575] : memref<40x128xf32, #tpu.memory_space<vmem>> -> memref<1x128xf32, #tpu.memory_space<vmem>>
      %dma_wait3A_1577 = tpu.memref_squeeze %dma_wait3A_1576 : memref<1x128xf32, #tpu.memory_space<vmem>> -> memref<128xf32, #tpu.memory_space<vmem>>
      %dma_wait3A_1578 = arith.constant 0 : i32
      %dma_wait3A_1579 = tpu.memref_slice %arg9[%dma_wait3A_1573, %dma_wait3A_1578] : memref<40x128xi32, #tpu.memory_space<vmem>> -> memref<1x128xi32, #tpu.memory_space<vmem>>
      %dma_wait3A_1580 = tpu.memref_squeeze %dma_wait3A_1579 : memref<1x128xi32, #tpu.memory_space<vmem>> -> memref<128xi32, #tpu.memory_space<vmem>>
      %dma_wait3A_1581 = arith.constant 0 : i32
      %dma_wait3A_1582 = tpu.memref_slice %arg18[%dma_wait3A_1581] : memref<500288xf32, #tpu.memory_space<vmem_shared>> -> memref<500288xf32, #tpu.memory_space<vmem_shared>>
      tpu.wait_indirect_dma semaphore(%arg20 : memref<!tpu.dma_semaphore, #tpu.memory_space<semaphore_mem>>) src(%dma_wait3A_1582 : memref<500288xf32, #tpu.memory_space<vmem_shared>>) dst(%dma_wait3A_1577 : memref<128xf32, #tpu.memory_space<vmem>>)
      %dma_wait3A_1583 = arith.constant 27 : i32
      %dma_wait3A_1584 = arith.constant 27 : i32
      %dma_wait3A_1585 = arith.constant 0 : i32
      %dma_wait3A_1586 = tpu.memref_slice %arg13[%dma_wait3A_1584, %dma_wait3A_1585] : memref<40x128xf32, #tpu.memory_space<vmem>> -> memref<1x128xf32, #tpu.memory_space<vmem>>
      %dma_wait3A_1587 = tpu.memref_squeeze %dma_wait3A_1586 : memref<1x128xf32, #tpu.memory_space<vmem>> -> memref<128xf32, #tpu.memory_space<vmem>>
      %dma_wait3A_1588 = arith.constant 0 : i32
      %dma_wait3A_1589 = tpu.memref_slice %arg9[%dma_wait3A_1583, %dma_wait3A_1588] : memref<40x128xi32, #tpu.memory_space<vmem>> -> memref<1x128xi32, #tpu.memory_space<vmem>>
      %dma_wait3A_1590 = tpu.memref_squeeze %dma_wait3A_1589 : memref<1x128xi32, #tpu.memory_space<vmem>> -> memref<128xi32, #tpu.memory_space<vmem>>
      %dma_wait3A_1591 = arith.constant 0 : i32
      %dma_wait3A_1592 = tpu.memref_slice %arg18[%dma_wait3A_1591] : memref<500288xf32, #tpu.memory_space<vmem_shared>> -> memref<500288xf32, #tpu.memory_space<vmem_shared>>
      tpu.wait_indirect_dma semaphore(%arg20 : memref<!tpu.dma_semaphore, #tpu.memory_space<semaphore_mem>>) src(%dma_wait3A_1592 : memref<500288xf32, #tpu.memory_space<vmem_shared>>) dst(%dma_wait3A_1587 : memref<128xf32, #tpu.memory_space<vmem>>)
      %dma_wait3A_1593 = arith.constant 28 : i32
      %dma_wait3A_1594 = arith.constant 28 : i32
      %dma_wait3A_1595 = arith.constant 0 : i32
      %dma_wait3A_1596 = tpu.memref_slice %arg13[%dma_wait3A_1594, %dma_wait3A_1595] : memref<40x128xf32, #tpu.memory_space<vmem>> -> memref<1x128xf32, #tpu.memory_space<vmem>>
      %dma_wait3A_1597 = tpu.memref_squeeze %dma_wait3A_1596 : memref<1x128xf32, #tpu.memory_space<vmem>> -> memref<128xf32, #tpu.memory_space<vmem>>
      %dma_wait3A_1598 = arith.constant 0 : i32
      %dma_wait3A_1599 = tpu.memref_slice %arg9[%dma_wait3A_1593, %dma_wait3A_1598] : memref<40x128xi32, #tpu.memory_space<vmem>> -> memref<1x128xi32, #tpu.memory_space<vmem>>
      %dma_wait3A_1600 = tpu.memref_squeeze %dma_wait3A_1599 : memref<1x128xi32, #tpu.memory_space<vmem>> -> memref<128xi32, #tpu.memory_space<vmem>>
      %dma_wait3A_1601 = arith.constant 0 : i32
      %dma_wait3A_1602 = tpu.memref_slice %arg18[%dma_wait3A_1601] : memref<500288xf32, #tpu.memory_space<vmem_shared>> -> memref<500288xf32, #tpu.memory_space<vmem_shared>>
      tpu.wait_indirect_dma semaphore(%arg20 : memref<!tpu.dma_semaphore, #tpu.memory_space<semaphore_mem>>) src(%dma_wait3A_1602 : memref<500288xf32, #tpu.memory_space<vmem_shared>>) dst(%dma_wait3A_1597 : memref<128xf32, #tpu.memory_space<vmem>>)
      %dma_wait3A_1603 = arith.constant 29 : i32
      %dma_wait3A_1604 = arith.constant 29 : i32
      %dma_wait3A_1605 = arith.constant 0 : i32
      %dma_wait3A_1606 = tpu.memref_slice %arg13[%dma_wait3A_1604, %dma_wait3A_1605] : memref<40x128xf32, #tpu.memory_space<vmem>> -> memref<1x128xf32, #tpu.memory_space<vmem>>
      %dma_wait3A_1607 = tpu.memref_squeeze %dma_wait3A_1606 : memref<1x128xf32, #tpu.memory_space<vmem>> -> memref<128xf32, #tpu.memory_space<vmem>>
      %dma_wait3A_1608 = arith.constant 0 : i32
      %dma_wait3A_1609 = tpu.memref_slice %arg9[%dma_wait3A_1603, %dma_wait3A_1608] : memref<40x128xi32, #tpu.memory_space<vmem>> -> memref<1x128xi32, #tpu.memory_space<vmem>>
      %dma_wait3A_1610 = tpu.memref_squeeze %dma_wait3A_1609 : memref<1x128xi32, #tpu.memory_space<vmem>> -> memref<128xi32, #tpu.memory_space<vmem>>
      %dma_wait3A_1611 = arith.constant 0 : i32
      %dma_wait3A_1612 = tpu.memref_slice %arg18[%dma_wait3A_1611] : memref<500288xf32, #tpu.memory_space<vmem_shared>> -> memref<500288xf32, #tpu.memory_space<vmem_shared>>
      tpu.wait_indirect_dma semaphore(%arg20 : memref<!tpu.dma_semaphore, #tpu.memory_space<semaphore_mem>>) src(%dma_wait3A_1612 : memref<500288xf32, #tpu.memory_space<vmem_shared>>) dst(%dma_wait3A_1607 : memref<128xf32, #tpu.memory_space<vmem>>)
      %dma_wait3A_1613 = arith.constant 30 : i32
      %dma_wait3A_1614 = arith.constant 30 : i32
      %dma_wait3A_1615 = arith.constant 0 : i32
      %dma_wait3A_1616 = tpu.memref_slice %arg13[%dma_wait3A_1614, %dma_wait3A_1615] : memref<40x128xf32, #tpu.memory_space<vmem>> -> memref<1x128xf32, #tpu.memory_space<vmem>>
      %dma_wait3A_1617 = tpu.memref_squeeze %dma_wait3A_1616 : memref<1x128xf32, #tpu.memory_space<vmem>> -> memref<128xf32, #tpu.memory_space<vmem>>
      %dma_wait3A_1618 = arith.constant 0 : i32
      %dma_wait3A_1619 = tpu.memref_slice %arg9[%dma_wait3A_1613, %dma_wait3A_1618] : memref<40x128xi32, #tpu.memory_space<vmem>> -> memref<1x128xi32, #tpu.memory_space<vmem>>
      %dma_wait3A_1620 = tpu.memref_squeeze %dma_wait3A_1619 : memref<1x128xi32, #tpu.memory_space<vmem>> -> memref<128xi32, #tpu.memory_space<vmem>>
      %dma_wait3A_1621 = arith.constant 0 : i32
      %dma_wait3A_1622 = tpu.memref_slice %arg18[%dma_wait3A_1621] : memref<500288xf32, #tpu.memory_space<vmem_shared>> -> memref<500288xf32, #tpu.memory_space<vmem_shared>>
      tpu.wait_indirect_dma semaphore(%arg20 : memref<!tpu.dma_semaphore, #tpu.memory_space<semaphore_mem>>) src(%dma_wait3A_1622 : memref<500288xf32, #tpu.memory_space<vmem_shared>>) dst(%dma_wait3A_1617 : memref<128xf32, #tpu.memory_space<vmem>>)
      %dma_wait3A_1623 = arith.constant 31 : i32
      %dma_wait3A_1624 = arith.constant 31 : i32
      %dma_wait3A_1625 = arith.constant 0 : i32
      %dma_wait3A_1626 = tpu.memref_slice %arg13[%dma_wait3A_1624, %dma_wait3A_1625] : memref<40x128xf32, #tpu.memory_space<vmem>> -> memref<1x128xf32, #tpu.memory_space<vmem>>
      %dma_wait3A_1627 = tpu.memref_squeeze %dma_wait3A_1626 : memref<1x128xf32, #tpu.memory_space<vmem>> -> memref<128xf32, #tpu.memory_space<vmem>>
      %dma_wait3A_1628 = arith.constant 0 : i32
      %dma_wait3A_1629 = tpu.memref_slice %arg9[%dma_wait3A_1623, %dma_wait3A_1628] : memref<40x128xi32, #tpu.memory_space<vmem>> -> memref<1x128xi32, #tpu.memory_space<vmem>>
      %dma_wait3A_1630 = tpu.memref_squeeze %dma_wait3A_1629 : memref<1x128xi32, #tpu.memory_space<vmem>> -> memref<128xi32, #tpu.memory_space<vmem>>
      %dma_wait3A_1631 = arith.constant 0 : i32
      %dma_wait3A_1632 = tpu.memref_slice %arg18[%dma_wait3A_1631] : memref<500288xf32, #tpu.memory_space<vmem_shared>> -> memref<500288xf32, #tpu.memory_space<vmem_shared>>
      tpu.wait_indirect_dma semaphore(%arg20 : memref<!tpu.dma_semaphore, #tpu.memory_space<semaphore_mem>>) src(%dma_wait3A_1632 : memref<500288xf32, #tpu.memory_space<vmem_shared>>) dst(%dma_wait3A_1627 : memref<128xf32, #tpu.memory_space<vmem>>)
      %dma_wait3A_1633 = arith.constant 32 : i32
      %dma_wait3A_1634 = arith.constant 32 : i32
      %dma_wait3A_1635 = arith.constant 0 : i32
      %dma_wait3A_1636 = tpu.memref_slice %arg13[%dma_wait3A_1634, %dma_wait3A_1635] : memref<40x128xf32, #tpu.memory_space<vmem>> -> memref<1x128xf32, #tpu.memory_space<vmem>>
      %dma_wait3A_1637 = tpu.memref_squeeze %dma_wait3A_1636 : memref<1x128xf32, #tpu.memory_space<vmem>> -> memref<128xf32, #tpu.memory_space<vmem>>
      %dma_wait3A_1638 = arith.constant 0 : i32
      %dma_wait3A_1639 = tpu.memref_slice %arg9[%dma_wait3A_1633, %dma_wait3A_1638] : memref<40x128xi32, #tpu.memory_space<vmem>> -> memref<1x128xi32, #tpu.memory_space<vmem>>
      %dma_wait3A_1640 = tpu.memref_squeeze %dma_wait3A_1639 : memref<1x128xi32, #tpu.memory_space<vmem>> -> memref<128xi32, #tpu.memory_space<vmem>>
      %dma_wait3A_1641 = arith.constant 0 : i32
      %dma_wait3A_1642 = tpu.memref_slice %arg18[%dma_wait3A_1641] : memref<500288xf32, #tpu.memory_space<vmem_shared>> -> memref<500288xf32, #tpu.memory_space<vmem_shared>>
      tpu.wait_indirect_dma semaphore(%arg20 : memref<!tpu.dma_semaphore, #tpu.memory_space<semaphore_mem>>) src(%dma_wait3A_1642 : memref<500288xf32, #tpu.memory_space<vmem_shared>>) dst(%dma_wait3A_1637 : memref<128xf32, #tpu.memory_space<vmem>>)
      %dma_wait3A_1643 = arith.constant 33 : i32
      %dma_wait3A_1644 = arith.constant 33 : i32
      %dma_wait3A_1645 = arith.constant 0 : i32
      %dma_wait3A_1646 = tpu.memref_slice %arg13[%dma_wait3A_1644, %dma_wait3A_1645] : memref<40x128xf32, #tpu.memory_space<vmem>> -> memref<1x128xf32, #tpu.memory_space<vmem>>
      %dma_wait3A_1647 = tpu.memref_squeeze %dma_wait3A_1646 : memref<1x128xf32, #tpu.memory_space<vmem>> -> memref<128xf32, #tpu.memory_space<vmem>>
      %dma_wait3A_1648 = arith.constant 0 : i32
      %dma_wait3A_1649 = tpu.memref_slice %arg9[%dma_wait3A_1643, %dma_wait3A_1648] : memref<40x128xi32, #tpu.memory_space<vmem>> -> memref<1x128xi32, #tpu.memory_space<vmem>>
      %dma_wait3A_1650 = tpu.memref_squeeze %dma_wait3A_1649 : memref<1x128xi32, #tpu.memory_space<vmem>> -> memref<128xi32, #tpu.memory_space<vmem>>
      %dma_wait3A_1651 = arith.constant 0 : i32
      %dma_wait3A_1652 = tpu.memref_slice %arg18[%dma_wait3A_1651] : memref<500288xf32, #tpu.memory_space<vmem_shared>> -> memref<500288xf32, #tpu.memory_space<vmem_shared>>
      tpu.wait_indirect_dma semaphore(%arg20 : memref<!tpu.dma_semaphore, #tpu.memory_space<semaphore_mem>>) src(%dma_wait3A_1652 : memref<500288xf32, #tpu.memory_space<vmem_shared>>) dst(%dma_wait3A_1647 : memref<128xf32, #tpu.memory_space<vmem>>)
      %dma_wait3A_1653 = arith.constant 34 : i32
      %dma_wait3A_1654 = arith.constant 34 : i32
      %dma_wait3A_1655 = arith.constant 0 : i32
      %dma_wait3A_1656 = tpu.memref_slice %arg13[%dma_wait3A_1654, %dma_wait3A_1655] : memref<40x128xf32, #tpu.memory_space<vmem>> -> memref<1x128xf32, #tpu.memory_space<vmem>>
      %dma_wait3A_1657 = tpu.memref_squeeze %dma_wait3A_1656 : memref<1x128xf32, #tpu.memory_space<vmem>> -> memref<128xf32, #tpu.memory_space<vmem>>
      %dma_wait3A_1658 = arith.constant 0 : i32
      %dma_wait3A_1659 = tpu.memref_slice %arg9[%dma_wait3A_1653, %dma_wait3A_1658] : memref<40x128xi32, #tpu.memory_space<vmem>> -> memref<1x128xi32, #tpu.memory_space<vmem>>
      %dma_wait3A_1660 = tpu.memref_squeeze %dma_wait3A_1659 : memref<1x128xi32, #tpu.memory_space<vmem>> -> memref<128xi32, #tpu.memory_space<vmem>>
      %dma_wait3A_1661 = arith.constant 0 : i32
      %dma_wait3A_1662 = tpu.memref_slice %arg18[%dma_wait3A_1661] : memref<500288xf32, #tpu.memory_space<vmem_shared>> -> memref<500288xf32, #tpu.memory_space<vmem_shared>>
      tpu.wait_indirect_dma semaphore(%arg20 : memref<!tpu.dma_semaphore, #tpu.memory_space<semaphore_mem>>) src(%dma_wait3A_1662 : memref<500288xf32, #tpu.memory_space<vmem_shared>>) dst(%dma_wait3A_1657 : memref<128xf32, #tpu.memory_space<vmem>>)
      %dma_wait3A_1663 = arith.constant 35 : i32
      %dma_wait3A_1664 = arith.constant 35 : i32
      %dma_wait3A_1665 = arith.constant 0 : i32
      %dma_wait3A_1666 = tpu.memref_slice %arg13[%dma_wait3A_1664, %dma_wait3A_1665] : memref<40x128xf32, #tpu.memory_space<vmem>> -> memref<1x128xf32, #tpu.memory_space<vmem>>
      %dma_wait3A_1667 = tpu.memref_squeeze %dma_wait3A_1666 : memref<1x128xf32, #tpu.memory_space<vmem>> -> memref<128xf32, #tpu.memory_space<vmem>>
      %dma_wait3A_1668 = arith.constant 0 : i32
      %dma_wait3A_1669 = tpu.memref_slice %arg9[%dma_wait3A_1663, %dma_wait3A_1668] : memref<40x128xi32, #tpu.memory_space<vmem>> -> memref<1x128xi32, #tpu.memory_space<vmem>>
      %dma_wait3A_1670 = tpu.memref_squeeze %dma_wait3A_1669 : memref<1x128xi32, #tpu.memory_space<vmem>> -> memref<128xi32, #tpu.memory_space<vmem>>
      %dma_wait3A_1671 = arith.constant 0 : i32
      %dma_wait3A_1672 = tpu.memref_slice %arg18[%dma_wait3A_1671] : memref<500288xf32, #tpu.memory_space<vmem_shared>> -> memref<500288xf32, #tpu.memory_space<vmem_shared>>
      tpu.wait_indirect_dma semaphore(%arg20 : memref<!tpu.dma_semaphore, #tpu.memory_space<semaphore_mem>>) src(%dma_wait3A_1672 : memref<500288xf32, #tpu.memory_space<vmem_shared>>) dst(%dma_wait3A_1667 : memref<128xf32, #tpu.memory_space<vmem>>)
      %dma_wait3A_1673 = arith.constant 36 : i32
      %dma_wait3A_1674 = arith.constant 36 : i32
      %dma_wait3A_1675 = arith.constant 0 : i32
      %dma_wait3A_1676 = tpu.memref_slice %arg13[%dma_wait3A_1674, %dma_wait3A_1675] : memref<40x128xf32, #tpu.memory_space<vmem>> -> memref<1x128xf32, #tpu.memory_space<vmem>>
      %dma_wait3A_1677 = tpu.memref_squeeze %dma_wait3A_1676 : memref<1x128xf32, #tpu.memory_space<vmem>> -> memref<128xf32, #tpu.memory_space<vmem>>
      %dma_wait3A_1678 = arith.constant 0 : i32
      %dma_wait3A_1679 = tpu.memref_slice %arg9[%dma_wait3A_1673, %dma_wait3A_1678] : memref<40x128xi32, #tpu.memory_space<vmem>> -> memref<1x128xi32, #tpu.memory_space<vmem>>
      %dma_wait3A_1680 = tpu.memref_squeeze %dma_wait3A_1679 : memref<1x128xi32, #tpu.memory_space<vmem>> -> memref<128xi32, #tpu.memory_space<vmem>>
      %dma_wait3A_1681 = arith.constant 0 : i32
      %dma_wait3A_1682 = tpu.memref_slice %arg18[%dma_wait3A_1681] : memref<500288xf32, #tpu.memory_space<vmem_shared>> -> memref<500288xf32, #tpu.memory_space<vmem_shared>>
      tpu.wait_indirect_dma semaphore(%arg20 : memref<!tpu.dma_semaphore, #tpu.memory_space<semaphore_mem>>) src(%dma_wait3A_1682 : memref<500288xf32, #tpu.memory_space<vmem_shared>>) dst(%dma_wait3A_1677 : memref<128xf32, #tpu.memory_space<vmem>>)
      %dma_wait3A_1683 = arith.constant 37 : i32
      %dma_wait3A_1684 = arith.constant 37 : i32
      %dma_wait3A_1685 = arith.constant 0 : i32
      %dma_wait3A_1686 = tpu.memref_slice %arg13[%dma_wait3A_1684, %dma_wait3A_1685] : memref<40x128xf32, #tpu.memory_space<vmem>> -> memref<1x128xf32, #tpu.memory_space<vmem>>
      %dma_wait3A_1687 = tpu.memref_squeeze %dma_wait3A_1686 : memref<1x128xf32, #tpu.memory_space<vmem>> -> memref<128xf32, #tpu.memory_space<vmem>>
      %dma_wait3A_1688 = arith.constant 0 : i32
      %dma_wait3A_1689 = tpu.memref_slice %arg9[%dma_wait3A_1683, %dma_wait3A_1688] : memref<40x128xi32, #tpu.memory_space<vmem>> -> memref<1x128xi32, #tpu.memory_space<vmem>>
      %dma_wait3A_1690 = tpu.memref_squeeze %dma_wait3A_1689 : memref<1x128xi32, #tpu.memory_space<vmem>> -> memref<128xi32, #tpu.memory_space<vmem>>
      %dma_wait3A_1691 = arith.constant 0 : i32
      %dma_wait3A_1692 = tpu.memref_slice %arg18[%dma_wait3A_1691] : memref<500288xf32, #tpu.memory_space<vmem_shared>> -> memref<500288xf32, #tpu.memory_space<vmem_shared>>
      tpu.wait_indirect_dma semaphore(%arg20 : memref<!tpu.dma_semaphore, #tpu.memory_space<semaphore_mem>>) src(%dma_wait3A_1692 : memref<500288xf32, #tpu.memory_space<vmem_shared>>) dst(%dma_wait3A_1687 : memref<128xf32, #tpu.memory_space<vmem>>)
      %dma_wait3A_1693 = arith.constant 38 : i32
      %dma_wait3A_1694 = arith.constant 38 : i32
      %dma_wait3A_1695 = arith.constant 0 : i32
      %dma_wait3A_1696 = tpu.memref_slice %arg13[%dma_wait3A_1694, %dma_wait3A_1695] : memref<40x128xf32, #tpu.memory_space<vmem>> -> memref<1x128xf32, #tpu.memory_space<vmem>>
      %dma_wait3A_1697 = tpu.memref_squeeze %dma_wait3A_1696 : memref<1x128xf32, #tpu.memory_space<vmem>> -> memref<128xf32, #tpu.memory_space<vmem>>
      %dma_wait3A_1698 = arith.constant 0 : i32
      %dma_wait3A_1699 = tpu.memref_slice %arg9[%dma_wait3A_1693, %dma_wait3A_1698] : memref<40x128xi32, #tpu.memory_space<vmem>> -> memref<1x128xi32, #tpu.memory_space<vmem>>
      %dma_wait3A_1700 = tpu.memref_squeeze %dma_wait3A_1699 : memref<1x128xi32, #tpu.memory_space<vmem>> -> memref<128xi32, #tpu.memory_space<vmem>>
      %dma_wait3A_1701 = arith.constant 0 : i32
      %dma_wait3A_1702 = tpu.memref_slice %arg18[%dma_wait3A_1701] : memref<500288xf32, #tpu.memory_space<vmem_shared>> -> memref<500288xf32, #tpu.memory_space<vmem_shared>>
      tpu.wait_indirect_dma semaphore(%arg20 : memref<!tpu.dma_semaphore, #tpu.memory_space<semaphore_mem>>) src(%dma_wait3A_1702 : memref<500288xf32, #tpu.memory_space<vmem_shared>>) dst(%dma_wait3A_1697 : memref<128xf32, #tpu.memory_space<vmem>>)
      %dma_wait3A_1703 = arith.constant 39 : i32
      %dma_wait3A_1704 = arith.constant 39 : i32
      %dma_wait3A_1705 = arith.constant 0 : i32
      %dma_wait3A_1706 = tpu.memref_slice %arg13[%dma_wait3A_1704, %dma_wait3A_1705] : memref<40x128xf32, #tpu.memory_space<vmem>> -> memref<1x128xf32, #tpu.memory_space<vmem>>
      %dma_wait3A_1707 = tpu.memref_squeeze %dma_wait3A_1706 : memref<1x128xf32, #tpu.memory_space<vmem>> -> memref<128xf32, #tpu.memory_space<vmem>>
      %dma_wait3A_1708 = arith.constant 0 : i32
      %dma_wait3A_1709 = tpu.memref_slice %arg9[%dma_wait3A_1703, %dma_wait3A_1708] : memref<40x128xi32, #tpu.memory_space<vmem>> -> memref<1x128xi32, #tpu.memory_space<vmem>>
      %dma_wait3A_1710 = tpu.memref_squeeze %dma_wait3A_1709 : memref<1x128xi32, #tpu.memory_space<vmem>> -> memref<128xi32, #tpu.memory_space<vmem>>
      %dma_wait3A_1711 = arith.constant 0 : i32
      %dma_wait3A_1712 = tpu.memref_slice %arg18[%dma_wait3A_1711] : memref<500288xf32, #tpu.memory_space<vmem_shared>> -> memref<500288xf32, #tpu.memory_space<vmem_shared>>
      tpu.wait_indirect_dma semaphore(%arg20 : memref<!tpu.dma_semaphore, #tpu.memory_space<semaphore_mem>>) src(%dma_wait3A_1712 : memref<500288xf32, #tpu.memory_space<vmem_shared>>) dst(%dma_wait3A_1707 : memref<128xf32, #tpu.memory_space<vmem>>)
      %barrier3A_1713 = arith.constant 0 : index
      tpu.barrier barrier_id(%barrier3A_1713)
      %lt3A_1714 = arith.constant 31 : i32
      %lt3A_1715 = arith.cmpi slt, %scan3A_58, %lt3A_1714 : i32
      %convert_element_type3A_1716 = arith.extui %lt3A_1715 : i1 to i32
      %cond3A_1717 = arith.constant 0 : i32
      %cond3A_1718 = arith.cmpi ne, %convert_element_type3A_1716, %cond3A_1717 : i32
      scf.if %cond3A_1718 {
        %add3A_1731 = arith.constant 1 : i32
        %add3A_1732 = arith.addi %add3A, %add3A_1731 : i32
        %eq3A_1733 = arith.constant 4 : i32
        %eq3A_1734 = arith.cmpi eq, %arg1, %eq3A_1733 : i32
        %convert_element_type3A_1735 = arith.extui %eq3A_1734 : i1 to i32
        %cond3A_1736 = arith.constant 0 : i32
        %cond3A_1737 = arith.cmpi ne, %convert_element_type3A_1735, %cond3A_1736 : i32
        scf.if %cond3A_1737 {
          %dma_start3A_1758 = arith.constant 0 : i32
          %dma_start3A_1759 = tpu.memref_slice %arg18[%dma_start3A_1758] : memref<500288xf32, #tpu.memory_space<vmem_shared>> -> memref<124928xf32, #tpu.memory_space<vmem_shared>>
          %dma_start3A_1760 = arith.constant 0 : i32
          %dma_start3A_1761 = tpu.memref_slice %arg4[%add3A_1732, %dma_start3A_1760] : memref<64x1000000xf32, #tpu.memory_space<hbm>> -> memref<1x1000000xf32, #tpu.memory_space<hbm>>
          %dma_start3A_1762 = tpu.memref_squeeze %dma_start3A_1761 : memref<1x1000000xf32, #tpu.memory_space<hbm>> -> memref<1000000xf32, #tpu.memory_space<hbm>>
          %dma_start3A_1763 = arith.constant 499712 : i32
          %dma_start3A_1764 = tpu.memref_slice %dma_start3A_1762[%dma_start3A_1763] : memref<1000000xf32, #tpu.memory_space<hbm>> -> memref<124928xf32, #tpu.memory_space<hbm>>
          tpu.enqueue_dma source(%dma_start3A_1764 : memref<124928xf32, #tpu.memory_space<hbm>>) target(%dma_start3A_1759 : memref<124928xf32, #tpu.memory_space<vmem_shared>>) target_semaphore(%arg19 : memref<!tpu.dma_semaphore, #tpu.memory_space<semaphore_mem>>)
        } else {
        }
        %eq3A_1738 = arith.constant 5 : i32
        %eq3A_1739 = arith.cmpi eq, %arg1, %eq3A_1738 : i32
        %convert_element_type3A_1740 = arith.extui %eq3A_1739 : i1 to i32
        %cond3A_1741 = arith.constant 0 : i32
        %cond3A_1742 = arith.cmpi ne, %convert_element_type3A_1740, %cond3A_1741 : i32
        scf.if %cond3A_1742 {
          %dma_start3A_1758 = arith.constant 124928 : i32
          %dma_start3A_1759 = tpu.memref_slice %arg18[%dma_start3A_1758] : memref<500288xf32, #tpu.memory_space<vmem_shared>> -> memref<124928xf32, #tpu.memory_space<vmem_shared>>
          %dma_start3A_1760 = arith.constant 0 : i32
          %dma_start3A_1761 = tpu.memref_slice %arg4[%add3A_1732, %dma_start3A_1760] : memref<64x1000000xf32, #tpu.memory_space<hbm>> -> memref<1x1000000xf32, #tpu.memory_space<hbm>>
          %dma_start3A_1762 = tpu.memref_squeeze %dma_start3A_1761 : memref<1x1000000xf32, #tpu.memory_space<hbm>> -> memref<1000000xf32, #tpu.memory_space<hbm>>
          %dma_start3A_1763 = arith.constant 624640 : i32
          %dma_start3A_1764 = tpu.memref_slice %dma_start3A_1762[%dma_start3A_1763] : memref<1000000xf32, #tpu.memory_space<hbm>> -> memref<124928xf32, #tpu.memory_space<hbm>>
          tpu.enqueue_dma source(%dma_start3A_1764 : memref<124928xf32, #tpu.memory_space<hbm>>) target(%dma_start3A_1759 : memref<124928xf32, #tpu.memory_space<vmem_shared>>) target_semaphore(%arg19 : memref<!tpu.dma_semaphore, #tpu.memory_space<semaphore_mem>>)
        } else {
        }
        %eq3A_1743 = arith.constant 6 : i32
        %eq3A_1744 = arith.cmpi eq, %arg1, %eq3A_1743 : i32
        %convert_element_type3A_1745 = arith.extui %eq3A_1744 : i1 to i32
        %cond3A_1746 = arith.constant 0 : i32
        %cond3A_1747 = arith.cmpi ne, %convert_element_type3A_1745, %cond3A_1746 : i32
        scf.if %cond3A_1747 {
          %dma_start3A_1758 = arith.constant 249856 : i32
          %dma_start3A_1759 = tpu.memref_slice %arg18[%dma_start3A_1758] : memref<500288xf32, #tpu.memory_space<vmem_shared>> -> memref<124928xf32, #tpu.memory_space<vmem_shared>>
          %dma_start3A_1760 = arith.constant 0 : i32
          %dma_start3A_1761 = tpu.memref_slice %arg4[%add3A_1732, %dma_start3A_1760] : memref<64x1000000xf32, #tpu.memory_space<hbm>> -> memref<1x1000000xf32, #tpu.memory_space<hbm>>
          %dma_start3A_1762 = tpu.memref_squeeze %dma_start3A_1761 : memref<1x1000000xf32, #tpu.memory_space<hbm>> -> memref<1000000xf32, #tpu.memory_space<hbm>>
          %dma_start3A_1763 = arith.constant 749568 : i32
          %dma_start3A_1764 = tpu.memref_slice %dma_start3A_1762[%dma_start3A_1763] : memref<1000000xf32, #tpu.memory_space<hbm>> -> memref<124928xf32, #tpu.memory_space<hbm>>
          tpu.enqueue_dma source(%dma_start3A_1764 : memref<124928xf32, #tpu.memory_space<hbm>>) target(%dma_start3A_1759 : memref<124928xf32, #tpu.memory_space<vmem_shared>>) target_semaphore(%arg19 : memref<!tpu.dma_semaphore, #tpu.memory_space<semaphore_mem>>)
        } else {
        }
        %eq3A_1748 = arith.constant 7 : i32
        %eq3A_1749 = arith.cmpi eq, %arg1, %eq3A_1748 : i32
        %convert_element_type3A_1750 = arith.extui %eq3A_1749 : i1 to i32
        %cond3A_1751 = arith.constant 0 : i32
        %cond3A_1752 = arith.cmpi ne, %convert_element_type3A_1750, %cond3A_1751 : i32
        scf.if %cond3A_1752 {
          %dma_start3A_1758 = arith.constant 374784 : i32
          %dma_start3A_1759 = tpu.memref_slice %arg18[%dma_start3A_1758] : memref<500288xf32, #tpu.memory_space<vmem_shared>> -> memref<124928xf32, #tpu.memory_space<vmem_shared>>
          %dma_start3A_1760 = arith.constant 0 : i32
          %dma_start3A_1761 = tpu.memref_slice %arg4[%add3A_1732, %dma_start3A_1760] : memref<64x1000000xf32, #tpu.memory_space<hbm>> -> memref<1x1000000xf32, #tpu.memory_space<hbm>>
          %dma_start3A_1762 = tpu.memref_squeeze %dma_start3A_1761 : memref<1x1000000xf32, #tpu.memory_space<hbm>> -> memref<1000000xf32, #tpu.memory_space<hbm>>
          %dma_start3A_1763 = arith.constant 874496 : i32
          %dma_start3A_1764 = tpu.memref_slice %dma_start3A_1762[%dma_start3A_1763] : memref<1000000xf32, #tpu.memory_space<hbm>> -> memref<124928xf32, #tpu.memory_space<hbm>>
          tpu.enqueue_dma source(%dma_start3A_1764 : memref<124928xf32, #tpu.memory_space<hbm>>) target(%dma_start3A_1759 : memref<124928xf32, #tpu.memory_space<vmem_shared>>) target_semaphore(%arg19 : memref<!tpu.dma_semaphore, #tpu.memory_space<semaphore_mem>>)
        } else {
        }
        %eq3A_1753 = arith.constant 8 : i32
        %eq3A_1754 = arith.cmpi eq, %arg1, %eq3A_1753 : i32
        %convert_element_type3A_1755 = arith.extui %eq3A_1754 : i1 to i32
        %cond3A_1756 = arith.constant 0 : i32
        %cond3A_1757 = arith.cmpi ne, %convert_element_type3A_1755, %cond3A_1756 : i32
        scf.if %cond3A_1757 {
          %dma_start3A_1758 = arith.constant 0 : i32
          %dma_start3A_1759 = tpu.memref_slice %arg5[%add3A_1732, %dma_start3A_1758] : memref<64x640xf32, #tpu.memory_space<hbm>> -> memref<1x640xf32, #tpu.memory_space<hbm>>
          %dma_start3A_1760 = tpu.memref_squeeze %dma_start3A_1759 : memref<1x640xf32, #tpu.memory_space<hbm>> -> memref<640xf32, #tpu.memory_space<hbm>>
          %dma_start3A_1761 = arith.constant 0 : i32
          %dma_start3A_1762 = tpu.memref_slice %arg5[%add3A_1732, %dma_start3A_1761] : memref<64x640xf32, #tpu.memory_space<hbm>> -> memref<1x640xf32, #tpu.memory_space<hbm>>
          %dma_start3A_1763 = tpu.memref_squeeze %dma_start3A_1762 : memref<1x640xf32, #tpu.memory_space<hbm>> -> memref<640xf32, #tpu.memory_space<hbm>>
          tpu.enqueue_dma source(%dma_start3A_1763 : memref<640xf32, #tpu.memory_space<hbm>>) target(%arg16 : memref<640xf32, #tpu.memory_space<vmem>>) target_semaphore(%arg22 : memref<!tpu.dma_semaphore, #tpu.memory_space<semaphore_mem>>)
        } else {
        }
      } else {
      }
      %dma_wait3A_1719 = tpu.memref_slice %arg2[%add3A, %mul3A_2] : memref<64x16384xf32, #tpu.memory_space<hbm>> -> memref<1x1024xf32, #tpu.memory_space<hbm>>
      %dma_wait3A_1720 = tpu.memref_squeeze %dma_wait3A_1719 : memref<1x1024xf32, #tpu.memory_space<hbm>> -> memref<1024xf32, #tpu.memory_space<hbm>>
      %dma_wait3A_1721 = tpu.memref_slice %arg2[%add3A, %mul3A_2] : memref<64x16384xf32, #tpu.memory_space<hbm>> -> memref<1x1024xf32, #tpu.memory_space<hbm>>
      %dma_wait3A_1722 = tpu.memref_squeeze %dma_wait3A_1721 : memref<1x1024xf32, #tpu.memory_space<hbm>> -> memref<1024xf32, #tpu.memory_space<hbm>>
      tpu.wait_dma2 semaphore(%arg21 : memref<!tpu.dma_semaphore, #tpu.memory_space<semaphore_mem>>) src(%dma_wait3A_1722 : memref<1024xf32, #tpu.memory_space<hbm>>) dst(%arg15 : memref<1024xf32, #tpu.memory_space<vmem>>)
      %scan3A_1723 = arith.constant 0 : i32
      %scan3A_1724 = arith.constant 0 : i32
      %scan3A_1725 = arith.constant 40 : i32
      %scan3A_1726 = arith.addi %scan3A_1724, %scan3A_1725 : i32
      %scan3A_1727 = arith.constant 1 : i32
      %scan3A_1728 = scf.for %scan3A_1731 = %scan3A_1724 to %scan3A_1726 step %scan3A_1727 iter_args(%scan3A_1732 = %scan3A_1723) -> (i32)  : i32 {
        %get3A = arith.index_cast %scan3A_1731 : i32 to index
        %get3A_1733 = arith.constant 0 : index
        %get3A_1734 = tpu.vector_load %arg11[%get3A, %get3A_1733] {strides = array<i32>} : memref<40x128xi32, #tpu.memory_space<vmem>>, vector<16xi32>,
        %gather3A = tpu.vector_load_idx %arg15[%get3A_1734] : memref<1024xf32, #tpu.memory_space<vmem>>[vector<16xi32>], vector<16xf32>,
        %get3A_1735 = arith.index_cast %scan3A_1731 : i32 to index
        %get3A_1736 = arith.constant 0 : index
        %get3A_1737 = tpu.vector_load %arg10[%get3A_1735, %get3A_1736] {strides = array<i32>} : memref<40x128xi32, #tpu.memory_space<vmem>>, vector<16xi32>,
        %eq3A_1738 = arith.constant 0 : i32
        %eq3A_1739 = vector.broadcast %eq3A_1738 : i32 to vector<16xi32>
        %eq3A_1740 = arith.cmpi eq, %get3A_1737, %eq3A_1739 : vector<16xi32>
        %get3A_1741 = arith.index_cast %scan3A_1731 : i32 to index
        %get3A_1742 = arith.constant 0 : index
        %get3A_1743 = tpu.vector_load %arg12[%get3A_1741, %get3A_1742] {strides = array<i32>} : memref<40x128xf32, #tpu.memory_space<vmem>>, vector<16xf32>,
        %get3A_1744 = arith.index_cast %scan3A_1731 : i32 to index
        %get3A_1745 = arith.constant 0 : index
        %get3A_1746 = tpu.vector_load %arg13[%get3A_1744, %get3A_1745] {strides = array<i32>} : memref<40x128xf32, #tpu.memory_space<vmem>>, vector<16xf32>,
        %select_n3A = arith.select %eq3A_1740, %get3A_1743, %get3A_1746 : vector<16xi1>, vector<16xf32>
        %get3A_1747 = arith.index_cast %scan3A_1731 : i32 to index
        %get3A_1748 = arith.constant 0 : index
        %get3A_1749 = tpu.vector_load %arg14[%get3A_1747, %get3A_1748] {strides = array<i32>} : memref<40x128xf32, #tpu.memory_space<vmem>>, vector<16xf32>,
        %mul3A_1750 = arith.mulf %select_n3A, %gather3A : vector<16xf32>
        %add3A_1751 = arith.addf %get3A_1749, %mul3A_1750 : vector<16xf32>
        %swap3A = arith.index_cast %scan3A_1731 : i32 to index
        %swap3A_1752 = arith.constant 0 : index
        %swap3A_1753 = tpu.vector_load %arg14[%swap3A, %swap3A_1752] {strides = array<i32>} : memref<40x128xf32, #tpu.memory_space<vmem>>, vector<16xf32>,
        tpu.vector_store %arg14[%swap3A, %swap3A_1752], %add3A_1751 {strides = array<i32>} : memref<40x128xf32, #tpu.memory_space<vmem>>, vector<16xf32>,
        %get3A_1754 = arith.index_cast %scan3A_1731 : i32 to index
        %get3A_1755 = arith.constant 16 : index
        %get3A_1756 = tpu.vector_load %arg11[%get3A_1754, %get3A_1755] {strides = array<i32>} : memref<40x128xi32, #tpu.memory_space<vmem>>, vector<16xi32>,
        %gather3A_1757 = tpu.vector_load_idx %arg15[%get3A_1756] : memref<1024xf32, #tpu.memory_space<vmem>>[vector<16xi32>], vector<16xf32>,
        %get3A_1758 = arith.index_cast %scan3A_1731 : i32 to index
        %get3A_1759 = arith.constant 16 : index
        %get3A_1760 = tpu.vector_load %arg10[%get3A_1758, %get3A_1759] {strides = array<i32>} : memref<40x128xi32, #tpu.memory_space<vmem>>, vector<16xi32>,
        %eq3A_1761 = arith.constant 0 : i32
        %eq3A_1762 = vector.broadcast %eq3A_1761 : i32 to vector<16xi32>
        %eq3A_1763 = arith.cmpi eq, %get3A_1760, %eq3A_1762 : vector<16xi32>
        %get3A_1764 = arith.index_cast %scan3A_1731 : i32 to index
        %get3A_1765 = arith.constant 16 : index
        %get3A_1766 = tpu.vector_load %arg12[%get3A_1764, %get3A_1765] {strides = array<i32>} : memref<40x128xf32, #tpu.memory_space<vmem>>, vector<16xf32>,
        %get3A_1767 = arith.index_cast %scan3A_1731 : i32 to index
        %get3A_1768 = arith.constant 16 : index
        %get3A_1769 = tpu.vector_load %arg13[%get3A_1767, %get3A_1768] {strides = array<i32>} : memref<40x128xf32, #tpu.memory_space<vmem>>, vector<16xf32>,
        %select_n3A_1770 = arith.select %eq3A_1763, %get3A_1766, %get3A_1769 : vector<16xi1>, vector<16xf32>
        %get3A_1771 = arith.index_cast %scan3A_1731 : i32 to index
        %get3A_1772 = arith.constant 16 : index
        %get3A_1773 = tpu.vector_load %arg14[%get3A_1771, %get3A_1772] {strides = array<i32>} : memref<40x128xf32, #tpu.memory_space<vmem>>, vector<16xf32>,
        %mul3A_1774 = arith.mulf %select_n3A_1770, %gather3A_1757 : vector<16xf32>
        %add3A_1775 = arith.addf %get3A_1773, %mul3A_1774 : vector<16xf32>
        %swap3A_1776 = arith.index_cast %scan3A_1731 : i32 to index
        %swap3A_1777 = arith.constant 16 : index
        %swap3A_1778 = tpu.vector_load %arg14[%swap3A_1776, %swap3A_1777] {strides = array<i32>} : memref<40x128xf32, #tpu.memory_space<vmem>>, vector<16xf32>,
        tpu.vector_store %arg14[%swap3A_1776, %swap3A_1777], %add3A_1775 {strides = array<i32>} : memref<40x128xf32, #tpu.memory_space<vmem>>, vector<16xf32>,
        %get3A_1779 = arith.index_cast %scan3A_1731 : i32 to index
        %get3A_1780 = arith.constant 32 : index
        %get3A_1781 = tpu.vector_load %arg11[%get3A_1779, %get3A_1780] {strides = array<i32>} : memref<40x128xi32, #tpu.memory_space<vmem>>, vector<16xi32>,
        %gather3A_1782 = tpu.vector_load_idx %arg15[%get3A_1781] : memref<1024xf32, #tpu.memory_space<vmem>>[vector<16xi32>], vector<16xf32>,
        %get3A_1783 = arith.index_cast %scan3A_1731 : i32 to index
        %get3A_1784 = arith.constant 32 : index
        %get3A_1785 = tpu.vector_load %arg10[%get3A_1783, %get3A_1784] {strides = array<i32>} : memref<40x128xi32, #tpu.memory_space<vmem>>, vector<16xi32>,
        %eq3A_1786 = arith.constant 0 : i32
        %eq3A_1787 = vector.broadcast %eq3A_1786 : i32 to vector<16xi32>
        %eq3A_1788 = arith.cmpi eq, %get3A_1785, %eq3A_1787 : vector<16xi32>
        %get3A_1789 = arith.index_cast %scan3A_1731 : i32 to index
        %get3A_1790 = arith.constant 32 : index
        %get3A_1791 = tpu.vector_load %arg12[%get3A_1789, %get3A_1790] {strides = array<i32>} : memref<40x128xf32, #tpu.memory_space<vmem>>, vector<16xf32>,
        %get3A_1792 = arith.index_cast %scan3A_1731 : i32 to index
        %get3A_1793 = arith.constant 32 : index
        %get3A_1794 = tpu.vector_load %arg13[%get3A_1792, %get3A_1793] {strides = array<i32>} : memref<40x128xf32, #tpu.memory_space<vmem>>, vector<16xf32>,
        %select_n3A_1795 = arith.select %eq3A_1788, %get3A_1791, %get3A_1794 : vector<16xi1>, vector<16xf32>
        %get3A_1796 = arith.index_cast %scan3A_1731 : i32 to index
        %get3A_1797 = arith.constant 32 : index
        %get3A_1798 = tpu.vector_load %arg14[%get3A_1796, %get3A_1797] {strides = array<i32>} : memref<40x128xf32, #tpu.memory_space<vmem>>, vector<16xf32>,
        %mul3A_1799 = arith.mulf %select_n3A_1795, %gather3A_1782 : vector<16xf32>
        %add3A_1800 = arith.addf %get3A_1798, %mul3A_1799 : vector<16xf32>
        %swap3A_1801 = arith.index_cast %scan3A_1731 : i32 to index
        %swap3A_1802 = arith.constant 32 : index
        %swap3A_1803 = tpu.vector_load %arg14[%swap3A_1801, %swap3A_1802] {strides = array<i32>} : memref<40x128xf32, #tpu.memory_space<vmem>>, vector<16xf32>,
        tpu.vector_store %arg14[%swap3A_1801, %swap3A_1802], %add3A_1800 {strides = array<i32>} : memref<40x128xf32, #tpu.memory_space<vmem>>, vector<16xf32>,
        %get3A_1804 = arith.index_cast %scan3A_1731 : i32 to index
        %get3A_1805 = arith.constant 48 : index
        %get3A_1806 = tpu.vector_load %arg11[%get3A_1804, %get3A_1805] {strides = array<i32>} : memref<40x128xi32, #tpu.memory_space<vmem>>, vector<16xi32>,
        %gather3A_1807 = tpu.vector_load_idx %arg15[%get3A_1806] : memref<1024xf32, #tpu.memory_space<vmem>>[vector<16xi32>], vector<16xf32>,
        %get3A_1808 = arith.index_cast %scan3A_1731 : i32 to index
        %get3A_1809 = arith.constant 48 : index
        %get3A_1810 = tpu.vector_load %arg10[%get3A_1808, %get3A_1809] {strides = array<i32>} : memref<40x128xi32, #tpu.memory_space<vmem>>, vector<16xi32>,
        %eq3A_1811 = arith.constant 0 : i32
        %eq3A_1812 = vector.broadcast %eq3A_1811 : i32 to vector<16xi32>
        %eq3A_1813 = arith.cmpi eq, %get3A_1810, %eq3A_1812 : vector<16xi32>
        %get3A_1814 = arith.index_cast %scan3A_1731 : i32 to index
        %get3A_1815 = arith.constant 48 : index
        %get3A_1816 = tpu.vector_load %arg12[%get3A_1814, %get3A_1815] {strides = array<i32>} : memref<40x128xf32, #tpu.memory_space<vmem>>, vector<16xf32>,
        %get3A_1817 = arith.index_cast %scan3A_1731 : i32 to index
        %get3A_1818 = arith.constant 48 : index
        %get3A_1819 = tpu.vector_load %arg13[%get3A_1817, %get3A_1818] {strides = array<i32>} : memref<40x128xf32, #tpu.memory_space<vmem>>, vector<16xf32>,
        %select_n3A_1820 = arith.select %eq3A_1813, %get3A_1816, %get3A_1819 : vector<16xi1>, vector<16xf32>
        %get3A_1821 = arith.index_cast %scan3A_1731 : i32 to index
        %get3A_1822 = arith.constant 48 : index
        %get3A_1823 = tpu.vector_load %arg14[%get3A_1821, %get3A_1822] {strides = array<i32>} : memref<40x128xf32, #tpu.memory_space<vmem>>, vector<16xf32>,
        %mul3A_1824 = arith.mulf %select_n3A_1820, %gather3A_1807 : vector<16xf32>
        %add3A_1825 = arith.addf %get3A_1823, %mul3A_1824 : vector<16xf32>
        %swap3A_1826 = arith.index_cast %scan3A_1731 : i32 to index
        %swap3A_1827 = arith.constant 48 : index
        %swap3A_1828 = tpu.vector_load %arg14[%swap3A_1826, %swap3A_1827] {strides = array<i32>} : memref<40x128xf32, #tpu.memory_space<vmem>>, vector<16xf32>,
        tpu.vector_store %arg14[%swap3A_1826, %swap3A_1827], %add3A_1825 {strides = array<i32>} : memref<40x128xf32, #tpu.memory_space<vmem>>, vector<16xf32>,
        %get3A_1829 = arith.index_cast %scan3A_1731 : i32 to index
        %get3A_1830 = arith.constant 64 : index
        %get3A_1831 = tpu.vector_load %arg11[%get3A_1829, %get3A_1830] {strides = array<i32>} : memref<40x128xi32, #tpu.memory_space<vmem>>, vector<16xi32>,
        %gather3A_1832 = tpu.vector_load_idx %arg15[%get3A_1831] : memref<1024xf32, #tpu.memory_space<vmem>>[vector<16xi32>], vector<16xf32>,
        %get3A_1833 = arith.index_cast %scan3A_1731 : i32 to index
        %get3A_1834 = arith.constant 64 : index
        %get3A_1835 = tpu.vector_load %arg10[%get3A_1833, %get3A_1834] {strides = array<i32>} : memref<40x128xi32, #tpu.memory_space<vmem>>, vector<16xi32>,
        %eq3A_1836 = arith.constant 0 : i32
        %eq3A_1837 = vector.broadcast %eq3A_1836 : i32 to vector<16xi32>
        %eq3A_1838 = arith.cmpi eq, %get3A_1835, %eq3A_1837 : vector<16xi32>
        %get3A_1839 = arith.index_cast %scan3A_1731 : i32 to index
        %get3A_1840 = arith.constant 64 : index
        %get3A_1841 = tpu.vector_load %arg12[%get3A_1839, %get3A_1840] {strides = array<i32>} : memref<40x128xf32, #tpu.memory_space<vmem>>, vector<16xf32>,
        %get3A_1842 = arith.index_cast %scan3A_1731 : i32 to index
        %get3A_1843 = arith.constant 64 : index
        %get3A_1844 = tpu.vector_load %arg13[%get3A_1842, %get3A_1843] {strides = array<i32>} : memref<40x128xf32, #tpu.memory_space<vmem>>, vector<16xf32>,
        %select_n3A_1845 = arith.select %eq3A_1838, %get3A_1841, %get3A_1844 : vector<16xi1>, vector<16xf32>
        %get3A_1846 = arith.index_cast %scan3A_1731 : i32 to index
        %get3A_1847 = arith.constant 64 : index
        %get3A_1848 = tpu.vector_load %arg14[%get3A_1846, %get3A_1847] {strides = array<i32>} : memref<40x128xf32, #tpu.memory_space<vmem>>, vector<16xf32>,
        %mul3A_1849 = arith.mulf %select_n3A_1845, %gather3A_1832 : vector<16xf32>
        %add3A_1850 = arith.addf %get3A_1848, %mul3A_1849 : vector<16xf32>
        %swap3A_1851 = arith.index_cast %scan3A_1731 : i32 to index
        %swap3A_1852 = arith.constant 64 : index
        %swap3A_1853 = tpu.vector_load %arg14[%swap3A_1851, %swap3A_1852] {strides = array<i32>} : memref<40x128xf32, #tpu.memory_space<vmem>>, vector<16xf32>,
        tpu.vector_store %arg14[%swap3A_1851, %swap3A_1852], %add3A_1850 {strides = array<i32>} : memref<40x128xf32, #tpu.memory_space<vmem>>, vector<16xf32>,
        %get3A_1854 = arith.index_cast %scan3A_1731 : i32 to index
        %get3A_1855 = arith.constant 80 : index
        %get3A_1856 = tpu.vector_load %arg11[%get3A_1854, %get3A_1855] {strides = array<i32>} : memref<40x128xi32, #tpu.memory_space<vmem>>, vector<16xi32>,
        %gather3A_1857 = tpu.vector_load_idx %arg15[%get3A_1856] : memref<1024xf32, #tpu.memory_space<vmem>>[vector<16xi32>], vector<16xf32>,
        %get3A_1858 = arith.index_cast %scan3A_1731 : i32 to index
        %get3A_1859 = arith.constant 80 : index
        %get3A_1860 = tpu.vector_load %arg10[%get3A_1858, %get3A_1859] {strides = array<i32>} : memref<40x128xi32, #tpu.memory_space<vmem>>, vector<16xi32>,
        %eq3A_1861 = arith.constant 0 : i32
        %eq3A_1862 = vector.broadcast %eq3A_1861 : i32 to vector<16xi32>
        %eq3A_1863 = arith.cmpi eq, %get3A_1860, %eq3A_1862 : vector<16xi32>
        %get3A_1864 = arith.index_cast %scan3A_1731 : i32 to index
        %get3A_1865 = arith.constant 80 : index
        %get3A_1866 = tpu.vector_load %arg12[%get3A_1864, %get3A_1865] {strides = array<i32>} : memref<40x128xf32, #tpu.memory_space<vmem>>, vector<16xf32>,
        %get3A_1867 = arith.index_cast %scan3A_1731 : i32 to index
        %get3A_1868 = arith.constant 80 : index
        %get3A_1869 = tpu.vector_load %arg13[%get3A_1867, %get3A_1868] {strides = array<i32>} : memref<40x128xf32, #tpu.memory_space<vmem>>, vector<16xf32>,
        %select_n3A_1870 = arith.select %eq3A_1863, %get3A_1866, %get3A_1869 : vector<16xi1>, vector<16xf32>
        %get3A_1871 = arith.index_cast %scan3A_1731 : i32 to index
        %get3A_1872 = arith.constant 80 : index
        %get3A_1873 = tpu.vector_load %arg14[%get3A_1871, %get3A_1872] {strides = array<i32>} : memref<40x128xf32, #tpu.memory_space<vmem>>, vector<16xf32>,
        %mul3A_1874 = arith.mulf %select_n3A_1870, %gather3A_1857 : vector<16xf32>
        %add3A_1875 = arith.addf %get3A_1873, %mul3A_1874 : vector<16xf32>
        %swap3A_1876 = arith.index_cast %scan3A_1731 : i32 to index
        %swap3A_1877 = arith.constant 80 : index
        %swap3A_1878 = tpu.vector_load %arg14[%swap3A_1876, %swap3A_1877] {strides = array<i32>} : memref<40x128xf32, #tpu.memory_space<vmem>>, vector<16xf32>,
        tpu.vector_store %arg14[%swap3A_1876, %swap3A_1877], %add3A_1875 {strides = array<i32>} : memref<40x128xf32, #tpu.memory_space<vmem>>, vector<16xf32>,
        %get3A_1879 = arith.index_cast %scan3A_1731 : i32 to index
        %get3A_1880 = arith.constant 96 : index
        %get3A_1881 = tpu.vector_load %arg11[%get3A_1879, %get3A_1880] {strides = array<i32>} : memref<40x128xi32, #tpu.memory_space<vmem>>, vector<16xi32>,
        %gather3A_1882 = tpu.vector_load_idx %arg15[%get3A_1881] : memref<1024xf32, #tpu.memory_space<vmem>>[vector<16xi32>], vector<16xf32>,
        %get3A_1883 = arith.index_cast %scan3A_1731 : i32 to index
        %get3A_1884 = arith.constant 96 : index
        %get3A_1885 = tpu.vector_load %arg10[%get3A_1883, %get3A_1884] {strides = array<i32>} : memref<40x128xi32, #tpu.memory_space<vmem>>, vector<16xi32>,
        %eq3A_1886 = arith.constant 0 : i32
        %eq3A_1887 = vector.broadcast %eq3A_1886 : i32 to vector<16xi32>
        %eq3A_1888 = arith.cmpi eq, %get3A_1885, %eq3A_1887 : vector<16xi32>
        %get3A_1889 = arith.index_cast %scan3A_1731 : i32 to index
        %get3A_1890 = arith.constant 96 : index
        %get3A_1891 = tpu.vector_load %arg12[%get3A_1889, %get3A_1890] {strides = array<i32>} : memref<40x128xf32, #tpu.memory_space<vmem>>, vector<16xf32>,
        %get3A_1892 = arith.index_cast %scan3A_1731 : i32 to index
        %get3A_1893 = arith.constant 96 : index
        %get3A_1894 = tpu.vector_load %arg13[%get3A_1892, %get3A_1893] {strides = array<i32>} : memref<40x128xf32, #tpu.memory_space<vmem>>, vector<16xf32>,
        %select_n3A_1895 = arith.select %eq3A_1888, %get3A_1891, %get3A_1894 : vector<16xi1>, vector<16xf32>
        %get3A_1896 = arith.index_cast %scan3A_1731 : i32 to index
        %get3A_1897 = arith.constant 96 : index
        %get3A_1898 = tpu.vector_load %arg14[%get3A_1896, %get3A_1897] {strides = array<i32>} : memref<40x128xf32, #tpu.memory_space<vmem>>, vector<16xf32>,
        %mul3A_1899 = arith.mulf %select_n3A_1895, %gather3A_1882 : vector<16xf32>
        %add3A_1900 = arith.addf %get3A_1898, %mul3A_1899 : vector<16xf32>
        %swap3A_1901 = arith.index_cast %scan3A_1731 : i32 to index
        %swap3A_1902 = arith.constant 96 : index
        %swap3A_1903 = tpu.vector_load %arg14[%swap3A_1901, %swap3A_1902] {strides = array<i32>} : memref<40x128xf32, #tpu.memory_space<vmem>>, vector<16xf32>,
        tpu.vector_store %arg14[%swap3A_1901, %swap3A_1902], %add3A_1900 {strides = array<i32>} : memref<40x128xf32, #tpu.memory_space<vmem>>, vector<16xf32>,
        %get3A_1904 = arith.index_cast %scan3A_1731 : i32 to index
        %get3A_1905 = arith.constant 112 : index
        %get3A_1906 = tpu.vector_load %arg11[%get3A_1904, %get3A_1905] {strides = array<i32>} : memref<40x128xi32, #tpu.memory_space<vmem>>, vector<16xi32>,
        %gather3A_1907 = tpu.vector_load_idx %arg15[%get3A_1906] : memref<1024xf32, #tpu.memory_space<vmem>>[vector<16xi32>], vector<16xf32>,
        %get3A_1908 = arith.index_cast %scan3A_1731 : i32 to index
        %get3A_1909 = arith.constant 112 : index
        %get3A_1910 = tpu.vector_load %arg10[%get3A_1908, %get3A_1909] {strides = array<i32>} : memref<40x128xi32, #tpu.memory_space<vmem>>, vector<16xi32>,
        %eq3A_1911 = arith.constant 0 : i32
        %eq3A_1912 = vector.broadcast %eq3A_1911 : i32 to vector<16xi32>
        %eq3A_1913 = arith.cmpi eq, %get3A_1910, %eq3A_1912 : vector<16xi32>
        %get3A_1914 = arith.index_cast %scan3A_1731 : i32 to index
        %get3A_1915 = arith.constant 112 : index
        %get3A_1916 = tpu.vector_load %arg12[%get3A_1914, %get3A_1915] {strides = array<i32>} : memref<40x128xf32, #tpu.memory_space<vmem>>, vector<16xf32>,
        %get3A_1917 = arith.index_cast %scan3A_1731 : i32 to index
        %get3A_1918 = arith.constant 112 : index
        %get3A_1919 = tpu.vector_load %arg13[%get3A_1917, %get3A_1918] {strides = array<i32>} : memref<40x128xf32, #tpu.memory_space<vmem>>, vector<16xf32>,
        %select_n3A_1920 = arith.select %eq3A_1913, %get3A_1916, %get3A_1919 : vector<16xi1>, vector<16xf32>
        %get3A_1921 = arith.index_cast %scan3A_1731 : i32 to index
        %get3A_1922 = arith.constant 112 : index
        %get3A_1923 = tpu.vector_load %arg14[%get3A_1921, %get3A_1922] {strides = array<i32>} : memref<40x128xf32, #tpu.memory_space<vmem>>, vector<16xf32>,
        %mul3A_1924 = arith.mulf %select_n3A_1920, %gather3A_1907 : vector<16xf32>
        %add3A_1925 = arith.addf %get3A_1923, %mul3A_1924 : vector<16xf32>
        %swap3A_1926 = arith.index_cast %scan3A_1731 : i32 to index
        %swap3A_1927 = arith.constant 112 : index
        %swap3A_1928 = tpu.vector_load %arg14[%swap3A_1926, %swap3A_1927] {strides = array<i32>} : memref<40x128xf32, #tpu.memory_space<vmem>>, vector<16xf32>,
        tpu.vector_store %arg14[%swap3A_1926, %swap3A_1927], %add3A_1925 {strides = array<i32>} : memref<40x128xf32, #tpu.memory_space<vmem>>, vector<16xf32>,
        %scan3A_1929 = arith.constant 0 : i32
        scf.yield %scan3A_1929 : i32
      }
      %scan3A_1729 = arith.constant 40 : i32
      %scan3A_1730 = arith.constant 0 : i32
      scf.yield %scan3A_1730 : i32
    }
    %scan3A_57 = arith.constant 32 : i32
    "tpu.region"() ({
      %run_scoped3A = tpu.sem_alloc : memref<!tpu.dma_semaphore, #tpu.memory_space<semaphore_mem>>
      %dma_start3A = arith.constant 0 : i32
      %dma_start3A_58 = arith.constant 0 : i32
      %dma_start3A_59 = tpu.memref_slice %arg6[%arg0, %arg1, %dma_start3A, %dma_start3A_58] : memref<2x16x40x128xf32, #tpu.memory_space<hbm>> -> memref<1x1x40x128xf32, #tpu.memory_space<hbm>>
      %dma_start3A_60 = tpu.memref_squeeze %dma_start3A_59 : memref<1x1x40x128xf32, #tpu.memory_space<hbm>> -> memref<40x128xf32, #tpu.memory_space<hbm>>
      %dma_start3A_61 = arith.constant 0 : i32
      %dma_start3A_62 = arith.constant 0 : i32
      %dma_start3A_63 = tpu.memref_slice %arg6[%arg0, %arg1, %dma_start3A_61, %dma_start3A_62] : memref<2x16x40x128xf32, #tpu.memory_space<hbm>> -> memref<1x1x40x128xf32, #tpu.memory_space<hbm>>
      %dma_start3A_64 = tpu.memref_squeeze %dma_start3A_63 : memref<1x1x40x128xf32, #tpu.memory_space<hbm>> -> memref<40x128xf32, #tpu.memory_space<hbm>>
      tpu.enqueue_dma source(%arg14 : memref<40x128xf32, #tpu.memory_space<vmem>>) target(%dma_start3A_64 : memref<40x128xf32, #tpu.memory_space<hbm>>) target_semaphore(%run_scoped3A : memref<!tpu.dma_semaphore, #tpu.memory_space<semaphore_mem>>)
      %dma_wait3A = arith.constant 0 : i32
      %dma_wait3A_65 = arith.constant 0 : i32
      %dma_wait3A_66 = tpu.memref_slice %arg6[%arg0, %arg1, %dma_wait3A, %dma_wait3A_65] : memref<2x16x40x128xf32, #tpu.memory_space<hbm>> -> memref<1x1x40x128xf32, #tpu.memory_space<hbm>>
      %dma_wait3A_67 = tpu.memref_squeeze %dma_wait3A_66 : memref<1x1x40x128xf32, #tpu.memory_space<hbm>> -> memref<40x128xf32, #tpu.memory_space<hbm>>
      %dma_wait3A_68 = arith.constant 0 : i32
      %dma_wait3A_69 = arith.constant 0 : i32
      %dma_wait3A_70 = tpu.memref_slice %arg6[%arg0, %arg1, %dma_wait3A_68, %dma_wait3A_69] : memref<2x16x40x128xf32, #tpu.memory_space<hbm>> -> memref<1x1x40x128xf32, #tpu.memory_space<hbm>>
      %dma_wait3A_71 = tpu.memref_squeeze %dma_wait3A_70 : memref<1x1x40x128xf32, #tpu.memory_space<hbm>> -> memref<40x128xf32, #tpu.memory_space<hbm>>
      tpu.wait_dma2 semaphore(%run_scoped3A : memref<!tpu.dma_semaphore, #tpu.memory_space<semaphore_mem>>) src(%arg14 : memref<40x128xf32, #tpu.memory_space<vmem>>) dst(%dma_wait3A_71 : memref<40x128xf32, #tpu.memory_space<hbm>>)
      tpu.yield
    }) : () -> ()
    return
  }
}

</mosaic_0001>

<sc_bundles>
// kernel: _planes.3.cloned.1.call-start
scs
__scs_entry_jumppad:
0x0: {  	(pc) =	sbr.rel $0x88, $3  }
0x1: {  	(tag) =	ssettag $0x0;
	lr =	simm.s32 $0x1  }
0x2: {  	[smem:$0x3F9D] =	sst lr;
	_ =	strace $0xD0000000  }
0x3: {  	_ = 	snop  }
0x4: {  	_ = 	snop  }
0x5: {  	_ = 	snop  }
0x6: {  	_ = 	snop  }
0x7: {  	_ = 	snop  }
__scs_overlays_trampoline_lowered:
0x8: {  	[smem:$0x3FAC] =	sst s0  }
0x9: {  	[smem:$0x3FAD] =	sst s1  }
0xa: {  	[smem:$0x3FAE] =	sst s2  }
0xb: {  	[smem:$0x3FAF] =	sst s3  }
0xc: {  	[smem:$0x3FB0] =	sst s4  }
0xd: {  	[smem:$0x3FB1] =	sst s5  }
0xe: {  	[smem:$0x3FB2] =	sst s6  }
0xf: {  	[smem:$0x3FB3] =	sst s7  }
0x10: {  	[smem:$0x3FB4] =	sst s8  }
0x11: {  	[smem:$0x3FB5] =	sst s9;
	s0 =	simm.s32 @!p0 $0x0  }
0x12: {  	s1 =	sld [smem:$0x3F9B];
	s0 =	simm.s32 @p0 $0x1  }
0x13: {  	[smem:$0x3FB6] =	sst s0;
	s0 =	simm.s32 @!p1 $0x0  }
0x14: {  	s2 =	sld [smem:$0x3F9A];
	s0 =	simm.s32 @p1 $0x1  }
0x15: {  	[smem:$0x3FB7] =	sst s0;
	s0 =	simm.s32 @!p2 $0x0  }
0x16: {  	s3 =	sld [smem:$0x3FDB];
	s0 =	simm.s32 @p2 $0x1  }
0x17: {  	s4 =	simm.s32 $0x1BF5;
	[smem:$0x3FB9] =	sst s0  }
0x18: {  	s0 =	sld [smem:$0x3F9C];
	_ =	swait.ge [sflag:s4], $0x0  }
0x19: {  	s7 =	sld [smem:$0x3F9D]  }
0x1a: {  	s8 =	sadd.s32 $0xFFFFE003, lr  }
0x1b: {  	s9 =	sadd.s32 $0xFFFFFEF7, lr;
	s5 =	simm.s32 $0xFFFFFFFF;
	p2 =	slt.u32 s8, $0xFFFFF086  }
0x1c: {  	p1 =	slt.u32 s9, $0xF7A;
	s5 =	simm.s32 @!p2 $0x0  }
0x1d: {  	s5 =	simm.s32 @p1 $0x1;
	p0 =	seq.s32 s7, s2  }
0x1e: {  	s7 =	smul.u32 @!p0 $0xF7A, s2;
	p2 =	seq.s32 @!p0 s5, $0x0  }
0x1f: {  	s9 =	smul.u32 $0xF7A, s1;
	s8 =	simm.s32 @!p0 $0x1BF5;
	p2 =	por !p2, p0  }
0x20: {  	[sflag:s8] =	ssyncset.s32 @!p0 $0xFFFFF086;
	s6 =	sadd.s32 @!p0 s3, s7;
	s7 =	simm.s32 @!p0 $0x108  }
0x21: {  	s3 =	sadd.s32 s3, s9;
	s6 =	sadd.s32 @!p0 $0x88, s6;
	s7 =	simm.s32 @p2 $0x1082  }
0x22: {  	[simem:s7], [sflag:s8] =	dma.local @!p0 [hbm:s6], $0xF7A  }
0x23: {  	s9 =	sor.u32 $0xD0000000, s2;
	s6 =	simm.s32 $0x108;
	_ =	swait.ge @!p0 [sflag:s8], $0x0  }
0x24: {  	s3 =	sadd.s32 $0x88, s3;
	s6 =	simm.s32 @!p1 $0x1082;
	[sflag:s4] =	ssyncset.s32 $0xFFFFF086  }
0x25: {  	[simem:s6], [sflag:s4] =	dma.local [hbm:s3], $0xF7A  }
0x26: {  	[smem:$0x3F9D] =	sst s1;
	(tag) =	ssettag s2;
	_ =	strace s9  }
0x27: {  	s1 =	sld [smem:$0x3FAD]  }
0x28: {  	s2 =	sld [smem:$0x3FAE]  }
0x29: {  	s4 =	sld [smem:$0x3FB0]  }
0x2a: {  	p0 =	seq.s32 s5, $0x0;
	s5 =	sld [smem:$0x3FB1]  }
0x2b: {  	s6 =	sld [smem:$0x3FB2]  }
0x2c: {  	s7 =	sld [smem:$0x3FB3]  }
0x2d: {  	s3 =	simm.s32 $0x108;
	s8 =	sld [smem:$0x3FB4]  }
0x2e: {  	s3 =	simm.s32 @!p0 $0x1082;
	s9 =	sld [smem:$0x3FB5]  }
0x2f: {  	lr =	sadd.s32 s0, s3;
	s0 =	sld [smem:$0x3FAC]  }
0x30: {  	s3 =	sld [smem:$0x3FAF]  }
0x31: {  	[smem:$0x3FB8] =	sst s10  }
0x32: {  	s10 =	sld [smem:$0x3FB6];
	_ =	sdelay $0x3  }
0x33: {  	p0 =	seq.s32 s10, $0x1;
	s10 =	sld [smem:$0x3FB8];
	_ =	sdelay $0x3  }
0x34: {  	[smem:$0x3FB8] =	sst s10  }
0x35: {  	s10 =	sld [smem:$0x3FB7];
	_ =	sdelay $0x3  }
0x36: {  	p1 =	seq.s32 s10, $0x1;
	s10 =	sld [smem:$0x3FB8];
	_ =	sdelay $0x3  }
0x37: {  	[smem:$0x3FB8] =	sst s10  }
0x38: {  	s10 =	sld [smem:$0x3FB9]  }
0x39: {  	_ = 	snop;
	(pc) =	sbr.ind lr, $3  }
0x3a: {  	_ = 	snop  }
0x3b: {  	_ = 	snop  }
0x3c: {  	p2 =	seq.s32 s10, $0x1;
	s10 =	sld [smem:$0x3FB8]  }
0x3d: {  	_ =	shalt  }
0x3e: {  	_ =	shalt  }
0x3f: {  	_ =	shalt  }
0x40: {  	_ =	shalt  }
0x41: {  	_ =	shalt  }
0x42: {  	_ =	shalt  }
0x43: {  	_ =	shalt  }
0x44: {  	_ =	shalt  }
0x45: {  	_ =	shalt  }
0x46: {  	_ =	shalt  }
0x47: {  	_ =	shalt  }
0x48: {  	_ =	shalt  }
0x49: {  	_ =	shalt  }
0x4a: {  	_ =	shalt  }
0x4b: {  	_ =	shalt  }
0x4c: {  	_ =	shalt  }
0x4d: {  	_ =	shalt  }
0x4e: {  	_ =	shalt  }
0x4f: {  	_ =	shalt  }
0x50: {  	_ =	shalt  }
0x51: {  	_ =	shalt  }
0x52: {  	_ =	shalt  }
0x53: {  	_ =	shalt  }
0x54: {  	_ =	shalt  }
0x55: {  	_ =	shalt  }
0x56: {  	_ =	shalt  }
0x57: {  	_ =	shalt  }
0x58: {  	_ =	shalt  }
0x59: {  	_ =	shalt  }
0x5a: {  	_ =	shalt  }
0x5b: {  	_ =	shalt  }
0x5c: {  	_ =	shalt  }
0x5d: {  	_ =	shalt  }
0x5e: {  	_ =	shalt  }
0x5f: {  	_ =	shalt  }
0x60: {  	_ =	shalt  }
0x61: {  	_ =	shalt  }
0x62: {  	_ =	shalt  }
0x63: {  	_ =	shalt  }
0x64: {  	_ =	shalt  }
0x65: {  	_ =	shalt  }
0x66: {  	_ =	shalt  }
0x67: {  	_ =	shalt  }
0x68: {  	_ =	shalt  }
0x69: {  	_ =	shalt  }
0x6a: {  	_ =	shalt  }
0x6b: {  	_ =	shalt  }
0x6c: {  	_ =	shalt  }
0x6d: {  	_ =	shalt  }
0x6e: {  	_ =	shalt  }
0x6f: {  	_ =	shalt  }
0x70: {  	_ =	shalt  }
0x71: {  	_ =	shalt  }
0x72: {  	_ =	shalt  }
0x73: {  	_ =	shalt  }
0x74: {  	_ =	shalt  }
0x75: {  	_ =	shalt  }
0x76: {  	_ =	shalt  }
0x77: {  	_ =	shalt  }
0x78: {  	_ =	shalt  }
0x79: {  	_ =	shalt  }
0x7a: {  	_ =	shalt  }
0x7b: {  	_ =	shalt  }
0x7c: {  	_ =	shalt  }
0x7d: {  	_ =	shalt  }
0x7e: {  	_ =	shalt  }
0x7f: {  	_ =	shalt  }
0x80: {  	_ =	shalt  }
0x81: {  	_ =	shalt  }
0x82: {  	_ =	shalt  }
0x83: {  	_ =	shalt  }
0x84: {  	_ =	shalt  }
0x85: {  	_ =	shalt  }
0x86: {  	_ =	shalt  }
0x87: {  	_ =	shalt  }
.Lfunc_end0:
.L_simem_size_0:
called_computation_lowered:
.L_overlay_start_0:
0x88: {  	s2 =	sld [smem:$0x3FD9]  }
0x89: {  	s3 =	sld [smem:$0x3FFE];
	_ =	sdelay $0x1  }
0x8a: {  	s1 =	srdreg.scid  }
0x8b: {  	s0 =	sand.u32 $0x1, s1  }
0x8c: {  	s18 =	sshll.u32 s0, $0xA;
	s2 =	sadd.s32 s3, s2  }
0x8d: {  	s2 =	sadd.s32 s2, s18  }
0x8e: {  	[smem:$0x3FC4] =	sst s2  }
0x8f: {  	_ = 	snop  }
0x90: {  	s2 =	sld [smem:$0x3FC9]  }
0x91: {  	s19 =	sld [smem:$0x3FC8]  }
0x92: {  	s4 =	sld [smem:$0x3FC7]  }
0x93: {  	s5 =	sld [smem:$0x3FC6]  }
0x94: {  	s6 =	sld [smem:$0x3FD0];
	(tm) =	ssettm $0x1  }
0x95: {  	s7 =	sld [smem:$0x3FFB];
	_ =	sdelay $0x3  }
0x96: {  	_ =	strace s7  }
0x97: {  	s7 =	sld [smem:$0x3FFC];
	_ =	sdelay $0x3  }
0x98: {  	_ =	strace s7  }
0x99: {  	s7 =	sld [smem:$0x3FFD];
	_ =	sdelay $0x3  }
0x9a: {  	_ =	strace s7  }
0x9b: {  	_ =	strace $0x8FFFFFFF  }
0x9c: {  	s20 =	sld [smem:$0x3FDB];
	_ =	sdelay $0x1  }
0x9d: {  	s8 =	simm.s32 $_scs_section_size  }
0x9e: {  	s9 =	simm.s32 $_size__tile_overlayer_lowered;
	s10 =	simm.s32 $_tile_overlayer_lowered  }
0x9f: {  	s23 =	simm.s32 $0x1BFF;
	s22 =	sshll.u32 s10, $0x1;
	s7 =	sadd.s32 s8, s20  }
0xa0: {  	s11 =	simm.s32 $0x0;
	s21 =	sshll.u32 s9, $0x1;
	s9 =	sadd.s32 s22, s7  }
0xa1: {  	[timem:s11], [sflag:s23] =	dma.local [hbm:s9], s21  }
0xa2: {  	_ =	swait.ge [sflag:s23], s21  }
0xa3: {  	s8 =	ssub.s32 $0x0, s21;
	[sflag:s23] =	ssyncset.done $0x0  }
0xa4: {  	[sflag:s23] =	ssyncadd.s32 s8;
	_ =	sdelay $0x1  }
0xa5: {  	s24 =	simm.s32 $0x1B8B  }
0xa6: {  	_ =	swait.ge [sflag:s24], $0x1  }
0xa7: {  	[sflag:s24] =	ssyncset.done $0x0  }
0xa8: {  	s25 =	simm.s32 $0x1B8E;
	[sflag:s24] =	ssyncadd.s32 $0xFFFFFFFF  }
0xa9: {  	s26 =	simm.s32 $execute0_lowered;
	[smem:$0x3FD2] =	sst s25  }
0xaa: {  	s8 =	sshll.u32 s26, $0x1;
	_ =	strace $0x80000046;
	[dreg:$0x1] =	wrdreg $0xFFFFFFFF  }
0xab: {  	s28 =	simm.s32 $_size_execute0_lowered;
	s7 =	sadd.s32 s7, s8;
	[dreg:$0x0] =	wrdreg $0x0  }
0xac: {  	s8 =	sshll.u32 s28, $0x1;
	[dreg:$0x2] =	wrdreg s7  }
0xad: {  	[dreg:$0x3] =	wrdreg s8  }
0xae: {  	[dreg:$0x4] =	wrdreg $0xC0  }
0xaf: {  	_ =	task [dreg:s11], $0x5FFFF  }
0xb0: {  	[dreg:$0x1] =	wrdreg $0xFFFFFFFF  }
0xb1: {  	[dreg:$0x0] =	wrdreg $0x60  }
0xb2: {  	[dreg:$0x2] =	wrdreg s2  }
0xb3: {  	[dreg:$0x3] =	wrdreg s19  }
0xb4: {  	[dreg:$0x4] =	wrdreg s4  }
0xb5: {  	[dreg:$0x5] =	wrdreg s5  }
0xb6: {  	[dreg:$0x6] =	wrdreg s6  }
0xb7: {  	[dreg:$0x7] =	wrdreg $0xA6800  }
0xb8: {  	[dreg:$0x8] =	wrdreg $0x120800  }
0xb9: {  	[dreg:$0x9] =	wrdreg $0x9  }
0xba: {  	_ =	task.clear_ibuf [dreg:s11], $0xAFFFF;
	_ =	strace $0x90000046  }
0xbb: {  	s29 =	simm.s32 $0x9;
	_ =	strace $0x80000048  }
0xbc: {  	_ =	swait.ge [sflag:s29], $0x1  }
0xbd: {  	[sflag:s29] =	ssyncadd.s32 $0xFFFFFFFF  }
0xbe: {  	_ =	strace $0x90000048  }
0xbf: {  	_ =	sfence  }
0xc0: {  	s30 =	sld [smem:$0x0];
	_ =	sdelay $0x2  }
0xc1: {  	s31 =	sshll.u32 s1, $0xD;
	s1 =	sshrl.u32 s1, $0x2  }
0xc2: {  	s3 =	sand.u32 $0x4000, s31;
	s1 =	sadd.s32 s1, s30  }
0xc3: {  	s0 =	sor.u32 s3, s0;
	s1 =	sshll.u32 s1, $0x11  }
0xc4: {  	s0 =	sor.u32 s1, s0  }
0xc5: {  	s0 =	sadd.s32 $0x8F2B, s0  }
0xc6: {  	[sflag:s0] =	ssyncadd.remote.s32 $0x1  }
0xc7: {  	_ =	sfence.sel $0xFFFF  }
0xc8: {  	[dreg:$0x0] =	wrdreg $0xFFFFFFFF;
	(pc) =	sbr.abs _section_cstart, $3  }
0xc9: {  	[dreg:$0x1] =	wrdreg $0xFFFFFFFF  }
0xca: {  	_ =	task.clear_ibuf [dreg:s11], $0x2FFFF;
	_ =	strace $0x9FFFFFFF  }
0xcb: {  	(tm) =	ssettm $0x7FFFFFFF  }
tec
execute0_lowered:
.L_overlay_start_1:
0x0: {  	(tag) =	ssettag $0x1  }
0x1: {  	s0 =	rddreg [dreg:$0x0]  }
0x2: {  	s2 =	rddreg [dreg:$0x1]  }
0x3: {  	s1 =	rddreg [dreg:$0x2]  }
0x4: {  	s14 =	rddreg [dreg:$0x3]  }
0x5: {  	s5 =	rddreg [dreg:$0x4]  }
0x6: {  	s3 =	rddreg [dreg:$0x5]  }
0x7: {  	s4 =	rddreg [dreg:$0x6];
	s7 =	srdreg.scid  }
0x8: {  	s23 =	simm.s32 $0x0;
	s6 =	stileid.u32;
	s30 =	simm.s32 $0x2  }
0x9: {  	s19 =	simm.s32 $0x8B00;
	s8 =	sand.u32 $0x1, s7;
	[smem:$0x7FF] =	sst s23  }
0xa: {  	s9 =	smul.u32 $0x1400, s6;
	s21 =	sadd.s32 $0x5B800, s4;
	s24 =	sadd.s32 $0x3D000, s4  }
0xb: {  	s25 =	sadd.s32 $0x1E800, s4;
	s15 =	sadd.s32 $0x3D000, s3;
	s16 =	sadd.s32 $0x1E800, s3  }
0xc: {  	s28 =	sshll.u32 s6, $0xA;
	p4 =	sgt.s32 s6, $0x1;
	s18 =	sadd.s32 $0x79FC0, s4  }
0xd: {  	s7 =	ssub.s32 $0x2, s8;
	_ =	strace $0x80000047;
	s26 =	smul.u32 $0x14000, s8  }
0xe: {  	s11 =	smul.u32 $0xA00, s8;
	[dreg:$0xa] =	wrdreg s21;
	p0 =	seq.s32 @p4 s6, $0x2  }
0xf: {  	[dreg:$0xc] =	wrdreg s24;
	p1 =	por p0, !p4;
	s29 =	sadd.s32 s9, s26  }
0x10: {  	s17 =	sadd.s32 s0, s28;
	p1 =	seq.s32 @!p1 s6, $0x3;
	s0 =	sshrl.u32 s29, $0x3  }
0x11: {  	p1 =	por @p4 !p1, p0;
	p0 =	por !p0, !p4;
	s0 =	sadd.s32 s5, s0  }
0x12: {  	s13 =	smul.u32 $0x3D0A00, s8;
	[dreg:$0xe] =	wrdreg s0;
	s0 =	simm.s32 @!p0 $0x0  }
0x13: {  	[dreg:$0xd] =	wrdreg s25;
	s0 =	simm.s32 @p0 $0x1;
	p0 =	por p1, !p4  }
0x14: {  	p2 =	seq.s32 @!p4 s6, $0x0;
	[smem:$0x7F2] =	sst s0;
	s0 =	simm.s32 @!p0 $0x0  }
0x15: {  	s24 =	simm.s32 $0xA000;
	p1 =	por !p1, !p4;
	s0 =	simm.s32 @p0 $0x1  }
0x16: {  	p3 =	por p2, p4;
	[smem:$0x7F3] =	sst s0;
	s0 =	simm.s32 @!p1 $0x0  }
0x17: {  	p3 =	seq.s32 @!p3 s6, $0x1;
	s0 =	simm.s32 @p1 $0x1;
	p1 =	por !p2, p4  }
0x18: {  	p0 =	por @!p4 !p3, p2;
	[smem:$0x7F4] =	sst s0;
	s0 =	simm.s32 @!p1 $0x0  }
0x19: {  	s21 =	simm.s32 $0x3;
	s0 =	simm.s32 @p1 $0x1;
	p1 =	por p0, p4  }
0x1a: {  	s10 =	sshrl.u32 s7, $0x1;
	[smem:$0x7F5] =	sst s0;
	s0 =	simm.s32 @!p1 $0x0  }
0x1b: {  	s12 =	sshrl.u32 s9, $0x3;
	s10 =	ssub.s32 s7, s10;
	s0 =	simm.s32 @p1 $0x1  }
0x1c: {  	s7 =	sshll.u32 s8, $0x5;
	[smem:$0x7F6] =	sst s0;
	s0 =	simm.s32 @!p4 $0x0  }
0x1d: {  	s2 =	sadd.s32 s2, s12;
	p0 =	por !p0, p4;
	s0 =	simm.s32 @p4 $0x1  }
0x1e: {  	s20 =	sadd.s32 s14, s11;
	[smem:$0x7F7] =	sst s0;
	s0 =	simm.s32 @!p0 $0x0  }
0x1f: {  	s22 =	sadd.s32 s1, s13;
	s0 =	simm.s32 @p0 $0x1;
	p0 =	sgt.s32 s6, $0x3  }
0x20: {  	s14 =	sadd.s32 $0x5B800, s3;
	[smem:$0x7F8] =	sst s0;
	s0 =	simm.s32 @!p0 $0x0  }
0x21: {  	[dreg:$0x8] =	wrdreg s2;
	s0 =	simm.s32 @p0 $0x1;
	p0 =	sne.s32 s6, $0x0  }
0x22: {  	s9 =	simm.s32 $0x5;
	[smem:$0x7F9] =	sst s0;
	s0 =	simm.s32 @!p0 $0x0  }
0x23: {  	[dreg:$0x9] =	wrdreg s20;
	p1 =	sgt.s32 s6, $0x5;
	s0 =	simm.s32 @p0 $0x1  }
0x24: {  	s8 =	simm.s32 $0x3B00;
	[smem:$0x7FA] =	sst s0;
	s0 =	simm.s32 @!p1 $0x0  }
0x25: {  	[dreg:$0xb] =	wrdreg s22;
	p0 =	seq.s32 s6, $0x4;
	s0 =	simm.s32 @p1 $0x1  }
0x26: {  	s11 =	simm.s32 $0x8B80;
	[smem:$0x7FB] =	sst s0;
	s0 =	simm.s32 @!p0 $0x0  }
0x27: {  	s31 =	smax.u32 s10, $0x1;
	s0 =	simm.s32 @p0 $0x1;
	p0 =	seq.s32 @!p0 s6, $0x5  }
0x28: {  	s22 =	simm.s32 $0x80;
	[smem:$0x7FC] =	sst s0;
	s0 =	simm.s32 @!p0 $0x0  }
0x29: {  	v0 =	vlaneseq.u32;
	s20 =	simm.s32 $0x3B80;
	[dreg:$0xf] =	wrdreg s31;
	s0 =	simm.s32 @p0 $0x1  }
0x2a: {  	v2 =	vimm.s32 $0x0;
	v3 =	vimm.f32 $0.0e+00;
	v1 =	vmul.u32 $0xFFFFFFFF, v0;
	s2 =	simm.s32 $0x0;
	s5 =	simm.s32 $0x8A80;
	[smem:$0x7FD] =	sst s0  }
.LBB2_1:
0x2b: {  	s25 =	simm.s32 $0x0  }
0x2c: {  	v4 =	vor.u32 s25, v0  }
0x2d: {  	v4 =	vmulhi.u32 $0xCCCCCCCD, v4;
	_ =	sdelay $0x1  }
0x2e: {  	v4 =	vshrl.u32 v4, $0x2  }
0x2f: {  	[dreg:$0x10] =	wrdreg s2;
	v5 =	vmov s25;
	v6 =	vmul.u32 $0xFFFFFFFB, v4  }
0x30: {  	s0 =	rddreg [dreg:$0x8];
	v7 =	vsub.s32 v1, v5  }
0x31: {  	[tilespmem:s23], [sflag:$0x5] =	stream.linear.gather [hbm4b:s0+s23], $0x1400, $0x38;
	vm0 =	veq.s32 v5, v0;
	vm1 =	vne.s32 v6, v7;
	[tilespmem:$0x19AA8] =	vst v63  }
0x32: {  	_ =	swait.ge [sflag:s9], $0x1400;
	vm0 =	vmand vm0, vm1  }
0x33: {  	[sflag:s9] =	ssyncset.done $0x0;
	v5 =	vsel vm0, $0xFFFFFFFF, v2  }
0x34: {  	s12 =	simm.s32 $0x5040;
	[sflag:s9] =	ssyncadd.s32 $0xFFFFEC00;
	v4 =	vadd.s32 v5, v4  }
0x35: {  	s23 =	simm.s32 $0x8C40;
	[tilespmem:s12+$0xFFFFFFC0] =	vst v4  }
0x36: {  	s25 =	simm.s32 $0x40;
	[tilespmem:s23+$0xFFFFFFC0] =	vst v3  }
0x37: {  	v4 =	vld [tilespmem:s25+$0xFFFFFFC0];
	_ =	sdelay $0x4  }
0x38: {  	vm11 =	vgt.s32 v4, $0x79FFF  }
0x39: {  	v5 =	vsel vm11, $0xFFF86000, v2  }
0x3a: {  	v4 =	vadd.s32 v4, v5  }
0x3b: {  	s26 =	simm.s32 $0x10;
	vm12 =	vlt.s32 v4, $0x79FFF  }
0x3c: {  	s10 =	simm.s32 $0x1440;
	v6 =	vor.u32 s26, v0;
	v5 =	vnsel vm12, $0x79FFF, v4  }
0x3d: {  	s13 =	simm.s32 $0x2840;
	[tilespmem:s10+$0xFFFFFFC0] =	vst v5;
	v5 =	vmulhi.u32 $0xCCCCCCCD, v6  }
0x3e: {  	s2 =	simm.s32 $0x3C40;
	v6 =	vsel vm11, $0x1, v2;
	[tilespmem:s13+$0xFFFFFFC0] =	vst v4  }
0x3f: {  	[tilespmem:s2+$0xFFFFFFC0] =	vst v6;
	v4 =	vshrl.u32 v5, $0x2  }
0x40: {  	[tilespmem:s12+$0xFFFFFFD0] =	vst v4  }
0x41: {  	[tilespmem:s23+$0xFFFFFFD0] =	vst v3  }
0x42: {  	v4 =	vld [tilespmem:s25+$0xFFFFFFD0];
	_ =	sdelay $0x4  }
0x43: {  	vm13 =	vgt.s32 v4, $0x79FFF  }
0x44: {  	v5 =	vsel vm13, $0xFFF86000, v2  }
0x45: {  	v4 =	vadd.s32 v4, v5  }
0x46: {  	s26 =	simm.s32 $0x20;
	vm14 =	vlt.s32 v4, $0x79FFF  }
0x47: {  	v6 =	vor.u32 s26, v0;
	v5 =	vnsel vm14, $0x79FFF, v4  }
0x48: {  	[tilespmem:s10+$0xFFFFFFD0] =	vst v5;
	v5 =	vmulhi.u32 $0xCCCCCCCD, v6  }
0x49: {  	v6 =	vsel vm13, $0x1, v2;
	[tilespmem:s13+$0xFFFFFFD0] =	vst v4  }
0x4a: {  	[tilespmem:s2+$0xFFFFFFD0] =	vst v6;
	v4 =	vshrl.u32 v5, $0x2  }
0x4b: {  	[tilespmem:s12+$0xFFFFFFE0] =	vst v4  }
0x4c: {  	[tilespmem:s23+$0xFFFFFFE0] =	vst v3  }
0x4d: {  	v4 =	vld [tilespmem:s25+$0xFFFFFFE0];
	_ =	sdelay $0x4  }
0x4e: {  	vm15 =	vgt.s32 v4, $0x79FFF  }
0x4f: {  	v5 =	vsel vm15, $0xFFF86000, v2  }
0x50: {  	v4 =	vadd.s32 v4, v5  }
0x51: {  	s29 =	simm.s32 $0x30;
	vm4 =	vlt.s32 v4, $0x79FFF  }
0x52: {  	v6 =	vor.u32 s29, v0;
	v5 =	vnsel vm4, $0x79FFF, v4  }
0x53: {  	[tilespmem:s10+$0xFFFFFFE0] =	vst v5;
	v5 =	vmulhi.u32 $0xCCCCCCCD, v6  }
0x54: {  	v6 =	vsel vm15, $0x1, v2;
	[tilespmem:s13+$0xFFFFFFE0] =	vst v4  }
0x55: {  	[tilespmem:s2+$0xFFFFFFE0] =	vst v6;
	v4 =	vshrl.u32 v5, $0x2  }
0x56: {  	[tilespmem:s12+$0xFFFFFFF0] =	vst v4  }
0x57: {  	[tilespmem:s23+$0xFFFFFFF0] =	vst v3  }
0x58: {  	v4 =	vld [tilespmem:s25+$0xFFFFFFF0];
	_ =	sdelay $0x4  }
0x59: {  	vm5 =	vgt.s32 v4, $0x79FFF  }
0x5a: {  	v5 =	vsel vm5, $0xFFF86000, v2  }
0x5b: {  	v4 =	vadd.s32 v4, v5  }
0x5c: {  	s31 =	simm.s32 $0x40;
	vm6 =	vlt.s32 v4, $0x79FFF  }
0x5d: {  	v6 =	vor.u32 s31, v0;
	v5 =	vnsel vm6, $0x79FFF, v4  }
0x5e: {  	[tilespmem:s10+$0xFFFFFFF0] =	vst v5;
	v5 =	vmulhi.u32 $0xCCCCCCCD, v6  }
0x5f: {  	v6 =	vsel vm5, $0x1, v2;
	[tilespmem:s13+$0xFFFFFFF0] =	vst v4  }
0x60: {  	[tilespmem:s2+$0xFFFFFFF0] =	vst v6;
	v4 =	vshrl.u32 v5, $0x2  }
0x61: {  	[tilespmem:s12+$0x0] =	vst v4  }
0x62: {  	[tilespmem:s23+$0x0] =	vst v3  }
0x63: {  	v4 =	vld [tilespmem:s25+$0x0];
	_ =	sdelay $0x4  }
0x64: {  	vm7 =	vgt.s32 v4, $0x79FFF  }
0x65: {  	v5 =	vsel vm7, $0xFFF86000, v2  }
0x66: {  	v4 =	vadd.s32 v4, v5  }
0x67: {  	s0 =	simm.s32 $0x50;
	vm8 =	vlt.s32 v4, $0x79FFF  }
0x68: {  	v6 =	vor.u32 s0, v0;
	v5 =	vnsel vm8, $0x79FFF, v4  }
0x69: {  	[tilespmem:s10+$0x0] =	vst v5;
	v5 =	vmulhi.u32 $0xCCCCCCCD, v6  }
0x6a: {  	v6 =	vsel vm7, $0x1, v2;
	[tilespmem:s13+$0x0] =	vst v4  }
0x6b: {  	[tilespmem:s2+$0x0] =	vst v6;
	v4 =	vshrl.u32 v5, $0x2  }
0x6c: {  	[tilespmem:s12+$0x10] =	vst v4  }
0x6d: {  	[tilespmem:s23+$0x10] =	vst v3  }
0x6e: {  	v4 =	vld [tilespmem:s25+$0x10];
	_ =	sdelay $0x4  }
0x6f: {  	vm9 =	vgt.s32 v4, $0x79FFF  }
0x70: {  	v5 =	vsel vm9, $0xFFF86000, v2  }
0x71: {  	v4 =	vadd.s32 v4, v5  }
0x72: {  	s9 =	simm.s32 $0x60;
	vm10 =	vlt.s32 v4, $0x79FFF  }
0x73: {  	v6 =	vor.u32 s9, v0;
	v5 =	vnsel vm10, $0x79FFF, v4  }
0x74: {  	[tilespmem:s10+$0x10] =	vst v5;
	v5 =	vmulhi.u32 $0xCCCCCCCD, v6  }
0x75: {  	v6 =	vsel vm9, $0x1, v2;
	[tilespmem:s13+$0x10] =	vst v4  }
0x76: {  	[tilespmem:s2+$0x10] =	vst v6;
	v4 =	vshrl.u32 v5, $0x2  }
0x77: {  	[tilespmem:s12+$0x20] =	vst v4  }
0x78: {  	[tilespmem:s23+$0x20] =	vst v3  }
0x79: {  	v4 =	vld [tilespmem:s25+$0x20];
	_ =	sdelay $0x4  }
0x7a: {  	vm11 =	vgt.s32 v4, $0x79FFF  }
0x7b: {  	v5 =	vsel vm11, $0xFFF86000, v2  }
0x7c: {  	v4 =	vadd.s32 v4, v5  }
0x7d: {  	s29 =	simm.s32 $0x70;
	vm12 =	vlt.s32 v4, $0x79FFF  }
0x7e: {  	v6 =	vor.u32 s29, v0;
	v5 =	vnsel vm12, $0x79FFF, v4  }
0x7f: {  	[tilespmem:s10+$0x20] =	vst v5;
	v5 =	vmulhi.u32 $0xCCCCCCCD, v6  }
0x80: {  	v6 =	vsel vm11, $0x1, v2;
	[tilespmem:s13+$0x20] =	vst v4  }
0x81: {  	[tilespmem:s2+$0x20] =	vst v6;
	v4 =	vshrl.u32 v5, $0x2  }
0x82: {  	[tilespmem:s12+$0x30] =	vst v4  }
0x83: {  	[tilespmem:s23+$0x30] =	vst v3  }
0x84: {  	v5 =	vld [tilespmem:s25+$0x30];
	_ =	sdelay $0x1  }
0x85: {  	s31 =	simm.s32 $0x80  }
0x86: {  	v4 =	vor.u32 s31, v0  }
0x87: {  	v4 =	vmulhi.u32 $0xCCCCCCCD, v4  }
0x88: {  	vm13 =	vgt.s32 v5, $0x79FFF  }
0x89: {  	v4 =	vshrl.u32 v4, $0x2;
	v6 =	vsel vm13, $0xFFF86000, v2  }
0x8a: {  	v7 =	vmov s31;
	v8 =	vmul.u32 $0xFFFFFFFB, v4;
	v9 =	vadd.s32 v5, v6  }
0x8b: {  	v5 =	vsub.s32 v1, v7;
	vm14 =	vlt.s32 v9, $0x79FFF  }
0x8c: {  	vm2 =	veq.s32 v7, v0;
	vm3 =	vne.s32 v8, v5;
	v5 =	vnsel vm14, $0x79FFF, v9  }
0x8d: {  	s28 =	simm.s32 $0x170;
	s26 =	simm.s32 $0x8CC0;
	s12 =	simm.s32 $0xF0;
	vm15 =	vmand vm2, vm3;
	[tilespmem:s10+$0x30] =	vst v5  }
0x8e: {  	s23 =	simm.s32 $0x14C0;
	s25 =	simm.s32 $0x50C0;
	v6 =	vsel vm13, $0x1, v2;
	v5 =	vsel vm15, $0xFFFFFFFF, v2;
	s10 =	simm.s32 $0xC0;
	[tilespmem:s13+$0x30] =	vst v9  }
.LBB2_2:
0x8f: {  	s13 =	sadd.s32 $0x80, s13  }
0x90: {  	v4 =	vadd.s32 v5, v4;
	[tilespmem:s2+$0x30] =	vst v6;
	s2 =	sadd.s32 $0x80, s2;
	s29 =	smov.u32 s28;
	s31 =	sadd.s32 $0x80, s28  }
0x91: {  	p0 =	sne.s32 s28, $0x13F0;
	[tilespmem:s25+$0xFFFFFFC0] =	vst v4  }
0x92: {  	[tilespmem:s26+$0xFFFFFFC0] =	vst v3  }
0x93: {  	v4 =	vld [tilespmem:s10+$0xFFFFFFC0];
	_ =	sdelay $0x4  }
0x94: {  	vm0 =	vgt.s32 v4, $0x79FFF  }
0x95: {  	v5 =	vsel vm0, $0xFFF86000, v2  }
0x96: {  	v4 =	vadd.s32 v4, v5  }
0x97: {  	s28 =	sadd.s32 $0xFFFFFFA0, s12;
	vm1 =	vlt.s32 v4, $0x79FFF  }
0x98: {  	v6 =	vor.u32 s28, v0;
	v5 =	vnsel vm1, $0x79FFF, v4  }
0x99: {  	[tilespmem:s23+$0xFFFFFFC0] =	vst v5;
	v5 =	vmulhi.u32 $0xCCCCCCCD, v6  }
0x9a: {  	v6 =	vsel vm0, $0x1, v2;
	[tilespmem:s13+$0xFFFFFFC0] =	vst v4  }
0x9b: {  	[tilespmem:s2+$0xFFFFFFC0] =	vst v6;
	v4 =	vshrl.u32 v5, $0x2  }
0x9c: {  	[tilespmem:s25+$0xFFFFFFD0] =	vst v4  }
0x9d: {  	[tilespmem:s26+$0xFFFFFFD0] =	vst v3  }
0x9e: {  	v4 =	vld [tilespmem:s10+$0xFFFFFFD0];
	_ =	sdelay $0x4  }
0x9f: {  	vm0 =	vgt.s32 v4, $0x79FFF  }
0xa0: {  	v5 =	vsel vm0, $0xFFF86000, v2  }
0xa1: {  	v4 =	vadd.s32 v4, v5  }
0xa2: {  	s28 =	sadd.s32 $0xFFFFFFB0, s12;
	vm1 =	vlt.s32 v4, $0x79FFF  }
0xa3: {  	v6 =	vor.u32 s28, v0;
	v5 =	vnsel vm1, $0x79FFF, v4  }
0xa4: {  	[tilespmem:s23+$0xFFFFFFD0] =	vst v5;
	v5 =	vmulhi.u32 $0xCCCCCCCD, v6  }
0xa5: {  	v6 =	vsel vm0, $0x1, v2;
	[tilespmem:s13+$0xFFFFFFD0] =	vst v4  }
0xa6: {  	[tilespmem:s2+$0xFFFFFFD0] =	vst v6;
	v4 =	vshrl.u32 v5, $0x2  }
0xa7: {  	[tilespmem:s25+$0xFFFFFFE0] =	vst v4  }
0xa8: {  	[tilespmem:s26+$0xFFFFFFE0] =	vst v3  }
0xa9: {  	v4 =	vld [tilespmem:s10+$0xFFFFFFE0];
	_ =	sdelay $0x4  }
0xaa: {  	vm0 =	vgt.s32 v4, $0x79FFF  }
0xab: {  	v5 =	vsel vm0, $0xFFF86000, v2  }
0xac: {  	v4 =	vadd.s32 v4, v5  }
0xad: {  	s28 =	sadd.s32 $0xFFFFFFC0, s12;
	vm1 =	vlt.s32 v4, $0x79FFF  }
0xae: {  	v6 =	vor.u32 s28, v0;
	v5 =	vnsel vm1, $0x79FFF, v4  }
0xaf: {  	[tilespmem:s23+$0xFFFFFFE0] =	vst v5;
	v5 =	vmulhi.u32 $0xCCCCCCCD, v6  }
0xb0: {  	v6 =	vsel vm0, $0x1, v2;
	[tilespmem:s13+$0xFFFFFFE0] =	vst v4  }
0xb1: {  	[tilespmem:s2+$0xFFFFFFE0] =	vst v6;
	v4 =	vshrl.u32 v5, $0x2  }
0xb2: {  	[tilespmem:s25+$0xFFFFFFF0] =	vst v4  }
0xb3: {  	[tilespmem:s26+$0xFFFFFFF0] =	vst v3  }
0xb4: {  	v4 =	vld [tilespmem:s10+$0xFFFFFFF0];
	_ =	sdelay $0x4  }
0xb5: {  	vm0 =	vgt.s32 v4, $0x79FFF  }
0xb6: {  	v5 =	vsel vm0, $0xFFF86000, v2  }
0xb7: {  	v4 =	vadd.s32 v4, v5  }
0xb8: {  	s28 =	sadd.s32 $0xFFFFFFD0, s12;
	vm1 =	vlt.s32 v4, $0x79FFF  }
0xb9: {  	v6 =	vor.u32 s28, v0;
	v5 =	vnsel vm1, $0x79FFF, v4  }
0xba: {  	[tilespmem:s23+$0xFFFFFFF0] =	vst v5;
	v5 =	vmulhi.u32 $0xCCCCCCCD, v6  }
0xbb: {  	v6 =	vsel vm0, $0x1, v2;
	[tilespmem:s13+$0xFFFFFFF0] =	vst v4  }
0xbc: {  	[tilespmem:s2+$0xFFFFFFF0] =	vst v6;
	v4 =	vshrl.u32 v5, $0x2  }
0xbd: {  	[tilespmem:s25+$0x0] =	vst v4  }
0xbe: {  	[tilespmem:s26+$0x0] =	vst v3  }
0xbf: {  	v4 =	vld [tilespmem:s10+$0x0];
	_ =	sdelay $0x4  }
0xc0: {  	vm0 =	vgt.s32 v4, $0x79FFF  }
0xc1: {  	v5 =	vsel vm0, $0xFFF86000, v2  }
0xc2: {  	v4 =	vadd.s32 v4, v5  }
0xc3: {  	s28 =	sadd.s32 $0xFFFFFFE0, s12;
	vm1 =	vlt.s32 v4, $0x79FFF  }
0xc4: {  	v6 =	vor.u32 s28, v0;
	v5 =	vnsel vm1, $0x79FFF, v4  }
0xc5: {  	[tilespmem:s23+$0x0] =	vst v5;
	v5 =	vmulhi.u32 $0xCCCCCCCD, v6  }
0xc6: {  	v6 =	vsel vm0, $0x1, v2;
	[tilespmem:s13+$0x0] =	vst v4  }
0xc7: {  	[tilespmem:s2+$0x0] =	vst v6;
	v4 =	vshrl.u32 v5, $0x2  }
0xc8: {  	[tilespmem:s25+$0x10] =	vst v4  }
0xc9: {  	[tilespmem:s26+$0x10] =	vst v3  }
0xca: {  	v4 =	vld [tilespmem:s10+$0x10];
	_ =	sdelay $0x4  }
0xcb: {  	vm0 =	vgt.s32 v4, $0x79FFF  }
0xcc: {  	v5 =	vsel vm0, $0xFFF86000, v2  }
0xcd: {  	v4 =	vadd.s32 v4, v5  }
0xce: {  	s28 =	sadd.s32 $0xFFFFFFF0, s12;
	vm1 =	vlt.s32 v4, $0x79FFF  }
0xcf: {  	v6 =	vor.u32 s28, v0;
	v5 =	vnsel vm1, $0x79FFF, v4  }
0xd0: {  	[tilespmem:s23+$0x10] =	vst v5;
	v5 =	vmulhi.u32 $0xCCCCCCCD, v6  }
0xd1: {  	v6 =	vsel vm0, $0x1, v2;
	[tilespmem:s13+$0x10] =	vst v4  }
0xd2: {  	[tilespmem:s2+$0x10] =	vst v6;
	v4 =	vshrl.u32 v5, $0x2  }
0xd3: {  	[tilespmem:s25+$0x20] =	vst v4  }
0xd4: {  	[tilespmem:s26+$0x20] =	vst v3  }
0xd5: {  	v4 =	vld [tilespmem:s10+$0x20];
	_ =	sdelay $0x4  }
0xd6: {  	vm0 =	vgt.s32 v4, $0x79FFF  }
0xd7: {  	v5 =	vsel vm0, $0xFFF86000, v2  }
0xd8: {  	v4 =	vadd.s32 v4, v5  }
0xd9: {  	vm1 =	vlt.s32 v4, $0x79FFF  }
0xda: {  	v6 =	vor.u32 s12, v0;
	s12 =	smov.u32 s29;
	v5 =	vnsel vm1, $0x79FFF, v4  }
0xdb: {  	[tilespmem:s23+$0x20] =	vst v5;
	v5 =	vmulhi.u32 $0xCCCCCCCD, v6  }
0xdc: {  	v6 =	vsel vm0, $0x1, v2;
	[tilespmem:s13+$0x20] =	vst v4  }
0xdd: {  	[tilespmem:s2+$0x20] =	vst v6;
	v4 =	vshrl.u32 v5, $0x2  }
0xde: {  	[tilespmem:s25+$0x30] =	vst v4  }
0xdf: {  	[tilespmem:s26+$0x30] =	vst v3  }
0xe0: {  	v5 =	vld [tilespmem:s10+$0x30];
	_ =	sdelay $0x1  }
0xe1: {  	s28 =	sadd.s32 $0xFFFFFF90, s12  }
0xe2: {  	v6 =	vmov s28;
	v4 =	vor.u32 s28, v0  }
0xe3: {  	v4 =	vmulhi.u32 $0xCCCCCCCD, v4  }
0xe4: {  	vm0 =	vgt.s32 v5, $0x79FFF  }
0xe5: {  	v4 =	vshrl.u32 v4, $0x2;
	v7 =	vsel vm0, $0xFFF86000, v2  }
.Ltmp0:
0xe6: {  	v8 =	vmul.u32 $0xFFFFFFFB, v4;
	v7 =	vadd.s32 v5, v7;
	(pc) =	sbr.rel @p0 .LBB2_2-.Ltmp0, $4  }
0xe7: {  	v5 =	vsub.s32 v1, v6;
	vm1 =	vlt.s32 v7, $0x79FFF  }
0xe8: {  	vm2 =	veq.s32 v6, v0;
	vm3 =	vne.s32 v8, v5;
	v5 =	vnsel vm1, $0x79FFF, v7  }
0xe9: {  	s25 =	sadd.s32 $0x80, s25;
	s28 =	smov.u32 s31;
	vm1 =	vmand vm2, vm3;
	[tilespmem:s23+$0x30] =	vst v5  }
0xea: {  	s26 =	sadd.s32 $0x80, s26;
	s10 =	sadd.s32 $0x80, s10;
	v6 =	vsel vm0, $0x1, v2;
	v5 =	vsel vm1, $0xFFFFFFFF, v2;
	s23 =	sadd.s32 $0x80, s23;
	[tilespmem:s13+$0x30] =	vst v7  }
0xeb: {  	v4 =	vadd.s32 v5, v4;
	[tilespmem:s2+$0x30] =	vst v6  }
0xec: {  	[tilespmem:s25+$0xFFFFFFC0] =	vst v4  }
0xed: {  	[tilespmem:s26+$0xFFFFFFC0] =	vst v3  }
0xee: {  	v4 =	vld [tilespmem:s10+$0xFFFFFFC0];
	_ =	sdelay $0x4  }
0xef: {  	vm0 =	vgt.s32 v4, $0x79FFF  }
0xf0: {  	v5 =	vsel vm0, $0xFFF86000, v2  }
0xf1: {  	v4 =	vadd.s32 v4, v5  }
0xf2: {  	s28 =	sadd.s32 $0xFFFFFFA0, s12;
	vm1 =	vlt.s32 v4, $0x79FFF  }
0xf3: {  	v50 =	vor.u32 s28, v0;
	v5 =	vnsel vm1, $0x79FFF, v4  }
0xf4: {  	s13 =	sadd.s32 $0x80, s13;
	[tilespmem:s23+$0xFFFFFFC0] =	vst v5;
	v5 =	vmulhi.u32 $0xCCCCCCCD, v50  }
0xf5: {  	s2 =	sadd.s32 $0x80, s2;
	v51 =	vsel vm0, $0x1, v2;
	[tilespmem:s13+$0xFFFFFFC0] =	vst v4  }
0xf6: {  	[tilespmem:s2+$0xFFFFFFC0] =	vst v51;
	v4 =	vshrl.u32 v5, $0x2  }
0xf7: {  	[tilespmem:s25+$0xFFFFFFD0] =	vst v4  }
0xf8: {  	[tilespmem:s26+$0xFFFFFFD0] =	vst v3  }
0xf9: {  	v4 =	vld [tilespmem:s10+$0xFFFFFFD0];
	_ =	sdelay $0x4  }
0xfa: {  	vm14 =	vgt.s32 v4, $0x79FFF  }
0xfb: {  	v5 =	vsel vm14, $0xFFF86000, v2  }
0xfc: {  	v4 =	vadd.s32 v4, v5  }
0xfd: {  	s31 =	sadd.s32 $0xFFFFFFB0, s12;
	vm15 =	vlt.s32 v4, $0x79FFF  }
0xfe: {  	v52 =	vor.u32 s31, v0;
	v5 =	vnsel vm15, $0x79FFF, v4  }
0xff: {  	[tilespmem:s23+$0xFFFFFFD0] =	vst v5;
	v5 =	vmulhi.u32 $0xCCCCCCCD, v52  }
0x100: {  	v53 =	vsel vm14, $0x1, v2;
	[tilespmem:s13+$0xFFFFFFD0] =	vst v4  }
0x101: {  	[tilespmem:s2+$0xFFFFFFD0] =	vst v53;
	v4 =	vshrl.u32 v5, $0x2  }
0x102: {  	[tilespmem:s25+$0xFFFFFFE0] =	vst v4  }
0x103: {  	[tilespmem:s26+$0xFFFFFFE0] =	vst v3  }
0x104: {  	v4 =	vld [tilespmem:s10+$0xFFFFFFE0];
	_ =	sdelay $0x4  }
0x105: {  	vm4 =	vgt.s32 v4, $0x79FFF  }
0x106: {  	v5 =	vsel vm4, $0xFFF86000, v2  }
0x107: {  	v4 =	vadd.s32 v4, v5  }
0x108: {  	s0 =	sadd.s32 $0xFFFFFFC0, s12;
	vm5 =	vlt.s32 v4, $0x79FFF  }
0x109: {  	v54 =	vor.u32 s0, v0;
	v5 =	vnsel vm5, $0x79FFF, v4  }
0x10a: {  	[tilespmem:s23+$0xFFFFFFE0] =	vst v5;
	v5 =	vmulhi.u32 $0xCCCCCCCD, v54  }
0x10b: {  	v55 =	vsel vm4, $0x1, v2;
	[tilespmem:s13+$0xFFFFFFE0] =	vst v4  }
0x10c: {  	[tilespmem:s2+$0xFFFFFFE0] =	vst v55;
	v4 =	vshrl.u32 v5, $0x2  }
0x10d: {  	[tilespmem:s25+$0xFFFFFFF0] =	vst v4  }
0x10e: {  	[tilespmem:s26+$0xFFFFFFF0] =	vst v3  }
0x10f: {  	v4 =	vld [tilespmem:s10+$0xFFFFFFF0];
	_ =	sdelay $0x4  }
0x110: {  	vm6 =	vgt.s32 v4, $0x79FFF  }
0x111: {  	v5 =	vsel vm6, $0xFFF86000, v2  }
0x112: {  	v4 =	vadd.s32 v4, v5  }
0x113: {  	s9 =	sadd.s32 $0xFFFFFFD0, s12;
	vm7 =	vlt.s32 v4, $0x79FFF  }
0x114: {  	v56 =	vor.u32 s9, v0;
	v5 =	vnsel vm7, $0x79FFF, v4  }
0x115: {  	[tilespmem:s23+$0xFFFFFFF0] =	vst v5;
	v5 =	vmulhi.u32 $0xCCCCCCCD, v56  }
0x116: {  	v57 =	vsel vm6, $0x1, v2;
	[tilespmem:s13+$0xFFFFFFF0] =	vst v4  }
0x117: {  	[tilespmem:s2+$0xFFFFFFF0] =	vst v57;
	v4 =	vshrl.u32 v5, $0x2  }
0x118: {  	[tilespmem:s25+$0x0] =	vst v4  }
0x119: {  	[tilespmem:s26+$0x0] =	vst v3  }
0x11a: {  	v4 =	vld [tilespmem:s10+$0x0];
	_ =	sdelay $0x4  }
0x11b: {  	vm8 =	vgt.s32 v4, $0x79FFF  }
0x11c: {  	v5 =	vsel vm8, $0xFFF86000, v2  }
0x11d: {  	v4 =	vadd.s32 v4, v5  }
0x11e: {  	s29 =	sadd.s32 $0xFFFFFFE0, s12;
	vm9 =	vlt.s32 v4, $0x79FFF  }
0x11f: {  	v58 =	vor.u32 s29, v0;
	v5 =	vnsel vm9, $0x79FFF, v4  }
0x120: {  	[tilespmem:s23+$0x0] =	vst v5;
	v5 =	vmulhi.u32 $0xCCCCCCCD, v58  }
0x121: {  	v59 =	vsel vm8, $0x1, v2;
	[tilespmem:s13+$0x0] =	vst v4  }
0x122: {  	[tilespmem:s2+$0x0] =	vst v59;
	v4 =	vshrl.u32 v5, $0x2  }
0x123: {  	[tilespmem:s25+$0x10] =	vst v4  }
0x124: {  	[tilespmem:s26+$0x10] =	vst v3  }
0x125: {  	v4 =	vld [tilespmem:s10+$0x10];
	_ =	sdelay $0x4  }
0x126: {  	vm10 =	vgt.s32 v4, $0x79FFF  }
0x127: {  	v5 =	vsel vm10, $0xFFF86000, v2  }
0x128: {  	v4 =	vadd.s32 v4, v5  }
0x129: {  	s31 =	sadd.s32 $0xFFFFFFF0, s12;
	vm11 =	vlt.s32 v4, $0x79FFF  }
0x12a: {  	v60 =	vor.u32 s31, v0;
	v5 =	vnsel vm11, $0x79FFF, v4  }
0x12b: {  	[tilespmem:s23+$0x10] =	vst v5;
	v5 =	vmulhi.u32 $0xCCCCCCCD, v60  }
0x12c: {  	v61 =	vsel vm10, $0x1, v2;
	[tilespmem:s13+$0x10] =	vst v4  }
0x12d: {  	[tilespmem:s2+$0x10] =	vst v61;
	v4 =	vshrl.u32 v5, $0x2  }
0x12e: {  	[tilespmem:s25+$0x20] =	vst v4  }
0x12f: {  	[tilespmem:s26+$0x20] =	vst v3  }
0x130: {  	v4 =	vld [tilespmem:s10+$0x20];
	_ =	sdelay $0x4  }
0x131: {  	vm12 =	vgt.s32 v4, $0x79FFF  }
0x132: {  	v5 =	vsel vm12, $0xFFF86000, v2  }
0x133: {  	v4 =	vadd.s32 v4, v5  }
0x134: {  	vm13 =	vlt.s32 v4, $0x79FFF  }
0x135: {  	v62 =	vor.u32 s12, v0;
	v5 =	vnsel vm13, $0x79FFF, v4  }
0x136: {  	[tilespmem:s23+$0x20] =	vst v5;
	v5 =	vmulhi.u32 $0xCCCCCCCD, v62  }
0x137: {  	v63 =	vsel vm12, $0x1, v2;
	[tilespmem:s13+$0x20] =	vst v4  }
0x138: {  	[tilespmem:s2+$0x20] =	vst v63;
	v4 =	vshrl.u32 v5, $0x2  }
0x139: {  	[tilespmem:s25+$0x30] =	vst v4  }
0x13a: {  	[tilespmem:s26+$0x30] =	vst v3  }
0x13b: {  	v4 =	vld [tilespmem:s10+$0x30];
	_ =	sdelay $0x3  }
0x13c: {  	s0 =	sld [smem:$0x7F9]  }
0x13d: {  	vm14 =	vgt.s32 v4, $0x79FFF  }
0x13e: {  	v5 =	vsel vm14, $0xFFF86000, v2  }
0x13f: {  	p0 =	seq.s32 s0, $0x1;
	v4 =	vadd.s32 v4, v5  }
.Ltmp1:
0x140: {  	vm15 =	vlt.s32 v4, $0x79FFF;
	(pc) =	sbr.rel @!p0 .LBB2_4-.Ltmp1, $4  }
0x141: {  	v5 =	vnsel vm15, $0x79FFF, v4  }
0x142: {  	[tilespmem:s23+$0x30] =	vst v5  }
0x143: {  	v5 =	vsel vm14, $0x1, v2;
	[tilespmem:s13+$0x30] =	vst v4  }
0x144: {  	[tilespmem:s2+$0x30] =	vst v5  }
0x145: {  	s0 =	sld [smem:$0x7FB];
	_ =	sdelay $0x2  }
0x146: {  	p0 =	seq.s32 s0, $0x1  }
.Ltmp2:
0x147: {  	_ = 	snop;
	(pc) =	sbr.rel @!p0 .LBB2_6-.Ltmp2, $1  }
0x148: {  	_ =	sdelay $0x3  }
0x149: {  	p2 =	seq.s32 s6, $0x6;
	s0 =	rddreg [dreg:$0xb]  }
0x14a: {  	s9 =	rddreg [dreg:$0xc];
	s2 =	sadd.s32 @p2 $0xB7000, s0  }
0x14b: {  	s10 =	sshrl.u32 @p2 s9, $0x3;
	s12 =	simm.s32 @p2 $0x1;
	s13 =	simm.s32 @p2 $0x10  }
0x14c: {  	s23 =	simm.s32 @p2 $0x80;
	s25 =	simm.s32 @p2 $0x1D81;
	p1 =	seq.s32 @!p2 s6, $0x7  }
0x14d: {  	[spmem:s10@s13], [sflag:s25] =	dma.strided @p2 [hbm:s2@s23], $0x3D00, s12, $0x10   }
0x14e: {  	p0 =	por !p1, p2;
	p3 =	por p1, p2  }
0x14f: {  	s2 =	sadd.s32 @!p0 $0xD5800, s0;
	s0 =	rddreg [dreg:$0xa];
	s12 =	simm.s32 @!p0 $0x1  }
0x150: {  	s13 =	simm.s32 @!p0 $0x10;
	s23 =	simm.s32 @!p0 $0x80;
	p3 =	seq.s32 @!p3 s6, $0x8  }
0x151: {  	s25 =	simm.s32 @!p0 $0x1DC1;
	s10 =	sshrl.u32 @!p0 s0, $0x3;
	p1 =	por @!p2 !p3, p1  }
0x152: {  	[spmem:s10@s13], [sflag:s25] =	dma.strided @!p0 [hbm:s2@s23], $0x3D00, s12, $0x10   }
0x153: {  	p5 =	por $0x0, $0x0;
	p3 =	por p1, p2  }
0x154: {  	p1 =	por !p1, p2;
	s2 =	simm.s32 @!p3 $0x80;
	s10 =	simm.s32 @!p3 $0x400  }
0x155: {  	s12 =	simm.s32 @!p3 $0xA400;
	s0 =	rddreg [dreg:$0x9];
	p6 =	por @!p3 $0x0, $0x0  }
0x156: {  	[tilespmem:s12], [sflag:$0x4] =	stream.strided.gather @!p3 [hbm4b:s0+s2], $0x280, s10, s2, $0x38;
	[tilespmem:$0x19AA8] =	vst v63  }
0x157: {  	p3 =	por @!p3 $0x1, $0x1;
	p6 =	por @!p1 p5, p5  }
0x158: {  	p4 =	por @!p0 $0x0, $0x0;
	p3 =	por @!p1 p5, p5;
	p5 =	por p6, p6  }
0x159: {  	p3 =	por @!p0 p4, p4;
	p5 =	por @!p0 p4, p4;
	p4 =	por @p2 $0x1, $0x1  }
0x15a: {  	p1 =	por @!p0 $0x1, $0x1;
	p4 =	por @!p2 p5, p5  }
0x15b: {  	p6 =	por @!p0 p1, p1;
	p1 =	por @p2 $0x0, $0x0;
	s0 =	simm.s32 @!p4 $0x0  }
0x15c: {  	p1 =	por @!p2 p5, p5;
	s0 =	simm.s32 @p4 $0x1  }
0x15d: {  	[smem:$0x7ED] =	sst s0;
	s0 =	simm.s32 @!p1 $0x0  }
0x15e: {  	p0 =	por @p2 $0x0, $0x0;
	s0 =	simm.s32 @p1 $0x1;
	p1 =	por @p2 $0x0, $0x0  }
0x15f: {  	p0 =	por @!p2 p3, p3;
	p1 =	por @!p2 p5, p5  }
0x160: {  	p3 =	por @p2 $0x0, $0x0;
	[smem:$0x7EE] =	sst s0;
	s0 =	simm.s32 @!p1 $0x0  }
0x161: {  	p3 =	por @!p2 p5, p5;
	s0 =	simm.s32 @p1 $0x1  }
0x162: {  	p1 =	por @p2 $0x0, $0x0;
	[smem:$0x7EF] =	sst s0;
	s0 =	simm.s32 @!p3 $0x0  }
0x163: {  	p1 =	por @!p2 p5, p5;
	s0 =	simm.s32 @p3 $0x1;
	p3 =	por @p2 $0x0, $0x0  }
.Ltmp3:
0x164: {  	[smem:$0x7EC] =	sst s0;
	s0 =	simm.s32 @!p1 $0x0;
	(pc) =	sbr.rel .LBB2_8-.Ltmp3, $4  }
0x165: {  	p3 =	por @!p2 p6, p6;
	s0 =	simm.s32 @p1 $0x1  }
0x166: {  	[smem:$0x7F0] =	sst s0;
	s0 =	simm.s32 @!p3 $0x0  }
0x167: {  	p1 =	por @p2 $0x0, $0x0;
	s0 =	simm.s32 @p3 $0x1  }
0x168: {  	p1 =	por @!p2 p5, p5;
	[smem:$0x7F1] =	sst s0  }
.LBB2_4:
0x169: {  	s2 =	sld [smem:$0x7F2];
	_ =	sdelay $0x2  }
0x16a: {  	s0 =	rddreg [dreg:$0xb];
	p2 =	seq.s32 s2, $0x1  }
0x16b: {  	s2 =	sadd.s32 @!p2 $0x3D000, s0;
	s10 =	sshrl.u32 @!p2 s15, $0x3;
	s12 =	simm.s32 @!p2 $0x1  }
0x16c: {  	s13 =	simm.s32 @!p2 $0x10;
	s23 =	simm.s32 @!p2 $0x80;
	s25 =	simm.s32 @!p2 $0x1C81  }
0x16d: {  	[spmem:s10@s13], [sflag:s25] =	dma.strided @!p2 [hbm:s2@s23], $0x3D00, s12, $0x10   }
0x16e: {  	s2 =	sld [smem:$0x7F3];
	_ =	sdelay $0x2  }
0x16f: {  	p1 =	seq.s32 s2, $0x1  }
0x170: {  	s2 =	sadd.s32 @!p1 $0x5B800, s0;
	s10 =	sshrl.u32 @!p1 s14, $0x3;
	s12 =	simm.s32 @!p1 $0x1  }
0x171: {  	s13 =	simm.s32 @!p1 $0x10;
	s23 =	simm.s32 @!p1 $0x80;
	s25 =	simm.s32 @!p1 $0x1CC1  }
0x172: {  	[spmem:s10@s13], [sflag:s25] =	dma.strided @!p1 [hbm:s2@s23], $0x3D00, s12, $0x10   }
0x173: {  	s2 =	sld [smem:$0x7F4];
	_ =	sdelay $0x1  }
0x174: {  	p0 =	por $0x0, $0x0  }
0x175: {  	p4 =	por @!p1 $0x0, $0x0;
	s26 =	sld [smem:$0x7F5];
	p3 =	seq.s32 s2, $0x1  }
0x176: {  	p6 =	por @!p1 $0x1, $0x1;
	p4 =	por @!p3 p0, p0  }
0x177: {  	p1 =	por @!p2 $0x1, $0x1;
	p0 =	por $0x0, $0x0;
	p5 =	por p4, p4  }
0x178: {  	p6 =	por @!p3 p0, p0;
	p4 =	por @!p2 p1, p1;
	p3 =	seq.s32 s26, $0x1  }
0x179: {  	s2 =	simm.s32 @!p4 $0x0;
	s10 =	simm.s32 @!p3 $0x1  }
0x17a: {  	s12 =	simm.s32 @!p3 $0x10;
	s13 =	simm.s32 @!p3 $0x80;
	s2 =	simm.s32 @p4 $0x1  }
0x17b: {  	s23 =	simm.s32 @!p3 $0x1C01;
	[smem:$0x7EF] =	sst s2;
	s2 =	sshrl.u32 @!p3 s3, $0x3  }
0x17c: {  	[spmem:s2@s12], [sflag:s23] =	dma.strided @!p3 [hbm:s0@s13], $0x3D00, s10, $0x10   }
0x17d: {  	s2 =	sld [smem:$0x7F6];
	_ =	sdelay $0x2  }
0x17e: {  	p4 =	seq.s32 s2, $0x1  }
0x17f: {  	s2 =	sadd.s32 @!p4 $0x1E800, s0;
	s10 =	sshrl.u32 @!p4 s16, $0x3;
	s12 =	simm.s32 @!p4 $0x1  }
0x180: {  	s13 =	simm.s32 @!p4 $0x10;
	s23 =	simm.s32 @!p4 $0x80;
	s25 =	simm.s32 @!p4 $0x1C41  }
0x181: {  	[spmem:s10@s13], [sflag:s25] =	dma.strided @!p4 [hbm:s2@s23], $0x3D00, s12, $0x10   }
0x182: {  	p0 =	por @!p2 $0x0, $0x0;
	s28 =	sld [smem:$0x7F8]  }
0x183: {  	p5 =	por @!p2 p0, p0;
	p0 =	por @!p2 $0x0, $0x0  }
0x184: {  	p6 =	por @!p2 p0, p0;
	p0 =	por $0x0, $0x0;
	p1 =	por @!p4 $0x1, $0x1  }
0x185: {  	p2 =	por @!p4 $0x0, $0x0;
	s29 =	sld [smem:$0x7F7];
	p4 =	seq.s32 s28, $0x1  }
0x186: {  	p2 =	por @!p4 p0, p0;
	p0 =	por $0x0, $0x0  }
0x187: {  	p1 =	por @!p4 p0, p0;
	p0 =	por @!p3 $0x0, $0x0;
	p4 =	por p5, p5  }
0x188: {  	p2 =	por @!p3 p0, p0;
	p1 =	por @!p3 p0, p0;
	p3 =	seq.s32 s29, $0x1  }
0x189: {  	p4 =	por @!p3 p1, p1  }
0x18a: {  	p1 =	por p5, p5;
	s0 =	simm.s32 @!p4 $0x0  }
0x18b: {  	s31 =	sld [smem:$0x7EF];
	p1 =	por @!p3 p2, p2;
	s0 =	simm.s32 @p4 $0x1  }
0x18c: {  	p4 =	por p5, p5;
	[smem:$0x7EC] =	sst s0;
	s0 =	simm.s32 @!p1 $0x0  }
0x18d: {  	p4 =	por @!p3 p2, p2;
	s0 =	simm.s32 @p1 $0x1  }
0x18e: {  	p1 =	seq.s32 s31, $0x1;
	[smem:$0x7ED] =	sst s0;
	s0 =	simm.s32 @!p4 $0x0  }
0x18f: {  	p1 =	por @!p3 p2, p2;
	s0 =	simm.s32 @p4 $0x1  }
0x190: {  	[smem:$0x7EE] =	sst s0;
	s0 =	simm.s32 @!p1 $0x0  }
0x191: {  	p0 =	por p5, p5;
	p6 =	por @!p3 p2, p2;
	s0 =	simm.s32 @p1 $0x1  }
.Ltmp4:
0x192: {  	[smem:$0x7EF] =	sst s0;
	s0 =	simm.s32 @!p6 $0x0;
	(pc) =	sbr.rel .LBB2_8-.Ltmp4, $4  }
0x193: {  	p1 =	por p5, p5;
	p5 =	por @!p3 p2, p2;
	s0 =	simm.s32 @p6 $0x1  }
0x194: {  	[smem:$0x7F0] =	sst s0;
	s0 =	simm.s32 @!p5 $0x0  }
0x195: {  	s0 =	simm.s32 @p5 $0x1  }
0x196: {  	p0 =	por @!p3 p2, p2;
	p1 =	por @!p3 p2, p2;
	[smem:$0x7F1] =	sst s0  }
.LBB2_6:
0x197: {  	s2 =	sld [smem:$0x7FC];
	_ =	sdelay $0x2  }
0x198: {  	s0 =	rddreg [dreg:$0xb];
	p3 =	seq.s32 s2, $0x1  }
0x199: {  	s2 =	sadd.s32 @p3 $0x7A000, s0;
	s10 =	sshrl.u32 @p3 s4, $0x3;
	s12 =	simm.s32 @p3 $0x1  }
0x19a: {  	s13 =	simm.s32 @p3 $0x10;
	s23 =	simm.s32 @p3 $0x80;
	s25 =	simm.s32 @p3 $0x1D01  }
0x19b: {  	[spmem:s10@s13], [sflag:s25] =	dma.strided @p3 [hbm:s2@s23], $0x3D00, s12, $0x10   }
0x19c: {  	s2 =	sld [smem:$0x7FD];
	_ =	sdelay $0x2  }
0x19d: {  	p0 =	seq.s32 s2, $0x1  }
0x19e: {  	p0 =	por !p0, p3  }
0x19f: {  	p2 =	por $0x0, $0x0;
	s2 =	sadd.s32 @!p0 $0x98800, s0  }
0x1a0: {  	s0 =	rddreg [dreg:$0xd];
	s12 =	simm.s32 @!p0 $0x1;
	s13 =	simm.s32 @!p0 $0x10  }
0x1a1: {  	s23 =	simm.s32 @!p0 $0x80;
	s25 =	simm.s32 @!p0 $0x1D41;
	p1 =	por @!p0 $0x0, $0x0  }
0x1a2: {  	s10 =	sshrl.u32 @!p0 s0, $0x3;
	p2 =	por @!p0 p1, p1;
	p1 =	por @p3 $0x0, $0x0  }
0x1a3: {  	[spmem:s10@s13], [sflag:s25] =	dma.strided @!p0 [hbm:s2@s23], $0x3D00, s12, $0x10   }
0x1a4: {  	p6 =	por $0x0, $0x0;
	p4 =	por @!p0 $0x1, $0x1;
	p1 =	por @!p3 p2, p2  }
0x1a5: {  	p6 =	por @!p0 p4, p4;
	p4 =	por @p3 $0x1, $0x1;
	s0 =	simm.s32 @!p1 $0x0  }
0x1a6: {  	p4 =	por @!p3 p2, p2;
	s0 =	simm.s32 @p1 $0x1  }
0x1a7: {  	p5 =	por @p3 $0x0, $0x0;
	[smem:$0x7ED] =	sst s0;
	s0 =	simm.s32 @!p4 $0x0  }
0x1a8: {  	p5 =	por @!p3 p2, p2;
	s0 =	simm.s32 @p4 $0x1  }
0x1a9: {  	p4 =	por @p3 $0x0, $0x0;
	[smem:$0x7EE] =	sst s0;
	s0 =	simm.s32 @!p5 $0x0  }
0x1aa: {  	p1 =	por @p3 $0x0, $0x0;
	p4 =	por @!p3 p2, p2;
	s0 =	simm.s32 @p5 $0x1  }
0x1ab: {  	p5 =	por @p3 $0x0, $0x0;
	[smem:$0x7EF] =	sst s0;
	s0 =	simm.s32 @!p4 $0x0  }
0x1ac: {  	p1 =	por @!p3 p6, p6;
	p5 =	por @!p3 p2, p2;
	s0 =	simm.s32 @p4 $0x1  }
0x1ad: {  	p6 =	por @p3 $0x0, $0x0;
	[smem:$0x7EC] =	sst s0;
	s0 =	simm.s32 @!p5 $0x0  }
0x1ae: {  	p6 =	por @!p3 p2, p2;
	s0 =	simm.s32 @p5 $0x1  }
0x1af: {  	[smem:$0x7F0] =	sst s0;
	s0 =	simm.s32 @!p6 $0x0  }
0x1b0: {  	p0 =	por @p3 $0x0, $0x0;
	s0 =	simm.s32 @p6 $0x1  }
0x1b1: {  	p0 =	por @!p3 p2, p2;
	[smem:$0x7F1] =	sst s0  }
.LBB2_8:
0x1b2: {  	s2 =	simm.s32 $0x0  }
.LBB2_9:
0x1b3: {  	s13 =	sadd.s32 s7, s2;
	s10 =	sshll.u32 s2, $0x4;
	s25 =	sld [smem:$0x7FA]  }
0x1b4: {  	s12 =	sshll.u32 s13, $0xB;
	s10 =	sand.u32 $0x70, s10  }
0x1b5: {  	s12 =	sand.u32 $0x1C000, s12;
	s10 =	sadd.s32 s10, s17  }
0x1b6: {  	s0 =	simm.s32 $0x400;
	s10 =	sadd.s32 s12, s10;
	p2 =	seq.s32 s25, $0x1  }
0x1b7: {  	[tilespmem:s24], [sflag:$0x3] =	stream.strided.gather [hbm4b:s10+s22], $0x400, s0, s22, $0x38;
	[tilespmem:$0x19AA8] =	vst v63  }
0x1b8: {  	s10 =	simm.s32 @!p2 $0x1  }
0x1b9: {  	_ =	swait.ge @!p2 [sflag:s10], $0x3D00  }
0x1ba: {  	s26 =	sld [smem:$0x7EC];
	_ =	sdelay $0x2  }
0x1bb: {  	[sflag:s10] =	ssyncset.done @!p2 $0x0;
	p4 =	seq.s32 s26, $0x1  }
0x1bc: {  	[sflag:s10] =	ssyncadd.s32 @!p2 $0xFFFFC300;
	s10 =	simm.s32 @p4 $0x1  }
0x1bd: {  	_ =	swait.ge @p4 [sflag:s10], $0x3D00  }
0x1be: {  	s28 =	sld [smem:$0x7EF];
	_ =	sdelay $0x2  }
0x1bf: {  	[sflag:s10] =	ssyncset.done @p4 $0x0;
	p5 =	seq.s32 s28, $0x1  }
0x1c0: {  	[sflag:s10] =	ssyncadd.s32 @p4 $0xFFFFC300;
	s10 =	simm.s32 @p5 $0x1  }
0x1c1: {  	_ =	swait.ge @p5 [sflag:s10], $0x3D00  }
0x1c2: {  	s29 =	sld [smem:$0x7F0];
	_ =	sdelay $0x2  }
0x1c3: {  	[sflag:s10] =	ssyncset.done @p5 $0x0;
	p6 =	seq.s32 s29, $0x1  }
0x1c4: {  	[sflag:s10] =	ssyncadd.s32 @p5 $0xFFFFC300;
	s10 =	simm.s32 @p6 $0x1  }
0x1c5: {  	_ =	swait.ge @p6 [sflag:s10], $0x3D00  }
0x1c6: {  	[sflag:s10] =	ssyncset.done @p6 $0x0  }
0x1c7: {  	[sflag:s10] =	ssyncadd.s32 @p6 $0xFFFFC300  }
0x1c8: {  	s31 =	simm.s32 $0x1400;
	s9 =	simm.s32 $0x6400;
	[bflag:$0x0] =	sbarrier.arrive $0xFFFF  }
0x1c9: {  	[tilespmem:s9], [sflag:$0x2] =	stream.indirect.gather [spmem:s3], $0x1, s31, s22, $0xb8;
	[tilespmem:$0x19AA8] =	vst v63  }
0x1ca: {  	s12 =	simm.s32 $0x6480;
	s10 =	simm.s32 $0x1480  }
0x1cb: {  	[tilespmem:s12], [sflag:$0x2] =	stream.indirect.gather [spmem:s3], $0x1, s10, s22, $0xb8;
	[tilespmem:$0x19AA8] =	vst v63  }
0x1cc: {  	s23 =	simm.s32 $0x1500;
	s25 =	simm.s32 $0x6500  }
0x1cd: {  	[tilespmem:s25], [sflag:$0x2] =	stream.indirect.gather [spmem:s3], $0x1, s23, s22, $0xb8;
	[tilespmem:$0x19AA8] =	vst v63  }
0x1ce: {  	s26 =	simm.s32 $0x1580;
	s28 =	simm.s32 $0x6580  }
0x1cf: {  	[tilespmem:s28], [sflag:$0x2] =	stream.indirect.gather [spmem:s3], $0x1, s26, s22, $0xb8;
	[tilespmem:$0x19AA8] =	vst v63  }
0x1d0: {  	s29 =	simm.s32 $0x1600;
	s31 =	simm.s32 $0x6600  }
0x1d1: {  	[tilespmem:s31], [sflag:$0x2] =	stream.indirect.gather [spmem:s3], $0x1, s29, s22, $0xb8;
	[tilespmem:$0x19AA8] =	vst v63  }
0x1d2: {  	s10 =	simm.s32 $0x1680;
	s12 =	simm.s32 $0x6680  }
0x1d3: {  	[tilespmem:s12], [sflag:$0x2] =	stream.indirect.gather [spmem:s3], $0x1, s10, s22, $0xb8;
	[tilespmem:$0x19AA8] =	vst v63  }
0x1d4: {  	s23 =	simm.s32 $0x1700;
	s25 =	simm.s32 $0x6700  }
0x1d5: {  	[tilespmem:s25], [sflag:$0x2] =	stream.indirect.gather [spmem:s3], $0x1, s23, s22, $0xb8;
	[tilespmem:$0x19AA8] =	vst v63  }
0x1d6: {  	s26 =	simm.s32 $0x1780;
	s28 =	simm.s32 $0x6780  }
0x1d7: {  	[tilespmem:s28], [sflag:$0x2] =	stream.indirect.gather [spmem:s3], $0x1, s26, s22, $0xb8;
	[tilespmem:$0x19AA8] =	vst v63  }
0x1d8: {  	s29 =	simm.s32 $0x1800;
	s31 =	simm.s32 $0x6800  }
0x1d9: {  	[tilespmem:s31], [sflag:$0x2] =	stream.indirect.gather [spmem:s3], $0x1, s29, s22, $0xb8;
	[tilespmem:$0x19AA8] =	vst v63  }
0x1da: {  	s10 =	simm.s32 $0x1880;
	s12 =	simm.s32 $0x6880  }
0x1db: {  	[tilespmem:s12], [sflag:$0x2] =	stream.indirect.gather [spmem:s3], $0x1, s10, s22, $0xb8;
	[tilespmem:$0x19AA8] =	vst v63  }
0x1dc: {  	s23 =	simm.s32 $0x1900;
	s25 =	simm.s32 $0x6900  }
0x1dd: {  	[tilespmem:s25], [sflag:$0x2] =	stream.indirect.gather [spmem:s3], $0x1, s23, s22, $0xb8;
	[tilespmem:$0x19AA8] =	vst v63  }
0x1de: {  	s26 =	simm.s32 $0x1980;
	s28 =	simm.s32 $0x6980  }
0x1df: {  	[tilespmem:s28], [sflag:$0x2] =	stream.indirect.gather [spmem:s3], $0x1, s26, s22, $0xb8;
	[tilespmem:$0x19AA8] =	vst v63  }
0x1e0: {  	s29 =	simm.s32 $0x1A00;
	s31 =	simm.s32 $0x6A00  }
0x1e1: {  	[tilespmem:s31], [sflag:$0x2] =	stream.indirect.gather [spmem:s3], $0x1, s29, s22, $0xb8;
	[tilespmem:$0x19AA8] =	vst v63  }
0x1e2: {  	s10 =	simm.s32 $0x1A80;
	s12 =	simm.s32 $0x6A80  }
0x1e3: {  	[tilespmem:s12], [sflag:$0x2] =	stream.indirect.gather [spmem:s3], $0x1, s10, s22, $0xb8;
	[tilespmem:$0x19AA8] =	vst v63  }
0x1e4: {  	s23 =	simm.s32 $0x1B00;
	s25 =	simm.s32 $0x6B00  }
0x1e5: {  	[tilespmem:s25], [sflag:$0x2] =	stream.indirect.gather [spmem:s3], $0x1, s23, s22, $0xb8;
	[tilespmem:$0x19AA8] =	vst v63  }
0x1e6: {  	s26 =	simm.s32 $0x1B80;
	s28 =	simm.s32 $0x6B80  }
0x1e7: {  	[tilespmem:s28], [sflag:$0x2] =	stream.indirect.gather [spmem:s3], $0x1, s26, s22, $0xb8;
	[tilespmem:$0x19AA8] =	vst v63  }
0x1e8: {  	s29 =	simm.s32 $0x1C00;
	s31 =	simm.s32 $0x6C00  }
0x1e9: {  	[tilespmem:s31], [sflag:$0x2] =	stream.indirect.gather [spmem:s3], $0x1, s29, s22, $0xb8;
	[tilespmem:$0x19AA8] =	vst v63  }
0x1ea: {  	s10 =	simm.s32 $0x1C80;
	s12 =	simm.s32 $0x6C80  }
0x1eb: {  	[tilespmem:s12], [sflag:$0x2] =	stream.indirect.gather [spmem:s3], $0x1, s10, s22, $0xb8;
	[tilespmem:$0x19AA8] =	vst v63  }
0x1ec: {  	s23 =	simm.s32 $0x1D00;
	s25 =	simm.s32 $0x6D00  }
0x1ed: {  	[tilespmem:s25], [sflag:$0x2] =	stream.indirect.gather [spmem:s3], $0x1, s23, s22, $0xb8;
	[tilespmem:$0x19AA8] =	vst v63  }
0x1ee: {  	s26 =	simm.s32 $0x1D80;
	s28 =	simm.s32 $0x6D80  }
0x1ef: {  	[tilespmem:s28], [sflag:$0x2] =	stream.indirect.gather [spmem:s3], $0x1, s26, s22, $0xb8;
	[tilespmem:$0x19AA8] =	vst v63  }
0x1f0: {  	s29 =	simm.s32 $0x1E00;
	s31 =	simm.s32 $0x6E00  }
0x1f1: {  	[tilespmem:s31], [sflag:$0x2] =	stream.indirect.gather [spmem:s3], $0x1, s29, s22, $0xb8;
	[tilespmem:$0x19AA8] =	vst v63  }
0x1f2: {  	s10 =	simm.s32 $0x1E80;
	s12 =	simm.s32 $0x6E80  }
0x1f3: {  	[tilespmem:s12], [sflag:$0x2] =	stream.indirect.gather [spmem:s3], $0x1, s10, s22, $0xb8;
	[tilespmem:$0x19AA8] =	vst v63  }
0x1f4: {  	s23 =	simm.s32 $0x1F00;
	s25 =	simm.s32 $0x6F00  }
0x1f5: {  	[tilespmem:s25], [sflag:$0x2] =	stream.indirect.gather [spmem:s3], $0x1, s23, s22, $0xb8;
	[tilespmem:$0x19AA8] =	vst v63  }
0x1f6: {  	s26 =	simm.s32 $0x1F80;
	s28 =	simm.s32 $0x6F80  }
0x1f7: {  	[tilespmem:s28], [sflag:$0x2] =	stream.indirect.gather [spmem:s3], $0x1, s26, s22, $0xb8;
	[tilespmem:$0x19AA8] =	vst v63  }
0x1f8: {  	s29 =	simm.s32 $0x2000;
	s31 =	simm.s32 $0x7000  }
0x1f9: {  	[tilespmem:s31], [sflag:$0x2] =	stream.indirect.gather [spmem:s3], $0x1, s29, s22, $0xb8;
	[tilespmem:$0x19AA8] =	vst v63  }
0x1fa: {  	s10 =	simm.s32 $0x2080;
	s12 =	simm.s32 $0x7080  }
0x1fb: {  	[tilespmem:s12], [sflag:$0x2] =	stream.indirect.gather [spmem:s3], $0x1, s10, s22, $0xb8;
	[tilespmem:$0x19AA8] =	vst v63  }
0x1fc: {  	s23 =	simm.s32 $0x2100;
	s25 =	simm.s32 $0x7100  }
0x1fd: {  	[tilespmem:s25], [sflag:$0x2] =	stream.indirect.gather [spmem:s3], $0x1, s23, s22, $0xb8;
	[tilespmem:$0x19AA8] =	vst v63  }
0x1fe: {  	s26 =	simm.s32 $0x2180;
	s28 =	simm.s32 $0x7180  }
0x1ff: {  	[tilespmem:s28], [sflag:$0x2] =	stream.indirect.gather [spmem:s3], $0x1, s26, s22, $0xb8;
	[tilespmem:$0x19AA8] =	vst v63  }
0x200: {  	s29 =	simm.s32 $0x2200;
	s31 =	simm.s32 $0x7200  }
0x201: {  	[tilespmem:s31], [sflag:$0x2] =	stream.indirect.gather [spmem:s3], $0x1, s29, s22, $0xb8;
	[tilespmem:$0x19AA8] =	vst v63  }
0x202: {  	s10 =	simm.s32 $0x2280;
	s12 =	simm.s32 $0x7280  }
0x203: {  	[tilespmem:s12], [sflag:$0x2] =	stream.indirect.gather [spmem:s3], $0x1, s10, s22, $0xb8;
	[tilespmem:$0x19AA8] =	vst v63  }
0x204: {  	s23 =	simm.s32 $0x2300;
	s25 =	simm.s32 $0x7300  }
0x205: {  	[tilespmem:s25], [sflag:$0x2] =	stream.indirect.gather [spmem:s3], $0x1, s23, s22, $0xb8;
	[tilespmem:$0x19AA8] =	vst v63  }
0x206: {  	s26 =	simm.s32 $0x2380;
	s28 =	simm.s32 $0x7380  }
0x207: {  	[tilespmem:s28], [sflag:$0x2] =	stream.indirect.gather [spmem:s3], $0x1, s26, s22, $0xb8;
	[tilespmem:$0x19AA8] =	vst v63  }
0x208: {  	s29 =	simm.s32 $0x2400;
	s31 =	simm.s32 $0x7400  }
0x209: {  	[tilespmem:s31], [sflag:$0x2] =	stream.indirect.gather [spmem:s3], $0x1, s29, s22, $0xb8;
	[tilespmem:$0x19AA8] =	vst v63  }
0x20a: {  	s10 =	simm.s32 $0x2480;
	s12 =	simm.s32 $0x7480  }
0x20b: {  	[tilespmem:s12], [sflag:$0x2] =	stream.indirect.gather [spmem:s3], $0x1, s10, s22, $0xb8;
	[tilespmem:$0x19AA8] =	vst v63  }
0x20c: {  	s23 =	simm.s32 $0x2500;
	s25 =	simm.s32 $0x7500  }
0x20d: {  	[tilespmem:s25], [sflag:$0x2] =	stream.indirect.gather [spmem:s3], $0x1, s23, s22, $0xb8;
	[tilespmem:$0x19AA8] =	vst v63  }
0x20e: {  	s26 =	simm.s32 $0x2580;
	s28 =	simm.s32 $0x7580  }
0x20f: {  	[tilespmem:s28], [sflag:$0x2] =	stream.indirect.gather [spmem:s3], $0x1, s26, s22, $0xb8;
	[tilespmem:$0x19AA8] =	vst v63  }
0x210: {  	s29 =	simm.s32 $0x2600;
	s31 =	simm.s32 $0x7600  }
0x211: {  	[tilespmem:s31], [sflag:$0x2] =	stream.indirect.gather [spmem:s3], $0x1, s29, s22, $0xb8;
	[tilespmem:$0x19AA8] =	vst v63  }
0x212: {  	s9 =	simm.s32 $0x2680;
	s10 =	simm.s32 $0x7680  }
0x213: {  	[tilespmem:s10], [sflag:$0x2] =	stream.indirect.gather [spmem:s3], $0x1, s9, s22, $0xb8;
	[tilespmem:$0x19AA8] =	vst v63  }
0x214: {  	s12 =	simm.s32 $0x2700;
	s23 =	simm.s32 $0x7700  }
0x215: {  	[tilespmem:s23], [sflag:$0x2] =	stream.indirect.gather [spmem:s3], $0x1, s12, s22, $0xb8;
	[tilespmem:$0x19AA8] =	vst v63  }
0x216: {  	s25 =	simm.s32 $0x2780;
	s26 =	simm.s32 $0x7780  }
0x217: {  	[tilespmem:s26], [sflag:$0x2] =	stream.indirect.gather [spmem:s3], $0x1, s25, s22, $0xb8;
	[tilespmem:$0x19AA8] =	vst v63  }
0x218: {  	_ =	swait.ge [sflag:s30], $0x80  }
0x219: {  	[sflag:s30] =	ssyncset.done $0x0  }
0x21a: {  	[sflag:s30] =	ssyncadd.s32 $0xFFFFFF80  }
0x21b: {  	_ =	swait.ge [sflag:s30], $0x80  }
0x21c: {  	[sflag:s30] =	ssyncset.done $0x0  }
0x21d: {  	[sflag:s30] =	ssyncadd.s32 $0xFFFFFF80  }
0x21e: {  	_ =	swait.ge [sflag:s30], $0x80  }
0x21f: {  	[sflag:s30] =	ssyncset.done $0x0  }
0x220: {  	[sflag:s30] =	ssyncadd.s32 $0xFFFFFF80  }
0x221: {  	_ =	swait.ge [sflag:s30], $0x80  }
0x222: {  	[sflag:s30] =	ssyncset.done $0x0  }
0x223: {  	[sflag:s30] =	ssyncadd.s32 $0xFFFFFF80  }
0x224: {  	_ =	swait.ge [sflag:s30], $0x80  }
0x225: {  	[sflag:s30] =	ssyncset.done $0x0  }
0x226: {  	[sflag:s30] =	ssyncadd.s32 $0xFFFFFF80  }
0x227: {  	_ =	swait.ge [sflag:s30], $0x80  }
0x228: {  	[sflag:s30] =	ssyncset.done $0x0  }
0x229: {  	[sflag:s30] =	ssyncadd.s32 $0xFFFFFF80  }
0x22a: {  	_ =	swait.ge [sflag:s30], $0x80  }
0x22b: {  	[sflag:s30] =	ssyncset.done $0x0  }
0x22c: {  	[sflag:s30] =	ssyncadd.s32 $0xFFFFFF80  }
0x22d: {  	_ =	swait.ge [sflag:s30], $0x80  }
0x22e: {  	[sflag:s30] =	ssyncset.done $0x0  }
0x22f: {  	[sflag:s30] =	ssyncadd.s32 $0xFFFFFF80  }
0x230: {  	_ =	swait.ge [sflag:s30], $0x80  }
0x231: {  	[sflag:s30] =	ssyncset.done $0x0  }
0x232: {  	[sflag:s30] =	ssyncadd.s32 $0xFFFFFF80  }
0x233: {  	_ =	swait.ge [sflag:s30], $0x80  }
0x234: {  	[sflag:s30] =	ssyncset.done $0x0  }
0x235: {  	[sflag:s30] =	ssyncadd.s32 $0xFFFFFF80  }
0x236: {  	_ =	swait.ge [sflag:s30], $0x80  }
0x237: {  	[sflag:s30] =	ssyncset.done $0x0  }
0x238: {  	[sflag:s30] =	ssyncadd.s32 $0xFFFFFF80  }
0x239: {  	_ =	swait.ge [sflag:s30], $0x80  }
0x23a: {  	[sflag:s30] =	ssyncset.done $0x0  }
0x23b: {  	[sflag:s30] =	ssyncadd.s32 $0xFFFFFF80  }
0x23c: {  	_ =	swait.ge [sflag:s30], $0x80  }
0x23d: {  	[sflag:s30] =	ssyncset.done $0x0  }
0x23e: {  	[sflag:s30] =	ssyncadd.s32 $0xFFFFFF80  }
0x23f: {  	_ =	swait.ge [sflag:s30], $0x80  }
0x240: {  	[sflag:s30] =	ssyncset.done $0x0  }
0x241: {  	[sflag:s30] =	ssyncadd.s32 $0xFFFFFF80  }
0x242: {  	_ =	swait.ge [sflag:s30], $0x80  }
0x243: {  	[sflag:s30] =	ssyncset.done $0x0  }
0x244: {  	[sflag:s30] =	ssyncadd.s32 $0xFFFFFF80  }
0x245: {  	_ =	swait.ge [sflag:s30], $0x80  }
0x246: {  	[sflag:s30] =	ssyncset.done $0x0  }
0x247: {  	[sflag:s30] =	ssyncadd.s32 $0xFFFFFF80  }
0x248: {  	_ =	swait.ge [sflag:s30], $0x80  }
0x249: {  	[sflag:s30] =	ssyncset.done $0x0  }
0x24a: {  	[sflag:s30] =	ssyncadd.s32 $0xFFFFFF80  }
0x24b: {  	_ =	swait.ge [sflag:s30], $0x80  }
0x24c: {  	[sflag:s30] =	ssyncset.done $0x0  }
0x24d: {  	[sflag:s30] =	ssyncadd.s32 $0xFFFFFF80  }
0x24e: {  	_ =	swait.ge [sflag:s30], $0x80  }
0x24f: {  	[sflag:s30] =	ssyncset.done $0x0  }
0x250: {  	[sflag:s30] =	ssyncadd.s32 $0xFFFFFF80  }
0x251: {  	_ =	swait.ge [sflag:s30], $0x80  }
0x252: {  	[sflag:s30] =	ssyncset.done $0x0  }
0x253: {  	[sflag:s30] =	ssyncadd.s32 $0xFFFFFF80  }
0x254: {  	_ =	swait.ge [sflag:s30], $0x80  }
0x255: {  	[sflag:s30] =	ssyncset.done $0x0  }
0x256: {  	[sflag:s30] =	ssyncadd.s32 $0xFFFFFF80  }
0x257: {  	_ =	swait.ge [sflag:s30], $0x80  }
0x258: {  	[sflag:s30] =	ssyncset.done $0x0  }
0x259: {  	[sflag:s30] =	ssyncadd.s32 $0xFFFFFF80  }
0x25a: {  	_ =	swait.ge [sflag:s30], $0x80  }
0x25b: {  	[sflag:s30] =	ssyncset.done $0x0  }
0x25c: {  	[sflag:s30] =	ssyncadd.s32 $0xFFFFFF80  }
0x25d: {  	_ =	swait.ge [sflag:s30], $0x80  }
0x25e: {  	[sflag:s30] =	ssyncset.done $0x0  }
0x25f: {  	[sflag:s30] =	ssyncadd.s32 $0xFFFFFF80  }
0x260: {  	_ =	swait.ge [sflag:s30], $0x80  }
0x261: {  	[sflag:s30] =	ssyncset.done $0x0  }
0x262: {  	[sflag:s30] =	ssyncadd.s32 $0xFFFFFF80  }
0x263: {  	_ =	swait.ge [sflag:s30], $0x80  }
0x264: {  	[sflag:s30] =	ssyncset.done $0x0  }
0x265: {  	[sflag:s30] =	ssyncadd.s32 $0xFFFFFF80  }
0x266: {  	_ =	swait.ge [sflag:s30], $0x80  }
0x267: {  	[sflag:s30] =	ssyncset.done $0x0  }
0x268: {  	[sflag:s30] =	ssyncadd.s32 $0xFFFFFF80  }
0x269: {  	_ =	swait.ge [sflag:s30], $0x80  }
0x26a: {  	[sflag:s30] =	ssyncset.done $0x0  }
0x26b: {  	[sflag:s30] =	ssyncadd.s32 $0xFFFFFF80  }
0x26c: {  	_ =	swait.ge [sflag:s30], $0x80  }
0x26d: {  	[sflag:s30] =	ssyncset.done $0x0  }
0x26e: {  	[sflag:s30] =	ssyncadd.s32 $0xFFFFFF80  }
0x26f: {  	_ =	swait.ge [sflag:s30], $0x80  }
0x270: {  	[sflag:s30] =	ssyncset.done $0x0  }
0x271: {  	[sflag:s30] =	ssyncadd.s32 $0xFFFFFF80  }
0x272: {  	_ =	swait.ge [sflag:s30], $0x80  }
0x273: {  	[sflag:s30] =	ssyncset.done $0x0  }
0x274: {  	[sflag:s30] =	ssyncadd.s32 $0xFFFFFF80  }
0x275: {  	_ =	swait.ge [sflag:s30], $0x80  }
0x276: {  	[sflag:s30] =	ssyncset.done $0x0  }
0x277: {  	[sflag:s30] =	ssyncadd.s32 $0xFFFFFF80  }
0x278: {  	_ =	swait.ge [sflag:s30], $0x80  }
0x279: {  	[sflag:s30] =	ssyncset.done $0x0  }
0x27a: {  	[sflag:s30] =	ssyncadd.s32 $0xFFFFFF80  }
0x27b: {  	_ =	swait.ge [sflag:s30], $0x80  }
0x27c: {  	[sflag:s30] =	ssyncset.done $0x0  }
0x27d: {  	[sflag:s30] =	ssyncadd.s32 $0xFFFFFF80  }
0x27e: {  	_ =	swait.ge [sflag:s30], $0x80  }
0x27f: {  	[sflag:s30] =	ssyncset.done $0x0  }
0x280: {  	[sflag:s30] =	ssyncadd.s32 $0xFFFFFF80  }
0x281: {  	_ =	swait.ge [sflag:s30], $0x80  }
0x282: {  	[sflag:s30] =	ssyncset.done $0x0  }
0x283: {  	[sflag:s30] =	ssyncadd.s32 $0xFFFFFF80  }
0x284: {  	_ =	swait.ge [sflag:s30], $0x80  }
0x285: {  	[sflag:s30] =	ssyncset.done $0x0  }
0x286: {  	[sflag:s30] =	ssyncadd.s32 $0xFFFFFF80  }
0x287: {  	_ =	swait.ge [sflag:s30], $0x80  }
0x288: {  	p2 =	seq.s32 s2, $0x1F;
	[sflag:s30] =	ssyncset.done $0x0  }
0x289: {  	p3 =	sne.s32 @!p2 s6, $0x0;
	[sflag:s30] =	ssyncadd.s32 $0xFFFFFF80  }
0x28a: {  	p3 =	por p3, p2;
	s10 =	sadd.s32 @!p2 $0x1, s13;
	_ =	swait.ge [sflag:s30], $0x80  }
0x28b: {  	s28 =	simm.s32 @!p3 $0x80;
	s12 =	sshrl.u32 @!p3 s10, $0x3;
	[sflag:s30] =	ssyncset.done $0x0  }
0x28c: {  	s23 =	sshll.u32 @!p3 s10, $0x7;
	s12 =	smul.u32 @!p3 $0x7A1400, s12;
	[sflag:s30] =	ssyncadd.s32 $0xFFFFFF80  }
0x28d: {  	s29 =	simm.s32 @!p3 $0x1C01;
	s23 =	sand.u32 @!p3 $0x380, s23;
	_ =	swait.ge [sflag:s30], $0x80  }
0x28e: {  	s25 =	simm.s32 @!p3 $0x1;
	s12 =	sor.u32 @!p3 s23, s12;
	[sflag:s30] =	ssyncset.done $0x0  }
0x28f: {  	s26 =	simm.s32 @!p3 $0x10;
	s12 =	sshrl.u32 @!p3 s12, $0x3;
	[sflag:s30] =	ssyncadd.s32 $0xFFFFFF80  }
0x290: {  	s23 =	sshrl.u32 @!p3 s3, $0x3;
	s12 =	sadd.s32 @!p3 s1, s12;
	[bflag:$0x0] =	sbarrier.arrive $0xFFFF  }
0x291: {  	[spmem:s23@s26], [sflag:s29] =	dma.strided @!p3 [hbm:s12@s28], $0x3D00, s25, $0x10   }
0x292: {  	p3 =	por !p4, p2  }
0x293: {  	s12 =	sshrl.u32 @!p3 s10, $0x3  }
0x294: {  	s23 =	sshll.u32 @!p3 s10, $0x7;
	s12 =	smul.u32 @!p3 $0x7A1400, s12  }
0x295: {  	s23 =	sand.u32 @!p3 $0x380, s23  }
0x296: {  	s12 =	sor.u32 @!p3 s23, s12  }
0x297: {  	s25 =	sshrl.u32 @!p3 s16, $0x3;
	s26 =	simm.s32 @!p3 $0x1;
	s12 =	sshrl.u32 @!p3 s12, $0x3  }
0x298: {  	s28 =	simm.s32 @!p3 $0x10;
	s23 =	sshll.u32 @!p3 s6, $0x6;
	s12 =	sadd.s32 @!p3 s1, s12  }
0x299: {  	s29 =	simm.s32 @!p3 $0x80;
	s23 =	sor.u32 @!p3 $0x1C01, s23;
	s12 =	sadd.s32 @!p3 $0x1E800, s12  }
0x29a: {  	[spmem:s25@s28], [sflag:s23] =	dma.strided @!p3 [hbm:s12@s29], $0x3D00, s26, $0x10   }
0x29b: {  	p3 =	por !p5, p2  }
0x29c: {  	s12 =	sshrl.u32 @!p3 s10, $0x3  }
0x29d: {  	s23 =	sshll.u32 @!p3 s10, $0x7;
	s12 =	smul.u32 @!p3 $0x7A1400, s12  }
0x29e: {  	s23 =	sand.u32 @!p3 $0x380, s23  }
0x29f: {  	s12 =	sor.u32 @!p3 s23, s12  }
0x2a0: {  	s25 =	sshrl.u32 @!p3 s15, $0x3;
	s26 =	simm.s32 @!p3 $0x1;
	s12 =	sshrl.u32 @!p3 s12, $0x3  }
0x2a1: {  	s28 =	simm.s32 @!p3 $0x10;
	s23 =	sshll.u32 @!p3 s6, $0x6;
	s12 =	sadd.s32 @!p3 s1, s12  }
0x2a2: {  	s29 =	simm.s32 @!p3 $0x80;
	s23 =	sor.u32 @!p3 $0x1C01, s23;
	s12 =	sadd.s32 @!p3 $0x3D000, s12  }
0x2a3: {  	[spmem:s25@s28], [sflag:s23] =	dma.strided @!p3 [hbm:s12@s29], $0x3D00, s26, $0x10   }
0x2a4: {  	p3 =	por !p6, p2  }
0x2a5: {  	s12 =	sshrl.u32 @!p3 s10, $0x3  }
0x2a6: {  	s10 =	sshll.u32 @!p3 s10, $0x7;
	s12 =	smul.u32 @!p3 $0x7A1400, s12  }
0x2a7: {  	s10 =	sand.u32 @!p3 $0x380, s10  }
0x2a8: {  	s10 =	sor.u32 @!p3 s10, s12  }
0x2a9: {  	s23 =	sshrl.u32 @!p3 s14, $0x3;
	s25 =	simm.s32 @!p3 $0x1;
	s10 =	sshrl.u32 @!p3 s10, $0x3  }
0x2aa: {  	s26 =	simm.s32 @!p3 $0x10;
	s12 =	sshll.u32 @!p3 s6, $0x6;
	s10 =	sadd.s32 @!p3 s1, s10  }
0x2ab: {  	s28 =	simm.s32 @!p3 $0x80;
	s12 =	sor.u32 @!p3 $0x1C01, s12;
	s10 =	sadd.s32 @!p3 $0x5B800, s10  }
0x2ac: {  	[spmem:s23@s26], [sflag:s12] =	dma.strided @!p3 [hbm:s10@s28], $0x3D00, s25, $0x10   }
0x2ad: {  	s28 =	sld [smem:$0x7EE];
	_ =	sdelay $0x2  }
0x2ae: {  	p3 =	seq.s32 s28, $0x1  }
0x2af: {  	s26 =	simm.s32 @p3 $0x1  }
0x2b0: {  	_ =	swait.ge @p3 [sflag:s26], $0x3D00  }
0x2b1: {  	[sflag:s26] =	ssyncset.done @p3 $0x0  }
0x2b2: {  	s25 =	simm.s32 @p1 $0x1;
	[sflag:s26] =	ssyncadd.s32 @p3 $0xFFFFC300  }
0x2b3: {  	_ =	swait.ge @p1 [sflag:s25], $0x3D00  }
0x2b4: {  	s29 =	sld [smem:$0x7ED];
	_ =	sdelay $0x2  }
0x2b5: {  	[sflag:s25] =	ssyncset.done @p1 $0x0;
	p3 =	seq.s32 s29, $0x1  }
0x2b6: {  	[sflag:s25] =	ssyncadd.s32 @p1 $0xFFFFC300;
	s23 =	simm.s32 @p3 $0x1  }
0x2b7: {  	_ =	swait.ge @p3 [sflag:s23], $0x3D00  }
0x2b8: {  	s31 =	sld [smem:$0x7F1];
	_ =	sdelay $0x1  }
0x2b9: {  	[sflag:s23] =	ssyncset.done @p3 $0x0  }
0x2ba: {  	[sflag:s23] =	ssyncadd.s32 @p3 $0xFFFFC300;
	p3 =	seq.s32 s31, $0x1  }
0x2bb: {  	s12 =	simm.s32 @p3 $0x1  }
0x2bc: {  	_ =	swait.ge @p3 [sflag:s12], $0x3D00  }
0x2bd: {  	[sflag:s12] =	ssyncset.done @p3 $0x0  }
0x2be: {  	s10 =	simm.s32 @p0 $0x4;
	[sflag:s12] =	ssyncadd.s32 @p3 $0xFFFFC300  }
0x2bf: {  	_ =	swait.ge @p0 [sflag:s10], $0x280  }
0x2c0: {  	[sflag:s10] =	ssyncset.done @p0 $0x0  }
0x2c1: {  	s28 =	simm.s32 @p0 $0x5;
	[sflag:s10] =	ssyncadd.s32 @p0 $0xFFFFFD80;
	s10 =	simm.s32 @p0 $0xA400  }
0x2c2: {  	[spmem:s18] =	stream.linear.scatter @p0 [tilespmem:s10], [sflag:$0x5], $0x280, $0x38;
	[tilespmem:$0x19AA8] =	vst v63  }
0x2c3: {  	_ =	swait.ge @p0 [sflag:s28], $0x280  }
0x2c4: {  	[sflag:s28] =	ssyncset.done @p0 $0x0  }
0x2c5: {  	[sflag:s28] =	ssyncadd.s32 @p0 $0xFFFFFD80  }
0x2c6: {  	s9 =	simm.s32 $0x2800;
	s28 =	simm.s32 $0x7800;
	[bflag:$0x0] =	sbarrier.arrive $0xFFFF  }
0x2c7: {  	[tilespmem:s28], [sflag:$0x2] =	stream.indirect.gather [spmem:s4], $0x1, s9, s22, $0xb8;
	[tilespmem:$0x19AA8] =	vst v63  }
0x2c8: {  	s29 =	simm.s32 $0x2880;
	s31 =	simm.s32 $0x7880  }
0x2c9: {  	[tilespmem:s31], [sflag:$0x2] =	stream.indirect.gather [spmem:s4], $0x1, s29, s22, $0xb8;
	[tilespmem:$0x19AA8] =	vst v63  }
0x2ca: {  	s9 =	simm.s32 $0x2900;
	s28 =	simm.s32 $0x7900  }
0x2cb: {  	[tilespmem:s28], [sflag:$0x2] =	stream.indirect.gather [spmem:s4], $0x1, s9, s22, $0xb8;
	[tilespmem:$0x19AA8] =	vst v63  }
0x2cc: {  	s29 =	simm.s32 $0x2980;
	s31 =	simm.s32 $0x7980  }
0x2cd: {  	[tilespmem:s31], [sflag:$0x2] =	stream.indirect.gather [spmem:s4], $0x1, s29, s22, $0xb8;
	[tilespmem:$0x19AA8] =	vst v63  }
0x2ce: {  	s9 =	simm.s32 $0x2A00;
	s28 =	simm.s32 $0x7A00  }
0x2cf: {  	[tilespmem:s28], [sflag:$0x2] =	stream.indirect.gather [spmem:s4], $0x1, s9, s22, $0xb8;
	[tilespmem:$0x19AA8] =	vst v63  }
0x2d0: {  	s29 =	simm.s32 $0x2A80;
	s31 =	simm.s32 $0x7A80  }
0x2d1: {  	[tilespmem:s31], [sflag:$0x2] =	stream.indirect.gather [spmem:s4], $0x1, s29, s22, $0xb8;
	[tilespmem:$0x19AA8] =	vst v63  }
0x2d2: {  	s9 =	simm.s32 $0x2B00;
	s28 =	simm.s32 $0x7B00  }
0x2d3: {  	[tilespmem:s28], [sflag:$0x2] =	stream.indirect.gather [spmem:s4], $0x1, s9, s22, $0xb8;
	[tilespmem:$0x19AA8] =	vst v63  }
0x2d4: {  	s29 =	simm.s32 $0x2B80;
	s31 =	simm.s32 $0x7B80  }
0x2d5: {  	[tilespmem:s31], [sflag:$0x2] =	stream.indirect.gather [spmem:s4], $0x1, s29, s22, $0xb8;
	[tilespmem:$0x19AA8] =	vst v63  }
0x2d6: {  	s9 =	simm.s32 $0x2C00;
	s28 =	simm.s32 $0x7C00  }
0x2d7: {  	[tilespmem:s28], [sflag:$0x2] =	stream.indirect.gather [spmem:s4], $0x1, s9, s22, $0xb8;
	[tilespmem:$0x19AA8] =	vst v63  }
0x2d8: {  	s29 =	simm.s32 $0x2C80;
	s31 =	simm.s32 $0x7C80  }
0x2d9: {  	[tilespmem:s31], [sflag:$0x2] =	stream.indirect.gather [spmem:s4], $0x1, s29, s22, $0xb8;
	[tilespmem:$0x19AA8] =	vst v63  }
0x2da: {  	s9 =	simm.s32 $0x2D00;
	s28 =	simm.s32 $0x7D00  }
0x2db: {  	[tilespmem:s28], [sflag:$0x2] =	stream.indirect.gather [spmem:s4], $0x1, s9, s22, $0xb8;
	[tilespmem:$0x19AA8] =	vst v63  }
0x2dc: {  	s29 =	simm.s32 $0x2D80;
	s31 =	simm.s32 $0x7D80  }
0x2dd: {  	[tilespmem:s31], [sflag:$0x2] =	stream.indirect.gather [spmem:s4], $0x1, s29, s22, $0xb8;
	[tilespmem:$0x19AA8] =	vst v63  }
0x2de: {  	s9 =	simm.s32 $0x2E00;
	s28 =	simm.s32 $0x7E00  }
0x2df: {  	[tilespmem:s28], [sflag:$0x2] =	stream.indirect.gather [spmem:s4], $0x1, s9, s22, $0xb8;
	[tilespmem:$0x19AA8] =	vst v63  }
0x2e0: {  	s29 =	simm.s32 $0x2E80;
	s31 =	simm.s32 $0x7E80  }
0x2e1: {  	[tilespmem:s31], [sflag:$0x2] =	stream.indirect.gather [spmem:s4], $0x1, s29, s22, $0xb8;
	[tilespmem:$0x19AA8] =	vst v63  }
0x2e2: {  	s9 =	simm.s32 $0x2F00;
	s28 =	simm.s32 $0x7F00  }
0x2e3: {  	[tilespmem:s28], [sflag:$0x2] =	stream.indirect.gather [spmem:s4], $0x1, s9, s22, $0xb8;
	[tilespmem:$0x19AA8] =	vst v63  }
0x2e4: {  	s29 =	simm.s32 $0x2F80;
	s31 =	simm.s32 $0x7F80  }
0x2e5: {  	[tilespmem:s31], [sflag:$0x2] =	stream.indirect.gather [spmem:s4], $0x1, s29, s22, $0xb8;
	[tilespmem:$0x19AA8] =	vst v63  }
0x2e6: {  	s9 =	simm.s32 $0x3000;
	s28 =	simm.s32 $0x8000  }
0x2e7: {  	[tilespmem:s28], [sflag:$0x2] =	stream.indirect.gather [spmem:s4], $0x1, s9, s22, $0xb8;
	[tilespmem:$0x19AA8] =	vst v63  }
0x2e8: {  	s29 =	simm.s32 $0x3080;
	s31 =	simm.s32 $0x8080  }
0x2e9: {  	[tilespmem:s31], [sflag:$0x2] =	stream.indirect.gather [spmem:s4], $0x1, s29, s22, $0xb8;
	[tilespmem:$0x19AA8] =	vst v63  }
0x2ea: {  	s9 =	simm.s32 $0x3100;
	s28 =	simm.s32 $0x8100  }
0x2eb: {  	[tilespmem:s28], [sflag:$0x2] =	stream.indirect.gather [spmem:s4], $0x1, s9, s22, $0xb8;
	[tilespmem:$0x19AA8] =	vst v63  }
0x2ec: {  	s29 =	simm.s32 $0x3180;
	s31 =	simm.s32 $0x8180  }
0x2ed: {  	[tilespmem:s31], [sflag:$0x2] =	stream.indirect.gather [spmem:s4], $0x1, s29, s22, $0xb8;
	[tilespmem:$0x19AA8] =	vst v63  }
0x2ee: {  	s9 =	simm.s32 $0x3200;
	s28 =	simm.s32 $0x8200  }
0x2ef: {  	[tilespmem:s28], [sflag:$0x2] =	stream.indirect.gather [spmem:s4], $0x1, s9, s22, $0xb8;
	[tilespmem:$0x19AA8] =	vst v63  }
0x2f0: {  	s29 =	simm.s32 $0x3280;
	s31 =	simm.s32 $0x8280  }
0x2f1: {  	[tilespmem:s31], [sflag:$0x2] =	stream.indirect.gather [spmem:s4], $0x1, s29, s22, $0xb8;
	[tilespmem:$0x19AA8] =	vst v63  }
0x2f2: {  	s9 =	simm.s32 $0x3300;
	s28 =	simm.s32 $0x8300  }
0x2f3: {  	[tilespmem:s28], [sflag:$0x2] =	stream.indirect.gather [spmem:s4], $0x1, s9, s22, $0xb8;
	[tilespmem:$0x19AA8] =	vst v63  }
0x2f4: {  	s29 =	simm.s32 $0x3380;
	s31 =	simm.s32 $0x8380  }
0x2f5: {  	[tilespmem:s31], [sflag:$0x2] =	stream.indirect.gather [spmem:s4], $0x1, s29, s22, $0xb8;
	[tilespmem:$0x19AA8] =	vst v63  }
0x2f6: {  	s9 =	simm.s32 $0x3400;
	s28 =	simm.s32 $0x8400  }
0x2f7: {  	[tilespmem:s28], [sflag:$0x2] =	stream.indirect.gather [spmem:s4], $0x1, s9, s22, $0xb8;
	[tilespmem:$0x19AA8] =	vst v63  }
0x2f8: {  	s29 =	simm.s32 $0x3480;
	s31 =	simm.s32 $0x8480  }
0x2f9: {  	[tilespmem:s31], [sflag:$0x2] =	stream.indirect.gather [spmem:s4], $0x1, s29, s22, $0xb8;
	[tilespmem:$0x19AA8] =	vst v63  }
0x2fa: {  	s9 =	simm.s32 $0x3500;
	s28 =	simm.s32 $0x8500  }
0x2fb: {  	[tilespmem:s28], [sflag:$0x2] =	stream.indirect.gather [spmem:s4], $0x1, s9, s22, $0xb8;
	[tilespmem:$0x19AA8] =	vst v63  }
0x2fc: {  	s29 =	simm.s32 $0x3580;
	s31 =	simm.s32 $0x8580  }
0x2fd: {  	[tilespmem:s31], [sflag:$0x2] =	stream.indirect.gather [spmem:s4], $0x1, s29, s22, $0xb8;
	[tilespmem:$0x19AA8] =	vst v63  }
0x2fe: {  	s9 =	simm.s32 $0x3600;
	s28 =	simm.s32 $0x8600  }
0x2ff: {  	[tilespmem:s28], [sflag:$0x2] =	stream.indirect.gather [spmem:s4], $0x1, s9, s22, $0xb8;
	[tilespmem:$0x19AA8] =	vst v63  }
0x300: {  	s29 =	simm.s32 $0x3680;
	s31 =	simm.s32 $0x8680  }
0x301: {  	[tilespmem:s31], [sflag:$0x2] =	stream.indirect.gather [spmem:s4], $0x1, s29, s22, $0xb8;
	[tilespmem:$0x19AA8] =	vst v63  }
0x302: {  	s9 =	simm.s32 $0x3700;
	s28 =	simm.s32 $0x8700  }
0x303: {  	[tilespmem:s28], [sflag:$0x2] =	stream.indirect.gather [spmem:s4], $0x1, s9, s22, $0xb8;
	[tilespmem:$0x19AA8] =	vst v63  }
0x304: {  	s29 =	simm.s32 $0x3780;
	s31 =	simm.s32 $0x8780  }
0x305: {  	[tilespmem:s31], [sflag:$0x2] =	stream.indirect.gather [spmem:s4], $0x1, s29, s22, $0xb8;
	[tilespmem:$0x19AA8] =	vst v63  }
0x306: {  	s9 =	simm.s32 $0x3800;
	s28 =	simm.s32 $0x8800  }
0x307: {  	[tilespmem:s28], [sflag:$0x2] =	stream.indirect.gather [spmem:s4], $0x1, s9, s22, $0xb8;
	[tilespmem:$0x19AA8] =	vst v63  }
0x308: {  	s29 =	simm.s32 $0x3880;
	s31 =	simm.s32 $0x8880  }
0x309: {  	[tilespmem:s31], [sflag:$0x2] =	stream.indirect.gather [spmem:s4], $0x1, s29, s22, $0xb8;
	[tilespmem:$0x19AA8] =	vst v63  }
0x30a: {  	s9 =	simm.s32 $0x3900;
	s28 =	simm.s32 $0x8900  }
0x30b: {  	[tilespmem:s28], [sflag:$0x2] =	stream.indirect.gather [spmem:s4], $0x1, s9, s22, $0xb8;
	[tilespmem:$0x19AA8] =	vst v63  }
0x30c: {  	s29 =	simm.s32 $0x3980;
	s31 =	simm.s32 $0x8980  }
0x30d: {  	[tilespmem:s31], [sflag:$0x2] =	stream.indirect.gather [spmem:s4], $0x1, s29, s22, $0xb8;
	[tilespmem:$0x19AA8] =	vst v63  }
0x30e: {  	s28 =	simm.s32 $0x3A00;
	s29 =	simm.s32 $0x8A00  }
0x30f: {  	[tilespmem:s29], [sflag:$0x2] =	stream.indirect.gather [spmem:s4], $0x1, s28, s22, $0xb8;
	[tilespmem:$0x19AA8] =	vst v63  }
0x310: {  	s31 =	simm.s32 $0x3A80  }
0x311: {  	[tilespmem:s5], [sflag:$0x2] =	stream.indirect.gather [spmem:s4], $0x1, s31, s22, $0xb8;
	[tilespmem:$0x19AA8] =	vst v63  }
0x312: {  	_ = 	snop  }
0x313: {  	[tilespmem:s19], [sflag:$0x2] =	stream.indirect.gather [spmem:s4], $0x1, s8, s22, $0xb8;
	[tilespmem:$0x19AA8] =	vst v63  }
0x314: {  	_ = 	snop  }
0x315: {  	[tilespmem:s11], [sflag:$0x2] =	stream.indirect.gather [spmem:s4], $0x1, s20, s22, $0xb8;
	[tilespmem:$0x19AA8] =	vst v63  }
0x316: {  	_ =	swait.ge [sflag:s30], $0x80  }
0x317: {  	[sflag:s30] =	ssyncset.done $0x0  }
0x318: {  	[sflag:s30] =	ssyncadd.s32 $0xFFFFFF80  }
0x319: {  	_ =	swait.ge [sflag:s30], $0x80  }
0x31a: {  	[sflag:s30] =	ssyncset.done $0x0  }
0x31b: {  	[sflag:s30] =	ssyncadd.s32 $0xFFFFFF80  }
0x31c: {  	_ =	swait.ge [sflag:s30], $0x80  }
0x31d: {  	[sflag:s30] =	ssyncset.done $0x0  }
0x31e: {  	[sflag:s30] =	ssyncadd.s32 $0xFFFFFF80  }
0x31f: {  	_ =	swait.ge [sflag:s30], $0x80  }
0x320: {  	[sflag:s30] =	ssyncset.done $0x0  }
0x321: {  	[sflag:s30] =	ssyncadd.s32 $0xFFFFFF80  }
0x322: {  	_ =	swait.ge [sflag:s30], $0x80  }
0x323: {  	[sflag:s30] =	ssyncset.done $0x0  }
0x324: {  	[sflag:s30] =	ssyncadd.s32 $0xFFFFFF80  }
0x325: {  	_ =	swait.ge [sflag:s30], $0x80  }
0x326: {  	[sflag:s30] =	ssyncset.done $0x0  }
0x327: {  	[sflag:s30] =	ssyncadd.s32 $0xFFFFFF80  }
0x328: {  	_ =	swait.ge [sflag:s30], $0x80  }
0x329: {  	[sflag:s30] =	ssyncset.done $0x0  }
0x32a: {  	[sflag:s30] =	ssyncadd.s32 $0xFFFFFF80  }
0x32b: {  	_ =	swait.ge [sflag:s30], $0x80  }
0x32c: {  	[sflag:s30] =	ssyncset.done $0x0  }
0x32d: {  	[sflag:s30] =	ssyncadd.s32 $0xFFFFFF80  }
0x32e: {  	_ =	swait.ge [sflag:s30], $0x80  }
0x32f: {  	[sflag:s30] =	ssyncset.done $0x0  }
0x330: {  	[sflag:s30] =	ssyncadd.s32 $0xFFFFFF80  }
0x331: {  	_ =	swait.ge [sflag:s30], $0x80  }
0x332: {  	[sflag:s30] =	ssyncset.done $0x0  }
0x333: {  	[sflag:s30] =	ssyncadd.s32 $0xFFFFFF80  }
0x334: {  	_ =	swait.ge [sflag:s30], $0x80  }
0x335: {  	[sflag:s30] =	ssyncset.done $0x0  }
0x336: {  	[sflag:s30] =	ssyncadd.s32 $0xFFFFFF80  }
0x337: {  	_ =	swait.ge [sflag:s30], $0x80  }
0x338: {  	[sflag:s30] =	ssyncset.done $0x0  }
0x339: {  	[sflag:s30] =	ssyncadd.s32 $0xFFFFFF80  }
0x33a: {  	_ =	swait.ge [sflag:s30], $0x80  }
0x33b: {  	[sflag:s30] =	ssyncset.done $0x0  }
0x33c: {  	[sflag:s30] =	ssyncadd.s32 $0xFFFFFF80  }
0x33d: {  	_ =	swait.ge [sflag:s30], $0x80  }
0x33e: {  	[sflag:s30] =	ssyncset.done $0x0  }
0x33f: {  	[sflag:s30] =	ssyncadd.s32 $0xFFFFFF80  }
0x340: {  	_ =	swait.ge [sflag:s30], $0x80  }
0x341: {  	[sflag:s30] =	ssyncset.done $0x0  }
0x342: {  	[sflag:s30] =	ssyncadd.s32 $0xFFFFFF80  }
0x343: {  	_ =	swait.ge [sflag:s30], $0x80  }
0x344: {  	[sflag:s30] =	ssyncset.done $0x0  }
0x345: {  	[sflag:s30] =	ssyncadd.s32 $0xFFFFFF80  }
0x346: {  	_ =	swait.ge [sflag:s30], $0x80  }
0x347: {  	[sflag:s30] =	ssyncset.done $0x0  }
0x348: {  	[sflag:s30] =	ssyncadd.s32 $0xFFFFFF80  }
0x349: {  	_ =	swait.ge [sflag:s30], $0x80  }
0x34a: {  	[sflag:s30] =	ssyncset.done $0x0  }
0x34b: {  	[sflag:s30] =	ssyncadd.s32 $0xFFFFFF80  }
0x34c: {  	_ =	swait.ge [sflag:s30], $0x80  }
0x34d: {  	[sflag:s30] =	ssyncset.done $0x0  }
0x34e: {  	[sflag:s30] =	ssyncadd.s32 $0xFFFFFF80  }
0x34f: {  	_ =	swait.ge [sflag:s30], $0x80  }
0x350: {  	[sflag:s30] =	ssyncset.done $0x0  }
0x351: {  	[sflag:s30] =	ssyncadd.s32 $0xFFFFFF80  }
0x352: {  	_ =	swait.ge [sflag:s30], $0x80  }
0x353: {  	[sflag:s30] =	ssyncset.done $0x0  }
0x354: {  	[sflag:s30] =	ssyncadd.s32 $0xFFFFFF80  }
0x355: {  	_ =	swait.ge [sflag:s30], $0x80  }
0x356: {  	[sflag:s30] =	ssyncset.done $0x0  }
0x357: {  	[sflag:s30] =	ssyncadd.s32 $0xFFFFFF80  }
0x358: {  	_ =	swait.ge [sflag:s30], $0x80  }
0x359: {  	[sflag:s30] =	ssyncset.done $0x0  }
0x35a: {  	[sflag:s30] =	ssyncadd.s32 $0xFFFFFF80  }
0x35b: {  	_ =	swait.ge [sflag:s30], $0x80  }
0x35c: {  	[sflag:s30] =	ssyncset.done $0x0  }
0x35d: {  	[sflag:s30] =	ssyncadd.s32 $0xFFFFFF80  }
0x35e: {  	_ =	swait.ge [sflag:s30], $0x80  }
0x35f: {  	[sflag:s30] =	ssyncset.done $0x0  }
0x360: {  	[sflag:s30] =	ssyncadd.s32 $0xFFFFFF80  }
0x361: {  	_ =	swait.ge [sflag:s30], $0x80  }
0x362: {  	[sflag:s30] =	ssyncset.done $0x0  }
0x363: {  	[sflag:s30] =	ssyncadd.s32 $0xFFFFFF80  }
0x364: {  	_ =	swait.ge [sflag:s30], $0x80  }
0x365: {  	[sflag:s30] =	ssyncset.done $0x0  }
0x366: {  	[sflag:s30] =	ssyncadd.s32 $0xFFFFFF80  }
0x367: {  	_ =	swait.ge [sflag:s30], $0x80  }
0x368: {  	[sflag:s30] =	ssyncset.done $0x0  }
0x369: {  	[sflag:s30] =	ssyncadd.s32 $0xFFFFFF80  }
0x36a: {  	_ =	swait.ge [sflag:s30], $0x80  }
0x36b: {  	[sflag:s30] =	ssyncset.done $0x0  }
0x36c: {  	[sflag:s30] =	ssyncadd.s32 $0xFFFFFF80  }
0x36d: {  	_ =	swait.ge [sflag:s30], $0x80  }
0x36e: {  	[sflag:s30] =	ssyncset.done $0x0  }
0x36f: {  	[sflag:s30] =	ssyncadd.s32 $0xFFFFFF80  }
0x370: {  	_ =	swait.ge [sflag:s30], $0x80  }
0x371: {  	[sflag:s30] =	ssyncset.done $0x0  }
0x372: {  	[sflag:s30] =	ssyncadd.s32 $0xFFFFFF80  }
0x373: {  	_ =	swait.ge [sflag:s30], $0x80  }
0x374: {  	[sflag:s30] =	ssyncset.done $0x0  }
0x375: {  	[sflag:s30] =	ssyncadd.s32 $0xFFFFFF80  }
0x376: {  	_ =	swait.ge [sflag:s30], $0x80  }
0x377: {  	[sflag:s30] =	ssyncset.done $0x0  }
0x378: {  	[sflag:s30] =	ssyncadd.s32 $0xFFFFFF80  }
0x379: {  	_ =	swait.ge [sflag:s30], $0x80  }
0x37a: {  	[sflag:s30] =	ssyncset.done $0x0  }
0x37b: {  	[sflag:s30] =	ssyncadd.s32 $0xFFFFFF80  }
0x37c: {  	_ =	swait.ge [sflag:s30], $0x80  }
0x37d: {  	[sflag:s30] =	ssyncset.done $0x0  }
0x37e: {  	[sflag:s30] =	ssyncadd.s32 $0xFFFFFF80  }
0x37f: {  	_ =	swait.ge [sflag:s30], $0x80  }
0x380: {  	[sflag:s30] =	ssyncset.done $0x0  }
0x381: {  	[sflag:s30] =	ssyncadd.s32 $0xFFFFFF80  }
0x382: {  	_ =	swait.ge [sflag:s30], $0x80  }
0x383: {  	[sflag:s30] =	ssyncset.done $0x0  }
0x384: {  	[sflag:s30] =	ssyncadd.s32 $0xFFFFFF80  }
0x385: {  	_ =	swait.ge [sflag:s30], $0x80  }
0x386: {  	[sflag:s30] =	ssyncset.done $0x0  }
0x387: {  	[sflag:s30] =	ssyncadd.s32 $0xFFFFFF80  }
0x388: {  	_ =	swait.ge [sflag:s30], $0x80  }
0x389: {  	[sflag:s30] =	ssyncset.done $0x0  }
0x38a: {  	[sflag:s30] =	ssyncadd.s32 $0xFFFFFF80  }
.Ltmp5:
0x38b: {  	_ =	swait.ge [sflag:s30], $0x80;
	(pc) =	sbr.rel @p2 .LBB2_11-.Ltmp5, $3  }
0x38c: {  	[sflag:s30] =	ssyncset.done $0x0  }
0x38d: {  	[sflag:s30] =	ssyncadd.s32 $0xFFFFFF80  }
0x38e: {  	[bflag:$0x0] =	sbarrier.arrive $0xFFFF;
	_ =	sdelay $0x1  }
0x38f: {  	s0 =	sld [smem:$0x7EE];
	_ =	sdelay $0x2  }
0x390: {  	s13 =	sadd.s32 $0x1, s13;
	p2 =	seq.s32 s0, $0x1  }
0x391: {  	s28 =	sshrl.u32 @p2 s13, $0x3  }
0x392: {  	s29 =	sshll.u32 @p2 s13, $0x7;
	s28 =	smul.u32 @p2 $0x7A1400, s28  }
0x393: {  	s29 =	sand.u32 @p2 $0x380, s29  }
0x394: {  	s28 =	sor.u32 @p2 s29, s28  }
0x395: {  	s31 =	sshrl.u32 @p2 s4, $0x3;
	s28 =	sshrl.u32 @p2 s28, $0x3  }
0x396: {  	s0 =	simm.s32 @p2 $0x10;
	s29 =	sshll.u32 @p2 s6, $0x6;
	s28 =	sadd.s32 @p2 s1, s28  }
0x397: {  	s9 =	simm.s32 @p2 $0x80;
	s29 =	sor.u32 @p2 $0x1C01, s29;
	s28 =	sadd.s32 @p2 $0x7A000, s28  }
0x398: {  	[spmem:s31@s0], [sflag:s29] =	dma.strided @p2 [hbm:s28@s9], $0x3D00, s26, $0x10   }
0x399: {  	s0 =	sshrl.u32 @p1 s13, $0x3  }
0x39a: {  	s9 =	sshll.u32 @p1 s13, $0x7;
	s0 =	smul.u32 @p1 $0x7A1400, s0  }
0x39b: {  	s9 =	sand.u32 @p1 $0x380, s9  }
0x39c: {  	s0 =	sor.u32 @p1 s9, s0  }
0x39d: {  	s28 =	simm.s32 @p1 $0x10;
	s29 =	simm.s32 @p1 $0x80;
	s0 =	sshrl.u32 @p1 s0, $0x3  }
0x39e: {  	s26 =	rddreg [dreg:$0xd];
	s9 =	sshll.u32 @p1 s6, $0x6;
	s0 =	sadd.s32 @p1 s1, s0  }
0x39f: {  	s26 =	sshrl.u32 @p1 s26, $0x3;
	s9 =	sor.u32 @p1 $0x1C01, s9;
	s0 =	sadd.s32 @p1 $0x98800, s0  }
0x3a0: {  	[spmem:s26@s28], [sflag:s9] =	dma.strided @p1 [hbm:s0@s29], $0x3D00, s25, $0x10   }
0x3a1: {  	s0 =	sld [smem:$0x7ED];
	_ =	sdelay $0x2  }
0x3a2: {  	p2 =	seq.s32 s0, $0x1  }
0x3a3: {  	s0 =	sshrl.u32 @p2 s13, $0x3  }
0x3a4: {  	s9 =	sshll.u32 @p2 s13, $0x7;
	s0 =	smul.u32 @p2 $0x7A1400, s0  }
0x3a5: {  	s9 =	sand.u32 @p2 $0x380, s9  }
0x3a6: {  	s25 =	rddreg [dreg:$0xc];
	s0 =	sor.u32 @p2 s9, s0  }
0x3a7: {  	s25 =	sshrl.u32 @p2 s25, $0x3;
	s0 =	sshrl.u32 @p2 s0, $0x3  }
0x3a8: {  	s26 =	simm.s32 @p2 $0x10;
	s9 =	sshll.u32 @p2 s6, $0x6;
	s0 =	sadd.s32 @p2 s1, s0  }
0x3a9: {  	s28 =	simm.s32 @p2 $0x80;
	s9 =	sor.u32 @p2 $0x1C01, s9;
	s0 =	sadd.s32 @p2 $0xB7000, s0  }
0x3aa: {  	[spmem:s25@s26], [sflag:s9] =	dma.strided @p2 [hbm:s0@s28], $0x3D00, s23, $0x10   }
0x3ab: {  	s0 =	sld [smem:$0x7F1];
	_ =	sdelay $0x2  }
0x3ac: {  	p2 =	seq.s32 s0, $0x1  }
0x3ad: {  	s0 =	sshrl.u32 @p2 s13, $0x3  }
0x3ae: {  	s9 =	sshll.u32 @p2 s13, $0x7;
	s0 =	smul.u32 @p2 $0x7A1400, s0  }
0x3af: {  	s9 =	sand.u32 @p2 $0x380, s9  }
0x3b0: {  	s23 =	rddreg [dreg:$0xa];
	s0 =	sor.u32 @p2 s9, s0  }
0x3b1: {  	s23 =	sshrl.u32 @p2 s23, $0x3;
	s0 =	sshrl.u32 @p2 s0, $0x3  }
0x3b2: {  	s25 =	simm.s32 @p2 $0x10;
	s9 =	sshll.u32 @p2 s6, $0x6;
	s0 =	sadd.s32 @p2 s1, s0  }
0x3b3: {  	s26 =	simm.s32 @p2 $0x80;
	s9 =	sor.u32 @p2 $0x1C01, s9;
	s0 =	sadd.s32 @p2 $0xD5800, s0  }
0x3b4: {  	[spmem:s23@s25], [sflag:s9] =	dma.strided @p2 [hbm:s0@s26], $0x3D00, s12, $0x10   }
0x3b5: {  	s0 =	sshrl.u32 @p0 s13, $0x3  }
0x3b6: {  	s9 =	sshll.u32 @p0 s13, $0x7;
	s0 =	smul.u32 @p0 $0x1400, s0  }
0x3b7: {  	s9 =	sand.u32 @p0 $0x380, s9  }
0x3b8: {  	s0 =	sor.u32 @p0 s9, s0  }
0x3b9: {  	s9 =	rddreg [dreg:$0x3];
	s0 =	sshrl.u32 @p0 s0, $0x3  }
0x3ba: {  	s12 =	simm.s32 @p0 $0x400;
	s0 =	sadd.s32 @p0 s9, s0;
	s9 =	simm.s32 @p0 $0x80  }
0x3bb: {  	[tilespmem:s10], [sflag:$0x4] =	stream.strided.gather @p0 [hbm4b:s0+s9], $0x280, s12, s9, $0x38;
	[tilespmem:$0x19AA8] =	vst v63  }
.LBB2_11:
0x3bc: {  	_ =	swait.ge [sflag:s21], $0x400  }
0x3bd: {  	[sflag:s21] =	ssyncset.done $0x0  }
0x3be: {  	s10 =	simm.s32 $0x0;
	[sflag:s21] =	ssyncadd.s32 $0xFFFFFC00  }
0x3bf: {  	v4 =	vld [tilespmem:s10+$0x5000];
	_ =	sdelay $0x4  }
0x3c0: {  	v5 =	vld [tilespmem:s10+$0x6400]  }
0x3c1: {  	v6 =	vld [tilespmem:s10+$0x3C00]  }
0x3c2: {  	v7 =	vld [tilespmem:s10+$0x7800]  }
0x3c3: {  	v4 =	vld.idx.msk [tilespmem:v4+s24+$0x0], $0xffff;
	_ =	sdelay $0x1  }
0x3c4: {  	v8 =	vld [tilespmem:s10+$0x8C00]  }
0x3c5: {  	vm0 =	veq.s32 v6, $0x0;
	v6 =	vld [tilespmem:s10+$0x5010]  }
0x3c6: {  	v5 =	vsel vm0, v5, v7  }
0x3c7: {  	v4 =	vmul.f32 v5, v4;
	_ =	sdelay $0x1  }
0x3c8: {  	v4 =	vadd.f32 v4, v8  }
0x3c9: {  	v7 =	vld [tilespmem:s10+$0x7810]  }
0x3ca: {  	[tilespmem:s10+$0x8C00] =	vst v4;
	v4 =	vld [tilespmem:s10+$0x3C10]  }
0x3cb: {  	v5 =	vld [tilespmem:s10+$0x6410]  }
0x3cc: {  	v6 =	vld.idx.msk [tilespmem:v6+s24+$0x0], $0xffff;
	_ =	sdelay $0x1  }
0x3cd: {  	v8 =	vld [tilespmem:s10+$0x8C10]  }
0x3ce: {  	vm10 =	veq.s32 v4, $0x0;
	v4 =	vld [tilespmem:s10+$0x5020]  }
0x3cf: {  	v5 =	vsel vm10, v5, v7  }
0x3d0: {  	v5 =	vmul.f32 v5, v6;
	_ =	sdelay $0x1  }
0x3d1: {  	v5 =	vadd.f32 v5, v8  }
0x3d2: {  	v7 =	vld [tilespmem:s10+$0x7820]  }
0x3d3: {  	[tilespmem:s10+$0x8C10] =	vst v5;
	v5 =	vld [tilespmem:s10+$0x3C20]  }
0x3d4: {  	v6 =	vld [tilespmem:s10+$0x6420]  }
0x3d5: {  	v4 =	vld.idx.msk [tilespmem:v4+s24+$0x0], $0xffff;
	_ =	sdelay $0x1  }
0x3d6: {  	v8 =	vld [tilespmem:s10+$0x8C20]  }
0x3d7: {  	vm11 =	veq.s32 v5, $0x0;
	v5 =	vld [tilespmem:s10+$0x5030]  }
0x3d8: {  	v6 =	vsel vm11, v6, v7  }
0x3d9: {  	v4 =	vmul.f32 v6, v4;
	_ =	sdelay $0x1  }
0x3da: {  	v4 =	vadd.f32 v4, v8  }
0x3db: {  	v7 =	vld [tilespmem:s10+$0x7830]  }
0x3dc: {  	[tilespmem:s10+$0x8C20] =	vst v4;
	v4 =	vld [tilespmem:s10+$0x3C30]  }
0x3dd: {  	v6 =	vld [tilespmem:s10+$0x6430]  }
0x3de: {  	v5 =	vld.idx.msk [tilespmem:v5+s24+$0x0], $0xffff;
	_ =	sdelay $0x1  }
0x3df: {  	v8 =	vld [tilespmem:s10+$0x8C30]  }
0x3e0: {  	vm12 =	veq.s32 v4, $0x0;
	v4 =	vld [tilespmem:s10+$0x5040]  }
0x3e1: {  	v6 =	vsel vm12, v6, v7  }
0x3e2: {  	v5 =	vmul.f32 v6, v5;
	_ =	sdelay $0x1  }
0x3e3: {  	v5 =	vadd.f32 v5, v8  }
0x3e4: {  	v7 =	vld [tilespmem:s10+$0x7840]  }
0x3e5: {  	[tilespmem:s10+$0x8C30] =	vst v5;
	v5 =	vld [tilespmem:s10+$0x3C40]  }
0x3e6: {  	v6 =	vld [tilespmem:s10+$0x6440]  }
0x3e7: {  	v4 =	vld.idx.msk [tilespmem:v4+s24+$0x0], $0xffff;
	_ =	sdelay $0x1  }
0x3e8: {  	v8 =	vld [tilespmem:s10+$0x8C40]  }
0x3e9: {  	vm13 =	veq.s32 v5, $0x0;
	v5 =	vld [tilespmem:s10+$0x5050]  }
0x3ea: {  	v6 =	vsel vm13, v6, v7  }
0x3eb: {  	v4 =	vmul.f32 v6, v4;
	_ =	sdelay $0x1  }
0x3ec: {  	v4 =	vadd.f32 v4, v8  }
0x3ed: {  	v7 =	vld [tilespmem:s10+$0x7850]  }
0x3ee: {  	[tilespmem:s10+$0x8C40] =	vst v4;
	v4 =	vld [tilespmem:s10+$0x3C50]  }
0x3ef: {  	v6 =	vld [tilespmem:s10+$0x6450]  }
0x3f0: {  	v5 =	vld.idx.msk [tilespmem:v5+s24+$0x0], $0xffff;
	_ =	sdelay $0x1  }
0x3f1: {  	v8 =	vld [tilespmem:s10+$0x8C50]  }
0x3f2: {  	vm14 =	veq.s32 v4, $0x0;
	v4 =	vld [tilespmem:s10+$0x5060]  }
0x3f3: {  	v6 =	vsel vm14, v6, v7  }
0x3f4: {  	v5 =	vmul.f32 v6, v5;
	_ =	sdelay $0x1  }
0x3f5: {  	v5 =	vadd.f32 v5, v8  }
0x3f6: {  	v7 =	vld [tilespmem:s10+$0x7860]  }
0x3f7: {  	[tilespmem:s10+$0x8C50] =	vst v5;
	v5 =	vld [tilespmem:s10+$0x3C60]  }
0x3f8: {  	v6 =	vld [tilespmem:s10+$0x6460]  }
0x3f9: {  	v4 =	vld.idx.msk [tilespmem:v4+s24+$0x0], $0xffff  }
0x3fa: {  	v9 =	vld [tilespmem:s10+$0x5070]  }
0x3fb: {  	v8 =	vld [tilespmem:s10+$0x8C60]  }
0x3fc: {  	vm15 =	veq.s32 v5, $0x0  }
0x3fd: {  	v5 =	vsel vm15, v6, v7  }
0x3fe: {  	v4 =	vmul.f32 v5, v4;
	_ =	sdelay $0x1  }
0x3ff: {  	v6 =	vld [tilespmem:s10+$0x7870];
	v4 =	vadd.f32 v4, v8  }
0x400: {  	v8 =	vld [tilespmem:s10+$0x3C70]  }
0x401: {  	v5 =	vld [tilespmem:s10+$0x6470];
	[tilespmem:s10+$0x8C60] =	vst v4  }
0x402: {  	s13 =	simm.s32 $0x80;
	v7 =	vld.idx.msk [tilespmem:v9+s24+$0x0], $0xffff  }
0x403: {  	s12 =	simm.s32 $0x400;
	v4 =	vld [tilespmem:s13+$0x5000]  }
.LBB2_12:
0x404: {  	p2 =	sne.s32 s12, $0x4E00;
	v9 =	vld [tilespmem:s10+$0x8C70]  }
0x405: {  	vm0 =	veq.s32 v8, $0x0  }
0x406: {  	v5 =	vsel vm0, v5, v6  }
0x407: {  	v5 =	vmul.f32 v5, v7;
	_ =	sdelay $0x1  }
0x408: {  	v6 =	vld [tilespmem:s13+$0x6400];
	v5 =	vadd.f32 v5, v9  }
0x409: {  	v7 =	vld [tilespmem:s13+$0x7800]  }
0x40a: {  	v8 =	vld [tilespmem:s13+$0x3C00];
	[tilespmem:s10+$0x8C70] =	vst v5;
	s10 =	smov.u32 s13  }
0x40b: {  	v4 =	vld.idx.msk [tilespmem:v4+s24+$0x0], $0xffff;
	_ =	sdelay $0x1  }
0x40c: {  	v5 =	vld [tilespmem:s10+$0x5010]  }
0x40d: {  	v9 =	vld [tilespmem:s10+$0x8C00]  }
0x40e: {  	vm0 =	veq.s32 v8, $0x0  }
0x40f: {  	v6 =	vsel vm0, v6, v7  }
0x410: {  	v4 =	vmul.f32 v6, v4;
	_ =	sdelay $0x1  }
0x411: {  	v4 =	vadd.f32 v4, v9;
	v6 =	vld [tilespmem:s10+$0x6410]  }
0x412: {  	v7 =	vld [tilespmem:s10+$0x7810]  }
0x413: {  	[tilespmem:s10+$0x8C00] =	vst v4;
	v4 =	vld [tilespmem:s10+$0x3C10]  }
0x414: {  	v5 =	vld.idx.msk [tilespmem:v5+s24+$0x0], $0xffff;
	_ =	sdelay $0x1  }
0x415: {  	v8 =	vld [tilespmem:s10+$0x5020]  }
0x416: {  	v9 =	vld [tilespmem:s10+$0x8C10]  }
0x417: {  	vm0 =	veq.s32 v4, $0x0  }
0x418: {  	v4 =	vsel vm0, v6, v7  }
0x419: {  	v4 =	vmul.f32 v4, v5;
	_ =	sdelay $0x1  }
0x41a: {  	v4 =	vadd.f32 v4, v9;
	v5 =	vld [tilespmem:s10+$0x6420]  }
0x41b: {  	v6 =	vld [tilespmem:s10+$0x7820]  }
0x41c: {  	[tilespmem:s10+$0x8C10] =	vst v4;
	v4 =	vld [tilespmem:s10+$0x3C20]  }
0x41d: {  	v7 =	vld.idx.msk [tilespmem:v8+s24+$0x0], $0xffff;
	_ =	sdelay $0x1  }
0x41e: {  	v8 =	vld [tilespmem:s10+$0x5030]  }
0x41f: {  	v9 =	vld [tilespmem:s10+$0x8C20]  }
0x420: {  	vm0 =	veq.s32 v4, $0x0  }
0x421: {  	v4 =	vsel vm0, v5, v6  }
0x422: {  	v4 =	vmul.f32 v4, v7;
	_ =	sdelay $0x1  }
0x423: {  	v4 =	vadd.f32 v4, v9;
	v5 =	vld [tilespmem:s10+$0x6430]  }
0x424: {  	v6 =	vld [tilespmem:s10+$0x7830]  }
0x425: {  	[tilespmem:s10+$0x8C20] =	vst v4;
	v4 =	vld [tilespmem:s10+$0x3C30]  }
0x426: {  	v7 =	vld.idx.msk [tilespmem:v8+s24+$0x0], $0xffff;
	_ =	sdelay $0x1  }
0x427: {  	v8 =	vld [tilespmem:s10+$0x5040]  }
0x428: {  	v9 =	vld [tilespmem:s10+$0x8C30]  }
0x429: {  	vm0 =	veq.s32 v4, $0x0  }
0x42a: {  	v4 =	vsel vm0, v5, v6  }
0x42b: {  	v4 =	vmul.f32 v4, v7;
	_ =	sdelay $0x1  }
0x42c: {  	v4 =	vadd.f32 v4, v9;
	v5 =	vld [tilespmem:s10+$0x6440]  }
0x42d: {  	v6 =	vld [tilespmem:s10+$0x7840]  }
0x42e: {  	[tilespmem:s10+$0x8C30] =	vst v4;
	v4 =	vld [tilespmem:s10+$0x3C40]  }
0x42f: {  	v7 =	vld.idx.msk [tilespmem:v8+s24+$0x0], $0xffff;
	_ =	sdelay $0x1  }
0x430: {  	v8 =	vld [tilespmem:s10+$0x5050]  }
0x431: {  	v9 =	vld [tilespmem:s10+$0x8C40]  }
0x432: {  	vm0 =	veq.s32 v4, $0x0  }
0x433: {  	v4 =	vsel vm0, v5, v6  }
0x434: {  	v4 =	vmul.f32 v4, v7;
	_ =	sdelay $0x1  }
0x435: {  	v4 =	vadd.f32 v4, v9;
	v5 =	vld [tilespmem:s10+$0x6450]  }
0x436: {  	v6 =	vld [tilespmem:s10+$0x7850]  }
0x437: {  	[tilespmem:s10+$0x8C40] =	vst v4;
	v4 =	vld [tilespmem:s10+$0x3C50]  }
0x438: {  	v7 =	vld.idx.msk [tilespmem:v8+s24+$0x0], $0xffff;
	_ =	sdelay $0x1  }
0x439: {  	v8 =	vld [tilespmem:s10+$0x5060]  }
0x43a: {  	v9 =	vld [tilespmem:s10+$0x8C50]  }
0x43b: {  	vm0 =	veq.s32 v4, $0x0  }
0x43c: {  	v4 =	vsel vm0, v5, v6  }
0x43d: {  	v4 =	vmul.f32 v4, v7;
	_ =	sdelay $0x1  }
0x43e: {  	v4 =	vadd.f32 v4, v9;
	v5 =	vld [tilespmem:s10+$0x6460]  }
0x43f: {  	v6 =	vld [tilespmem:s10+$0x7860]  }
0x440: {  	[tilespmem:s10+$0x8C50] =	vst v4;
	v4 =	vld [tilespmem:s10+$0x3C60]  }
0x441: {  	v7 =	vld.idx.msk [tilespmem:v8+s24+$0x0], $0xffff;
	_ =	sdelay $0x1  }
0x442: {  	v9 =	vld [tilespmem:s10+$0x5070]  }
0x443: {  	v8 =	vld [tilespmem:s10+$0x8C60]  }
0x444: {  	vm0 =	veq.s32 v4, $0x0  }
0x445: {  	v4 =	vsel vm0, v5, v6  }
0x446: {  	v4 =	vmul.f32 v4, v7;
	_ =	sdelay $0x1  }
0x447: {  	v4 =	vadd.f32 v4, v8;
	v5 =	vld [tilespmem:s10+$0x6470]  }
.Ltmp6:
0x448: {  	v6 =	vld [tilespmem:s10+$0x7870];
	(pc) =	sbr.rel @p2 .LBB2_12-.Ltmp6, $4  }
0x449: {  	[tilespmem:s10+$0x8C60] =	vst v4;
	v8 =	vld [tilespmem:s10+$0x3C70]  }
0x44a: {  	v7 =	vld.idx.msk [tilespmem:v9+s24+$0x0], $0xffff  }
0x44b: {  	s13 =	sshra.s32 s12, $0x2  }
0x44c: {  	s12 =	sadd.s32 $0x200, s12;
	v4 =	vld [tilespmem:s13+$0x5000]  }
0x44d: {  	v9 =	vld [tilespmem:s10+$0x8C70]  }
0x44e: {  	vm0 =	veq.s32 v8, $0x0  }
0x44f: {  	v5 =	vsel vm0, v5, v6  }
0x450: {  	v5 =	vmul.f32 v5, v7;
	_ =	sdelay $0x1  }
0x451: {  	v39 =	vld [tilespmem:s13+$0x6400];
	v5 =	vadd.f32 v5, v9  }
0x452: {  	v41 =	vld [tilespmem:s13+$0x3C00]  }
0x453: {  	v40 =	vld [tilespmem:s13+$0x7800];
	[tilespmem:s10+$0x8C70] =	vst v5  }
0x454: {  	v4 =	vld.idx.msk [tilespmem:v4+s24+$0x0], $0xffff;
	_ =	sdelay $0x1  }
0x455: {  	v5 =	vld [tilespmem:s13+$0x8C00]  }
0x456: {  	vm8 =	veq.s32 v41, $0x0;
	v42 =	vld [tilespmem:s13+$0x5010]  }
0x457: {  	v6 =	vsel vm8, v39, v40  }
0x458: {  	v4 =	vmul.f32 v6, v4;
	_ =	sdelay $0x1  }
0x459: {  	v4 =	vadd.f32 v4, v5  }
0x45a: {  	v43 =	vld [tilespmem:s13+$0x7810]  }
0x45b: {  	[tilespmem:s13+$0x8C00] =	vst v4;
	v4 =	vld [tilespmem:s13+$0x3C10]  }
0x45c: {  	v5 =	vld [tilespmem:s13+$0x6410]  }
0x45d: {  	v44 =	vld.idx.msk [tilespmem:v42+s24+$0x0], $0xffff;
	_ =	sdelay $0x1  }
0x45e: {  	v45 =	vld [tilespmem:s13+$0x8C10]  }
0x45f: {  	vm9 =	veq.s32 v4, $0x0;
	v4 =	vld [tilespmem:s13+$0x5020]  }
0x460: {  	v5 =	vsel vm9, v5, v43  }
0x461: {  	v5 =	vmul.f32 v5, v44;
	_ =	sdelay $0x1  }
0x462: {  	v5 =	vadd.f32 v5, v45  }
0x463: {  	v46 =	vld [tilespmem:s13+$0x6420]  }
0x464: {  	[tilespmem:s13+$0x8C10] =	vst v5;
	v5 =	vld [tilespmem:s13+$0x3C20]  }
0x465: {  	v47 =	vld [tilespmem:s13+$0x7820]  }
0x466: {  	v4 =	vld.idx.msk [tilespmem:v4+s24+$0x0], $0xffff;
	_ =	sdelay $0x1  }
0x467: {  	v48 =	vld [tilespmem:s13+$0x8C20]  }
0x468: {  	vm10 =	veq.s32 v5, $0x0;
	v5 =	vld [tilespmem:s13+$0x5030]  }
0x469: {  	v6 =	vsel vm10, v46, v47  }
0x46a: {  	v4 =	vmul.f32 v6, v4;
	_ =	sdelay $0x1  }
0x46b: {  	v4 =	vadd.f32 v4, v48  }
0x46c: {  	v49 =	vld [tilespmem:s13+$0x6430]  }
0x46d: {  	[tilespmem:s13+$0x8C20] =	vst v4;
	v4 =	vld [tilespmem:s13+$0x3C30]  }
0x46e: {  	v50 =	vld [tilespmem:s13+$0x7830]  }
0x46f: {  	v5 =	vld.idx.msk [tilespmem:v5+s24+$0x0], $0xffff;
	_ =	sdelay $0x1  }
0x470: {  	v51 =	vld [tilespmem:s13+$0x8C30]  }
0x471: {  	vm11 =	veq.s32 v4, $0x0;
	v4 =	vld [tilespmem:s13+$0x5040]  }
0x472: {  	v6 =	vsel vm11, v49, v50  }
0x473: {  	v5 =	vmul.f32 v6, v5;
	_ =	sdelay $0x1  }
0x474: {  	v5 =	vadd.f32 v5, v51  }
0x475: {  	v52 =	vld [tilespmem:s13+$0x6440]  }
0x476: {  	[tilespmem:s13+$0x8C30] =	vst v5;
	v5 =	vld [tilespmem:s13+$0x3C40]  }
0x477: {  	v53 =	vld [tilespmem:s13+$0x7840]  }
0x478: {  	v4 =	vld.idx.msk [tilespmem:v4+s24+$0x0], $0xffff;
	_ =	sdelay $0x1  }
0x479: {  	v54 =	vld [tilespmem:s13+$0x8C40]  }
0x47a: {  	vm12 =	veq.s32 v5, $0x0;
	v5 =	vld [tilespmem:s13+$0x5050]  }
0x47b: {  	v6 =	vsel vm12, v52, v53  }
0x47c: {  	v4 =	vmul.f32 v6, v4;
	_ =	sdelay $0x1  }
0x47d: {  	v4 =	vadd.f32 v4, v54  }
0x47e: {  	v55 =	vld [tilespmem:s13+$0x6450]  }
0x47f: {  	[tilespmem:s13+$0x8C40] =	vst v4;
	v4 =	vld [tilespmem:s13+$0x3C50]  }
0x480: {  	v56 =	vld [tilespmem:s13+$0x7850]  }
0x481: {  	v5 =	vld.idx.msk [tilespmem:v5+s24+$0x0], $0xffff;
	_ =	sdelay $0x1  }
0x482: {  	v57 =	vld [tilespmem:s13+$0x8C50]  }
0x483: {  	vm13 =	veq.s32 v4, $0x0;
	v4 =	vld [tilespmem:s13+$0x5060]  }
0x484: {  	v6 =	vsel vm13, v55, v56  }
0x485: {  	v5 =	vmul.f32 v6, v5;
	_ =	sdelay $0x1  }
0x486: {  	v5 =	vadd.f32 v5, v57  }
0x487: {  	v58 =	vld [tilespmem:s13+$0x6460]  }
0x488: {  	[tilespmem:s13+$0x8C50] =	vst v5;
	v5 =	vld [tilespmem:s13+$0x3C60]  }
0x489: {  	v59 =	vld [tilespmem:s13+$0x7860]  }
0x48a: {  	v4 =	vld.idx.msk [tilespmem:v4+s24+$0x0], $0xffff;
	_ =	sdelay $0x1  }
0x48b: {  	v60 =	vld [tilespmem:s13+$0x8C60]  }
0x48c: {  	vm14 =	veq.s32 v5, $0x0;
	v5 =	vld [tilespmem:s13+$0x5070]  }
0x48d: {  	v6 =	vsel vm14, v58, v59  }
0x48e: {  	v4 =	vmul.f32 v6, v4;
	_ =	sdelay $0x1  }
0x48f: {  	v4 =	vadd.f32 v4, v60  }
0x490: {  	v61 =	vld [tilespmem:s13+$0x6470]  }
0x491: {  	[tilespmem:s13+$0x8C60] =	vst v4;
	v4 =	vld [tilespmem:s13+$0x3C70]  }
0x492: {  	v62 =	vld [tilespmem:s13+$0x7870]  }
0x493: {  	v5 =	vld.idx.msk [tilespmem:v5+s24+$0x0], $0xffff;
	_ =	sdelay $0x1  }
0x494: {  	v63 =	vld [tilespmem:s13+$0x8C70]  }
0x495: {  	s2 =	sadd.s32 $0x1, s2;
	vm15 =	veq.s32 v4, $0x0  }
0x496: {  	p2 =	sne.s32 s2, $0x20;
	v4 =	vsel vm15, v61, v62  }
.Ltmp7:
0x497: {  	v4 =	vmul.f32 v4, v5;
	(pc) =	sbr.rel @p2 .LBB2_9-.Ltmp7, $3  }
0x498: {  	_ = 	snop  }
0x499: {  	v4 =	vadd.f32 v4, v63;
	_ =	sdelay $0x1  }
0x49a: {  	[tilespmem:s13+$0x8C70] =	vst v4  }
0x49b: {  	s23 =	simm.s32 $0x0  }
0x49c: {  	s0 =	rddreg [dreg:$0xe];
	s2 =	simm.s32 $0x8C00;
	s9 =	simm.s32 $0x5  }
0x49d: {  	[hbm4b:s0+s23] =	stream.linear.scatter [tilespmem:s2], [sflag:$0x5], $0x1400, $0x38;
	[tilespmem:$0x19AA8] =	vst v63  }
0x49e: {  	_ =	swait.ge [sflag:s9], $0x1400  }
0x49f: {  	s29 =	rddreg [dreg:$0x10]  }
0x4a0: {  	s31 =	rddreg [dreg:$0xf];
	s2 =	sadd.s32 $0x1, s29  }
0x4a1: {  	p0 =	sne.s32 s2, s31  }
.Ltmp8:
0x4a2: {  	_ = 	snop;
	(pc) =	sbr.rel @p0 .LBB2_1-.Ltmp8, $3  }
0x4a3: {  	_ =	sdelay $0x1  }
0x4a4: {  	[sflag:s9] =	ssyncset.done $0x0  }
0x4a5: {  	[sflag:s9] =	ssyncadd.s32 $0xFFFFEC00  }
0x4a6: {  	_ =	sfence.sel $0x180000  }
0x4a7: {  	[bflag:$0x0] =	sbarrier.arrive $0xFFFF  }
0x4a8: {  	_ =	strace $0x90000047  }
0x4a9: {  	[bflag:$0x2] =	sbarrier.arrive $0xFFFF  }
0x4aa: {  	s1 =	sld [smem:$0x7FA];
	_ =	sdelay $0x2  }
0x4ab: {  	s0 =	rddreg [dreg:$0x7];
	p0 =	seq.s32 s1, $0x1  }
0x4ac: {  	s0 =	sadd.s32 @!p0 $0x100000, s0  }
0x4ad: {  	[sflag:s0] =	ssyncadd.tile.s32 @!p0 $0x1;
	_ =	shalt  }
.Lfunc_end2:
_tile_overlayer_lowered:
.L_overlay_start_2:
0x4ae: {  	(tag) =	ssettag $0x2  }
0x4af: {  	s0 =	rddreg [dreg:$0x0];
	s2 =	stileid.u32  }
0x4b0: {  	s1 =	rddreg [dreg:$0x1];
	p0 =	sne.s32 s2, $0x0  }
0x4b1: {  	s3 =	rddreg [dreg:$0x2];
	[bflag:$0x3] =	sbarrier.arrive $0xFFFF;
	s2 =	simm.s32 @!p0 $0x1C05  }
0x4b2: {  	[timem:s3], [sflag:s2] =	dma.local @!p0 [hbm:s0], s1  }
0x4b3: {  	s0 =	simm.s32 @!p0 $0x5  }
0x4b4: {  	_ =	swait.ge @!p0 [sflag:s0], s1  }
0x4b5: {  	s1 =	ssub.s32 @!p0 $0x0, s1;
	[sflag:s0] =	ssyncset.done @!p0 $0x0  }
0x4b6: {  	[sflag:s0] =	ssyncadd.s32 @!p0 s1  }
0x4b7: {  	[bflag:$0x3] =	sbarrier.arrive $0xFFFF  }
0x4b8: {  	_ =	shalt  }

</sc_bundles>
